<compile_context>
chip_gen: v7x
topology: tpu7x:2x2x1
jax: 0.10.2.dev20260603
libtpu: 0.0.44.dev20260713+nightly
codegen_flags: <defaults>
</compile_context>

<pallas_src>
import functools

import jax
import jax.numpy as jnp
from jax import lax
from jax.experimental import pallas as pl
from jax.experimental.pallas import tpu as pltpu
from jax.experimental.pallas import tpu_sc as plsc

NC = 2
NS = 16
NW = NC * NS
G = 128

F32 = jnp.float32
BF16 = jnp.bfloat16


def _ceil_to(x, m):
    return (x + m - 1) // m * m


def _hilo(v):
    hi = v.astype(BF16)
    lo = (v - hi.astype(F32)).astype(BF16)
    return jnp.concatenate([hi, lo], axis=1)



NB = 4


def _make_gather(width, dtype, nch, ntab):
    assert nch % NB == 0 and ntab % NS == 0
    tr = ntab // NS
    mesh = plsc.VectorSubcoreMesh(core_axis_name="c", subcore_axis_name="s",
                                  num_cores=NC, num_subcores=NS)
    ep = NW * nch * G

    @functools.partial(
        pl.kernel,
        out_type=jax.ShapeDtypeStruct((ep, width), dtype),
        mesh=mesh,
        compiler_params=pltpu.CompilerParams(use_tc_tiling_on_sc=False),
        scratch_types=[
            pltpu.VMEM((nch, G), jnp.int32),
            [pltpu.VMEM((G, width), dtype)] * NB,
            [pltpu.SemaphoreType.DMA] * NB,
            [pltpu.SemaphoreType.DMA] * NB,
            pltpu.VMEM_SHARED((ntab, width), dtype),
        ],
    )
    def gather_k(table, idxs, out, idx_v, rows, gsem, ssem, tab_s):
        c = lax.axis_index("c")
        s = lax.axis_index("s")
        wid = s * NC + c
        base = wid * nch
        pltpu.sync_copy(table.at[pl.ds(s * tr, tr)],
                        tab_s.at[pl.ds(s * tr, tr)])
        pltpu.sync_copy(idxs.at[wid], idx_v)
        plsc.subcore_barrier()
        for b in range(NB):
            pltpu.async_copy(tab_s.at[idx_v.at[b]], rows[b], gsem[b])

        def body(j, carry):
            for b in range(NB):
                ch = j * NB + b
                dst = out.at[pl.ds((base + ch) * G, G)]
                pltpu.make_async_copy(tab_s.at[idx_v.at[ch]], rows[b],
                                      gsem[b]).wait()
                pltpu.async_copy(rows[b], dst, ssem[b])
                pltpu.make_async_copy(rows[b], dst, ssem[b]).wait()
                pltpu.async_copy(tab_s.at[idx_v.at[ch + NB]], rows[b],
                                 gsem[b])
            return carry

        lax.fori_loop(0, nch // NB - 1, body, 0)
        for b in range(NB):
            ch = nch - NB + b
            pltpu.make_async_copy(tab_s.at[idx_v.at[ch]], rows[b],
                                  gsem[b]).wait()
            pltpu.sync_copy(rows[b], out.at[pl.ds((base + ch) * G, G)])

    return gather_k


def _make_scatter(dim, nch, nacc):
    assert nch % NB == 0
    zr = nacc // NS
    mesh = plsc.VectorSubcoreMesh(core_axis_name="c", subcore_axis_name="s",
                                  num_cores=NC, num_subcores=NS)

    @functools.partial(
        pl.kernel,
        out_type=jax.ShapeDtypeStruct((NC, nacc, dim), F32),
        mesh=mesh,
        compiler_params=pltpu.CompilerParams(use_tc_tiling_on_sc=False),
        scratch_types=[
            pltpu.VMEM((nch, G), jnp.int32),
            [pltpu.VMEM((G, dim), F32)] * NB,
            [pltpu.SemaphoreType.DMA] * NB,
            [pltpu.SemaphoreType.DMA] * NB,
            pltpu.VMEM_SHARED((nacc, dim), F32),
        ],
    )
    def scatter_k(msgh, idxs, z2, out_part, idx_v, rows, lsem, asem, acc):
        c = lax.axis_index("c")
        s = lax.axis_index("s")
        wid = s * NC + c
        base = wid * nch
        pltpu.sync_copy(z2, acc.at[pl.ds(s * zr, zr)])
        pltpu.sync_copy(idxs.at[wid], idx_v)
        plsc.subcore_barrier()
        for b in range(NB):
            pltpu.async_copy(msgh.at[pl.ds((base + b) * G, G)], rows[b],
                             lsem[b])

        def body(j, carry):
            for b in range(NB):
                ch = j * NB + b
                src = msgh.at[pl.ds((base + ch) * G, G)]
                dst = acc.at[idx_v.at[ch]]
                pltpu.make_async_copy(src, rows[b], lsem[b]).wait()
                pltpu.async_copy(rows[b], dst, asem[b], add=True)
                pltpu.make_async_copy(rows[b], dst, asem[b]).wait()
                pltpu.async_copy(
                    msgh.at[pl.ds((base + ch + NB) * G, G)], rows[b],
                    lsem[b])
            return carry

        lax.fori_loop(0, nch // NB - 1, body, 0)
        for b in range(NB):
            ch = nch - NB + b
            pltpu.make_async_copy(msgh.at[pl.ds((base + ch) * G, G)],
                                  rows[b], lsem[b]).wait()
            pltpu.sync_copy(rows[b], acc.at[idx_v.at[ch]], add=True)
        plsc.subcore_barrier()

        @pl.when(s == 0)
        def _():
            pltpu.sync_copy(acc, out_part.at[c])

    return scatter_k


def _make_deg(nch, nacc):
    zr = nacc // NS
    mesh = plsc.VectorSubcoreMesh(core_axis_name="c", subcore_axis_name="s",
                                  num_cores=NC, num_subcores=NS)

    @functools.partial(
        pl.kernel,
        out_type=jax.ShapeDtypeStruct((NC, nacc), F32),
        mesh=mesh,
        compiler_params=pltpu.CompilerParams(use_tc_tiling_on_sc=False),
        scratch_types=[
            pltpu.VMEM((nch, G), jnp.int32),
            pltpu.VMEM((G,), F32),
            pltpu.VMEM_SHARED((nacc,), F32),
        ],
    )
    def deg_k(idxs, ones_h, z1, out_part, idx_v, ones_v, acc):
        c = lax.axis_index("c")
        s = lax.axis_index("s")
        wid = s * NC + c
        pltpu.sync_copy(z1, acc.at[pl.ds(s * zr, zr)])
        plsc.subcore_barrier()
        pltpu.sync_copy(idxs.at[wid], idx_v)
        pltpu.sync_copy(ones_h, ones_v)

        def step(ch, carry):
            pltpu.sync_copy(ones_v, acc.at[idx_v.at[ch]], add=True)
            return carry

        lax.fori_loop(0, nch, step, 0)
        plsc.subcore_barrier()

        @pl.when(s == 0)
        def _():
            pltpu.sync_copy(acc, out_part.at[c])

    return deg_k



def _enc_node_body(x_ref, wt_ref, b_ref, o_ref):
    o_ref[...] = jax.nn.relu(
        jnp.dot(x_ref[...], wt_ref[...], preferred_element_type=F32)
        + b_ref[...])


def _msg_body(dim, ea_ref, xc_ref, weat_ref, bea_ref, nn1t_ref, b1_ref,
              w2t_ref, r2_ref, bm2_ref, o_ref):
    ea = jax.nn.relu(
        jnp.dot(ea_ref[...], weat_ref[...], preferred_element_type=F32)
        + bea_ref[...])
    h1 = jax.nn.relu(
        jnp.dot(ea, nn1t_ref[...], preferred_element_type=F32)
        + b1_ref[...]).astype(BF16)
    we = jnp.dot(h1, w2t_ref[...], preferred_element_type=F32)
    xc = _hilo(xc_ref[...])
    xb = jnp.dot(xc, r2_ref[...], preferred_element_type=F32)
    prod = we * xb
    t = prod[:, :512] + prod[:, 512:]
    t = t[:, :256] + t[:, 256:]
    t = t[:, :128] + t[:, 128:]
    msg = (t[:, :32] + t[:, 32:64] + t[:, 64:96] + t[:, 96:128]
           + jnp.dot(xc, bm2_ref[...], preferred_element_type=F32))
    o_ref[...] = msg


def _gru_body(p0_ref, p1_ref, d0_ref, d1_ref, h_ref, cb_ref,
              wih_ref, whh_ref, bih_ref, bhh_ref, o_ref):
    dim = h_ref.shape[1]
    deg = jnp.maximum(d0_ref[...] + d1_ref[...], 1.0)
    agg = (p0_ref[...] + p1_ref[...]) / deg
    m = jax.nn.relu(agg + cb_ref[...])
    h = h_ref[...]
    gi = jnp.dot(m, wih_ref[...], preferred_element_type=F32) + bih_ref[...]
    gh = jnp.dot(h, whh_ref[...], preferred_element_type=F32) + bhh_ref[...]
    r = jax.nn.sigmoid(gi[:, :dim] + gh[:, :dim])
    z = jax.nn.sigmoid(gi[:, dim:2 * dim] + gh[:, dim:2 * dim])
    n = jnp.tanh(gi[:, 2 * dim:] + r * gh[:, 2 * dim:])
    o_ref[...] = (1.0 - z) * n + z * h


def _head_body(g0_ref, g1_ref, ea_ref, wat_ref, wbt_ref, b1_ref,
               w2t_ref, b2_ref, o_ref):
    mean = (g0_ref[...] + g1_ref[...]) * 0.5
    t = jax.nn.relu(
        jnp.dot(mean, wat_ref[...], preferred_element_type=F32)
        + jnp.dot(ea_ref[...], wbt_ref[...], preferred_element_type=F32)
        + b1_ref[...])
    o_ref[...] = jnp.dot(t, w2t_ref[...], preferred_element_type=F32) \
        + b2_ref[...]


def _bs(shape, imap):
    return pl.BlockSpec(shape, imap)



def kernel(x, edge_attr, edge_attr3, edge_index, edge_index3,
           lin_node_w, lin_node_b, lin_ea_w, lin_ea_b,
           nn1_w, nn1_b, nn2_w, nn2_b, conv_b,
           gru_wih, gru_whh, gru_bih, gru_bhh,
           lin1a_w, lin1a_b, lin1b_w, lin1b_b):
    n_nodes, nf = x.shape
    e_edges, fa = edge_attr.shape
    e3, fa3 = edge_attr3.shape
    dim = lin_node_w.shape[0]
    hid = nn1_w.shape[0]
    mid = lin_ea_w.shape[0]

    ep = _ceil_to(e_edges, NW * G)
    nch = ep // (NW * G)
    nch3 = _ceil_to(2 * _ceil_to(e3, NW * G) // (NW * G), NB) // 2
    ep3 = nch3 * NW * G
    nacc = _ceil_to(n_nodes + 1, NS * 8)
    zr = nacc // NS

    src_r = jnp.pad(edge_index[0], (0, ep - e_edges)).reshape(NW, nch, G)
    dst_r = jnp.pad(edge_index[1], (0, ep - e_edges),
                    constant_values=n_nodes).reshape(NW, nch, G)
    idx3_r = jnp.concatenate([
        jnp.pad(edge_index3[0], (0, ep3 - e3)),
        jnp.pad(edge_index3[1], (0, ep3 - e3)),
    ]).reshape(NW, 2 * nch3, G)

    zeros2 = jnp.zeros((zr, dim), F32)
    zeros1 = jnp.zeros((zr,), F32)
    ones_g = jnp.ones((G,), F32)

    wnT = lin_node_w.T
    bn = lin_node_b.reshape(1, dim)
    weaT = lin_ea_w.T
    bea = lin_ea_b.reshape(1, mid)
    nn1T = nn1_w.T
    b1 = nn1_b.reshape(1, hid)
    nn2T = nn2_w.T.astype(BF16)
    bmat = nn2_b.reshape(dim, dim)
    bm2 = jnp.concatenate([bmat, bmat], axis=0).astype(BF16)
    rrep = jnp.kron(jnp.eye(dim, dtype=F32), jnp.ones((1, dim), F32))
    r2 = jnp.concatenate([rrep, rrep], axis=0).astype(BF16)
    gwihT = gru_wih.T
    gwhhT = gru_whh.T
    gbih = gru_bih.reshape(1, 3 * dim)
    gbhh = gru_bhh.reshape(1, 3 * dim)
    cb = conv_b.reshape(1, dim)
    w1aT = lin1a_w[:, :dim].T
    w1bT = lin1a_w[:, dim:].T
    b1a = lin1a_b.reshape(1, -1)
    w2T = lin1b_w.T
    b2 = lin1b_b.reshape(1, 1)

    nb = 2000
    out0 = pl.pallas_call(
        _enc_node_body,
        grid=(n_nodes // nb,),
        in_specs=[_bs((nb, nf), lambda i: (i, 0)),
                  _bs((nf, dim), lambda i: (0, 0)),
                  _bs((1, dim), lambda i: (0, 0))],
        out_specs=_bs((nb, dim), lambda i: (i, 0)),
        out_shape=jax.ShapeDtypeStruct((n_nodes, dim), F32),
    )(x, wnT, bn)

    deg_part = _make_deg(nch, nacc)(dst_r, ones_g, zeros1)
    d0 = deg_part[0, :n_nodes].reshape(n_nodes, 1)
    d1 = deg_part[1, :n_nodes].reshape(n_nodes, 1)

    gather_e = _make_gather(dim, F32, nch, n_nodes)
    scatter_e = _make_scatter(dim, nch, nacc)

    mb = 4096
    msg_call = pl.pallas_call(
        functools.partial(_msg_body, dim),
        grid=(ep // mb,),
        in_specs=[_bs((mb, fa),
                      lambda i: (jnp.minimum(i, (e_edges - 1) // mb), 0)),
                  _bs((mb, dim), lambda i: (i, 0)),
                  _bs((fa, mid), lambda i: (0, 0)),
                  _bs((1, mid), lambda i: (0, 0)),
                  _bs((mid, hid), lambda i: (0, 0)),
                  _bs((1, hid), lambda i: (0, 0)),
                  _bs((hid, dim * dim), lambda i: (0, 0)),
                  _bs((2 * dim, dim * dim), lambda i: (0, 0)),
                  _bs((2 * dim, dim), lambda i: (0, 0))],
        out_specs=_bs((mb, dim), lambda i: (i, 0)),
        out_shape=jax.ShapeDtypeStruct((ep, dim), F32),
    )

    gru_call = pl.pallas_call(
        _gru_body,
        grid=(n_nodes // nb,),
        in_specs=[_bs((nb, dim), lambda i: (i, 0)),
                  _bs((nb, dim), lambda i: (i, 0)),
                  _bs((nb, 1), lambda i: (i, 0)),
                  _bs((nb, 1), lambda i: (i, 0)),
                  _bs((nb, dim), lambda i: (i, 0)),
                  _bs((1, dim), lambda i: (0, 0)),
                  _bs((dim, 3 * dim), lambda i: (0, 0)),
                  _bs((dim, 3 * dim), lambda i: (0, 0)),
                  _bs((1, 3 * dim), lambda i: (0, 0)),
                  _bs((1, 3 * dim), lambda i: (0, 0))],
        out_specs=_bs((nb, dim), lambda i: (i, 0)),
        out_shape=jax.ShapeDtypeStruct((n_nodes, dim), F32),
    )

    h = out0
    for _ in range(3):
        xc = gather_e(h, src_r)
        msg = msg_call(edge_attr, xc, weaT, bea, nn1T, b1, nn2T, r2, bm2)
        part = scatter_e(msg, dst_r, zeros2)
        h = gru_call(part[0, :n_nodes], part[1, :n_nodes], d0, d1,
                     h, cb, gwihT, gwhhT, gbih, gbhh)

    g = _make_gather(dim, F32, 2 * nch3, n_nodes)(h, idx3_r)
    g128 = g.reshape(2 * ep3 // 4, 4 * dim)
    ea3p = edge_attr3.reshape(e3 // 4, 4 * fa3)
    w4a = jnp.kron(jnp.eye(4, dtype=F32), w1aT)
    w4e = jnp.kron(jnp.eye(4, dtype=F32), w1bT)
    b14 = jnp.tile(b1a, (1, 4))
    w24 = jnp.kron(jnp.eye(4, dtype=F32), w2T)

    hb = 512
    e3p = e3 // 4
    ngrid = (e3p + hb - 1) // hb
    y = pl.pallas_call(
        _head_body,
        grid=(ngrid,),
        in_specs=[_bs((hb, 4 * dim), lambda i: (i, 0)),
                  _bs((hb, 4 * dim), lambda i: (i + ep3 // (4 * hb), 0)),
                  _bs((hb, 4 * fa3), lambda i: (i, 0)),
                  _bs((4 * dim, 512), lambda i: (0, 0)),
                  _bs((4 * fa3, 512), lambda i: (0, 0)),
                  _bs((1, 512), lambda i: (0, 0)),
                  _bs((512, 4), lambda i: (0, 0)),
                  _bs((1, 1), lambda i: (0, 0))],
        out_specs=_bs((hb, 4), lambda i: (i, 0)),
        out_shape=jax.ShapeDtypeStruct((ngrid * hb, 4), F32),
    )(g128, g128, ea3p, w4a, w4e, b14, w24, b2)

    return y[:e3p].reshape(e3)

# --- scband reference (transcript-rebuilt; emitter-appended) ---
"""Pipeline reference for scband-net-12421045420310 (READ-ONLY COPY).

The authoritative reference and input builder live on the scoring server;
editing this copy changes nothing except your own understanding.
"""

import jax, jax.numpy as jnp
import numpy as np

N = 10000
E = 160000
E3 = 100000
DIM = 32

def setup_inputs(seed: int = 0) -> dict:
    key = jax.random.key(seed)
    ks = jax.random.split(key, 24)
    def nrm(i, shape, scale):
        return jax.random.normal(ks[i], shape, jnp.float32) * scale
    inp = {}
    inp["x"] = jax.random.normal(ks[0], (N, 8), jnp.float32)
    inp["edge_attr"] = jax.random.uniform(ks[1], (E, 19), dtype=jnp.float32)
    inp["edge_attr3"] = jax.random.uniform(ks[2], (E3, 8), dtype=jnp.float32)
    inp["edge_index"] = jax.random.randint(ks[3], (2, E), 0, N, dtype=jnp.int32)
    inp["edge_index3"] = jax.random.randint(ks[4], (2, E3), 0, N, dtype=jnp.int32)
    inp["lin_node_w"] = nrm(5, (DIM, 8), 8 ** -0.5)
    inp["lin_node_b"] = nrm(6, (DIM,), 0.05)
    inp["lin_ea_w"] = nrm(7, (12, 19), 19 ** -0.5)
    inp["lin_ea_b"] = nrm(8, (12,), 0.05)
    inp["nn1_w"] = nrm(9, (128, 12), 12 ** -0.5)
    inp["nn1_b"] = nrm(10, (128,), 0.05)
    inp["nn2_w"] = nrm(11, (DIM * DIM, 128), 128 ** -0.5)
    inp["nn2_b"] = nrm(12, (DIM * DIM,), 0.05)
    inp["conv_b"] = nrm(13, (DIM,), 0.05)
    inp["gru_wih"] = nrm(14, (3 * DIM, DIM), DIM ** -0.5)
    inp["gru_whh"] = nrm(15, (3 * DIM, DIM), DIM ** -0.5)
    inp["gru_bih"] = nrm(16, (3 * DIM,), 0.05)
    inp["gru_bhh"] = nrm(17, (3 * DIM,), 0.05)
    inp["lin1a_w"] = nrm(18, (128, DIM + 8), (DIM + 8) ** -0.5)
    inp["lin1a_b"] = nrm(19, (128,), 0.05)
    inp["lin1b_w"] = nrm(20, (1, 128), 128 ** -0.5)
    inp["lin1b_b"] = nrm(21, (1,), 0.05)
    return inp

def reference(x, edge_attr, edge_attr3, edge_index, edge_index3,
              lin_node_w, lin_node_b, lin_ea_w, lin_ea_b,
              nn1_w, nn1_b, nn2_w, nn2_b, conv_b,
              gru_wih, gru_whh, gru_bih, gru_bhh,
              lin1a_w, lin1a_b, lin1b_w, lin1b_b):
    relu = jax.nn.relu
    n_nodes = x.shape[0]
    dim = lin_node_w.shape[0]
    out = relu(x @ lin_node_w.T + lin_node_b)
    ea = relu(edge_attr @ lin_ea_w.T + lin_ea_b)
    src = edge_index[0]
    dst = edge_index[1]
    # NNConv edge-conditioned weights: nn(edge_attr) -> [E, dim, dim]
    we = (relu(ea @ nn1_w.T + nn1_b) @ nn2_w.T + nn2_b).reshape(-1, dim, dim)
    deg = jax.ops.segment_sum(jnp.ones((src.shape[0],), jnp.float32), dst, num_segments=n_nodes)
    deg = jnp.maximum(deg, 1.0)
    h = out
    for _ in range(3):
        x_j = out[src]
        msg = jnp.einsum('ei,eio->eo', x_j, we)
        agg = jax.ops.segment_sum(msg, dst, num_segments=n_nodes) / deg[:, None]
        m = relu(agg + conv_b)
        gi = m @ gru_wih.T + gru_bih
        gh = h @ gru_whh.T + gru_bhh
        i_r, i_z, i_n = jnp.split(gi, 3, axis=1)
        h_r, h_z, h_n = jnp.split(gh, 3, axis=1)
        r = jax.nn.sigmoid(i_r + h_r)
        z = jax.nn.sigmoid(i_z + h_z)
        n = jnp.tanh(i_n + r * h_n)
        h = (1.0 - z) * n + z * h
        out = h
    gathered = out[edge_index3]
    feat = jnp.concatenate([gathered.mean(axis=0), edge_attr3], axis=1)
    yhat = relu(feat @ lin1a_w.T + lin1a_b) @ lin1b_w.T + lin1b_b
    return yhat.squeeze(1)

if __name__ == "__main__":
    import jax
    _d = setup_inputs()
    print(jax.jit(kernel)(*tuple(_d.values())))

</pallas_src>

<mosaic_0001>
#map = affine_map<(d0, d1) -> (0, 0)>
#map1 = affine_map<(d0, d1) -> (0, 0, 0)>
module attributes {stable_mosaic.version = 14 : i64} {
  func.func @gather_k(%arg0: i32, %arg1: i32, %arg2: memref<10000x32xf32, #tpu.memory_space<hbm>>, %arg3: memref<32x40x128xi32, #tpu.memory_space<hbm>>, %arg4: memref<163840x32xf32, #tpu.memory_space<hbm>>, %arg5: memref<40x128xi32, #tpu.memory_space<vmem>>, %arg6: memref<128x32xf32, #tpu.memory_space<vmem>>, %arg7: memref<128x32xf32, #tpu.memory_space<vmem>>, %arg8: memref<128x32xf32, #tpu.memory_space<vmem>>, %arg9: memref<128x32xf32, #tpu.memory_space<vmem>>, %arg10: memref<!tpu.dma_semaphore, #tpu.memory_space<semaphore_mem>>, %arg11: memref<!tpu.dma_semaphore, #tpu.memory_space<semaphore_mem>>, %arg12: memref<!tpu.dma_semaphore, #tpu.memory_space<semaphore_mem>>, %arg13: memref<!tpu.dma_semaphore, #tpu.memory_space<semaphore_mem>>, %arg14: memref<!tpu.dma_semaphore, #tpu.memory_space<semaphore_mem>>, %arg15: memref<!tpu.dma_semaphore, #tpu.memory_space<semaphore_mem>>, %arg16: memref<!tpu.dma_semaphore, #tpu.memory_space<semaphore_mem>>, %arg17: memref<!tpu.dma_semaphore, #tpu.memory_space<semaphore_mem>>, %arg18: memref<10000x32xf32, #tpu.memory_space<vmem_shared>>) attributes {dimension_semantics = [#tpu.dimension_semantics<core_parallel>, #tpu.dimension_semantics<subcore_parallel>], iteration_bounds = array<i64: 2, 16>, scalar_prefetch = 0 : i64, scratch_operands = 14 : i64, tpu.core_type = #tpu.core_type<sc_vector_subcore>, window_params = [{transform_indices = #map}, {transform_indices = #map1}, {transform_indices = #map}]} {
    %mul3A = arith.constant 2 : i32
    %mul3A_0 = arith.muli %arg1, %mul3A : i32
    %add3A = arith.addi %mul3A_0, %arg0 : i32
    %mul3A_1 = arith.constant 40 : i32
    %mul3A_2 = arith.muli %add3A, %mul3A_1 : i32
    %mul3A_3 = arith.constant 625 : i32
    %mul3A_4 = arith.muli %arg1, %mul3A_3 : i32
    %mul3A_5 = arith.constant 625 : i32
    %mul3A_6 = arith.muli %arg1, %mul3A_5 : i32
    "tpu.region"() ({
      %run_scoped3A = tpu.sem_alloc : memref<!tpu.dma_semaphore, #tpu.memory_space<semaphore_mem>>
      %dma_start3A_82 = arith.constant 0 : i32
      %dma_start3A_83 = tpu.memref_slice %arg18[%mul3A_6, %dma_start3A_82] : memref<10000x32xf32, #tpu.memory_space<vmem_shared>> -> memref<625x32xf32, #tpu.memory_space<vmem_shared>>
      %dma_start3A_84 = arith.constant 0 : i32
      %dma_start3A_85 = tpu.memref_slice %arg2[%mul3A_4, %dma_start3A_84] : memref<10000x32xf32, #tpu.memory_space<hbm>> -> memref<625x32xf32, #tpu.memory_space<hbm>>
      tpu.enqueue_dma source(%dma_start3A_85 : memref<625x32xf32, #tpu.memory_space<hbm>>) target(%dma_start3A_83 : memref<625x32xf32, #tpu.memory_space<vmem_shared>>) target_semaphore(%run_scoped3A : memref<!tpu.dma_semaphore, #tpu.memory_space<semaphore_mem>>)
      %dma_wait3A_86 = arith.constant 0 : i32
      %dma_wait3A_87 = tpu.memref_slice %arg18[%mul3A_6, %dma_wait3A_86] : memref<10000x32xf32, #tpu.memory_space<vmem_shared>> -> memref<625x32xf32, #tpu.memory_space<vmem_shared>>
      %dma_wait3A_88 = arith.constant 0 : i32
      %dma_wait3A_89 = tpu.memref_slice %arg2[%mul3A_4, %dma_wait3A_88] : memref<10000x32xf32, #tpu.memory_space<hbm>> -> memref<625x32xf32, #tpu.memory_space<hbm>>
      tpu.wait_dma2 semaphore(%run_scoped3A : memref<!tpu.dma_semaphore, #tpu.memory_space<semaphore_mem>>) src(%dma_wait3A_89 : memref<625x32xf32, #tpu.memory_space<hbm>>) dst(%dma_wait3A_87 : memref<625x32xf32, #tpu.memory_space<vmem_shared>>)
      tpu.yield
    }) : () -> ()
    "tpu.region"() ({
      %run_scoped3A = tpu.sem_alloc : memref<!tpu.dma_semaphore, #tpu.memory_space<semaphore_mem>>
      %dma_start3A_82 = arith.constant 0 : i32
      %dma_start3A_83 = arith.constant 0 : i32
      %dma_start3A_84 = tpu.memref_slice %arg3[%add3A, %dma_start3A_82, %dma_start3A_83] : memref<32x40x128xi32, #tpu.memory_space<hbm>> -> memref<1x40x128xi32, #tpu.memory_space<hbm>>
      %dma_start3A_85 = tpu.memref_squeeze %dma_start3A_84 : memref<1x40x128xi32, #tpu.memory_space<hbm>> -> memref<40x128xi32, #tpu.memory_space<hbm>>
      %dma_start3A_86 = arith.constant 0 : i32
      %dma_start3A_87 = arith.constant 0 : i32
      %dma_start3A_88 = tpu.memref_slice %arg3[%add3A, %dma_start3A_86, %dma_start3A_87] : memref<32x40x128xi32, #tpu.memory_space<hbm>> -> memref<1x40x128xi32, #tpu.memory_space<hbm>>
      %dma_start3A_89 = tpu.memref_squeeze %dma_start3A_88 : memref<1x40x128xi32, #tpu.memory_space<hbm>> -> memref<40x128xi32, #tpu.memory_space<hbm>>
      tpu.enqueue_dma source(%dma_start3A_89 : memref<40x128xi32, #tpu.memory_space<hbm>>) target(%arg5 : memref<40x128xi32, #tpu.memory_space<vmem>>) target_semaphore(%run_scoped3A : memref<!tpu.dma_semaphore, #tpu.memory_space<semaphore_mem>>)
      %dma_wait3A_90 = arith.constant 0 : i32
      %dma_wait3A_91 = arith.constant 0 : i32
      %dma_wait3A_92 = tpu.memref_slice %arg3[%add3A, %dma_wait3A_90, %dma_wait3A_91] : memref<32x40x128xi32, #tpu.memory_space<hbm>> -> memref<1x40x128xi32, #tpu.memory_space<hbm>>
      %dma_wait3A_93 = tpu.memref_squeeze %dma_wait3A_92 : memref<1x40x128xi32, #tpu.memory_space<hbm>> -> memref<40x128xi32, #tpu.memory_space<hbm>>
      %dma_wait3A_94 = arith.constant 0 : i32
      %dma_wait3A_95 = arith.constant 0 : i32
      %dma_wait3A_96 = tpu.memref_slice %arg3[%add3A, %dma_wait3A_94, %dma_wait3A_95] : memref<32x40x128xi32, #tpu.memory_space<hbm>> -> memref<1x40x128xi32, #tpu.memory_space<hbm>>
      %dma_wait3A_97 = tpu.memref_squeeze %dma_wait3A_96 : memref<1x40x128xi32, #tpu.memory_space<hbm>> -> memref<40x128xi32, #tpu.memory_space<hbm>>
      tpu.wait_dma2 semaphore(%run_scoped3A : memref<!tpu.dma_semaphore, #tpu.memory_space<semaphore_mem>>) src(%dma_wait3A_97 : memref<40x128xi32, #tpu.memory_space<hbm>>) dst(%arg5 : memref<40x128xi32, #tpu.memory_space<vmem>>)
      tpu.yield
    }) : () -> ()
    %barrier3A = arith.constant 0 : index
    tpu.barrier barrier_id(%barrier3A)
    %dma_start3A = arith.constant 0 : i32
    %dma_start3A_7 = arith.constant 0 : i32
    %dma_start3A_8 = tpu.memref_slice %arg5[%dma_start3A, %dma_start3A_7] : memref<40x128xi32, #tpu.memory_space<vmem>> -> memref<1x128xi32, #tpu.memory_space<vmem>>
    %dma_start3A_9 = tpu.memref_squeeze %dma_start3A_8 : memref<1x128xi32, #tpu.memory_space<vmem>> -> memref<128xi32, #tpu.memory_space<vmem>>
    %dma_start3A_10 = arith.constant 0 : i32
    %dma_start3A_11 = arith.constant 0 : i32
    %dma_start3A_12 = tpu.memref_slice %arg18[%dma_start3A_10, %dma_start3A_11] : memref<10000x32xf32, #tpu.memory_space<vmem_shared>> -> memref<10000x32xf32, #tpu.memory_space<vmem_shared>>
    tpu.enqueue_indirect_dma source(%dma_start3A_12 : memref<10000x32xf32, #tpu.memory_space<vmem_shared>>) target(%arg6 : memref<128x32xf32, #tpu.memory_space<vmem>>) offsets(%dma_start3A_9 : memref<128xi32, #tpu.memory_space<vmem>>) semaphore(%arg10 : memref<!tpu.dma_semaphore, #tpu.memory_space<semaphore_mem>>)
    %dma_start3A_13 = arith.constant 1 : i32
    %dma_start3A_14 = arith.constant 0 : i32
    %dma_start3A_15 = tpu.memref_slice %arg5[%dma_start3A_13, %dma_start3A_14] : memref<40x128xi32, #tpu.memory_space<vmem>> -> memref<1x128xi32, #tpu.memory_space<vmem>>
    %dma_start3A_16 = tpu.memref_squeeze %dma_start3A_15 : memref<1x128xi32, #tpu.memory_space<vmem>> -> memref<128xi32, #tpu.memory_space<vmem>>
    %dma_start3A_17 = arith.constant 0 : i32
    %dma_start3A_18 = arith.constant 0 : i32
    %dma_start3A_19 = tpu.memref_slice %arg18[%dma_start3A_17, %dma_start3A_18] : memref<10000x32xf32, #tpu.memory_space<vmem_shared>> -> memref<10000x32xf32, #tpu.memory_space<vmem_shared>>
    tpu.enqueue_indirect_dma source(%dma_start3A_19 : memref<10000x32xf32, #tpu.memory_space<vmem_shared>>) target(%arg7 : memref<128x32xf32, #tpu.memory_space<vmem>>) offsets(%dma_start3A_16 : memref<128xi32, #tpu.memory_space<vmem>>) semaphore(%arg11 : memref<!tpu.dma_semaphore, #tpu.memory_space<semaphore_mem>>)
    %dma_start3A_20 = arith.constant 2 : i32
    %dma_start3A_21 = arith.constant 0 : i32
    %dma_start3A_22 = tpu.memref_slice %arg5[%dma_start3A_20, %dma_start3A_21] : memref<40x128xi32, #tpu.memory_space<vmem>> -> memref<1x128xi32, #tpu.memory_space<vmem>>
    %dma_start3A_23 = tpu.memref_squeeze %dma_start3A_22 : memref<1x128xi32, #tpu.memory_space<vmem>> -> memref<128xi32, #tpu.memory_space<vmem>>
    %dma_start3A_24 = arith.constant 0 : i32
    %dma_start3A_25 = arith.constant 0 : i32
    %dma_start3A_26 = tpu.memref_slice %arg18[%dma_start3A_24, %dma_start3A_25] : memref<10000x32xf32, #tpu.memory_space<vmem_shared>> -> memref<10000x32xf32, #tpu.memory_space<vmem_shared>>
    tpu.enqueue_indirect_dma source(%dma_start3A_26 : memref<10000x32xf32, #tpu.memory_space<vmem_shared>>) target(%arg8 : memref<128x32xf32, #tpu.memory_space<vmem>>) offsets(%dma_start3A_23 : memref<128xi32, #tpu.memory_space<vmem>>) semaphore(%arg12 : memref<!tpu.dma_semaphore, #tpu.memory_space<semaphore_mem>>)
    %dma_start3A_27 = arith.constant 3 : i32
    %dma_start3A_28 = arith.constant 0 : i32
    %dma_start3A_29 = tpu.memref_slice %arg5[%dma_start3A_27, %dma_start3A_28] : memref<40x128xi32, #tpu.memory_space<vmem>> -> memref<1x128xi32, #tpu.memory_space<vmem>>
    %dma_start3A_30 = tpu.memref_squeeze %dma_start3A_29 : memref<1x128xi32, #tpu.memory_space<vmem>> -> memref<128xi32, #tpu.memory_space<vmem>>
    %dma_start3A_31 = arith.constant 0 : i32
    %dma_start3A_32 = arith.constant 0 : i32
    %dma_start3A_33 = tpu.memref_slice %arg18[%dma_start3A_31, %dma_start3A_32] : memref<10000x32xf32, #tpu.memory_space<vmem_shared>> -> memref<10000x32xf32, #tpu.memory_space<vmem_shared>>
    tpu.enqueue_indirect_dma source(%dma_start3A_33 : memref<10000x32xf32, #tpu.memory_space<vmem_shared>>) target(%arg9 : memref<128x32xf32, #tpu.memory_space<vmem>>) offsets(%dma_start3A_30 : memref<128xi32, #tpu.memory_space<vmem>>) semaphore(%arg13 : memref<!tpu.dma_semaphore, #tpu.memory_space<semaphore_mem>>)
    %scan3A = arith.constant 0 : i32
    %scan3A_34 = arith.constant 0 : i32
    %scan3A_35 = arith.constant 9 : i32
    %scan3A_36 = arith.addi %scan3A_34, %scan3A_35 : i32
    %scan3A_37 = arith.constant 1 : i32
    scf.for %scan3A_82 = %scan3A_34 to %scan3A_36 step %scan3A_37  : i32 {
      %mul3A_83 = arith.constant 4 : i32
      %mul3A_84 = arith.muli %scan3A_82, %mul3A_83 : i32
      %add3A_85 = arith.constant 0 : i32
      %add3A_86 = arith.addi %mul3A_84, %add3A_85 : i32
      %add3A_87 = arith.addi %mul3A_2, %add3A_86 : i32
      %mul3A_88 = arith.constant 128 : i32
      %mul3A_89 = arith.muli %add3A_87, %mul3A_88 : i32
      %dma_wait3A_90 = arith.constant 0 : i32
      %dma_wait3A_91 = tpu.memref_slice %arg5[%add3A_86, %dma_wait3A_90] : memref<40x128xi32, #tpu.memory_space<vmem>> -> memref<1x128xi32, #tpu.memory_space<vmem>>
      %dma_wait3A_92 = tpu.memref_squeeze %dma_wait3A_91 : memref<1x128xi32, #tpu.memory_space<vmem>> -> memref<128xi32, #tpu.memory_space<vmem>>
      %dma_wait3A_93 = arith.constant 0 : i32
      %dma_wait3A_94 = arith.constant 0 : i32
      %dma_wait3A_95 = tpu.memref_slice %arg18[%dma_wait3A_93, %dma_wait3A_94] : memref<10000x32xf32, #tpu.memory_space<vmem_shared>> -> memref<10000x32xf32, #tpu.memory_space<vmem_shared>>
      tpu.wait_indirect_dma semaphore(%arg10 : memref<!tpu.dma_semaphore, #tpu.memory_space<semaphore_mem>>) src(%dma_wait3A_95 : memref<10000x32xf32, #tpu.memory_space<vmem_shared>>) dst(%arg6 : memref<128x32xf32, #tpu.memory_space<vmem>>)
      %dma_start3A_96 = arith.constant 0 : i32
      %dma_start3A_97 = tpu.memref_slice %arg4[%mul3A_89, %dma_start3A_96] : memref<163840x32xf32, #tpu.memory_space<hbm>> -> memref<128x32xf32, #tpu.memory_space<hbm>>
      %dma_start3A_98 = arith.constant 0 : i32
      %dma_start3A_99 = tpu.memref_slice %arg4[%mul3A_89, %dma_start3A_98] : memref<163840x32xf32, #tpu.memory_space<hbm>> -> memref<128x32xf32, #tpu.memory_space<hbm>>
      tpu.enqueue_dma source(%arg6 : memref<128x32xf32, #tpu.memory_space<vmem>>) target(%dma_start3A_99 : memref<128x32xf32, #tpu.memory_space<hbm>>) target_semaphore(%arg14 : memref<!tpu.dma_semaphore, #tpu.memory_space<semaphore_mem>>)
      %dma_wait3A_100 = arith.constant 0 : i32
      %dma_wait3A_101 = tpu.memref_slice %arg4[%mul3A_89, %dma_wait3A_100] : memref<163840x32xf32, #tpu.memory_space<hbm>> -> memref<128x32xf32, #tpu.memory_space<hbm>>
      %dma_wait3A_102 = arith.constant 0 : i32
      %dma_wait3A_103 = tpu.memref_slice %arg4[%mul3A_89, %dma_wait3A_102] : memref<163840x32xf32, #tpu.memory_space<hbm>> -> memref<128x32xf32, #tpu.memory_space<hbm>>
      tpu.wait_dma2 semaphore(%arg14 : memref<!tpu.dma_semaphore, #tpu.memory_space<semaphore_mem>>) src(%arg6 : memref<128x32xf32, #tpu.memory_space<vmem>>) dst(%dma_wait3A_103 : memref<128x32xf32, #tpu.memory_space<hbm>>)
      %add3A_104 = arith.constant 4 : i32
      %add3A_105 = arith.addi %add3A_86, %add3A_104 : i32
      %dma_start3A_106 = arith.constant 0 : i32
      %dma_start3A_107 = tpu.memref_slice %arg5[%add3A_105, %dma_start3A_106] : memref<40x128xi32, #tpu.memory_space<vmem>> -> memref<1x128xi32, #tpu.memory_space<vmem>>
      %dma_start3A_108 = tpu.memref_squeeze %dma_start3A_107 : memref<1x128xi32, #tpu.memory_space<vmem>> -> memref<128xi32, #tpu.memory_space<vmem>>
      %dma_start3A_109 = arith.constant 0 : i32
      %dma_start3A_110 = arith.constant 0 : i32
      %dma_start3A_111 = tpu.memref_slice %arg18[%dma_start3A_109, %dma_start3A_110] : memref<10000x32xf32, #tpu.memory_space<vmem_shared>> -> memref<10000x32xf32, #tpu.memory_space<vmem_shared>>
      tpu.enqueue_indirect_dma source(%dma_start3A_111 : memref<10000x32xf32, #tpu.memory_space<vmem_shared>>) target(%arg6 : memref<128x32xf32, #tpu.memory_space<vmem>>) offsets(%dma_start3A_108 : memref<128xi32, #tpu.memory_space<vmem>>) semaphore(%arg10 : memref<!tpu.dma_semaphore, #tpu.memory_space<semaphore_mem>>)
      %mul3A_112 = arith.constant 4 : i32
      %mul3A_113 = arith.muli %scan3A_82, %mul3A_112 : i32
      %add3A_114 = arith.constant 1 : i32
      %add3A_115 = arith.addi %mul3A_113, %add3A_114 : i32
      %add3A_116 = arith.addi %mul3A_2, %add3A_115 : i32
      %mul3A_117 = arith.constant 128 : i32
      %mul3A_118 = arith.muli %add3A_116, %mul3A_117 : i32
      %dma_wait3A_119 = arith.constant 0 : i32
      %dma_wait3A_120 = tpu.memref_slice %arg5[%add3A_115, %dma_wait3A_119] : memref<40x128xi32, #tpu.memory_space<vmem>> -> memref<1x128xi32, #tpu.memory_space<vmem>>
      %dma_wait3A_121 = tpu.memref_squeeze %dma_wait3A_120 : memref<1x128xi32, #tpu.memory_space<vmem>> -> memref<128xi32, #tpu.memory_space<vmem>>
      %dma_wait3A_122 = arith.constant 0 : i32
      %dma_wait3A_123 = arith.constant 0 : i32
      %dma_wait3A_124 = tpu.memref_slice %arg18[%dma_wait3A_122, %dma_wait3A_123] : memref<10000x32xf32, #tpu.memory_space<vmem_shared>> -> memref<10000x32xf32, #tpu.memory_space<vmem_shared>>
      tpu.wait_indirect_dma semaphore(%arg11 : memref<!tpu.dma_semaphore, #tpu.memory_space<semaphore_mem>>) src(%dma_wait3A_124 : memref<10000x32xf32, #tpu.memory_space<vmem_shared>>) dst(%arg7 : memref<128x32xf32, #tpu.memory_space<vmem>>)
      %dma_start3A_125 = arith.constant 0 : i32
      %dma_start3A_126 = tpu.memref_slice %arg4[%mul3A_118, %dma_start3A_125] : memref<163840x32xf32, #tpu.memory_space<hbm>> -> memref<128x32xf32, #tpu.memory_space<hbm>>
      %dma_start3A_127 = arith.constant 0 : i32
      %dma_start3A_128 = tpu.memref_slice %arg4[%mul3A_118, %dma_start3A_127] : memref<163840x32xf32, #tpu.memory_space<hbm>> -> memref<128x32xf32, #tpu.memory_space<hbm>>
      tpu.enqueue_dma source(%arg7 : memref<128x32xf32, #tpu.memory_space<vmem>>) target(%dma_start3A_128 : memref<128x32xf32, #tpu.memory_space<hbm>>) target_semaphore(%arg15 : memref<!tpu.dma_semaphore, #tpu.memory_space<semaphore_mem>>)
      %dma_wait3A_129 = arith.constant 0 : i32
      %dma_wait3A_130 = tpu.memref_slice %arg4[%mul3A_118, %dma_wait3A_129] : memref<163840x32xf32, #tpu.memory_space<hbm>> -> memref<128x32xf32, #tpu.memory_space<hbm>>
      %dma_wait3A_131 = arith.constant 0 : i32
      %dma_wait3A_132 = tpu.memref_slice %arg4[%mul3A_118, %dma_wait3A_131] : memref<163840x32xf32, #tpu.memory_space<hbm>> -> memref<128x32xf32, #tpu.memory_space<hbm>>
      tpu.wait_dma2 semaphore(%arg15 : memref<!tpu.dma_semaphore, #tpu.memory_space<semaphore_mem>>) src(%arg7 : memref<128x32xf32, #tpu.memory_space<vmem>>) dst(%dma_wait3A_132 : memref<128x32xf32, #tpu.memory_space<hbm>>)
      %add3A_133 = arith.constant 4 : i32
      %add3A_134 = arith.addi %add3A_115, %add3A_133 : i32
      %dma_start3A_135 = arith.constant 0 : i32
      %dma_start3A_136 = tpu.memref_slice %arg5[%add3A_134, %dma_start3A_135] : memref<40x128xi32, #tpu.memory_space<vmem>> -> memref<1x128xi32, #tpu.memory_space<vmem>>
      %dma_start3A_137 = tpu.memref_squeeze %dma_start3A_136 : memref<1x128xi32, #tpu.memory_space<vmem>> -> memref<128xi32, #tpu.memory_space<vmem>>
      %dma_start3A_138 = arith.constant 0 : i32
      %dma_start3A_139 = arith.constant 0 : i32
      %dma_start3A_140 = tpu.memref_slice %arg18[%dma_start3A_138, %dma_start3A_139] : memref<10000x32xf32, #tpu.memory_space<vmem_shared>> -> memref<10000x32xf32, #tpu.memory_space<vmem_shared>>
      tpu.enqueue_indirect_dma source(%dma_start3A_140 : memref<10000x32xf32, #tpu.memory_space<vmem_shared>>) target(%arg7 : memref<128x32xf32, #tpu.memory_space<vmem>>) offsets(%dma_start3A_137 : memref<128xi32, #tpu.memory_space<vmem>>) semaphore(%arg11 : memref<!tpu.dma_semaphore, #tpu.memory_space<semaphore_mem>>)
      %mul3A_141 = arith.constant 4 : i32
      %mul3A_142 = arith.muli %scan3A_82, %mul3A_141 : i32
      %add3A_143 = arith.constant 2 : i32
      %add3A_144 = arith.addi %mul3A_142, %add3A_143 : i32
      %add3A_145 = arith.addi %mul3A_2, %add3A_144 : i32
      %mul3A_146 = arith.constant 128 : i32
      %mul3A_147 = arith.muli %add3A_145, %mul3A_146 : i32
      %dma_wait3A_148 = arith.constant 0 : i32
      %dma_wait3A_149 = tpu.memref_slice %arg5[%add3A_144, %dma_wait3A_148] : memref<40x128xi32, #tpu.memory_space<vmem>> -> memref<1x128xi32, #tpu.memory_space<vmem>>
      %dma_wait3A_150 = tpu.memref_squeeze %dma_wait3A_149 : memref<1x128xi32, #tpu.memory_space<vmem>> -> memref<128xi32, #tpu.memory_space<vmem>>
      %dma_wait3A_151 = arith.constant 0 : i32
      %dma_wait3A_152 = arith.constant 0 : i32
      %dma_wait3A_153 = tpu.memref_slice %arg18[%dma_wait3A_151, %dma_wait3A_152] : memref<10000x32xf32, #tpu.memory_space<vmem_shared>> -> memref<10000x32xf32, #tpu.memory_space<vmem_shared>>
      tpu.wait_indirect_dma semaphore(%arg12 : memref<!tpu.dma_semaphore, #tpu.memory_space<semaphore_mem>>) src(%dma_wait3A_153 : memref<10000x32xf32, #tpu.memory_space<vmem_shared>>) dst(%arg8 : memref<128x32xf32, #tpu.memory_space<vmem>>)
      %dma_start3A_154 = arith.constant 0 : i32
      %dma_start3A_155 = tpu.memref_slice %arg4[%mul3A_147, %dma_start3A_154] : memref<163840x32xf32, #tpu.memory_space<hbm>> -> memref<128x32xf32, #tpu.memory_space<hbm>>
      %dma_start3A_156 = arith.constant 0 : i32
      %dma_start3A_157 = tpu.memref_slice %arg4[%mul3A_147, %dma_start3A_156] : memref<163840x32xf32, #tpu.memory_space<hbm>> -> memref<128x32xf32, #tpu.memory_space<hbm>>
      tpu.enqueue_dma source(%arg8 : memref<128x32xf32, #tpu.memory_space<vmem>>) target(%dma_start3A_157 : memref<128x32xf32, #tpu.memory_space<hbm>>) target_semaphore(%arg16 : memref<!tpu.dma_semaphore, #tpu.memory_space<semaphore_mem>>)
      %dma_wait3A_158 = arith.constant 0 : i32
      %dma_wait3A_159 = tpu.memref_slice %arg4[%mul3A_147, %dma_wait3A_158] : memref<163840x32xf32, #tpu.memory_space<hbm>> -> memref<128x32xf32, #tpu.memory_space<hbm>>
      %dma_wait3A_160 = arith.constant 0 : i32
      %dma_wait3A_161 = tpu.memref_slice %arg4[%mul3A_147, %dma_wait3A_160] : memref<163840x32xf32, #tpu.memory_space<hbm>> -> memref<128x32xf32, #tpu.memory_space<hbm>>
      tpu.wait_dma2 semaphore(%arg16 : memref<!tpu.dma_semaphore, #tpu.memory_space<semaphore_mem>>) src(%arg8 : memref<128x32xf32, #tpu.memory_space<vmem>>) dst(%dma_wait3A_161 : memref<128x32xf32, #tpu.memory_space<hbm>>)
      %add3A_162 = arith.constant 4 : i32
      %add3A_163 = arith.addi %add3A_144, %add3A_162 : i32
      %dma_start3A_164 = arith.constant 0 : i32
      %dma_start3A_165 = tpu.memref_slice %arg5[%add3A_163, %dma_start3A_164] : memref<40x128xi32, #tpu.memory_space<vmem>> -> memref<1x128xi32, #tpu.memory_space<vmem>>
      %dma_start3A_166 = tpu.memref_squeeze %dma_start3A_165 : memref<1x128xi32, #tpu.memory_space<vmem>> -> memref<128xi32, #tpu.memory_space<vmem>>
      %dma_start3A_167 = arith.constant 0 : i32
      %dma_start3A_168 = arith.constant 0 : i32
      %dma_start3A_169 = tpu.memref_slice %arg18[%dma_start3A_167, %dma_start3A_168] : memref<10000x32xf32, #tpu.memory_space<vmem_shared>> -> memref<10000x32xf32, #tpu.memory_space<vmem_shared>>
      tpu.enqueue_indirect_dma source(%dma_start3A_169 : memref<10000x32xf32, #tpu.memory_space<vmem_shared>>) target(%arg8 : memref<128x32xf32, #tpu.memory_space<vmem>>) offsets(%dma_start3A_166 : memref<128xi32, #tpu.memory_space<vmem>>) semaphore(%arg12 : memref<!tpu.dma_semaphore, #tpu.memory_space<semaphore_mem>>)
      %mul3A_170 = arith.constant 4 : i32
      %mul3A_171 = arith.muli %scan3A_82, %mul3A_170 : i32
      %add3A_172 = arith.constant 3 : i32
      %add3A_173 = arith.addi %mul3A_171, %add3A_172 : i32
      %add3A_174 = arith.addi %mul3A_2, %add3A_173 : i32
      %mul3A_175 = arith.constant 128 : i32
      %mul3A_176 = arith.muli %add3A_174, %mul3A_175 : i32
      %dma_wait3A_177 = arith.constant 0 : i32
      %dma_wait3A_178 = tpu.memref_slice %arg5[%add3A_173, %dma_wait3A_177] : memref<40x128xi32, #tpu.memory_space<vmem>> -> memref<1x128xi32, #tpu.memory_space<vmem>>
      %dma_wait3A_179 = tpu.memref_squeeze %dma_wait3A_178 : memref<1x128xi32, #tpu.memory_space<vmem>> -> memref<128xi32, #tpu.memory_space<vmem>>
      %dma_wait3A_180 = arith.constant 0 : i32
      %dma_wait3A_181 = arith.constant 0 : i32
      %dma_wait3A_182 = tpu.memref_slice %arg18[%dma_wait3A_180, %dma_wait3A_181] : memref<10000x32xf32, #tpu.memory_space<vmem_shared>> -> memref<10000x32xf32, #tpu.memory_space<vmem_shared>>
      tpu.wait_indirect_dma semaphore(%arg13 : memref<!tpu.dma_semaphore, #tpu.memory_space<semaphore_mem>>) src(%dma_wait3A_182 : memref<10000x32xf32, #tpu.memory_space<vmem_shared>>) dst(%arg9 : memref<128x32xf32, #tpu.memory_space<vmem>>)
      %dma_start3A_183 = arith.constant 0 : i32
      %dma_start3A_184 = tpu.memref_slice %arg4[%mul3A_176, %dma_start3A_183] : memref<163840x32xf32, #tpu.memory_space<hbm>> -> memref<128x32xf32, #tpu.memory_space<hbm>>
      %dma_start3A_185 = arith.constant 0 : i32
      %dma_start3A_186 = tpu.memref_slice %arg4[%mul3A_176, %dma_start3A_185] : memref<163840x32xf32, #tpu.memory_space<hbm>> -> memref<128x32xf32, #tpu.memory_space<hbm>>
      tpu.enqueue_dma source(%arg9 : memref<128x32xf32, #tpu.memory_space<vmem>>) target(%dma_start3A_186 : memref<128x32xf32, #tpu.memory_space<hbm>>) target_semaphore(%arg17 : memref<!tpu.dma_semaphore, #tpu.memory_space<semaphore_mem>>)
      %dma_wait3A_187 = arith.constant 0 : i32
      %dma_wait3A_188 = tpu.memref_slice %arg4[%mul3A_176, %dma_wait3A_187] : memref<163840x32xf32, #tpu.memory_space<hbm>> -> memref<128x32xf32, #tpu.memory_space<hbm>>
      %dma_wait3A_189 = arith.constant 0 : i32
      %dma_wait3A_190 = tpu.memref_slice %arg4[%mul3A_176, %dma_wait3A_189] : memref<163840x32xf32, #tpu.memory_space<hbm>> -> memref<128x32xf32, #tpu.memory_space<hbm>>
      tpu.wait_dma2 semaphore(%arg17 : memref<!tpu.dma_semaphore, #tpu.memory_space<semaphore_mem>>) src(%arg9 : memref<128x32xf32, #tpu.memory_space<vmem>>) dst(%dma_wait3A_190 : memref<128x32xf32, #tpu.memory_space<hbm>>)
      %add3A_191 = arith.constant 4 : i32
      %add3A_192 = arith.addi %add3A_173, %add3A_191 : i32
      %dma_start3A_193 = arith.constant 0 : i32
      %dma_start3A_194 = tpu.memref_slice %arg5[%add3A_192, %dma_start3A_193] : memref<40x128xi32, #tpu.memory_space<vmem>> -> memref<1x128xi32, #tpu.memory_space<vmem>>
      %dma_start3A_195 = tpu.memref_squeeze %dma_start3A_194 : memref<1x128xi32, #tpu.memory_space<vmem>> -> memref<128xi32, #tpu.memory_space<vmem>>
      %dma_start3A_196 = arith.constant 0 : i32
      %dma_start3A_197 = arith.constant 0 : i32
      %dma_start3A_198 = tpu.memref_slice %arg18[%dma_start3A_196, %dma_start3A_197] : memref<10000x32xf32, #tpu.memory_space<vmem_shared>> -> memref<10000x32xf32, #tpu.memory_space<vmem_shared>>
      tpu.enqueue_indirect_dma source(%dma_start3A_198 : memref<10000x32xf32, #tpu.memory_space<vmem_shared>>) target(%arg9 : memref<128x32xf32, #tpu.memory_space<vmem>>) offsets(%dma_start3A_195 : memref<128xi32, #tpu.memory_space<vmem>>) semaphore(%arg13 : memref<!tpu.dma_semaphore, #tpu.memory_space<semaphore_mem>>)
    }
    %scan3A_38 = arith.constant 9 : i32
    %dma_wait3A = arith.constant 36 : i32
    %dma_wait3A_39 = arith.constant 0 : i32
    %dma_wait3A_40 = tpu.memref_slice %arg5[%dma_wait3A, %dma_wait3A_39] : memref<40x128xi32, #tpu.memory_space<vmem>> -> memref<1x128xi32, #tpu.memory_space<vmem>>
    %dma_wait3A_41 = tpu.memref_squeeze %dma_wait3A_40 : memref<1x128xi32, #tpu.memory_space<vmem>> -> memref<128xi32, #tpu.memory_space<vmem>>
    %dma_wait3A_42 = arith.constant 0 : i32
    %dma_wait3A_43 = arith.constant 0 : i32
    %dma_wait3A_44 = tpu.memref_slice %arg18[%dma_wait3A_42, %dma_wait3A_43] : memref<10000x32xf32, #tpu.memory_space<vmem_shared>> -> memref<10000x32xf32, #tpu.memory_space<vmem_shared>>
    tpu.wait_indirect_dma semaphore(%arg10 : memref<!tpu.dma_semaphore, #tpu.memory_space<semaphore_mem>>) src(%dma_wait3A_44 : memref<10000x32xf32, #tpu.memory_space<vmem_shared>>) dst(%arg6 : memref<128x32xf32, #tpu.memory_space<vmem>>)
    %add3A_45 = arith.constant 36 : i32
    %add3A_46 = arith.addi %mul3A_2, %add3A_45 : i32
    %mul3A_47 = arith.constant 128 : i32
    %mul3A_48 = arith.muli %add3A_46, %mul3A_47 : i32
    "tpu.region"() ({
      %run_scoped3A = tpu.sem_alloc : memref<!tpu.dma_semaphore, #tpu.memory_space<semaphore_mem>>
      %dma_start3A_82 = arith.constant 0 : i32
      %dma_start3A_83 = tpu.memref_slice %arg4[%mul3A_48, %dma_start3A_82] : memref<163840x32xf32, #tpu.memory_space<hbm>> -> memref<128x32xf32, #tpu.memory_space<hbm>>
      %dma_start3A_84 = arith.constant 0 : i32
      %dma_start3A_85 = tpu.memref_slice %arg4[%mul3A_48, %dma_start3A_84] : memref<163840x32xf32, #tpu.memory_space<hbm>> -> memref<128x32xf32, #tpu.memory_space<hbm>>
      tpu.enqueue_dma source(%arg6 : memref<128x32xf32, #tpu.memory_space<vmem>>) target(%dma_start3A_85 : memref<128x32xf32, #tpu.memory_space<hbm>>) target_semaphore(%run_scoped3A : memref<!tpu.dma_semaphore, #tpu.memory_space<semaphore_mem>>)
      %dma_wait3A_86 = arith.constant 0 : i32
      %dma_wait3A_87 = tpu.memref_slice %arg4[%mul3A_48, %dma_wait3A_86] : memref<163840x32xf32, #tpu.memory_space<hbm>> -> memref<128x32xf32, #tpu.memory_space<hbm>>
      %dma_wait3A_88 = arith.constant 0 : i32
      %dma_wait3A_89 = tpu.memref_slice %arg4[%mul3A_48, %dma_wait3A_88] : memref<163840x32xf32, #tpu.memory_space<hbm>> -> memref<128x32xf32, #tpu.memory_space<hbm>>
      tpu.wait_dma2 semaphore(%run_scoped3A : memref<!tpu.dma_semaphore, #tpu.memory_space<semaphore_mem>>) src(%arg6 : memref<128x32xf32, #tpu.memory_space<vmem>>) dst(%dma_wait3A_89 : memref<128x32xf32, #tpu.memory_space<hbm>>)
      tpu.yield
    }) : () -> ()
    %dma_wait3A_49 = arith.constant 37 : i32
    %dma_wait3A_50 = arith.constant 0 : i32
    %dma_wait3A_51 = tpu.memref_slice %arg5[%dma_wait3A_49, %dma_wait3A_50] : memref<40x128xi32, #tpu.memory_space<vmem>> -> memref<1x128xi32, #tpu.memory_space<vmem>>
    %dma_wait3A_52 = tpu.memref_squeeze %dma_wait3A_51 : memref<1x128xi32, #tpu.memory_space<vmem>> -> memref<128xi32, #tpu.memory_space<vmem>>
    %dma_wait3A_53 = arith.constant 0 : i32
    %dma_wait3A_54 = arith.constant 0 : i32
    %dma_wait3A_55 = tpu.memref_slice %arg18[%dma_wait3A_53, %dma_wait3A_54] : memref<10000x32xf32, #tpu.memory_space<vmem_shared>> -> memref<10000x32xf32, #tpu.memory_space<vmem_shared>>
    tpu.wait_indirect_dma semaphore(%arg11 : memref<!tpu.dma_semaphore, #tpu.memory_space<semaphore_mem>>) src(%dma_wait3A_55 : memref<10000x32xf32, #tpu.memory_space<vmem_shared>>) dst(%arg7 : memref<128x32xf32, #tpu.memory_space<vmem>>)
    %add3A_56 = arith.constant 37 : i32
    %add3A_57 = arith.addi %mul3A_2, %add3A_56 : i32
    %mul3A_58 = arith.constant 128 : i32
    %mul3A_59 = arith.muli %add3A_57, %mul3A_58 : i32
    "tpu.region"() ({
      %run_scoped3A = tpu.sem_alloc : memref<!tpu.dma_semaphore, #tpu.memory_space<semaphore_mem>>
      %dma_start3A_82 = arith.constant 0 : i32
      %dma_start3A_83 = tpu.memref_slice %arg4[%mul3A_59, %dma_start3A_82] : memref<163840x32xf32, #tpu.memory_space<hbm>> -> memref<128x32xf32, #tpu.memory_space<hbm>>
      %dma_start3A_84 = arith.constant 0 : i32
      %dma_start3A_85 = tpu.memref_slice %arg4[%mul3A_59, %dma_start3A_84] : memref<163840x32xf32, #tpu.memory_space<hbm>> -> memref<128x32xf32, #tpu.memory_space<hbm>>
      tpu.enqueue_dma source(%arg7 : memref<128x32xf32, #tpu.memory_space<vmem>>) target(%dma_start3A_85 : memref<128x32xf32, #tpu.memory_space<hbm>>) target_semaphore(%run_scoped3A : memref<!tpu.dma_semaphore, #tpu.memory_space<semaphore_mem>>)
      %dma_wait3A_86 = arith.constant 0 : i32
      %dma_wait3A_87 = tpu.memref_slice %arg4[%mul3A_59, %dma_wait3A_86] : memref<163840x32xf32, #tpu.memory_space<hbm>> -> memref<128x32xf32, #tpu.memory_space<hbm>>
      %dma_wait3A_88 = arith.constant 0 : i32
      %dma_wait3A_89 = tpu.memref_slice %arg4[%mul3A_59, %dma_wait3A_88] : memref<163840x32xf32, #tpu.memory_space<hbm>> -> memref<128x32xf32, #tpu.memory_space<hbm>>
      tpu.wait_dma2 semaphore(%run_scoped3A : memref<!tpu.dma_semaphore, #tpu.memory_space<semaphore_mem>>) src(%arg7 : memref<128x32xf32, #tpu.memory_space<vmem>>) dst(%dma_wait3A_89 : memref<128x32xf32, #tpu.memory_space<hbm>>)
      tpu.yield
    }) : () -> ()
    %dma_wait3A_60 = arith.constant 38 : i32
    %dma_wait3A_61 = arith.constant 0 : i32
    %dma_wait3A_62 = tpu.memref_slice %arg5[%dma_wait3A_60, %dma_wait3A_61] : memref<40x128xi32, #tpu.memory_space<vmem>> -> memref<1x128xi32, #tpu.memory_space<vmem>>
    %dma_wait3A_63 = tpu.memref_squeeze %dma_wait3A_62 : memref<1x128xi32, #tpu.memory_space<vmem>> -> memref<128xi32, #tpu.memory_space<vmem>>
    %dma_wait3A_64 = arith.constant 0 : i32
    %dma_wait3A_65 = arith.constant 0 : i32
    %dma_wait3A_66 = tpu.memref_slice %arg18[%dma_wait3A_64, %dma_wait3A_65] : memref<10000x32xf32, #tpu.memory_space<vmem_shared>> -> memref<10000x32xf32, #tpu.memory_space<vmem_shared>>
    tpu.wait_indirect_dma semaphore(%arg12 : memref<!tpu.dma_semaphore, #tpu.memory_space<semaphore_mem>>) src(%dma_wait3A_66 : memref<10000x32xf32, #tpu.memory_space<vmem_shared>>) dst(%arg8 : memref<128x32xf32, #tpu.memory_space<vmem>>)
    %add3A_67 = arith.constant 38 : i32
    %add3A_68 = arith.addi %mul3A_2, %add3A_67 : i32
    %mul3A_69 = arith.constant 128 : i32
    %mul3A_70 = arith.muli %add3A_68, %mul3A_69 : i32
    "tpu.region"() ({
      %run_scoped3A = tpu.sem_alloc : memref<!tpu.dma_semaphore, #tpu.memory_space<semaphore_mem>>
      %dma_start3A_82 = arith.constant 0 : i32
      %dma_start3A_83 = tpu.memref_slice %arg4[%mul3A_70, %dma_start3A_82] : memref<163840x32xf32, #tpu.memory_space<hbm>> -> memref<128x32xf32, #tpu.memory_space<hbm>>
      %dma_start3A_84 = arith.constant 0 : i32
      %dma_start3A_85 = tpu.memref_slice %arg4[%mul3A_70, %dma_start3A_84] : memref<163840x32xf32, #tpu.memory_space<hbm>> -> memref<128x32xf32, #tpu.memory_space<hbm>>
      tpu.enqueue_dma source(%arg8 : memref<128x32xf32, #tpu.memory_space<vmem>>) target(%dma_start3A_85 : memref<128x32xf32, #tpu.memory_space<hbm>>) target_semaphore(%run_scoped3A : memref<!tpu.dma_semaphore, #tpu.memory_space<semaphore_mem>>)
      %dma_wait3A_86 = arith.constant 0 : i32
      %dma_wait3A_87 = tpu.memref_slice %arg4[%mul3A_70, %dma_wait3A_86] : memref<163840x32xf32, #tpu.memory_space<hbm>> -> memref<128x32xf32, #tpu.memory_space<hbm>>
      %dma_wait3A_88 = arith.constant 0 : i32
      %dma_wait3A_89 = tpu.memref_slice %arg4[%mul3A_70, %dma_wait3A_88] : memref<163840x32xf32, #tpu.memory_space<hbm>> -> memref<128x32xf32, #tpu.memory_space<hbm>>
      tpu.wait_dma2 semaphore(%run_scoped3A : memref<!tpu.dma_semaphore, #tpu.memory_space<semaphore_mem>>) src(%arg8 : memref<128x32xf32, #tpu.memory_space<vmem>>) dst(%dma_wait3A_89 : memref<128x32xf32, #tpu.memory_space<hbm>>)
      tpu.yield
    }) : () -> ()
    %dma_wait3A_71 = arith.constant 39 : i32
    %dma_wait3A_72 = arith.constant 0 : i32
    %dma_wait3A_73 = tpu.memref_slice %arg5[%dma_wait3A_71, %dma_wait3A_72] : memref<40x128xi32, #tpu.memory_space<vmem>> -> memref<1x128xi32, #tpu.memory_space<vmem>>
    %dma_wait3A_74 = tpu.memref_squeeze %dma_wait3A_73 : memref<1x128xi32, #tpu.memory_space<vmem>> -> memref<128xi32, #tpu.memory_space<vmem>>
    %dma_wait3A_75 = arith.constant 0 : i32
    %dma_wait3A_76 = arith.constant 0 : i32
    %dma_wait3A_77 = tpu.memref_slice %arg18[%dma_wait3A_75, %dma_wait3A_76] : memref<10000x32xf32, #tpu.memory_space<vmem_shared>> -> memref<10000x32xf32, #tpu.memory_space<vmem_shared>>
    tpu.wait_indirect_dma semaphore(%arg13 : memref<!tpu.dma_semaphore, #tpu.memory_space<semaphore_mem>>) src(%dma_wait3A_77 : memref<10000x32xf32, #tpu.memory_space<vmem_shared>>) dst(%arg9 : memref<128x32xf32, #tpu.memory_space<vmem>>)
    %add3A_78 = arith.constant 39 : i32
    %add3A_79 = arith.addi %mul3A_2, %add3A_78 : i32
    %mul3A_80 = arith.constant 128 : i32
    %mul3A_81 = arith.muli %add3A_79, %mul3A_80 : i32
    "tpu.region"() ({
      %run_scoped3A = tpu.sem_alloc : memref<!tpu.dma_semaphore, #tpu.memory_space<semaphore_mem>>
      %dma_start3A_82 = arith.constant 0 : i32
      %dma_start3A_83 = tpu.memref_slice %arg4[%mul3A_81, %dma_start3A_82] : memref<163840x32xf32, #tpu.memory_space<hbm>> -> memref<128x32xf32, #tpu.memory_space<hbm>>
      %dma_start3A_84 = arith.constant 0 : i32
      %dma_start3A_85 = tpu.memref_slice %arg4[%mul3A_81, %dma_start3A_84] : memref<163840x32xf32, #tpu.memory_space<hbm>> -> memref<128x32xf32, #tpu.memory_space<hbm>>
      tpu.enqueue_dma source(%arg9 : memref<128x32xf32, #tpu.memory_space<vmem>>) target(%dma_start3A_85 : memref<128x32xf32, #tpu.memory_space<hbm>>) target_semaphore(%run_scoped3A : memref<!tpu.dma_semaphore, #tpu.memory_space<semaphore_mem>>)
      %dma_wait3A_86 = arith.constant 0 : i32
      %dma_wait3A_87 = tpu.memref_slice %arg4[%mul3A_81, %dma_wait3A_86] : memref<163840x32xf32, #tpu.memory_space<hbm>> -> memref<128x32xf32, #tpu.memory_space<hbm>>
      %dma_wait3A_88 = arith.constant 0 : i32
      %dma_wait3A_89 = tpu.memref_slice %arg4[%mul3A_81, %dma_wait3A_88] : memref<163840x32xf32, #tpu.memory_space<hbm>> -> memref<128x32xf32, #tpu.memory_space<hbm>>
      tpu.wait_dma2 semaphore(%run_scoped3A : memref<!tpu.dma_semaphore, #tpu.memory_space<semaphore_mem>>) src(%arg9 : memref<128x32xf32, #tpu.memory_space<vmem>>) dst(%dma_wait3A_89 : memref<128x32xf32, #tpu.memory_space<hbm>>)
      tpu.yield
    }) : () -> ()
    return
  }
}

#map = affine_map<(d0, d1) -> (0, 0, 0)>
#map1 = affine_map<(d0, d1) -> (0)>
#map2 = affine_map<(d0, d1) -> (0, 0)>
module attributes {stable_mosaic.version = 14 : i64} {
  func.func @deg_k(%arg0: i32, %arg1: i32, %arg2: memref<32x40x128xi32, #tpu.memory_space<hbm>>, %arg3: memref<128xf32, #tpu.memory_space<hbm>>, %arg4: memref<632xf32, #tpu.memory_space<hbm>>, %arg5: memref<2x10112xf32, #tpu.memory_space<hbm>>, %arg6: memref<40x128xi32, #tpu.memory_space<vmem>>, %arg7: memref<128xf32, #tpu.memory_space<vmem>>, %arg8: memref<10112xf32, #tpu.memory_space<vmem_shared>>) attributes {dimension_semantics = [#tpu.dimension_semantics<core_parallel>, #tpu.dimension_semantics<subcore_parallel>], iteration_bounds = array<i64: 2, 16>, scalar_prefetch = 0 : i64, scratch_operands = 3 : i64, tpu.core_type = #tpu.core_type<sc_vector_subcore>, window_params = [{transform_indices = #map}, {transform_indices = #map1}, {transform_indices = #map1}, {transform_indices = #map2}]} {
    %mul3A = arith.constant 2 : i32
    %mul3A_0 = arith.muli %arg1, %mul3A : i32
    %add3A = arith.addi %mul3A_0, %arg0 : i32
    %mul3A_1 = arith.constant 632 : i32
    %mul3A_2 = arith.muli %arg1, %mul3A_1 : i32
    "tpu.region"() ({
      %run_scoped3A = tpu.sem_alloc : memref<!tpu.dma_semaphore, #tpu.memory_space<semaphore_mem>>
      %dma_start3A = tpu.memref_slice %arg8[%mul3A_2] : memref<10112xf32, #tpu.memory_space<vmem_shared>> -> memref<632xf32, #tpu.memory_space<vmem_shared>>
      tpu.enqueue_dma source(%arg4 : memref<632xf32, #tpu.memory_space<hbm>>) target(%dma_start3A : memref<632xf32, #tpu.memory_space<vmem_shared>>) target_semaphore(%run_scoped3A : memref<!tpu.dma_semaphore, #tpu.memory_space<semaphore_mem>>)
      %dma_wait3A = tpu.memref_slice %arg8[%mul3A_2] : memref<10112xf32, #tpu.memory_space<vmem_shared>> -> memref<632xf32, #tpu.memory_space<vmem_shared>>
      tpu.wait_dma2 semaphore(%run_scoped3A : memref<!tpu.dma_semaphore, #tpu.memory_space<semaphore_mem>>) src(%arg4 : memref<632xf32, #tpu.memory_space<hbm>>) dst(%dma_wait3A : memref<632xf32, #tpu.memory_space<vmem_shared>>)
      tpu.yield
    }) : () -> ()
    %barrier3A = arith.constant 0 : index
    tpu.barrier barrier_id(%barrier3A)
    "tpu.region"() ({
      %run_scoped3A = tpu.sem_alloc : memref<!tpu.dma_semaphore, #tpu.memory_space<semaphore_mem>>
      %dma_start3A = arith.constant 0 : i32
      %dma_start3A_11 = arith.constant 0 : i32
      %dma_start3A_12 = tpu.memref_slice %arg2[%add3A, %dma_start3A, %dma_start3A_11] : memref<32x40x128xi32, #tpu.memory_space<hbm>> -> memref<1x40x128xi32, #tpu.memory_space<hbm>>
      %dma_start3A_13 = tpu.memref_squeeze %dma_start3A_12 : memref<1x40x128xi32, #tpu.memory_space<hbm>> -> memref<40x128xi32, #tpu.memory_space<hbm>>
      %dma_start3A_14 = arith.constant 0 : i32
      %dma_start3A_15 = arith.constant 0 : i32
      %dma_start3A_16 = tpu.memref_slice %arg2[%add3A, %dma_start3A_14, %dma_start3A_15] : memref<32x40x128xi32, #tpu.memory_space<hbm>> -> memref<1x40x128xi32, #tpu.memory_space<hbm>>
      %dma_start3A_17 = tpu.memref_squeeze %dma_start3A_16 : memref<1x40x128xi32, #tpu.memory_space<hbm>> -> memref<40x128xi32, #tpu.memory_space<hbm>>
      tpu.enqueue_dma source(%dma_start3A_17 : memref<40x128xi32, #tpu.memory_space<hbm>>) target(%arg6 : memref<40x128xi32, #tpu.memory_space<vmem>>) target_semaphore(%run_scoped3A : memref<!tpu.dma_semaphore, #tpu.memory_space<semaphore_mem>>)
      %dma_wait3A = arith.constant 0 : i32
      %dma_wait3A_18 = arith.constant 0 : i32
      %dma_wait3A_19 = tpu.memref_slice %arg2[%add3A, %dma_wait3A, %dma_wait3A_18] : memref<32x40x128xi32, #tpu.memory_space<hbm>> -> memref<1x40x128xi32, #tpu.memory_space<hbm>>
      %dma_wait3A_20 = tpu.memref_squeeze %dma_wait3A_19 : memref<1x40x128xi32, #tpu.memory_space<hbm>> -> memref<40x128xi32, #tpu.memory_space<hbm>>
      %dma_wait3A_21 = arith.constant 0 : i32
      %dma_wait3A_22 = arith.constant 0 : i32
      %dma_wait3A_23 = tpu.memref_slice %arg2[%add3A, %dma_wait3A_21, %dma_wait3A_22] : memref<32x40x128xi32, #tpu.memory_space<hbm>> -> memref<1x40x128xi32, #tpu.memory_space<hbm>>
      %dma_wait3A_24 = tpu.memref_squeeze %dma_wait3A_23 : memref<1x40x128xi32, #tpu.memory_space<hbm>> -> memref<40x128xi32, #tpu.memory_space<hbm>>
      tpu.wait_dma2 semaphore(%run_scoped3A : memref<!tpu.dma_semaphore, #tpu.memory_space<semaphore_mem>>) src(%dma_wait3A_24 : memref<40x128xi32, #tpu.memory_space<hbm>>) dst(%arg6 : memref<40x128xi32, #tpu.memory_space<vmem>>)
      tpu.yield
    }) : () -> ()
    "tpu.region"() ({
      %run_scoped3A = tpu.sem_alloc : memref<!tpu.dma_semaphore, #tpu.memory_space<semaphore_mem>>
      tpu.enqueue_dma source(%arg3 : memref<128xf32, #tpu.memory_space<hbm>>) target(%arg7 : memref<128xf32, #tpu.memory_space<vmem>>) target_semaphore(%run_scoped3A : memref<!tpu.dma_semaphore, #tpu.memory_space<semaphore_mem>>)
      tpu.wait_dma2 semaphore(%run_scoped3A : memref<!tpu.dma_semaphore, #tpu.memory_space<semaphore_mem>>) src(%arg3 : memref<128xf32, #tpu.memory_space<hbm>>) dst(%arg7 : memref<128xf32, #tpu.memory_space<vmem>>)
      tpu.yield
    }) : () -> ()
    %scan3A = arith.constant 0 : i32
    %scan3A_3 = arith.constant 0 : i32
    %scan3A_4 = arith.constant 40 : i32
    %scan3A_5 = arith.addi %scan3A_3, %scan3A_4 : i32
    %scan3A_6 = arith.constant 1 : i32
    scf.for %scan3A_11 = %scan3A_3 to %scan3A_5 step %scan3A_6  : i32 {
      "tpu.region"() ({
        %run_scoped3A = tpu.sem_alloc : memref<!tpu.dma_semaphore, #tpu.memory_space<semaphore_mem>>
        %dma_start3A = arith.constant 0 : i32
        %dma_start3A_12 = tpu.memref_slice %arg6[%scan3A_11, %dma_start3A] : memref<40x128xi32, #tpu.memory_space<vmem>> -> memref<1x128xi32, #tpu.memory_space<vmem>>
        %dma_start3A_13 = tpu.memref_squeeze %dma_start3A_12 : memref<1x128xi32, #tpu.memory_space<vmem>> -> memref<128xi32, #tpu.memory_space<vmem>>
        %dma_start3A_14 = arith.constant 0 : i32
        %dma_start3A_15 = tpu.memref_slice %arg8[%dma_start3A_14] : memref<10112xf32, #tpu.memory_space<vmem_shared>> -> memref<10112xf32, #tpu.memory_space<vmem_shared>>
        tpu.enqueue_indirect_dma source(%arg7 : memref<128xf32, #tpu.memory_space<vmem>>) target(%dma_start3A_15 : memref<10112xf32, #tpu.memory_space<vmem_shared>>) offsets(%dma_start3A_13 : memref<128xi32, #tpu.memory_space<vmem>>) semaphore(%run_scoped3A : memref<!tpu.dma_semaphore, #tpu.memory_space<semaphore_mem>>) {add = true}
        %dma_wait3A = arith.constant 0 : i32
        %dma_wait3A_16 = tpu.memref_slice %arg6[%scan3A_11, %dma_wait3A] : memref<40x128xi32, #tpu.memory_space<vmem>> -> memref<1x128xi32, #tpu.memory_space<vmem>>
        %dma_wait3A_17 = tpu.memref_squeeze %dma_wait3A_16 : memref<1x128xi32, #tpu.memory_space<vmem>> -> memref<128xi32, #tpu.memory_space<vmem>>
        %dma_wait3A_18 = arith.constant 0 : i32
        %dma_wait3A_19 = tpu.memref_slice %arg8[%dma_wait3A_18] : memref<10112xf32, #tpu.memory_space<vmem_shared>> -> memref<10112xf32, #tpu.memory_space<vmem_shared>>
        tpu.wait_indirect_dma semaphore(%run_scoped3A : memref<!tpu.dma_semaphore, #tpu.memory_space<semaphore_mem>>) src(%arg7 : memref<128xf32, #tpu.memory_space<vmem>>) dst(%dma_wait3A_19 : memref<10112xf32, #tpu.memory_space<vmem_shared>>)
        tpu.yield
      }) : () -> ()
    }
    %scan3A_7 = arith.constant 40 : i32
    %barrier3A_8 = arith.constant 0 : index
    tpu.barrier barrier_id(%barrier3A_8)
    %eq3A = arith.constant 0 : i32
    %eq3A_9 = arith.cmpi eq, %arg1, %eq3A : i32
    %convert_element_type3A = arith.extui %eq3A_9 : i1 to i32
    %cond3A = arith.constant 0 : i32
    %cond3A_10 = arith.cmpi ne, %convert_element_type3A, %cond3A : i32
    scf.if %cond3A_10 {
      "tpu.region"() ({
        %run_scoped3A = tpu.sem_alloc : memref<!tpu.dma_semaphore, #tpu.memory_space<semaphore_mem>>
        %dma_start3A = arith.constant 0 : i32
        %dma_start3A_11 = tpu.memref_slice %arg5[%arg0, %dma_start3A] : memref<2x10112xf32, #tpu.memory_space<hbm>> -> memref<1x10112xf32, #tpu.memory_space<hbm>>
        %dma_start3A_12 = tpu.memref_squeeze %dma_start3A_11 : memref<1x10112xf32, #tpu.memory_space<hbm>> -> memref<10112xf32, #tpu.memory_space<hbm>>
        tpu.enqueue_dma source(%arg8 : memref<10112xf32, #tpu.memory_space<vmem_shared>>) target(%dma_start3A_12 : memref<10112xf32, #tpu.memory_space<hbm>>) target_semaphore(%run_scoped3A : memref<!tpu.dma_semaphore, #tpu.memory_space<semaphore_mem>>)
        %dma_wait3A = arith.constant 0 : i32
        %dma_wait3A_13 = tpu.memref_slice %arg5[%arg0, %dma_wait3A] : memref<2x10112xf32, #tpu.memory_space<hbm>> -> memref<1x10112xf32, #tpu.memory_space<hbm>>
        %dma_wait3A_14 = tpu.memref_squeeze %dma_wait3A_13 : memref<1x10112xf32, #tpu.memory_space<hbm>> -> memref<10112xf32, #tpu.memory_space<hbm>>
        tpu.wait_dma2 semaphore(%run_scoped3A : memref<!tpu.dma_semaphore, #tpu.memory_space<semaphore_mem>>) src(%arg8 : memref<10112xf32, #tpu.memory_space<vmem_shared>>) dst(%dma_wait3A_14 : memref<10112xf32, #tpu.memory_space<hbm>>)
        tpu.yield
      }) : () -> ()
    } else {
    }
    return
  }
}

#map = affine_map<(d0, d1) -> (0, 0)>
#map1 = affine_map<(d0, d1) -> (0, 0, 0)>
module attributes {stable_mosaic.version = 14 : i64} {
  func.func @gather_k(%arg0: i32, %arg1: i32, %arg2: memref<10000x32xf32, #tpu.memory_space<hbm>>, %arg3: memref<32x40x128xi32, #tpu.memory_space<hbm>>, %arg4: memref<163840x32xf32, #tpu.memory_space<hbm>>, %arg5: memref<40x128xi32, #tpu.memory_space<vmem>>, %arg6: memref<128x32xf32, #tpu.memory_space<vmem>>, %arg7: memref<128x32xf32, #tpu.memory_space<vmem>>, %arg8: memref<128x32xf32, #tpu.memory_space<vmem>>, %arg9: memref<128x32xf32, #tpu.memory_space<vmem>>, %arg10: memref<!tpu.dma_semaphore, #tpu.memory_space<semaphore_mem>>, %arg11: memref<!tpu.dma_semaphore, #tpu.memory_space<semaphore_mem>>, %arg12: memref<!tpu.dma_semaphore, #tpu.memory_space<semaphore_mem>>, %arg13: memref<!tpu.dma_semaphore, #tpu.memory_space<semaphore_mem>>, %arg14: memref<!tpu.dma_semaphore, #tpu.memory_space<semaphore_mem>>, %arg15: memref<!tpu.dma_semaphore, #tpu.memory_space<semaphore_mem>>, %arg16: memref<!tpu.dma_semaphore, #tpu.memory_space<semaphore_mem>>, %arg17: memref<!tpu.dma_semaphore, #tpu.memory_space<semaphore_mem>>, %arg18: memref<10000x32xf32, #tpu.memory_space<vmem_shared>>) attributes {dimension_semantics = [#tpu.dimension_semantics<core_parallel>, #tpu.dimension_semantics<subcore_parallel>], iteration_bounds = array<i64: 2, 16>, scalar_prefetch = 0 : i64, scratch_operands = 14 : i64, tpu.core_type = #tpu.core_type<sc_vector_subcore>, window_params = [{transform_indices = #map}, {transform_indices = #map1}, {transform_indices = #map}]} {
    %mul3A = arith.constant 2 : i32
    %mul3A_0 = arith.muli %arg1, %mul3A : i32
    %add3A = arith.addi %mul3A_0, %arg0 : i32
    %mul3A_1 = arith.constant 40 : i32
    %mul3A_2 = arith.muli %add3A, %mul3A_1 : i32
    %mul3A_3 = arith.constant 625 : i32
    %mul3A_4 = arith.muli %arg1, %mul3A_3 : i32
    %mul3A_5 = arith.constant 625 : i32
    %mul3A_6 = arith.muli %arg1, %mul3A_5 : i32
    "tpu.region"() ({
      %run_scoped3A = tpu.sem_alloc : memref<!tpu.dma_semaphore, #tpu.memory_space<semaphore_mem>>
      %dma_start3A_82 = arith.constant 0 : i32
      %dma_start3A_83 = tpu.memref_slice %arg18[%mul3A_6, %dma_start3A_82] : memref<10000x32xf32, #tpu.memory_space<vmem_shared>> -> memref<625x32xf32, #tpu.memory_space<vmem_shared>>
      %dma_start3A_84 = arith.constant 0 : i32
      %dma_start3A_85 = tpu.memref_slice %arg2[%mul3A_4, %dma_start3A_84] : memref<10000x32xf32, #tpu.memory_space<hbm>> -> memref<625x32xf32, #tpu.memory_space<hbm>>
      tpu.enqueue_dma source(%dma_start3A_85 : memref<625x32xf32, #tpu.memory_space<hbm>>) target(%dma_start3A_83 : memref<625x32xf32, #tpu.memory_space<vmem_shared>>) target_semaphore(%run_scoped3A : memref<!tpu.dma_semaphore, #tpu.memory_space<semaphore_mem>>)
      %dma_wait3A_86 = arith.constant 0 : i32
      %dma_wait3A_87 = tpu.memref_slice %arg18[%mul3A_6, %dma_wait3A_86] : memref<10000x32xf32, #tpu.memory_space<vmem_shared>> -> memref<625x32xf32, #tpu.memory_space<vmem_shared>>
      %dma_wait3A_88 = arith.constant 0 : i32
      %dma_wait3A_89 = tpu.memref_slice %arg2[%mul3A_4, %dma_wait3A_88] : memref<10000x32xf32, #tpu.memory_space<hbm>> -> memref<625x32xf32, #tpu.memory_space<hbm>>
      tpu.wait_dma2 semaphore(%run_scoped3A : memref<!tpu.dma_semaphore, #tpu.memory_space<semaphore_mem>>) src(%dma_wait3A_89 : memref<625x32xf32, #tpu.memory_space<hbm>>) dst(%dma_wait3A_87 : memref<625x32xf32, #tpu.memory_space<vmem_shared>>)
      tpu.yield
    }) : () -> ()
    "tpu.region"() ({
      %run_scoped3A = tpu.sem_alloc : memref<!tpu.dma_semaphore, #tpu.memory_space<semaphore_mem>>
      %dma_start3A_82 = arith.constant 0 : i32
      %dma_start3A_83 = arith.constant 0 : i32
      %dma_start3A_84 = tpu.memref_slice %arg3[%add3A, %dma_start3A_82, %dma_start3A_83] : memref<32x40x128xi32, #tpu.memory_space<hbm>> -> memref<1x40x128xi32, #tpu.memory_space<hbm>>
      %dma_start3A_85 = tpu.memref_squeeze %dma_start3A_84 : memref<1x40x128xi32, #tpu.memory_space<hbm>> -> memref<40x128xi32, #tpu.memory_space<hbm>>
      %dma_start3A_86 = arith.constant 0 : i32
      %dma_start3A_87 = arith.constant 0 : i32
      %dma_start3A_88 = tpu.memref_slice %arg3[%add3A, %dma_start3A_86, %dma_start3A_87] : memref<32x40x128xi32, #tpu.memory_space<hbm>> -> memref<1x40x128xi32, #tpu.memory_space<hbm>>
      %dma_start3A_89 = tpu.memref_squeeze %dma_start3A_88 : memref<1x40x128xi32, #tpu.memory_space<hbm>> -> memref<40x128xi32, #tpu.memory_space<hbm>>
      tpu.enqueue_dma source(%dma_start3A_89 : memref<40x128xi32, #tpu.memory_space<hbm>>) target(%arg5 : memref<40x128xi32, #tpu.memory_space<vmem>>) target_semaphore(%run_scoped3A : memref<!tpu.dma_semaphore, #tpu.memory_space<semaphore_mem>>)
      %dma_wait3A_90 = arith.constant 0 : i32
      %dma_wait3A_91 = arith.constant 0 : i32
      %dma_wait3A_92 = tpu.memref_slice %arg3[%add3A, %dma_wait3A_90, %dma_wait3A_91] : memref<32x40x128xi32, #tpu.memory_space<hbm>> -> memref<1x40x128xi32, #tpu.memory_space<hbm>>
      %dma_wait3A_93 = tpu.memref_squeeze %dma_wait3A_92 : memref<1x40x128xi32, #tpu.memory_space<hbm>> -> memref<40x128xi32, #tpu.memory_space<hbm>>
      %dma_wait3A_94 = arith.constant 0 : i32
      %dma_wait3A_95 = arith.constant 0 : i32
      %dma_wait3A_96 = tpu.memref_slice %arg3[%add3A, %dma_wait3A_94, %dma_wait3A_95] : memref<32x40x128xi32, #tpu.memory_space<hbm>> -> memref<1x40x128xi32, #tpu.memory_space<hbm>>
      %dma_wait3A_97 = tpu.memref_squeeze %dma_wait3A_96 : memref<1x40x128xi32, #tpu.memory_space<hbm>> -> memref<40x128xi32, #tpu.memory_space<hbm>>
      tpu.wait_dma2 semaphore(%run_scoped3A : memref<!tpu.dma_semaphore, #tpu.memory_space<semaphore_mem>>) src(%dma_wait3A_97 : memref<40x128xi32, #tpu.memory_space<hbm>>) dst(%arg5 : memref<40x128xi32, #tpu.memory_space<vmem>>)
      tpu.yield
    }) : () -> ()
    %barrier3A = arith.constant 0 : index
    tpu.barrier barrier_id(%barrier3A)
    %dma_start3A = arith.constant 0 : i32
    %dma_start3A_7 = arith.constant 0 : i32
    %dma_start3A_8 = tpu.memref_slice %arg5[%dma_start3A, %dma_start3A_7] : memref<40x128xi32, #tpu.memory_space<vmem>> -> memref<1x128xi32, #tpu.memory_space<vmem>>
    %dma_start3A_9 = tpu.memref_squeeze %dma_start3A_8 : memref<1x128xi32, #tpu.memory_space<vmem>> -> memref<128xi32, #tpu.memory_space<vmem>>
    %dma_start3A_10 = arith.constant 0 : i32
    %dma_start3A_11 = arith.constant 0 : i32
    %dma_start3A_12 = tpu.memref_slice %arg18[%dma_start3A_10, %dma_start3A_11] : memref<10000x32xf32, #tpu.memory_space<vmem_shared>> -> memref<10000x32xf32, #tpu.memory_space<vmem_shared>>
    tpu.enqueue_indirect_dma source(%dma_start3A_12 : memref<10000x32xf32, #tpu.memory_space<vmem_shared>>) target(%arg6 : memref<128x32xf32, #tpu.memory_space<vmem>>) offsets(%dma_start3A_9 : memref<128xi32, #tpu.memory_space<vmem>>) semaphore(%arg10 : memref<!tpu.dma_semaphore, #tpu.memory_space<semaphore_mem>>)
    %dma_start3A_13 = arith.constant 1 : i32
    %dma_start3A_14 = arith.constant 0 : i32
    %dma_start3A_15 = tpu.memref_slice %arg5[%dma_start3A_13, %dma_start3A_14] : memref<40x128xi32, #tpu.memory_space<vmem>> -> memref<1x128xi32, #tpu.memory_space<vmem>>
    %dma_start3A_16 = tpu.memref_squeeze %dma_start3A_15 : memref<1x128xi32, #tpu.memory_space<vmem>> -> memref<128xi32, #tpu.memory_space<vmem>>
    %dma_start3A_17 = arith.constant 0 : i32
    %dma_start3A_18 = arith.constant 0 : i32
    %dma_start3A_19 = tpu.memref_slice %arg18[%dma_start3A_17, %dma_start3A_18] : memref<10000x32xf32, #tpu.memory_space<vmem_shared>> -> memref<10000x32xf32, #tpu.memory_space<vmem_shared>>
    tpu.enqueue_indirect_dma source(%dma_start3A_19 : memref<10000x32xf32, #tpu.memory_space<vmem_shared>>) target(%arg7 : memref<128x32xf32, #tpu.memory_space<vmem>>) offsets(%dma_start3A_16 : memref<128xi32, #tpu.memory_space<vmem>>) semaphore(%arg11 : memref<!tpu.dma_semaphore, #tpu.memory_space<semaphore_mem>>)
    %dma_start3A_20 = arith.constant 2 : i32
    %dma_start3A_21 = arith.constant 0 : i32
    %dma_start3A_22 = tpu.memref_slice %arg5[%dma_start3A_20, %dma_start3A_21] : memref<40x128xi32, #tpu.memory_space<vmem>> -> memref<1x128xi32, #tpu.memory_space<vmem>>
    %dma_start3A_23 = tpu.memref_squeeze %dma_start3A_22 : memref<1x128xi32, #tpu.memory_space<vmem>> -> memref<128xi32, #tpu.memory_space<vmem>>
    %dma_start3A_24 = arith.constant 0 : i32
    %dma_start3A_25 = arith.constant 0 : i32
    %dma_start3A_26 = tpu.memref_slice %arg18[%dma_start3A_24, %dma_start3A_25] : memref<10000x32xf32, #tpu.memory_space<vmem_shared>> -> memref<10000x32xf32, #tpu.memory_space<vmem_shared>>
    tpu.enqueue_indirect_dma source(%dma_start3A_26 : memref<10000x32xf32, #tpu.memory_space<vmem_shared>>) target(%arg8 : memref<128x32xf32, #tpu.memory_space<vmem>>) offsets(%dma_start3A_23 : memref<128xi32, #tpu.memory_space<vmem>>) semaphore(%arg12 : memref<!tpu.dma_semaphore, #tpu.memory_space<semaphore_mem>>)
    %dma_start3A_27 = arith.constant 3 : i32
    %dma_start3A_28 = arith.constant 0 : i32
    %dma_start3A_29 = tpu.memref_slice %arg5[%dma_start3A_27, %dma_start3A_28] : memref<40x128xi32, #tpu.memory_space<vmem>> -> memref<1x128xi32, #tpu.memory_space<vmem>>
    %dma_start3A_30 = tpu.memref_squeeze %dma_start3A_29 : memref<1x128xi32, #tpu.memory_space<vmem>> -> memref<128xi32, #tpu.memory_space<vmem>>
    %dma_start3A_31 = arith.constant 0 : i32
    %dma_start3A_32 = arith.constant 0 : i32
    %dma_start3A_33 = tpu.memref_slice %arg18[%dma_start3A_31, %dma_start3A_32] : memref<10000x32xf32, #tpu.memory_space<vmem_shared>> -> memref<10000x32xf32, #tpu.memory_space<vmem_shared>>
    tpu.enqueue_indirect_dma source(%dma_start3A_33 : memref<10000x32xf32, #tpu.memory_space<vmem_shared>>) target(%arg9 : memref<128x32xf32, #tpu.memory_space<vmem>>) offsets(%dma_start3A_30 : memref<128xi32, #tpu.memory_space<vmem>>) semaphore(%arg13 : memref<!tpu.dma_semaphore, #tpu.memory_space<semaphore_mem>>)
    %scan3A = arith.constant 0 : i32
    %scan3A_34 = arith.constant 0 : i32
    %scan3A_35 = arith.constant 9 : i32
    %scan3A_36 = arith.addi %scan3A_34, %scan3A_35 : i32
    %scan3A_37 = arith.constant 1 : i32
    scf.for %scan3A_82 = %scan3A_34 to %scan3A_36 step %scan3A_37  : i32 {
      %mul3A_83 = arith.constant 4 : i32
      %mul3A_84 = arith.muli %scan3A_82, %mul3A_83 : i32
      %add3A_85 = arith.constant 0 : i32
      %add3A_86 = arith.addi %mul3A_84, %add3A_85 : i32
      %add3A_87 = arith.addi %mul3A_2, %add3A_86 : i32
      %mul3A_88 = arith.constant 128 : i32
      %mul3A_89 = arith.muli %add3A_87, %mul3A_88 : i32
      %dma_wait3A_90 = arith.constant 0 : i32
      %dma_wait3A_91 = tpu.memref_slice %arg5[%add3A_86, %dma_wait3A_90] : memref<40x128xi32, #tpu.memory_space<vmem>> -> memref<1x128xi32, #tpu.memory_space<vmem>>
      %dma_wait3A_92 = tpu.memref_squeeze %dma_wait3A_91 : memref<1x128xi32, #tpu.memory_space<vmem>> -> memref<128xi32, #tpu.memory_space<vmem>>
      %dma_wait3A_93 = arith.constant 0 : i32
      %dma_wait3A_94 = arith.constant 0 : i32
      %dma_wait3A_95 = tpu.memref_slice %arg18[%dma_wait3A_93, %dma_wait3A_94] : memref<10000x32xf32, #tpu.memory_space<vmem_shared>> -> memref<10000x32xf32, #tpu.memory_space<vmem_shared>>
      tpu.wait_indirect_dma semaphore(%arg10 : memref<!tpu.dma_semaphore, #tpu.memory_space<semaphore_mem>>) src(%dma_wait3A_95 : memref<10000x32xf32, #tpu.memory_space<vmem_shared>>) dst(%arg6 : memref<128x32xf32, #tpu.memory_space<vmem>>)
      %dma_start3A_96 = arith.constant 0 : i32
      %dma_start3A_97 = tpu.memref_slice %arg4[%mul3A_89, %dma_start3A_96] : memref<163840x32xf32, #tpu.memory_space<hbm>> -> memref<128x32xf32, #tpu.memory_space<hbm>>
      %dma_start3A_98 = arith.constant 0 : i32
      %dma_start3A_99 = tpu.memref_slice %arg4[%mul3A_89, %dma_start3A_98] : memref<163840x32xf32, #tpu.memory_space<hbm>> -> memref<128x32xf32, #tpu.memory_space<hbm>>
      tpu.enqueue_dma source(%arg6 : memref<128x32xf32, #tpu.memory_space<vmem>>) target(%dma_start3A_99 : memref<128x32xf32, #tpu.memory_space<hbm>>) target_semaphore(%arg14 : memref<!tpu.dma_semaphore, #tpu.memory_space<semaphore_mem>>)
      %dma_wait3A_100 = arith.constant 0 : i32
      %dma_wait3A_101 = tpu.memref_slice %arg4[%mul3A_89, %dma_wait3A_100] : memref<163840x32xf32, #tpu.memory_space<hbm>> -> memref<128x32xf32, #tpu.memory_space<hbm>>
      %dma_wait3A_102 = arith.constant 0 : i32
      %dma_wait3A_103 = tpu.memref_slice %arg4[%mul3A_89, %dma_wait3A_102] : memref<163840x32xf32, #tpu.memory_space<hbm>> -> memref<128x32xf32, #tpu.memory_space<hbm>>
      tpu.wait_dma2 semaphore(%arg14 : memref<!tpu.dma_semaphore, #tpu.memory_space<semaphore_mem>>) src(%arg6 : memref<128x32xf32, #tpu.memory_space<vmem>>) dst(%dma_wait3A_103 : memref<128x32xf32, #tpu.memory_space<hbm>>)
      %add3A_104 = arith.constant 4 : i32
      %add3A_105 = arith.addi %add3A_86, %add3A_104 : i32
      %dma_start3A_106 = arith.constant 0 : i32
      %dma_start3A_107 = tpu.memref_slice %arg5[%add3A_105, %dma_start3A_106] : memref<40x128xi32, #tpu.memory_space<vmem>> -> memref<1x128xi32, #tpu.memory_space<vmem>>
      %dma_start3A_108 = tpu.memref_squeeze %dma_start3A_107 : memref<1x128xi32, #tpu.memory_space<vmem>> -> memref<128xi32, #tpu.memory_space<vmem>>
      %dma_start3A_109 = arith.constant 0 : i32
      %dma_start3A_110 = arith.constant 0 : i32
      %dma_start3A_111 = tpu.memref_slice %arg18[%dma_start3A_109, %dma_start3A_110] : memref<10000x32xf32, #tpu.memory_space<vmem_shared>> -> memref<10000x32xf32, #tpu.memory_space<vmem_shared>>
      tpu.enqueue_indirect_dma source(%dma_start3A_111 : memref<10000x32xf32, #tpu.memory_space<vmem_shared>>) target(%arg6 : memref<128x32xf32, #tpu.memory_space<vmem>>) offsets(%dma_start3A_108 : memref<128xi32, #tpu.memory_space<vmem>>) semaphore(%arg10 : memref<!tpu.dma_semaphore, #tpu.memory_space<semaphore_mem>>)
      %mul3A_112 = arith.constant 4 : i32
      %mul3A_113 = arith.muli %scan3A_82, %mul3A_112 : i32
      %add3A_114 = arith.constant 1 : i32
      %add3A_115 = arith.addi %mul3A_113, %add3A_114 : i32
      %add3A_116 = arith.addi %mul3A_2, %add3A_115 : i32
      %mul3A_117 = arith.constant 128 : i32
      %mul3A_118 = arith.muli %add3A_116, %mul3A_117 : i32
      %dma_wait3A_119 = arith.constant 0 : i32
      %dma_wait3A_120 = tpu.memref_slice %arg5[%add3A_115, %dma_wait3A_119] : memref<40x128xi32, #tpu.memory_space<vmem>> -> memref<1x128xi32, #tpu.memory_space<vmem>>
      %dma_wait3A_121 = tpu.memref_squeeze %dma_wait3A_120 : memref<1x128xi32, #tpu.memory_space<vmem>> -> memref<128xi32, #tpu.memory_space<vmem>>
      %dma_wait3A_122 = arith.constant 0 : i32
      %dma_wait3A_123 = arith.constant 0 : i32
      %dma_wait3A_124 = tpu.memref_slice %arg18[%dma_wait3A_122, %dma_wait3A_123] : memref<10000x32xf32, #tpu.memory_space<vmem_shared>> -> memref<10000x32xf32, #tpu.memory_space<vmem_shared>>
      tpu.wait_indirect_dma semaphore(%arg11 : memref<!tpu.dma_semaphore, #tpu.memory_space<semaphore_mem>>) src(%dma_wait3A_124 : memref<10000x32xf32, #tpu.memory_space<vmem_shared>>) dst(%arg7 : memref<128x32xf32, #tpu.memory_space<vmem>>)
      %dma_start3A_125 = arith.constant 0 : i32
      %dma_start3A_126 = tpu.memref_slice %arg4[%mul3A_118, %dma_start3A_125] : memref<163840x32xf32, #tpu.memory_space<hbm>> -> memref<128x32xf32, #tpu.memory_space<hbm>>
      %dma_start3A_127 = arith.constant 0 : i32
      %dma_start3A_128 = tpu.memref_slice %arg4[%mul3A_118, %dma_start3A_127] : memref<163840x32xf32, #tpu.memory_space<hbm>> -> memref<128x32xf32, #tpu.memory_space<hbm>>
      tpu.enqueue_dma source(%arg7 : memref<128x32xf32, #tpu.memory_space<vmem>>) target(%dma_start3A_128 : memref<128x32xf32, #tpu.memory_space<hbm>>) target_semaphore(%arg15 : memref<!tpu.dma_semaphore, #tpu.memory_space<semaphore_mem>>)
      %dma_wait3A_129 = arith.constant 0 : i32
      %dma_wait3A_130 = tpu.memref_slice %arg4[%mul3A_118, %dma_wait3A_129] : memref<163840x32xf32, #tpu.memory_space<hbm>> -> memref<128x32xf32, #tpu.memory_space<hbm>>
      %dma_wait3A_131 = arith.constant 0 : i32
      %dma_wait3A_132 = tpu.memref_slice %arg4[%mul3A_118, %dma_wait3A_131] : memref<163840x32xf32, #tpu.memory_space<hbm>> -> memref<128x32xf32, #tpu.memory_space<hbm>>
      tpu.wait_dma2 semaphore(%arg15 : memref<!tpu.dma_semaphore, #tpu.memory_space<semaphore_mem>>) src(%arg7 : memref<128x32xf32, #tpu.memory_space<vmem>>) dst(%dma_wait3A_132 : memref<128x32xf32, #tpu.memory_space<hbm>>)
      %add3A_133 = arith.constant 4 : i32
      %add3A_134 = arith.addi %add3A_115, %add3A_133 : i32
      %dma_start3A_135 = arith.constant 0 : i32
      %dma_start3A_136 = tpu.memref_slice %arg5[%add3A_134, %dma_start3A_135] : memref<40x128xi32, #tpu.memory_space<vmem>> -> memref<1x128xi32, #tpu.memory_space<vmem>>
      %dma_start3A_137 = tpu.memref_squeeze %dma_start3A_136 : memref<1x128xi32, #tpu.memory_space<vmem>> -> memref<128xi32, #tpu.memory_space<vmem>>
      %dma_start3A_138 = arith.constant 0 : i32
      %dma_start3A_139 = arith.constant 0 : i32
      %dma_start3A_140 = tpu.memref_slice %arg18[%dma_start3A_138, %dma_start3A_139] : memref<10000x32xf32, #tpu.memory_space<vmem_shared>> -> memref<10000x32xf32, #tpu.memory_space<vmem_shared>>
      tpu.enqueue_indirect_dma source(%dma_start3A_140 : memref<10000x32xf32, #tpu.memory_space<vmem_shared>>) target(%arg7 : memref<128x32xf32, #tpu.memory_space<vmem>>) offsets(%dma_start3A_137 : memref<128xi32, #tpu.memory_space<vmem>>) semaphore(%arg11 : memref<!tpu.dma_semaphore, #tpu.memory_space<semaphore_mem>>)
      %mul3A_141 = arith.constant 4 : i32
      %mul3A_142 = arith.muli %scan3A_82, %mul3A_141 : i32
      %add3A_143 = arith.constant 2 : i32
      %add3A_144 = arith.addi %mul3A_142, %add3A_143 : i32
      %add3A_145 = arith.addi %mul3A_2, %add3A_144 : i32
      %mul3A_146 = arith.constant 128 : i32
      %mul3A_147 = arith.muli %add3A_145, %mul3A_146 : i32
      %dma_wait3A_148 = arith.constant 0 : i32
      %dma_wait3A_149 = tpu.memref_slice %arg5[%add3A_144, %dma_wait3A_148] : memref<40x128xi32, #tpu.memory_space<vmem>> -> memref<1x128xi32, #tpu.memory_space<vmem>>
      %dma_wait3A_150 = tpu.memref_squeeze %dma_wait3A_149 : memref<1x128xi32, #tpu.memory_space<vmem>> -> memref<128xi32, #tpu.memory_space<vmem>>
      %dma_wait3A_151 = arith.constant 0 : i32
      %dma_wait3A_152 = arith.constant 0 : i32
      %dma_wait3A_153 = tpu.memref_slice %arg18[%dma_wait3A_151, %dma_wait3A_152] : memref<10000x32xf32, #tpu.memory_space<vmem_shared>> -> memref<10000x32xf32, #tpu.memory_space<vmem_shared>>
      tpu.wait_indirect_dma semaphore(%arg12 : memref<!tpu.dma_semaphore, #tpu.memory_space<semaphore_mem>>) src(%dma_wait3A_153 : memref<10000x32xf32, #tpu.memory_space<vmem_shared>>) dst(%arg8 : memref<128x32xf32, #tpu.memory_space<vmem>>)
      %dma_start3A_154 = arith.constant 0 : i32
      %dma_start3A_155 = tpu.memref_slice %arg4[%mul3A_147, %dma_start3A_154] : memref<163840x32xf32, #tpu.memory_space<hbm>> -> memref<128x32xf32, #tpu.memory_space<hbm>>
      %dma_start3A_156 = arith.constant 0 : i32
      %dma_start3A_157 = tpu.memref_slice %arg4[%mul3A_147, %dma_start3A_156] : memref<163840x32xf32, #tpu.memory_space<hbm>> -> memref<128x32xf32, #tpu.memory_space<hbm>>
      tpu.enqueue_dma source(%arg8 : memref<128x32xf32, #tpu.memory_space<vmem>>) target(%dma_start3A_157 : memref<128x32xf32, #tpu.memory_space<hbm>>) target_semaphore(%arg16 : memref<!tpu.dma_semaphore, #tpu.memory_space<semaphore_mem>>)
      %dma_wait3A_158 = arith.constant 0 : i32
      %dma_wait3A_159 = tpu.memref_slice %arg4[%mul3A_147, %dma_wait3A_158] : memref<163840x32xf32, #tpu.memory_space<hbm>> -> memref<128x32xf32, #tpu.memory_space<hbm>>
      %dma_wait3A_160 = arith.constant 0 : i32
      %dma_wait3A_161 = tpu.memref_slice %arg4[%mul3A_147, %dma_wait3A_160] : memref<163840x32xf32, #tpu.memory_space<hbm>> -> memref<128x32xf32, #tpu.memory_space<hbm>>
      tpu.wait_dma2 semaphore(%arg16 : memref<!tpu.dma_semaphore, #tpu.memory_space<semaphore_mem>>) src(%arg8 : memref<128x32xf32, #tpu.memory_space<vmem>>) dst(%dma_wait3A_161 : memref<128x32xf32, #tpu.memory_space<hbm>>)
      %add3A_162 = arith.constant 4 : i32
      %add3A_163 = arith.addi %add3A_144, %add3A_162 : i32
      %dma_start3A_164 = arith.constant 0 : i32
      %dma_start3A_165 = tpu.memref_slice %arg5[%add3A_163, %dma_start3A_164] : memref<40x128xi32, #tpu.memory_space<vmem>> -> memref<1x128xi32, #tpu.memory_space<vmem>>
      %dma_start3A_166 = tpu.memref_squeeze %dma_start3A_165 : memref<1x128xi32, #tpu.memory_space<vmem>> -> memref<128xi32, #tpu.memory_space<vmem>>
      %dma_start3A_167 = arith.constant 0 : i32
      %dma_start3A_168 = arith.constant 0 : i32
      %dma_start3A_169 = tpu.memref_slice %arg18[%dma_start3A_167, %dma_start3A_168] : memref<10000x32xf32, #tpu.memory_space<vmem_shared>> -> memref<10000x32xf32, #tpu.memory_space<vmem_shared>>
      tpu.enqueue_indirect_dma source(%dma_start3A_169 : memref<10000x32xf32, #tpu.memory_space<vmem_shared>>) target(%arg8 : memref<128x32xf32, #tpu.memory_space<vmem>>) offsets(%dma_start3A_166 : memref<128xi32, #tpu.memory_space<vmem>>) semaphore(%arg12 : memref<!tpu.dma_semaphore, #tpu.memory_space<semaphore_mem>>)
      %mul3A_170 = arith.constant 4 : i32
      %mul3A_171 = arith.muli %scan3A_82, %mul3A_170 : i32
      %add3A_172 = arith.constant 3 : i32
      %add3A_173 = arith.addi %mul3A_171, %add3A_172 : i32
      %add3A_174 = arith.addi %mul3A_2, %add3A_173 : i32
      %mul3A_175 = arith.constant 128 : i32
      %mul3A_176 = arith.muli %add3A_174, %mul3A_175 : i32
      %dma_wait3A_177 = arith.constant 0 : i32
      %dma_wait3A_178 = tpu.memref_slice %arg5[%add3A_173, %dma_wait3A_177] : memref<40x128xi32, #tpu.memory_space<vmem>> -> memref<1x128xi32, #tpu.memory_space<vmem>>
      %dma_wait3A_179 = tpu.memref_squeeze %dma_wait3A_178 : memref<1x128xi32, #tpu.memory_space<vmem>> -> memref<128xi32, #tpu.memory_space<vmem>>
      %dma_wait3A_180 = arith.constant 0 : i32
      %dma_wait3A_181 = arith.constant 0 : i32
      %dma_wait3A_182 = tpu.memref_slice %arg18[%dma_wait3A_180, %dma_wait3A_181] : memref<10000x32xf32, #tpu.memory_space<vmem_shared>> -> memref<10000x32xf32, #tpu.memory_space<vmem_shared>>
      tpu.wait_indirect_dma semaphore(%arg13 : memref<!tpu.dma_semaphore, #tpu.memory_space<semaphore_mem>>) src(%dma_wait3A_182 : memref<10000x32xf32, #tpu.memory_space<vmem_shared>>) dst(%arg9 : memref<128x32xf32, #tpu.memory_space<vmem>>)
      %dma_start3A_183 = arith.constant 0 : i32
      %dma_start3A_184 = tpu.memref_slice %arg4[%mul3A_176, %dma_start3A_183] : memref<163840x32xf32, #tpu.memory_space<hbm>> -> memref<128x32xf32, #tpu.memory_space<hbm>>
      %dma_start3A_185 = arith.constant 0 : i32
      %dma_start3A_186 = tpu.memref_slice %arg4[%mul3A_176, %dma_start3A_185] : memref<163840x32xf32, #tpu.memory_space<hbm>> -> memref<128x32xf32, #tpu.memory_space<hbm>>
      tpu.enqueue_dma source(%arg9 : memref<128x32xf32, #tpu.memory_space<vmem>>) target(%dma_start3A_186 : memref<128x32xf32, #tpu.memory_space<hbm>>) target_semaphore(%arg17 : memref<!tpu.dma_semaphore, #tpu.memory_space<semaphore_mem>>)
      %dma_wait3A_187 = arith.constant 0 : i32
      %dma_wait3A_188 = tpu.memref_slice %arg4[%mul3A_176, %dma_wait3A_187] : memref<163840x32xf32, #tpu.memory_space<hbm>> -> memref<128x32xf32, #tpu.memory_space<hbm>>
      %dma_wait3A_189 = arith.constant 0 : i32
      %dma_wait3A_190 = tpu.memref_slice %arg4[%mul3A_176, %dma_wait3A_189] : memref<163840x32xf32, #tpu.memory_space<hbm>> -> memref<128x32xf32, #tpu.memory_space<hbm>>
      tpu.wait_dma2 semaphore(%arg17 : memref<!tpu.dma_semaphore, #tpu.memory_space<semaphore_mem>>) src(%arg9 : memref<128x32xf32, #tpu.memory_space<vmem>>) dst(%dma_wait3A_190 : memref<128x32xf32, #tpu.memory_space<hbm>>)
      %add3A_191 = arith.constant 4 : i32
      %add3A_192 = arith.addi %add3A_173, %add3A_191 : i32
      %dma_start3A_193 = arith.constant 0 : i32
      %dma_start3A_194 = tpu.memref_slice %arg5[%add3A_192, %dma_start3A_193] : memref<40x128xi32, #tpu.memory_space<vmem>> -> memref<1x128xi32, #tpu.memory_space<vmem>>
      %dma_start3A_195 = tpu.memref_squeeze %dma_start3A_194 : memref<1x128xi32, #tpu.memory_space<vmem>> -> memref<128xi32, #tpu.memory_space<vmem>>
      %dma_start3A_196 = arith.constant 0 : i32
      %dma_start3A_197 = arith.constant 0 : i32
      %dma_start3A_198 = tpu.memref_slice %arg18[%dma_start3A_196, %dma_start3A_197] : memref<10000x32xf32, #tpu.memory_space<vmem_shared>> -> memref<10000x32xf32, #tpu.memory_space<vmem_shared>>
      tpu.enqueue_indirect_dma source(%dma_start3A_198 : memref<10000x32xf32, #tpu.memory_space<vmem_shared>>) target(%arg9 : memref<128x32xf32, #tpu.memory_space<vmem>>) offsets(%dma_start3A_195 : memref<128xi32, #tpu.memory_space<vmem>>) semaphore(%arg13 : memref<!tpu.dma_semaphore, #tpu.memory_space<semaphore_mem>>)
    }
    %scan3A_38 = arith.constant 9 : i32
    %dma_wait3A = arith.constant 36 : i32
    %dma_wait3A_39 = arith.constant 0 : i32
    %dma_wait3A_40 = tpu.memref_slice %arg5[%dma_wait3A, %dma_wait3A_39] : memref<40x128xi32, #tpu.memory_space<vmem>> -> memref<1x128xi32, #tpu.memory_space<vmem>>
    %dma_wait3A_41 = tpu.memref_squeeze %dma_wait3A_40 : memref<1x128xi32, #tpu.memory_space<vmem>> -> memref<128xi32, #tpu.memory_space<vmem>>
    %dma_wait3A_42 = arith.constant 0 : i32
    %dma_wait3A_43 = arith.constant 0 : i32
    %dma_wait3A_44 = tpu.memref_slice %arg18[%dma_wait3A_42, %dma_wait3A_43] : memref<10000x32xf32, #tpu.memory_space<vmem_shared>> -> memref<10000x32xf32, #tpu.memory_space<vmem_shared>>
    tpu.wait_indirect_dma semaphore(%arg10 : memref<!tpu.dma_semaphore, #tpu.memory_space<semaphore_mem>>) src(%dma_wait3A_44 : memref<10000x32xf32, #tpu.memory_space<vmem_shared>>) dst(%arg6 : memref<128x32xf32, #tpu.memory_space<vmem>>)
    %add3A_45 = arith.constant 36 : i32
    %add3A_46 = arith.addi %mul3A_2, %add3A_45 : i32
    %mul3A_47 = arith.constant 128 : i32
    %mul3A_48 = arith.muli %add3A_46, %mul3A_47 : i32
    "tpu.region"() ({
      %run_scoped3A = tpu.sem_alloc : memref<!tpu.dma_semaphore, #tpu.memory_space<semaphore_mem>>
      %dma_start3A_82 = arith.constant 0 : i32
      %dma_start3A_83 = tpu.memref_slice %arg4[%mul3A_48, %dma_start3A_82] : memref<163840x32xf32, #tpu.memory_space<hbm>> -> memref<128x32xf32, #tpu.memory_space<hbm>>
      %dma_start3A_84 = arith.constant 0 : i32
      %dma_start3A_85 = tpu.memref_slice %arg4[%mul3A_48, %dma_start3A_84] : memref<163840x32xf32, #tpu.memory_space<hbm>> -> memref<128x32xf32, #tpu.memory_space<hbm>>
      tpu.enqueue_dma source(%arg6 : memref<128x32xf32, #tpu.memory_space<vmem>>) target(%dma_start3A_85 : memref<128x32xf32, #tpu.memory_space<hbm>>) target_semaphore(%run_scoped3A : memref<!tpu.dma_semaphore, #tpu.memory_space<semaphore_mem>>)
      %dma_wait3A_86 = arith.constant 0 : i32
      %dma_wait3A_87 = tpu.memref_slice %arg4[%mul3A_48, %dma_wait3A_86] : memref<163840x32xf32, #tpu.memory_space<hbm>> -> memref<128x32xf32, #tpu.memory_space<hbm>>
      %dma_wait3A_88 = arith.constant 0 : i32
      %dma_wait3A_89 = tpu.memref_slice %arg4[%mul3A_48, %dma_wait3A_88] : memref<163840x32xf32, #tpu.memory_space<hbm>> -> memref<128x32xf32, #tpu.memory_space<hbm>>
      tpu.wait_dma2 semaphore(%run_scoped3A : memref<!tpu.dma_semaphore, #tpu.memory_space<semaphore_mem>>) src(%arg6 : memref<128x32xf32, #tpu.memory_space<vmem>>) dst(%dma_wait3A_89 : memref<128x32xf32, #tpu.memory_space<hbm>>)
      tpu.yield
    }) : () -> ()
    %dma_wait3A_49 = arith.constant 37 : i32
    %dma_wait3A_50 = arith.constant 0 : i32
    %dma_wait3A_51 = tpu.memref_slice %arg5[%dma_wait3A_49, %dma_wait3A_50] : memref<40x128xi32, #tpu.memory_space<vmem>> -> memref<1x128xi32, #tpu.memory_space<vmem>>
    %dma_wait3A_52 = tpu.memref_squeeze %dma_wait3A_51 : memref<1x128xi32, #tpu.memory_space<vmem>> -> memref<128xi32, #tpu.memory_space<vmem>>
    %dma_wait3A_53 = arith.constant 0 : i32
    %dma_wait3A_54 = arith.constant 0 : i32
    %dma_wait3A_55 = tpu.memref_slice %arg18[%dma_wait3A_53, %dma_wait3A_54] : memref<10000x32xf32, #tpu.memory_space<vmem_shared>> -> memref<10000x32xf32, #tpu.memory_space<vmem_shared>>
    tpu.wait_indirect_dma semaphore(%arg11 : memref<!tpu.dma_semaphore, #tpu.memory_space<semaphore_mem>>) src(%dma_wait3A_55 : memref<10000x32xf32, #tpu.memory_space<vmem_shared>>) dst(%arg7 : memref<128x32xf32, #tpu.memory_space<vmem>>)
    %add3A_56 = arith.constant 37 : i32
    %add3A_57 = arith.addi %mul3A_2, %add3A_56 : i32
    %mul3A_58 = arith.constant 128 : i32
    %mul3A_59 = arith.muli %add3A_57, %mul3A_58 : i32
    "tpu.region"() ({
      %run_scoped3A = tpu.sem_alloc : memref<!tpu.dma_semaphore, #tpu.memory_space<semaphore_mem>>
      %dma_start3A_82 = arith.constant 0 : i32
      %dma_start3A_83 = tpu.memref_slice %arg4[%mul3A_59, %dma_start3A_82] : memref<163840x32xf32, #tpu.memory_space<hbm>> -> memref<128x32xf32, #tpu.memory_space<hbm>>
      %dma_start3A_84 = arith.constant 0 : i32
      %dma_start3A_85 = tpu.memref_slice %arg4[%mul3A_59, %dma_start3A_84] : memref<163840x32xf32, #tpu.memory_space<hbm>> -> memref<128x32xf32, #tpu.memory_space<hbm>>
      tpu.enqueue_dma source(%arg7 : memref<128x32xf32, #tpu.memory_space<vmem>>) target(%dma_start3A_85 : memref<128x32xf32, #tpu.memory_space<hbm>>) target_semaphore(%run_scoped3A : memref<!tpu.dma_semaphore, #tpu.memory_space<semaphore_mem>>)
      %dma_wait3A_86 = arith.constant 0 : i32
      %dma_wait3A_87 = tpu.memref_slice %arg4[%mul3A_59, %dma_wait3A_86] : memref<163840x32xf32, #tpu.memory_space<hbm>> -> memref<128x32xf32, #tpu.memory_space<hbm>>
      %dma_wait3A_88 = arith.constant 0 : i32
      %dma_wait3A_89 = tpu.memref_slice %arg4[%mul3A_59, %dma_wait3A_88] : memref<163840x32xf32, #tpu.memory_space<hbm>> -> memref<128x32xf32, #tpu.memory_space<hbm>>
      tpu.wait_dma2 semaphore(%run_scoped3A : memref<!tpu.dma_semaphore, #tpu.memory_space<semaphore_mem>>) src(%arg7 : memref<128x32xf32, #tpu.memory_space<vmem>>) dst(%dma_wait3A_89 : memref<128x32xf32, #tpu.memory_space<hbm>>)
      tpu.yield
    }) : () -> ()
    %dma_wait3A_60 = arith.constant 38 : i32
    %dma_wait3A_61 = arith.constant 0 : i32
    %dma_wait3A_62 = tpu.memref_slice %arg5[%dma_wait3A_60, %dma_wait3A_61] : memref<40x128xi32, #tpu.memory_space<vmem>> -> memref<1x128xi32, #tpu.memory_space<vmem>>
    %dma_wait3A_63 = tpu.memref_squeeze %dma_wait3A_62 : memref<1x128xi32, #tpu.memory_space<vmem>> -> memref<128xi32, #tpu.memory_space<vmem>>
    %dma_wait3A_64 = arith.constant 0 : i32
    %dma_wait3A_65 = arith.constant 0 : i32
    %dma_wait3A_66 = tpu.memref_slice %arg18[%dma_wait3A_64, %dma_wait3A_65] : memref<10000x32xf32, #tpu.memory_space<vmem_shared>> -> memref<10000x32xf32, #tpu.memory_space<vmem_shared>>
    tpu.wait_indirect_dma semaphore(%arg12 : memref<!tpu.dma_semaphore, #tpu.memory_space<semaphore_mem>>) src(%dma_wait3A_66 : memref<10000x32xf32, #tpu.memory_space<vmem_shared>>) dst(%arg8 : memref<128x32xf32, #tpu.memory_space<vmem>>)
    %add3A_67 = arith.constant 38 : i32
    %add3A_68 = arith.addi %mul3A_2, %add3A_67 : i32
    %mul3A_69 = arith.constant 128 : i32
    %mul3A_70 = arith.muli %add3A_68, %mul3A_69 : i32
    "tpu.region"() ({
      %run_scoped3A = tpu.sem_alloc : memref<!tpu.dma_semaphore, #tpu.memory_space<semaphore_mem>>
      %dma_start3A_82 = arith.constant 0 : i32
      %dma_start3A_83 = tpu.memref_slice %arg4[%mul3A_70, %dma_start3A_82] : memref<163840x32xf32, #tpu.memory_space<hbm>> -> memref<128x32xf32, #tpu.memory_space<hbm>>
      %dma_start3A_84 = arith.constant 0 : i32
      %dma_start3A_85 = tpu.memref_slice %arg4[%mul3A_70, %dma_start3A_84] : memref<163840x32xf32, #tpu.memory_space<hbm>> -> memref<128x32xf32, #tpu.memory_space<hbm>>
      tpu.enqueue_dma source(%arg8 : memref<128x32xf32, #tpu.memory_space<vmem>>) target(%dma_start3A_85 : memref<128x32xf32, #tpu.memory_space<hbm>>) target_semaphore(%run_scoped3A : memref<!tpu.dma_semaphore, #tpu.memory_space<semaphore_mem>>)
      %dma_wait3A_86 = arith.constant 0 : i32
      %dma_wait3A_87 = tpu.memref_slice %arg4[%mul3A_70, %dma_wait3A_86] : memref<163840x32xf32, #tpu.memory_space<hbm>> -> memref<128x32xf32, #tpu.memory_space<hbm>>
      %dma_wait3A_88 = arith.constant 0 : i32
      %dma_wait3A_89 = tpu.memref_slice %arg4[%mul3A_70, %dma_wait3A_88] : memref<163840x32xf32, #tpu.memory_space<hbm>> -> memref<128x32xf32, #tpu.memory_space<hbm>>
      tpu.wait_dma2 semaphore(%run_scoped3A : memref<!tpu.dma_semaphore, #tpu.memory_space<semaphore_mem>>) src(%arg8 : memref<128x32xf32, #tpu.memory_space<vmem>>) dst(%dma_wait3A_89 : memref<128x32xf32, #tpu.memory_space<hbm>>)
      tpu.yield
    }) : () -> ()
    %dma_wait3A_71 = arith.constant 39 : i32
    %dma_wait3A_72 = arith.constant 0 : i32
    %dma_wait3A_73 = tpu.memref_slice %arg5[%dma_wait3A_71, %dma_wait3A_72] : memref<40x128xi32, #tpu.memory_space<vmem>> -> memref<1x128xi32, #tpu.memory_space<vmem>>
    %dma_wait3A_74 = tpu.memref_squeeze %dma_wait3A_73 : memref<1x128xi32, #tpu.memory_space<vmem>> -> memref<128xi32, #tpu.memory_space<vmem>>
    %dma_wait3A_75 = arith.constant 0 : i32
    %dma_wait3A_76 = arith.constant 0 : i32
    %dma_wait3A_77 = tpu.memref_slice %arg18[%dma_wait3A_75, %dma_wait3A_76] : memref<10000x32xf32, #tpu.memory_space<vmem_shared>> -> memref<10000x32xf32, #tpu.memory_space<vmem_shared>>
    tpu.wait_indirect_dma semaphore(%arg13 : memref<!tpu.dma_semaphore, #tpu.memory_space<semaphore_mem>>) src(%dma_wait3A_77 : memref<10000x32xf32, #tpu.memory_space<vmem_shared>>) dst(%arg9 : memref<128x32xf32, #tpu.memory_space<vmem>>)
    %add3A_78 = arith.constant 39 : i32
    %add3A_79 = arith.addi %mul3A_2, %add3A_78 : i32
    %mul3A_80 = arith.constant 128 : i32
    %mul3A_81 = arith.muli %add3A_79, %mul3A_80 : i32
    "tpu.region"() ({
      %run_scoped3A = tpu.sem_alloc : memref<!tpu.dma_semaphore, #tpu.memory_space<semaphore_mem>>
      %dma_start3A_82 = arith.constant 0 : i32
      %dma_start3A_83 = tpu.memref_slice %arg4[%mul3A_81, %dma_start3A_82] : memref<163840x32xf32, #tpu.memory_space<hbm>> -> memref<128x32xf32, #tpu.memory_space<hbm>>
      %dma_start3A_84 = arith.constant 0 : i32
      %dma_start3A_85 = tpu.memref_slice %arg4[%mul3A_81, %dma_start3A_84] : memref<163840x32xf32, #tpu.memory_space<hbm>> -> memref<128x32xf32, #tpu.memory_space<hbm>>
      tpu.enqueue_dma source(%arg9 : memref<128x32xf32, #tpu.memory_space<vmem>>) target(%dma_start3A_85 : memref<128x32xf32, #tpu.memory_space<hbm>>) target_semaphore(%run_scoped3A : memref<!tpu.dma_semaphore, #tpu.memory_space<semaphore_mem>>)
      %dma_wait3A_86 = arith.constant 0 : i32
      %dma_wait3A_87 = tpu.memref_slice %arg4[%mul3A_81, %dma_wait3A_86] : memref<163840x32xf32, #tpu.memory_space<hbm>> -> memref<128x32xf32, #tpu.memory_space<hbm>>
      %dma_wait3A_88 = arith.constant 0 : i32
      %dma_wait3A_89 = tpu.memref_slice %arg4[%mul3A_81, %dma_wait3A_88] : memref<163840x32xf32, #tpu.memory_space<hbm>> -> memref<128x32xf32, #tpu.memory_space<hbm>>
      tpu.wait_dma2 semaphore(%run_scoped3A : memref<!tpu.dma_semaphore, #tpu.memory_space<semaphore_mem>>) src(%arg9 : memref<128x32xf32, #tpu.memory_space<vmem>>) dst(%dma_wait3A_89 : memref<128x32xf32, #tpu.memory_space<hbm>>)
      tpu.yield
    }) : () -> ()
    return
  }
}

#map = affine_map<(d0, d1) -> (0, 0)>
#map1 = affine_map<(d0, d1) -> (0, 0, 0)>
module attributes {stable_mosaic.version = 14 : i64} {
  func.func @scatter_k(%arg0: i32, %arg1: i32, %arg2: memref<163840x32xf32, #tpu.memory_space<hbm>>, %arg3: memref<32x40x128xi32, #tpu.memory_space<hbm>>, %arg4: memref<632x32xf32, #tpu.memory_space<hbm>>, %arg5: memref<2x10112x32xf32, #tpu.memory_space<hbm>>, %arg6: memref<40x128xi32, #tpu.memory_space<vmem>>, %arg7: memref<128x32xf32, #tpu.memory_space<vmem>>, %arg8: memref<128x32xf32, #tpu.memory_space<vmem>>, %arg9: memref<128x32xf32, #tpu.memory_space<vmem>>, %arg10: memref<128x32xf32, #tpu.memory_space<vmem>>, %arg11: memref<!tpu.dma_semaphore, #tpu.memory_space<semaphore_mem>>, %arg12: memref<!tpu.dma_semaphore, #tpu.memory_space<semaphore_mem>>, %arg13: memref<!tpu.dma_semaphore, #tpu.memory_space<semaphore_mem>>, %arg14: memref<!tpu.dma_semaphore, #tpu.memory_space<semaphore_mem>>, %arg15: memref<!tpu.dma_semaphore, #tpu.memory_space<semaphore_mem>>, %arg16: memref<!tpu.dma_semaphore, #tpu.memory_space<semaphore_mem>>, %arg17: memref<!tpu.dma_semaphore, #tpu.memory_space<semaphore_mem>>, %arg18: memref<!tpu.dma_semaphore, #tpu.memory_space<semaphore_mem>>, %arg19: memref<10112x32xf32, #tpu.memory_space<vmem_shared>>) attributes {dimension_semantics = [#tpu.dimension_semantics<core_parallel>, #tpu.dimension_semantics<subcore_parallel>], iteration_bounds = array<i64: 2, 16>, scalar_prefetch = 0 : i64, scratch_operands = 14 : i64, tpu.core_type = #tpu.core_type<sc_vector_subcore>, window_params = [{transform_indices = #map}, {transform_indices = #map1}, {transform_indices = #map}, {transform_indices = #map1}]} {
    %mul3A = arith.constant 2 : i32
    %mul3A_0 = arith.muli %arg1, %mul3A : i32
    %add3A = arith.addi %mul3A_0, %arg0 : i32
    %mul3A_1 = arith.constant 40 : i32
    %mul3A_2 = arith.muli %add3A, %mul3A_1 : i32
    %mul3A_3 = arith.constant 632 : i32
    %mul3A_4 = arith.muli %arg1, %mul3A_3 : i32
    "tpu.region"() ({
      %run_scoped3A_78 = tpu.sem_alloc : memref<!tpu.dma_semaphore, #tpu.memory_space<semaphore_mem>>
      %dma_start3A_79 = arith.constant 0 : i32
      %dma_start3A_80 = tpu.memref_slice %arg19[%mul3A_4, %dma_start3A_79] : memref<10112x32xf32, #tpu.memory_space<vmem_shared>> -> memref<632x32xf32, #tpu.memory_space<vmem_shared>>
      tpu.enqueue_dma source(%arg4 : memref<632x32xf32, #tpu.memory_space<hbm>>) target(%dma_start3A_80 : memref<632x32xf32, #tpu.memory_space<vmem_shared>>) target_semaphore(%run_scoped3A_78 : memref<!tpu.dma_semaphore, #tpu.memory_space<semaphore_mem>>)
      %dma_wait3A_81 = arith.constant 0 : i32
      %dma_wait3A_82 = tpu.memref_slice %arg19[%mul3A_4, %dma_wait3A_81] : memref<10112x32xf32, #tpu.memory_space<vmem_shared>> -> memref<632x32xf32, #tpu.memory_space<vmem_shared>>
      tpu.wait_dma2 semaphore(%run_scoped3A_78 : memref<!tpu.dma_semaphore, #tpu.memory_space<semaphore_mem>>) src(%arg4 : memref<632x32xf32, #tpu.memory_space<hbm>>) dst(%dma_wait3A_82 : memref<632x32xf32, #tpu.memory_space<vmem_shared>>)
      tpu.yield
    }) : () -> ()
    "tpu.region"() ({
      %run_scoped3A_78 = tpu.sem_alloc : memref<!tpu.dma_semaphore, #tpu.memory_space<semaphore_mem>>
      %dma_start3A_79 = arith.constant 0 : i32
      %dma_start3A_80 = arith.constant 0 : i32
      %dma_start3A_81 = tpu.memref_slice %arg3[%add3A, %dma_start3A_79, %dma_start3A_80] : memref<32x40x128xi32, #tpu.memory_space<hbm>> -> memref<1x40x128xi32, #tpu.memory_space<hbm>>
      %dma_start3A_82 = tpu.memref_squeeze %dma_start3A_81 : memref<1x40x128xi32, #tpu.memory_space<hbm>> -> memref<40x128xi32, #tpu.memory_space<hbm>>
      %dma_start3A_83 = arith.constant 0 : i32
      %dma_start3A_84 = arith.constant 0 : i32
      %dma_start3A_85 = tpu.memref_slice %arg3[%add3A, %dma_start3A_83, %dma_start3A_84] : memref<32x40x128xi32, #tpu.memory_space<hbm>> -> memref<1x40x128xi32, #tpu.memory_space<hbm>>
      %dma_start3A_86 = tpu.memref_squeeze %dma_start3A_85 : memref<1x40x128xi32, #tpu.memory_space<hbm>> -> memref<40x128xi32, #tpu.memory_space<hbm>>
      tpu.enqueue_dma source(%dma_start3A_86 : memref<40x128xi32, #tpu.memory_space<hbm>>) target(%arg6 : memref<40x128xi32, #tpu.memory_space<vmem>>) target_semaphore(%run_scoped3A_78 : memref<!tpu.dma_semaphore, #tpu.memory_space<semaphore_mem>>)
      %dma_wait3A_87 = arith.constant 0 : i32
      %dma_wait3A_88 = arith.constant 0 : i32
      %dma_wait3A_89 = tpu.memref_slice %arg3[%add3A, %dma_wait3A_87, %dma_wait3A_88] : memref<32x40x128xi32, #tpu.memory_space<hbm>> -> memref<1x40x128xi32, #tpu.memory_space<hbm>>
      %dma_wait3A_90 = tpu.memref_squeeze %dma_wait3A_89 : memref<1x40x128xi32, #tpu.memory_space<hbm>> -> memref<40x128xi32, #tpu.memory_space<hbm>>
      %dma_wait3A_91 = arith.constant 0 : i32
      %dma_wait3A_92 = arith.constant 0 : i32
      %dma_wait3A_93 = tpu.memref_slice %arg3[%add3A, %dma_wait3A_91, %dma_wait3A_92] : memref<32x40x128xi32, #tpu.memory_space<hbm>> -> memref<1x40x128xi32, #tpu.memory_space<hbm>>
      %dma_wait3A_94 = tpu.memref_squeeze %dma_wait3A_93 : memref<1x40x128xi32, #tpu.memory_space<hbm>> -> memref<40x128xi32, #tpu.memory_space<hbm>>
      tpu.wait_dma2 semaphore(%run_scoped3A_78 : memref<!tpu.dma_semaphore, #tpu.memory_space<semaphore_mem>>) src(%dma_wait3A_94 : memref<40x128xi32, #tpu.memory_space<hbm>>) dst(%arg6 : memref<40x128xi32, #tpu.memory_space<vmem>>)
      tpu.yield
    }) : () -> ()
    %barrier3A = arith.constant 0 : index
    tpu.barrier barrier_id(%barrier3A)
    %add3A_5 = arith.constant 0 : i32
    %add3A_6 = arith.addi %mul3A_2, %add3A_5 : i32
    %mul3A_7 = arith.constant 128 : i32
    %mul3A_8 = arith.muli %add3A_6, %mul3A_7 : i32
    %dma_start3A = arith.constant 0 : i32
    %dma_start3A_9 = tpu.memref_slice %arg2[%mul3A_8, %dma_start3A] : memref<163840x32xf32, #tpu.memory_space<hbm>> -> memref<128x32xf32, #tpu.memory_space<hbm>>
    %dma_start3A_10 = arith.constant 0 : i32
    %dma_start3A_11 = tpu.memref_slice %arg2[%mul3A_8, %dma_start3A_10] : memref<163840x32xf32, #tpu.memory_space<hbm>> -> memref<128x32xf32, #tpu.memory_space<hbm>>
    tpu.enqueue_dma source(%dma_start3A_11 : memref<128x32xf32, #tpu.memory_space<hbm>>) target(%arg7 : memref<128x32xf32, #tpu.memory_space<vmem>>) target_semaphore(%arg11 : memref<!tpu.dma_semaphore, #tpu.memory_space<semaphore_mem>>)
    %add3A_12 = arith.constant 1 : i32
    %add3A_13 = arith.addi %mul3A_2, %add3A_12 : i32
    %mul3A_14 = arith.constant 128 : i32
    %mul3A_15 = arith.muli %add3A_13, %mul3A_14 : i32
    %dma_start3A_16 = arith.constant 0 : i32
    %dma_start3A_17 = tpu.memref_slice %arg2[%mul3A_15, %dma_start3A_16] : memref<163840x32xf32, #tpu.memory_space<hbm>> -> memref<128x32xf32, #tpu.memory_space<hbm>>
    %dma_start3A_18 = arith.constant 0 : i32
    %dma_start3A_19 = tpu.memref_slice %arg2[%mul3A_15, %dma_start3A_18] : memref<163840x32xf32, #tpu.memory_space<hbm>> -> memref<128x32xf32, #tpu.memory_space<hbm>>
    tpu.enqueue_dma source(%dma_start3A_19 : memref<128x32xf32, #tpu.memory_space<hbm>>) target(%arg8 : memref<128x32xf32, #tpu.memory_space<vmem>>) target_semaphore(%arg12 : memref<!tpu.dma_semaphore, #tpu.memory_space<semaphore_mem>>)
    %add3A_20 = arith.constant 2 : i32
    %add3A_21 = arith.addi %mul3A_2, %add3A_20 : i32
    %mul3A_22 = arith.constant 128 : i32
    %mul3A_23 = arith.muli %add3A_21, %mul3A_22 : i32
    %dma_start3A_24 = arith.constant 0 : i32
    %dma_start3A_25 = tpu.memref_slice %arg2[%mul3A_23, %dma_start3A_24] : memref<163840x32xf32, #tpu.memory_space<hbm>> -> memref<128x32xf32, #tpu.memory_space<hbm>>
    %dma_start3A_26 = arith.constant 0 : i32
    %dma_start3A_27 = tpu.memref_slice %arg2[%mul3A_23, %dma_start3A_26] : memref<163840x32xf32, #tpu.memory_space<hbm>> -> memref<128x32xf32, #tpu.memory_space<hbm>>
    tpu.enqueue_dma source(%dma_start3A_27 : memref<128x32xf32, #tpu.memory_space<hbm>>) target(%arg9 : memref<128x32xf32, #tpu.memory_space<vmem>>) target_semaphore(%arg13 : memref<!tpu.dma_semaphore, #tpu.memory_space<semaphore_mem>>)
    %add3A_28 = arith.constant 3 : i32
    %add3A_29 = arith.addi %mul3A_2, %add3A_28 : i32
    %mul3A_30 = arith.constant 128 : i32
    %mul3A_31 = arith.muli %add3A_29, %mul3A_30 : i32
    %dma_start3A_32 = arith.constant 0 : i32
    %dma_start3A_33 = tpu.memref_slice %arg2[%mul3A_31, %dma_start3A_32] : memref<163840x32xf32, #tpu.memory_space<hbm>> -> memref<128x32xf32, #tpu.memory_space<hbm>>
    %dma_start3A_34 = arith.constant 0 : i32
    %dma_start3A_35 = tpu.memref_slice %arg2[%mul3A_31, %dma_start3A_34] : memref<163840x32xf32, #tpu.memory_space<hbm>> -> memref<128x32xf32, #tpu.memory_space<hbm>>
    tpu.enqueue_dma source(%dma_start3A_35 : memref<128x32xf32, #tpu.memory_space<hbm>>) target(%arg10 : memref<128x32xf32, #tpu.memory_space<vmem>>) target_semaphore(%arg14 : memref<!tpu.dma_semaphore, #tpu.memory_space<semaphore_mem>>)
    %scan3A = arith.constant 0 : i32
    %scan3A_36 = arith.constant 0 : i32
    %scan3A_37 = arith.constant 9 : i32
    %scan3A_38 = arith.addi %scan3A_36, %scan3A_37 : i32
    %scan3A_39 = arith.constant 1 : i32
    scf.for %scan3A_78 = %scan3A_36 to %scan3A_38 step %scan3A_39  : i32 {
      %mul3A_79 = arith.constant 4 : i32
      %mul3A_80 = arith.muli %scan3A_78, %mul3A_79 : i32
      %add3A_81 = arith.constant 0 : i32
      %add3A_82 = arith.addi %mul3A_80, %add3A_81 : i32
      %add3A_83 = arith.addi %mul3A_2, %add3A_82 : i32
      %mul3A_84 = arith.constant 128 : i32
      %mul3A_85 = arith.muli %add3A_83, %mul3A_84 : i32
      %dma_wait3A_86 = arith.constant 0 : i32
      %dma_wait3A_87 = tpu.memref_slice %arg2[%mul3A_85, %dma_wait3A_86] : memref<163840x32xf32, #tpu.memory_space<hbm>> -> memref<128x32xf32, #tpu.memory_space<hbm>>
      %dma_wait3A_88 = arith.constant 0 : i32
      %dma_wait3A_89 = tpu.memref_slice %arg2[%mul3A_85, %dma_wait3A_88] : memref<163840x32xf32, #tpu.memory_space<hbm>> -> memref<128x32xf32, #tpu.memory_space<hbm>>
      tpu.wait_dma2 semaphore(%arg11 : memref<!tpu.dma_semaphore, #tpu.memory_space<semaphore_mem>>) src(%dma_wait3A_89 : memref<128x32xf32, #tpu.memory_space<hbm>>) dst(%arg7 : memref<128x32xf32, #tpu.memory_space<vmem>>)
      %dma_start3A_90 = arith.constant 0 : i32
      %dma_start3A_91 = tpu.memref_slice %arg6[%add3A_82, %dma_start3A_90] : memref<40x128xi32, #tpu.memory_space<vmem>> -> memref<1x128xi32, #tpu.memory_space<vmem>>
      %dma_start3A_92 = tpu.memref_squeeze %dma_start3A_91 : memref<1x128xi32, #tpu.memory_space<vmem>> -> memref<128xi32, #tpu.memory_space<vmem>>
      %dma_start3A_93 = arith.constant 0 : i32
      %dma_start3A_94 = arith.constant 0 : i32
      %dma_start3A_95 = tpu.memref_slice %arg19[%dma_start3A_93, %dma_start3A_94] : memref<10112x32xf32, #tpu.memory_space<vmem_shared>> -> memref<10112x32xf32, #tpu.memory_space<vmem_shared>>
      tpu.enqueue_indirect_dma source(%arg7 : memref<128x32xf32, #tpu.memory_space<vmem>>) target(%dma_start3A_95 : memref<10112x32xf32, #tpu.memory_space<vmem_shared>>) offsets(%dma_start3A_92 : memref<128xi32, #tpu.memory_space<vmem>>) semaphore(%arg15 : memref<!tpu.dma_semaphore, #tpu.memory_space<semaphore_mem>>) {add = true}
      %dma_wait3A_96 = arith.constant 0 : i32
      %dma_wait3A_97 = tpu.memref_slice %arg6[%add3A_82, %dma_wait3A_96] : memref<40x128xi32, #tpu.memory_space<vmem>> -> memref<1x128xi32, #tpu.memory_space<vmem>>
      %dma_wait3A_98 = tpu.memref_squeeze %dma_wait3A_97 : memref<1x128xi32, #tpu.memory_space<vmem>> -> memref<128xi32, #tpu.memory_space<vmem>>
      %dma_wait3A_99 = arith.constant 0 : i32
      %dma_wait3A_100 = arith.constant 0 : i32
      %dma_wait3A_101 = tpu.memref_slice %arg19[%dma_wait3A_99, %dma_wait3A_100] : memref<10112x32xf32, #tpu.memory_space<vmem_shared>> -> memref<10112x32xf32, #tpu.memory_space<vmem_shared>>
      tpu.wait_indirect_dma semaphore(%arg15 : memref<!tpu.dma_semaphore, #tpu.memory_space<semaphore_mem>>) src(%arg7 : memref<128x32xf32, #tpu.memory_space<vmem>>) dst(%dma_wait3A_101 : memref<10112x32xf32, #tpu.memory_space<vmem_shared>>)
      %add3A_102 = arith.addi %mul3A_2, %add3A_82 : i32
      %add3A_103 = arith.constant 4 : i32
      %add3A_104 = arith.addi %add3A_102, %add3A_103 : i32
      %mul3A_105 = arith.constant 128 : i32
      %mul3A_106 = arith.muli %add3A_104, %mul3A_105 : i32
      %dma_start3A_107 = arith.constant 0 : i32
      %dma_start3A_108 = tpu.memref_slice %arg2[%mul3A_106, %dma_start3A_107] : memref<163840x32xf32, #tpu.memory_space<hbm>> -> memref<128x32xf32, #tpu.memory_space<hbm>>
      %dma_start3A_109 = arith.constant 0 : i32
      %dma_start3A_110 = tpu.memref_slice %arg2[%mul3A_106, %dma_start3A_109] : memref<163840x32xf32, #tpu.memory_space<hbm>> -> memref<128x32xf32, #tpu.memory_space<hbm>>
      tpu.enqueue_dma source(%dma_start3A_110 : memref<128x32xf32, #tpu.memory_space<hbm>>) target(%arg7 : memref<128x32xf32, #tpu.memory_space<vmem>>) target_semaphore(%arg11 : memref<!tpu.dma_semaphore, #tpu.memory_space<semaphore_mem>>)
      %mul3A_111 = arith.constant 4 : i32
      %mul3A_112 = arith.muli %scan3A_78, %mul3A_111 : i32
      %add3A_113 = arith.constant 1 : i32
      %add3A_114 = arith.addi %mul3A_112, %add3A_113 : i32
      %add3A_115 = arith.addi %mul3A_2, %add3A_114 : i32
      %mul3A_116 = arith.constant 128 : i32
      %mul3A_117 = arith.muli %add3A_115, %mul3A_116 : i32
      %dma_wait3A_118 = arith.constant 0 : i32
      %dma_wait3A_119 = tpu.memref_slice %arg2[%mul3A_117, %dma_wait3A_118] : memref<163840x32xf32, #tpu.memory_space<hbm>> -> memref<128x32xf32, #tpu.memory_space<hbm>>
      %dma_wait3A_120 = arith.constant 0 : i32
      %dma_wait3A_121 = tpu.memref_slice %arg2[%mul3A_117, %dma_wait3A_120] : memref<163840x32xf32, #tpu.memory_space<hbm>> -> memref<128x32xf32, #tpu.memory_space<hbm>>
      tpu.wait_dma2 semaphore(%arg12 : memref<!tpu.dma_semaphore, #tpu.memory_space<semaphore_mem>>) src(%dma_wait3A_121 : memref<128x32xf32, #tpu.memory_space<hbm>>) dst(%arg8 : memref<128x32xf32, #tpu.memory_space<vmem>>)
      %dma_start3A_122 = arith.constant 0 : i32
      %dma_start3A_123 = tpu.memref_slice %arg6[%add3A_114, %dma_start3A_122] : memref<40x128xi32, #tpu.memory_space<vmem>> -> memref<1x128xi32, #tpu.memory_space<vmem>>
      %dma_start3A_124 = tpu.memref_squeeze %dma_start3A_123 : memref<1x128xi32, #tpu.memory_space<vmem>> -> memref<128xi32, #tpu.memory_space<vmem>>
      %dma_start3A_125 = arith.constant 0 : i32
      %dma_start3A_126 = arith.constant 0 : i32
      %dma_start3A_127 = tpu.memref_slice %arg19[%dma_start3A_125, %dma_start3A_126] : memref<10112x32xf32, #tpu.memory_space<vmem_shared>> -> memref<10112x32xf32, #tpu.memory_space<vmem_shared>>
      tpu.enqueue_indirect_dma source(%arg8 : memref<128x32xf32, #tpu.memory_space<vmem>>) target(%dma_start3A_127 : memref<10112x32xf32, #tpu.memory_space<vmem_shared>>) offsets(%dma_start3A_124 : memref<128xi32, #tpu.memory_space<vmem>>) semaphore(%arg16 : memref<!tpu.dma_semaphore, #tpu.memory_space<semaphore_mem>>) {add = true}
      %dma_wait3A_128 = arith.constant 0 : i32
      %dma_wait3A_129 = tpu.memref_slice %arg6[%add3A_114, %dma_wait3A_128] : memref<40x128xi32, #tpu.memory_space<vmem>> -> memref<1x128xi32, #tpu.memory_space<vmem>>
      %dma_wait3A_130 = tpu.memref_squeeze %dma_wait3A_129 : memref<1x128xi32, #tpu.memory_space<vmem>> -> memref<128xi32, #tpu.memory_space<vmem>>
      %dma_wait3A_131 = arith.constant 0 : i32
      %dma_wait3A_132 = arith.constant 0 : i32
      %dma_wait3A_133 = tpu.memref_slice %arg19[%dma_wait3A_131, %dma_wait3A_132] : memref<10112x32xf32, #tpu.memory_space<vmem_shared>> -> memref<10112x32xf32, #tpu.memory_space<vmem_shared>>
      tpu.wait_indirect_dma semaphore(%arg16 : memref<!tpu.dma_semaphore, #tpu.memory_space<semaphore_mem>>) src(%arg8 : memref<128x32xf32, #tpu.memory_space<vmem>>) dst(%dma_wait3A_133 : memref<10112x32xf32, #tpu.memory_space<vmem_shared>>)
      %add3A_134 = arith.addi %mul3A_2, %add3A_114 : i32
      %add3A_135 = arith.constant 4 : i32
      %add3A_136 = arith.addi %add3A_134, %add3A_135 : i32
      %mul3A_137 = arith.constant 128 : i32
      %mul3A_138 = arith.muli %add3A_136, %mul3A_137 : i32
      %dma_start3A_139 = arith.constant 0 : i32
      %dma_start3A_140 = tpu.memref_slice %arg2[%mul3A_138, %dma_start3A_139] : memref<163840x32xf32, #tpu.memory_space<hbm>> -> memref<128x32xf32, #tpu.memory_space<hbm>>
      %dma_start3A_141 = arith.constant 0 : i32
      %dma_start3A_142 = tpu.memref_slice %arg2[%mul3A_138, %dma_start3A_141] : memref<163840x32xf32, #tpu.memory_space<hbm>> -> memref<128x32xf32, #tpu.memory_space<hbm>>
      tpu.enqueue_dma source(%dma_start3A_142 : memref<128x32xf32, #tpu.memory_space<hbm>>) target(%arg8 : memref<128x32xf32, #tpu.memory_space<vmem>>) target_semaphore(%arg12 : memref<!tpu.dma_semaphore, #tpu.memory_space<semaphore_mem>>)
      %mul3A_143 = arith.constant 4 : i32
      %mul3A_144 = arith.muli %scan3A_78, %mul3A_143 : i32
      %add3A_145 = arith.constant 2 : i32
      %add3A_146 = arith.addi %mul3A_144, %add3A_145 : i32
      %add3A_147 = arith.addi %mul3A_2, %add3A_146 : i32
      %mul3A_148 = arith.constant 128 : i32
      %mul3A_149 = arith.muli %add3A_147, %mul3A_148 : i32
      %dma_wait3A_150 = arith.constant 0 : i32
      %dma_wait3A_151 = tpu.memref_slice %arg2[%mul3A_149, %dma_wait3A_150] : memref<163840x32xf32, #tpu.memory_space<hbm>> -> memref<128x32xf32, #tpu.memory_space<hbm>>
      %dma_wait3A_152 = arith.constant 0 : i32
      %dma_wait3A_153 = tpu.memref_slice %arg2[%mul3A_149, %dma_wait3A_152] : memref<163840x32xf32, #tpu.memory_space<hbm>> -> memref<128x32xf32, #tpu.memory_space<hbm>>
      tpu.wait_dma2 semaphore(%arg13 : memref<!tpu.dma_semaphore, #tpu.memory_space<semaphore_mem>>) src(%dma_wait3A_153 : memref<128x32xf32, #tpu.memory_space<hbm>>) dst(%arg9 : memref<128x32xf32, #tpu.memory_space<vmem>>)
      %dma_start3A_154 = arith.constant 0 : i32
      %dma_start3A_155 = tpu.memref_slice %arg6[%add3A_146, %dma_start3A_154] : memref<40x128xi32, #tpu.memory_space<vmem>> -> memref<1x128xi32, #tpu.memory_space<vmem>>
      %dma_start3A_156 = tpu.memref_squeeze %dma_start3A_155 : memref<1x128xi32, #tpu.memory_space<vmem>> -> memref<128xi32, #tpu.memory_space<vmem>>
      %dma_start3A_157 = arith.constant 0 : i32
      %dma_start3A_158 = arith.constant 0 : i32
      %dma_start3A_159 = tpu.memref_slice %arg19[%dma_start3A_157, %dma_start3A_158] : memref<10112x32xf32, #tpu.memory_space<vmem_shared>> -> memref<10112x32xf32, #tpu.memory_space<vmem_shared>>
      tpu.enqueue_indirect_dma source(%arg9 : memref<128x32xf32, #tpu.memory_space<vmem>>) target(%dma_start3A_159 : memref<10112x32xf32, #tpu.memory_space<vmem_shared>>) offsets(%dma_start3A_156 : memref<128xi32, #tpu.memory_space<vmem>>) semaphore(%arg17 : memref<!tpu.dma_semaphore, #tpu.memory_space<semaphore_mem>>) {add = true}
      %dma_wait3A_160 = arith.constant 0 : i32
      %dma_wait3A_161 = tpu.memref_slice %arg6[%add3A_146, %dma_wait3A_160] : memref<40x128xi32, #tpu.memory_space<vmem>> -> memref<1x128xi32, #tpu.memory_space<vmem>>
      %dma_wait3A_162 = tpu.memref_squeeze %dma_wait3A_161 : memref<1x128xi32, #tpu.memory_space<vmem>> -> memref<128xi32, #tpu.memory_space<vmem>>
      %dma_wait3A_163 = arith.constant 0 : i32
      %dma_wait3A_164 = arith.constant 0 : i32
      %dma_wait3A_165 = tpu.memref_slice %arg19[%dma_wait3A_163, %dma_wait3A_164] : memref<10112x32xf32, #tpu.memory_space<vmem_shared>> -> memref<10112x32xf32, #tpu.memory_space<vmem_shared>>
      tpu.wait_indirect_dma semaphore(%arg17 : memref<!tpu.dma_semaphore, #tpu.memory_space<semaphore_mem>>) src(%arg9 : memref<128x32xf32, #tpu.memory_space<vmem>>) dst(%dma_wait3A_165 : memref<10112x32xf32, #tpu.memory_space<vmem_shared>>)
      %add3A_166 = arith.addi %mul3A_2, %add3A_146 : i32
      %add3A_167 = arith.constant 4 : i32
      %add3A_168 = arith.addi %add3A_166, %add3A_167 : i32
      %mul3A_169 = arith.constant 128 : i32
      %mul3A_170 = arith.muli %add3A_168, %mul3A_169 : i32
      %dma_start3A_171 = arith.constant 0 : i32
      %dma_start3A_172 = tpu.memref_slice %arg2[%mul3A_170, %dma_start3A_171] : memref<163840x32xf32, #tpu.memory_space<hbm>> -> memref<128x32xf32, #tpu.memory_space<hbm>>
      %dma_start3A_173 = arith.constant 0 : i32
      %dma_start3A_174 = tpu.memref_slice %arg2[%mul3A_170, %dma_start3A_173] : memref<163840x32xf32, #tpu.memory_space<hbm>> -> memref<128x32xf32, #tpu.memory_space<hbm>>
      tpu.enqueue_dma source(%dma_start3A_174 : memref<128x32xf32, #tpu.memory_space<hbm>>) target(%arg9 : memref<128x32xf32, #tpu.memory_space<vmem>>) target_semaphore(%arg13 : memref<!tpu.dma_semaphore, #tpu.memory_space<semaphore_mem>>)
      %mul3A_175 = arith.constant 4 : i32
      %mul3A_176 = arith.muli %scan3A_78, %mul3A_175 : i32
      %add3A_177 = arith.constant 3 : i32
      %add3A_178 = arith.addi %mul3A_176, %add3A_177 : i32
      %add3A_179 = arith.addi %mul3A_2, %add3A_178 : i32
      %mul3A_180 = arith.constant 128 : i32
      %mul3A_181 = arith.muli %add3A_179, %mul3A_180 : i32
      %dma_wait3A_182 = arith.constant 0 : i32
      %dma_wait3A_183 = tpu.memref_slice %arg2[%mul3A_181, %dma_wait3A_182] : memref<163840x32xf32, #tpu.memory_space<hbm>> -> memref<128x32xf32, #tpu.memory_space<hbm>>
      %dma_wait3A_184 = arith.constant 0 : i32
      %dma_wait3A_185 = tpu.memref_slice %arg2[%mul3A_181, %dma_wait3A_184] : memref<163840x32xf32, #tpu.memory_space<hbm>> -> memref<128x32xf32, #tpu.memory_space<hbm>>
      tpu.wait_dma2 semaphore(%arg14 : memref<!tpu.dma_semaphore, #tpu.memory_space<semaphore_mem>>) src(%dma_wait3A_185 : memref<128x32xf32, #tpu.memory_space<hbm>>) dst(%arg10 : memref<128x32xf32, #tpu.memory_space<vmem>>)
      %dma_start3A_186 = arith.constant 0 : i32
      %dma_start3A_187 = tpu.memref_slice %arg6[%add3A_178, %dma_start3A_186] : memref<40x128xi32, #tpu.memory_space<vmem>> -> memref<1x128xi32, #tpu.memory_space<vmem>>
      %dma_start3A_188 = tpu.memref_squeeze %dma_start3A_187 : memref<1x128xi32, #tpu.memory_space<vmem>> -> memref<128xi32, #tpu.memory_space<vmem>>
      %dma_start3A_189 = arith.constant 0 : i32
      %dma_start3A_190 = arith.constant 0 : i32
      %dma_start3A_191 = tpu.memref_slice %arg19[%dma_start3A_189, %dma_start3A_190] : memref<10112x32xf32, #tpu.memory_space<vmem_shared>> -> memref<10112x32xf32, #tpu.memory_space<vmem_shared>>
      tpu.enqueue_indirect_dma source(%arg10 : memref<128x32xf32, #tpu.memory_space<vmem>>) target(%dma_start3A_191 : memref<10112x32xf32, #tpu.memory_space<vmem_shared>>) offsets(%dma_start3A_188 : memref<128xi32, #tpu.memory_space<vmem>>) semaphore(%arg18 : memref<!tpu.dma_semaphore, #tpu.memory_space<semaphore_mem>>) {add = true}
      %dma_wait3A_192 = arith.constant 0 : i32
      %dma_wait3A_193 = tpu.memref_slice %arg6[%add3A_178, %dma_wait3A_192] : memref<40x128xi32, #tpu.memory_space<vmem>> -> memref<1x128xi32, #tpu.memory_space<vmem>>
      %dma_wait3A_194 = tpu.memref_squeeze %dma_wait3A_193 : memref<1x128xi32, #tpu.memory_space<vmem>> -> memref<128xi32, #tpu.memory_space<vmem>>
      %dma_wait3A_195 = arith.constant 0 : i32
      %dma_wait3A_196 = arith.constant 0 : i32
      %dma_wait3A_197 = tpu.memref_slice %arg19[%dma_wait3A_195, %dma_wait3A_196] : memref<10112x32xf32, #tpu.memory_space<vmem_shared>> -> memref<10112x32xf32, #tpu.memory_space<vmem_shared>>
      tpu.wait_indirect_dma semaphore(%arg18 : memref<!tpu.dma_semaphore, #tpu.memory_space<semaphore_mem>>) src(%arg10 : memref<128x32xf32, #tpu.memory_space<vmem>>) dst(%dma_wait3A_197 : memref<10112x32xf32, #tpu.memory_space<vmem_shared>>)
      %add3A_198 = arith.addi %mul3A_2, %add3A_178 : i32
      %add3A_199 = arith.constant 4 : i32
      %add3A_200 = arith.addi %add3A_198, %add3A_199 : i32
      %mul3A_201 = arith.constant 128 : i32
      %mul3A_202 = arith.muli %add3A_200, %mul3A_201 : i32
      %dma_start3A_203 = arith.constant 0 : i32
      %dma_start3A_204 = tpu.memref_slice %arg2[%mul3A_202, %dma_start3A_203] : memref<163840x32xf32, #tpu.memory_space<hbm>> -> memref<128x32xf32, #tpu.memory_space<hbm>>
      %dma_start3A_205 = arith.constant 0 : i32
      %dma_start3A_206 = tpu.memref_slice %arg2[%mul3A_202, %dma_start3A_205] : memref<163840x32xf32, #tpu.memory_space<hbm>> -> memref<128x32xf32, #tpu.memory_space<hbm>>
      tpu.enqueue_dma source(%dma_start3A_206 : memref<128x32xf32, #tpu.memory_space<hbm>>) target(%arg10 : memref<128x32xf32, #tpu.memory_space<vmem>>) target_semaphore(%arg14 : memref<!tpu.dma_semaphore, #tpu.memory_space<semaphore_mem>>)
    }
    %scan3A_40 = arith.constant 9 : i32
    %add3A_41 = arith.constant 36 : i32
    %add3A_42 = arith.addi %mul3A_2, %add3A_41 : i32
    %mul3A_43 = arith.constant 128 : i32
    %mul3A_44 = arith.muli %add3A_42, %mul3A_43 : i32
    %dma_wait3A = arith.constant 0 : i32
    %dma_wait3A_45 = tpu.memref_slice %arg2[%mul3A_44, %dma_wait3A] : memref<163840x32xf32, #tpu.memory_space<hbm>> -> memref<128x32xf32, #tpu.memory_space<hbm>>
    %dma_wait3A_46 = arith.constant 0 : i32
    %dma_wait3A_47 = tpu.memref_slice %arg2[%mul3A_44, %dma_wait3A_46] : memref<163840x32xf32, #tpu.memory_space<hbm>> -> memref<128x32xf32, #tpu.memory_space<hbm>>
    tpu.wait_dma2 semaphore(%arg11 : memref<!tpu.dma_semaphore, #tpu.memory_space<semaphore_mem>>) src(%dma_wait3A_47 : memref<128x32xf32, #tpu.memory_space<hbm>>) dst(%arg7 : memref<128x32xf32, #tpu.memory_space<vmem>>)
    %run_scoped3A = arith.constant 36 : i32
    "tpu.region"() ({
      %run_scoped3A_78 = tpu.sem_alloc : memref<!tpu.dma_semaphore, #tpu.memory_space<semaphore_mem>>
      %dma_start3A_79 = arith.constant 0 : i32
      %dma_start3A_80 = tpu.memref_slice %arg6[%run_scoped3A, %dma_start3A_79] : memref<40x128xi32, #tpu.memory_space<vmem>> -> memref<1x128xi32, #tpu.memory_space<vmem>>
      %dma_start3A_81 = tpu.memref_squeeze %dma_start3A_80 : memref<1x128xi32, #tpu.memory_space<vmem>> -> memref<128xi32, #tpu.memory_space<vmem>>
      %dma_start3A_82 = arith.constant 0 : i32
      %dma_start3A_83 = arith.constant 0 : i32
      %dma_start3A_84 = tpu.memref_slice %arg19[%dma_start3A_82, %dma_start3A_83] : memref<10112x32xf32, #tpu.memory_space<vmem_shared>> -> memref<10112x32xf32, #tpu.memory_space<vmem_shared>>
      tpu.enqueue_indirect_dma source(%arg7 : memref<128x32xf32, #tpu.memory_space<vmem>>) target(%dma_start3A_84 : memref<10112x32xf32, #tpu.memory_space<vmem_shared>>) offsets(%dma_start3A_81 : memref<128xi32, #tpu.memory_space<vmem>>) semaphore(%run_scoped3A_78 : memref<!tpu.dma_semaphore, #tpu.memory_space<semaphore_mem>>) {add = true}
      %dma_wait3A_85 = arith.constant 0 : i32
      %dma_wait3A_86 = tpu.memref_slice %arg6[%run_scoped3A, %dma_wait3A_85] : memref<40x128xi32, #tpu.memory_space<vmem>> -> memref<1x128xi32, #tpu.memory_space<vmem>>
      %dma_wait3A_87 = tpu.memref_squeeze %dma_wait3A_86 : memref<1x128xi32, #tpu.memory_space<vmem>> -> memref<128xi32, #tpu.memory_space<vmem>>
      %dma_wait3A_88 = arith.constant 0 : i32
      %dma_wait3A_89 = arith.constant 0 : i32
      %dma_wait3A_90 = tpu.memref_slice %arg19[%dma_wait3A_88, %dma_wait3A_89] : memref<10112x32xf32, #tpu.memory_space<vmem_shared>> -> memref<10112x32xf32, #tpu.memory_space<vmem_shared>>
      tpu.wait_indirect_dma semaphore(%run_scoped3A_78 : memref<!tpu.dma_semaphore, #tpu.memory_space<semaphore_mem>>) src(%arg7 : memref<128x32xf32, #tpu.memory_space<vmem>>) dst(%dma_wait3A_90 : memref<10112x32xf32, #tpu.memory_space<vmem_shared>>)
      tpu.yield
    }) : () -> ()
    %add3A_48 = arith.constant 37 : i32
    %add3A_49 = arith.addi %mul3A_2, %add3A_48 : i32
    %mul3A_50 = arith.constant 128 : i32
    %mul3A_51 = arith.muli %add3A_49, %mul3A_50 : i32
    %dma_wait3A_52 = arith.constant 0 : i32
    %dma_wait3A_53 = tpu.memref_slice %arg2[%mul3A_51, %dma_wait3A_52] : memref<163840x32xf32, #tpu.memory_space<hbm>> -> memref<128x32xf32, #tpu.memory_space<hbm>>
    %dma_wait3A_54 = arith.constant 0 : i32
    %dma_wait3A_55 = tpu.memref_slice %arg2[%mul3A_51, %dma_wait3A_54] : memref<163840x32xf32, #tpu.memory_space<hbm>> -> memref<128x32xf32, #tpu.memory_space<hbm>>
    tpu.wait_dma2 semaphore(%arg12 : memref<!tpu.dma_semaphore, #tpu.memory_space<semaphore_mem>>) src(%dma_wait3A_55 : memref<128x32xf32, #tpu.memory_space<hbm>>) dst(%arg8 : memref<128x32xf32, #tpu.memory_space<vmem>>)
    %run_scoped3A_56 = arith.constant 37 : i32
    "tpu.region"() ({
      %run_scoped3A_78 = tpu.sem_alloc : memref<!tpu.dma_semaphore, #tpu.memory_space<semaphore_mem>>
      %dma_start3A_79 = arith.constant 0 : i32
      %dma_start3A_80 = tpu.memref_slice %arg6[%run_scoped3A_56, %dma_start3A_79] : memref<40x128xi32, #tpu.memory_space<vmem>> -> memref<1x128xi32, #tpu.memory_space<vmem>>
      %dma_start3A_81 = tpu.memref_squeeze %dma_start3A_80 : memref<1x128xi32, #tpu.memory_space<vmem>> -> memref<128xi32, #tpu.memory_space<vmem>>
      %dma_start3A_82 = arith.constant 0 : i32
      %dma_start3A_83 = arith.constant 0 : i32
      %dma_start3A_84 = tpu.memref_slice %arg19[%dma_start3A_82, %dma_start3A_83] : memref<10112x32xf32, #tpu.memory_space<vmem_shared>> -> memref<10112x32xf32, #tpu.memory_space<vmem_shared>>
      tpu.enqueue_indirect_dma source(%arg8 : memref<128x32xf32, #tpu.memory_space<vmem>>) target(%dma_start3A_84 : memref<10112x32xf32, #tpu.memory_space<vmem_shared>>) offsets(%dma_start3A_81 : memref<128xi32, #tpu.memory_space<vmem>>) semaphore(%run_scoped3A_78 : memref<!tpu.dma_semaphore, #tpu.memory_space<semaphore_mem>>) {add = true}
      %dma_wait3A_85 = arith.constant 0 : i32
      %dma_wait3A_86 = tpu.memref_slice %arg6[%run_scoped3A_56, %dma_wait3A_85] : memref<40x128xi32, #tpu.memory_space<vmem>> -> memref<1x128xi32, #tpu.memory_space<vmem>>
      %dma_wait3A_87 = tpu.memref_squeeze %dma_wait3A_86 : memref<1x128xi32, #tpu.memory_space<vmem>> -> memref<128xi32, #tpu.memory_space<vmem>>
      %dma_wait3A_88 = arith.constant 0 : i32
      %dma_wait3A_89 = arith.constant 0 : i32
      %dma_wait3A_90 = tpu.memref_slice %arg19[%dma_wait3A_88, %dma_wait3A_89] : memref<10112x32xf32, #tpu.memory_space<vmem_shared>> -> memref<10112x32xf32, #tpu.memory_space<vmem_shared>>
      tpu.wait_indirect_dma semaphore(%run_scoped3A_78 : memref<!tpu.dma_semaphore, #tpu.memory_space<semaphore_mem>>) src(%arg8 : memref<128x32xf32, #tpu.memory_space<vmem>>) dst(%dma_wait3A_90 : memref<10112x32xf32, #tpu.memory_space<vmem_shared>>)
      tpu.yield
    }) : () -> ()
    %add3A_57 = arith.constant 38 : i32
    %add3A_58 = arith.addi %mul3A_2, %add3A_57 : i32
    %mul3A_59 = arith.constant 128 : i32
    %mul3A_60 = arith.muli %add3A_58, %mul3A_59 : i32
    %dma_wait3A_61 = arith.constant 0 : i32
    %dma_wait3A_62 = tpu.memref_slice %arg2[%mul3A_60, %dma_wait3A_61] : memref<163840x32xf32, #tpu.memory_space<hbm>> -> memref<128x32xf32, #tpu.memory_space<hbm>>
    %dma_wait3A_63 = arith.constant 0 : i32
    %dma_wait3A_64 = tpu.memref_slice %arg2[%mul3A_60, %dma_wait3A_63] : memref<163840x32xf32, #tpu.memory_space<hbm>> -> memref<128x32xf32, #tpu.memory_space<hbm>>
    tpu.wait_dma2 semaphore(%arg13 : memref<!tpu.dma_semaphore, #tpu.memory_space<semaphore_mem>>) src(%dma_wait3A_64 : memref<128x32xf32, #tpu.memory_space<hbm>>) dst(%arg9 : memref<128x32xf32, #tpu.memory_space<vmem>>)
    %run_scoped3A_65 = arith.constant 38 : i32
    "tpu.region"() ({
      %run_scoped3A_78 = tpu.sem_alloc : memref<!tpu.dma_semaphore, #tpu.memory_space<semaphore_mem>>
      %dma_start3A_79 = arith.constant 0 : i32
      %dma_start3A_80 = tpu.memref_slice %arg6[%run_scoped3A_65, %dma_start3A_79] : memref<40x128xi32, #tpu.memory_space<vmem>> -> memref<1x128xi32, #tpu.memory_space<vmem>>
      %dma_start3A_81 = tpu.memref_squeeze %dma_start3A_80 : memref<1x128xi32, #tpu.memory_space<vmem>> -> memref<128xi32, #tpu.memory_space<vmem>>
      %dma_start3A_82 = arith.constant 0 : i32
      %dma_start3A_83 = arith.constant 0 : i32
      %dma_start3A_84 = tpu.memref_slice %arg19[%dma_start3A_82, %dma_start3A_83] : memref<10112x32xf32, #tpu.memory_space<vmem_shared>> -> memref<10112x32xf32, #tpu.memory_space<vmem_shared>>
      tpu.enqueue_indirect_dma source(%arg9 : memref<128x32xf32, #tpu.memory_space<vmem>>) target(%dma_start3A_84 : memref<10112x32xf32, #tpu.memory_space<vmem_shared>>) offsets(%dma_start3A_81 : memref<128xi32, #tpu.memory_space<vmem>>) semaphore(%run_scoped3A_78 : memref<!tpu.dma_semaphore, #tpu.memory_space<semaphore_mem>>) {add = true}
      %dma_wait3A_85 = arith.constant 0 : i32
      %dma_wait3A_86 = tpu.memref_slice %arg6[%run_scoped3A_65, %dma_wait3A_85] : memref<40x128xi32, #tpu.memory_space<vmem>> -> memref<1x128xi32, #tpu.memory_space<vmem>>
      %dma_wait3A_87 = tpu.memref_squeeze %dma_wait3A_86 : memref<1x128xi32, #tpu.memory_space<vmem>> -> memref<128xi32, #tpu.memory_space<vmem>>
      %dma_wait3A_88 = arith.constant 0 : i32
      %dma_wait3A_89 = arith.constant 0 : i32
      %dma_wait3A_90 = tpu.memref_slice %arg19[%dma_wait3A_88, %dma_wait3A_89] : memref<10112x32xf32, #tpu.memory_space<vmem_shared>> -> memref<10112x32xf32, #tpu.memory_space<vmem_shared>>
      tpu.wait_indirect_dma semaphore(%run_scoped3A_78 : memref<!tpu.dma_semaphore, #tpu.memory_space<semaphore_mem>>) src(%arg9 : memref<128x32xf32, #tpu.memory_space<vmem>>) dst(%dma_wait3A_90 : memref<10112x32xf32, #tpu.memory_space<vmem_shared>>)
      tpu.yield
    }) : () -> ()
    %add3A_66 = arith.constant 39 : i32
    %add3A_67 = arith.addi %mul3A_2, %add3A_66 : i32
    %mul3A_68 = arith.constant 128 : i32
    %mul3A_69 = arith.muli %add3A_67, %mul3A_68 : i32
    %dma_wait3A_70 = arith.constant 0 : i32
    %dma_wait3A_71 = tpu.memref_slice %arg2[%mul3A_69, %dma_wait3A_70] : memref<163840x32xf32, #tpu.memory_space<hbm>> -> memref<128x32xf32, #tpu.memory_space<hbm>>
    %dma_wait3A_72 = arith.constant 0 : i32
    %dma_wait3A_73 = tpu.memref_slice %arg2[%mul3A_69, %dma_wait3A_72] : memref<163840x32xf32, #tpu.memory_space<hbm>> -> memref<128x32xf32, #tpu.memory_space<hbm>>
    tpu.wait_dma2 semaphore(%arg14 : memref<!tpu.dma_semaphore, #tpu.memory_space<semaphore_mem>>) src(%dma_wait3A_73 : memref<128x32xf32, #tpu.memory_space<hbm>>) dst(%arg10 : memref<128x32xf32, #tpu.memory_space<vmem>>)
    %run_scoped3A_74 = arith.constant 39 : i32
    "tpu.region"() ({
      %run_scoped3A_78 = tpu.sem_alloc : memref<!tpu.dma_semaphore, #tpu.memory_space<semaphore_mem>>
      %dma_start3A_79 = arith.constant 0 : i32
      %dma_start3A_80 = tpu.memref_slice %arg6[%run_scoped3A_74, %dma_start3A_79] : memref<40x128xi32, #tpu.memory_space<vmem>> -> memref<1x128xi32, #tpu.memory_space<vmem>>
      %dma_start3A_81 = tpu.memref_squeeze %dma_start3A_80 : memref<1x128xi32, #tpu.memory_space<vmem>> -> memref<128xi32, #tpu.memory_space<vmem>>
      %dma_start3A_82 = arith.constant 0 : i32
      %dma_start3A_83 = arith.constant 0 : i32
      %dma_start3A_84 = tpu.memref_slice %arg19[%dma_start3A_82, %dma_start3A_83] : memref<10112x32xf32, #tpu.memory_space<vmem_shared>> -> memref<10112x32xf32, #tpu.memory_space<vmem_shared>>
      tpu.enqueue_indirect_dma source(%arg10 : memref<128x32xf32, #tpu.memory_space<vmem>>) target(%dma_start3A_84 : memref<10112x32xf32, #tpu.memory_space<vmem_shared>>) offsets(%dma_start3A_81 : memref<128xi32, #tpu.memory_space<vmem>>) semaphore(%run_scoped3A_78 : memref<!tpu.dma_semaphore, #tpu.memory_space<semaphore_mem>>) {add = true}
      %dma_wait3A_85 = arith.constant 0 : i32
      %dma_wait3A_86 = tpu.memref_slice %arg6[%run_scoped3A_74, %dma_wait3A_85] : memref<40x128xi32, #tpu.memory_space<vmem>> -> memref<1x128xi32, #tpu.memory_space<vmem>>
      %dma_wait3A_87 = tpu.memref_squeeze %dma_wait3A_86 : memref<1x128xi32, #tpu.memory_space<vmem>> -> memref<128xi32, #tpu.memory_space<vmem>>
      %dma_wait3A_88 = arith.constant 0 : i32
      %dma_wait3A_89 = arith.constant 0 : i32
      %dma_wait3A_90 = tpu.memref_slice %arg19[%dma_wait3A_88, %dma_wait3A_89] : memref<10112x32xf32, #tpu.memory_space<vmem_shared>> -> memref<10112x32xf32, #tpu.memory_space<vmem_shared>>
      tpu.wait_indirect_dma semaphore(%run_scoped3A_78 : memref<!tpu.dma_semaphore, #tpu.memory_space<semaphore_mem>>) src(%arg10 : memref<128x32xf32, #tpu.memory_space<vmem>>) dst(%dma_wait3A_90 : memref<10112x32xf32, #tpu.memory_space<vmem_shared>>)
      tpu.yield
    }) : () -> ()
    %barrier3A_75 = arith.constant 0 : index
    tpu.barrier barrier_id(%barrier3A_75)
    %eq3A = arith.constant 0 : i32
    %eq3A_76 = arith.cmpi eq, %arg1, %eq3A : i32
    %convert_element_type3A = arith.extui %eq3A_76 : i1 to i32
    %cond3A = arith.constant 0 : i32
    %cond3A_77 = arith.cmpi ne, %convert_element_type3A, %cond3A : i32
    scf.if %cond3A_77 {
      "tpu.region"() ({
        %run_scoped3A_78 = tpu.sem_alloc : memref<!tpu.dma_semaphore, #tpu.memory_space<semaphore_mem>>
        %dma_start3A_79 = arith.constant 0 : i32
        %dma_start3A_80 = arith.constant 0 : i32
        %dma_start3A_81 = tpu.memref_slice %arg5[%arg0, %dma_start3A_79, %dma_start3A_80] : memref<2x10112x32xf32, #tpu.memory_space<hbm>> -> memref<1x10112x32xf32, #tpu.memory_space<hbm>>
        %dma_start3A_82 = tpu.memref_squeeze %dma_start3A_81 : memref<1x10112x32xf32, #tpu.memory_space<hbm>> -> memref<10112x32xf32, #tpu.memory_space<hbm>>
        tpu.enqueue_dma source(%arg19 : memref<10112x32xf32, #tpu.memory_space<vmem_shared>>) target(%dma_start3A_82 : memref<10112x32xf32, #tpu.memory_space<hbm>>) target_semaphore(%run_scoped3A_78 : memref<!tpu.dma_semaphore, #tpu.memory_space<semaphore_mem>>)
        %dma_wait3A_83 = arith.constant 0 : i32
        %dma_wait3A_84 = arith.constant 0 : i32
        %dma_wait3A_85 = tpu.memref_slice %arg5[%arg0, %dma_wait3A_83, %dma_wait3A_84] : memref<2x10112x32xf32, #tpu.memory_space<hbm>> -> memref<1x10112x32xf32, #tpu.memory_space<hbm>>
        %dma_wait3A_86 = tpu.memref_squeeze %dma_wait3A_85 : memref<1x10112x32xf32, #tpu.memory_space<hbm>> -> memref<10112x32xf32, #tpu.memory_space<hbm>>
        tpu.wait_dma2 semaphore(%run_scoped3A_78 : memref<!tpu.dma_semaphore, #tpu.memory_space<semaphore_mem>>) src(%arg19 : memref<10112x32xf32, #tpu.memory_space<vmem_shared>>) dst(%dma_wait3A_86 : memref<10112x32xf32, #tpu.memory_space<hbm>>)
        tpu.yield
      }) : () -> ()
    } else {
    }
    return
  }
}

#map = affine_map<(d0, d1) -> (0, 0)>
#map1 = affine_map<(d0, d1) -> (0, 0, 0)>
module attributes {stable_mosaic.version = 14 : i64} {
  func.func @scatter_k(%arg0: i32, %arg1: i32, %arg2: memref<163840x32xf32, #tpu.memory_space<hbm>>, %arg3: memref<32x40x128xi32, #tpu.memory_space<hbm>>, %arg4: memref<632x32xf32, #tpu.memory_space<hbm>>, %arg5: memref<2x10112x32xf32, #tpu.memory_space<hbm>>, %arg6: memref<40x128xi32, #tpu.memory_space<vmem>>, %arg7: memref<128x32xf32, #tpu.memory_space<vmem>>, %arg8: memref<128x32xf32, #tpu.memory_space<vmem>>, %arg9: memref<128x32xf32, #tpu.memory_space<vmem>>, %arg10: memref<128x32xf32, #tpu.memory_space<vmem>>, %arg11: memref<!tpu.dma_semaphore, #tpu.memory_space<semaphore_mem>>, %arg12: memref<!tpu.dma_semaphore, #tpu.memory_space<semaphore_mem>>, %arg13: memref<!tpu.dma_semaphore, #tpu.memory_space<semaphore_mem>>, %arg14: memref<!tpu.dma_semaphore, #tpu.memory_space<semaphore_mem>>, %arg15: memref<!tpu.dma_semaphore, #tpu.memory_space<semaphore_mem>>, %arg16: memref<!tpu.dma_semaphore, #tpu.memory_space<semaphore_mem>>, %arg17: memref<!tpu.dma_semaphore, #tpu.memory_space<semaphore_mem>>, %arg18: memref<!tpu.dma_semaphore, #tpu.memory_space<semaphore_mem>>, %arg19: memref<10112x32xf32, #tpu.memory_space<vmem_shared>>) attributes {dimension_semantics = [#tpu.dimension_semantics<core_parallel>, #tpu.dimension_semantics<subcore_parallel>], iteration_bounds = array<i64: 2, 16>, scalar_prefetch = 0 : i64, scratch_operands = 14 : i64, tpu.core_type = #tpu.core_type<sc_vector_subcore>, window_params = [{transform_indices = #map}, {transform_indices = #map1}, {transform_indices = #map}, {transform_indices = #map1}]} {
    %mul3A = arith.constant 2 : i32
    %mul3A_0 = arith.muli %arg1, %mul3A : i32
    %add3A = arith.addi %mul3A_0, %arg0 : i32
    %mul3A_1 = arith.constant 40 : i32
    %mul3A_2 = arith.muli %add3A, %mul3A_1 : i32
    %mul3A_3 = arith.constant 632 : i32
    %mul3A_4 = arith.muli %arg1, %mul3A_3 : i32
    "tpu.region"() ({
      %run_scoped3A_78 = tpu.sem_alloc : memref<!tpu.dma_semaphore, #tpu.memory_space<semaphore_mem>>
      %dma_start3A_79 = arith.constant 0 : i32
      %dma_start3A_80 = tpu.memref_slice %arg19[%mul3A_4, %dma_start3A_79] : memref<10112x32xf32, #tpu.memory_space<vmem_shared>> -> memref<632x32xf32, #tpu.memory_space<vmem_shared>>
      tpu.enqueue_dma source(%arg4 : memref<632x32xf32, #tpu.memory_space<hbm>>) target(%dma_start3A_80 : memref<632x32xf32, #tpu.memory_space<vmem_shared>>) target_semaphore(%run_scoped3A_78 : memref<!tpu.dma_semaphore, #tpu.memory_space<semaphore_mem>>)
      %dma_wait3A_81 = arith.constant 0 : i32
      %dma_wait3A_82 = tpu.memref_slice %arg19[%mul3A_4, %dma_wait3A_81] : memref<10112x32xf32, #tpu.memory_space<vmem_shared>> -> memref<632x32xf32, #tpu.memory_space<vmem_shared>>
      tpu.wait_dma2 semaphore(%run_scoped3A_78 : memref<!tpu.dma_semaphore, #tpu.memory_space<semaphore_mem>>) src(%arg4 : memref<632x32xf32, #tpu.memory_space<hbm>>) dst(%dma_wait3A_82 : memref<632x32xf32, #tpu.memory_space<vmem_shared>>)
      tpu.yield
    }) : () -> ()
    "tpu.region"() ({
      %run_scoped3A_78 = tpu.sem_alloc : memref<!tpu.dma_semaphore, #tpu.memory_space<semaphore_mem>>
      %dma_start3A_79 = arith.constant 0 : i32
      %dma_start3A_80 = arith.constant 0 : i32
      %dma_start3A_81 = tpu.memref_slice %arg3[%add3A, %dma_start3A_79, %dma_start3A_80] : memref<32x40x128xi32, #tpu.memory_space<hbm>> -> memref<1x40x128xi32, #tpu.memory_space<hbm>>
      %dma_start3A_82 = tpu.memref_squeeze %dma_start3A_81 : memref<1x40x128xi32, #tpu.memory_space<hbm>> -> memref<40x128xi32, #tpu.memory_space<hbm>>
      %dma_start3A_83 = arith.constant 0 : i32
      %dma_start3A_84 = arith.constant 0 : i32
      %dma_start3A_85 = tpu.memref_slice %arg3[%add3A, %dma_start3A_83, %dma_start3A_84] : memref<32x40x128xi32, #tpu.memory_space<hbm>> -> memref<1x40x128xi32, #tpu.memory_space<hbm>>
      %dma_start3A_86 = tpu.memref_squeeze %dma_start3A_85 : memref<1x40x128xi32, #tpu.memory_space<hbm>> -> memref<40x128xi32, #tpu.memory_space<hbm>>
      tpu.enqueue_dma source(%dma_start3A_86 : memref<40x128xi32, #tpu.memory_space<hbm>>) target(%arg6 : memref<40x128xi32, #tpu.memory_space<vmem>>) target_semaphore(%run_scoped3A_78 : memref<!tpu.dma_semaphore, #tpu.memory_space<semaphore_mem>>)
      %dma_wait3A_87 = arith.constant 0 : i32
      %dma_wait3A_88 = arith.constant 0 : i32
      %dma_wait3A_89 = tpu.memref_slice %arg3[%add3A, %dma_wait3A_87, %dma_wait3A_88] : memref<32x40x128xi32, #tpu.memory_space<hbm>> -> memref<1x40x128xi32, #tpu.memory_space<hbm>>
      %dma_wait3A_90 = tpu.memref_squeeze %dma_wait3A_89 : memref<1x40x128xi32, #tpu.memory_space<hbm>> -> memref<40x128xi32, #tpu.memory_space<hbm>>
      %dma_wait3A_91 = arith.constant 0 : i32
      %dma_wait3A_92 = arith.constant 0 : i32
      %dma_wait3A_93 = tpu.memref_slice %arg3[%add3A, %dma_wait3A_91, %dma_wait3A_92] : memref<32x40x128xi32, #tpu.memory_space<hbm>> -> memref<1x40x128xi32, #tpu.memory_space<hbm>>
      %dma_wait3A_94 = tpu.memref_squeeze %dma_wait3A_93 : memref<1x40x128xi32, #tpu.memory_space<hbm>> -> memref<40x128xi32, #tpu.memory_space<hbm>>
      tpu.wait_dma2 semaphore(%run_scoped3A_78 : memref<!tpu.dma_semaphore, #tpu.memory_space<semaphore_mem>>) src(%dma_wait3A_94 : memref<40x128xi32, #tpu.memory_space<hbm>>) dst(%arg6 : memref<40x128xi32, #tpu.memory_space<vmem>>)
      tpu.yield
    }) : () -> ()
    %barrier3A = arith.constant 0 : index
    tpu.barrier barrier_id(%barrier3A)
    %add3A_5 = arith.constant 0 : i32
    %add3A_6 = arith.addi %mul3A_2, %add3A_5 : i32
    %mul3A_7 = arith.constant 128 : i32
    %mul3A_8 = arith.muli %add3A_6, %mul3A_7 : i32
    %dma_start3A = arith.constant 0 : i32
    %dma_start3A_9 = tpu.memref_slice %arg2[%mul3A_8, %dma_start3A] : memref<163840x32xf32, #tpu.memory_space<hbm>> -> memref<128x32xf32, #tpu.memory_space<hbm>>
    %dma_start3A_10 = arith.constant 0 : i32
    %dma_start3A_11 = tpu.memref_slice %arg2[%mul3A_8, %dma_start3A_10] : memref<163840x32xf32, #tpu.memory_space<hbm>> -> memref<128x32xf32, #tpu.memory_space<hbm>>
    tpu.enqueue_dma source(%dma_start3A_11 : memref<128x32xf32, #tpu.memory_space<hbm>>) target(%arg7 : memref<128x32xf32, #tpu.memory_space<vmem>>) target_semaphore(%arg11 : memref<!tpu.dma_semaphore, #tpu.memory_space<semaphore_mem>>)
    %add3A_12 = arith.constant 1 : i32
    %add3A_13 = arith.addi %mul3A_2, %add3A_12 : i32
    %mul3A_14 = arith.constant 128 : i32
    %mul3A_15 = arith.muli %add3A_13, %mul3A_14 : i32
    %dma_start3A_16 = arith.constant 0 : i32
    %dma_start3A_17 = tpu.memref_slice %arg2[%mul3A_15, %dma_start3A_16] : memref<163840x32xf32, #tpu.memory_space<hbm>> -> memref<128x32xf32, #tpu.memory_space<hbm>>
    %dma_start3A_18 = arith.constant 0 : i32
    %dma_start3A_19 = tpu.memref_slice %arg2[%mul3A_15, %dma_start3A_18] : memref<163840x32xf32, #tpu.memory_space<hbm>> -> memref<128x32xf32, #tpu.memory_space<hbm>>
    tpu.enqueue_dma source(%dma_start3A_19 : memref<128x32xf32, #tpu.memory_space<hbm>>) target(%arg8 : memref<128x32xf32, #tpu.memory_space<vmem>>) target_semaphore(%arg12 : memref<!tpu.dma_semaphore, #tpu.memory_space<semaphore_mem>>)
    %add3A_20 = arith.constant 2 : i32
    %add3A_21 = arith.addi %mul3A_2, %add3A_20 : i32
    %mul3A_22 = arith.constant 128 : i32
    %mul3A_23 = arith.muli %add3A_21, %mul3A_22 : i32
    %dma_start3A_24 = arith.constant 0 : i32
    %dma_start3A_25 = tpu.memref_slice %arg2[%mul3A_23, %dma_start3A_24] : memref<163840x32xf32, #tpu.memory_space<hbm>> -> memref<128x32xf32, #tpu.memory_space<hbm>>
    %dma_start3A_26 = arith.constant 0 : i32
    %dma_start3A_27 = tpu.memref_slice %arg2[%mul3A_23, %dma_start3A_26] : memref<163840x32xf32, #tpu.memory_space<hbm>> -> memref<128x32xf32, #tpu.memory_space<hbm>>
    tpu.enqueue_dma source(%dma_start3A_27 : memref<128x32xf32, #tpu.memory_space<hbm>>) target(%arg9 : memref<128x32xf32, #tpu.memory_space<vmem>>) target_semaphore(%arg13 : memref<!tpu.dma_semaphore, #tpu.memory_space<semaphore_mem>>)
    %add3A_28 = arith.constant 3 : i32
    %add3A_29 = arith.addi %mul3A_2, %add3A_28 : i32
    %mul3A_30 = arith.constant 128 : i32
    %mul3A_31 = arith.muli %add3A_29, %mul3A_30 : i32
    %dma_start3A_32 = arith.constant 0 : i32
    %dma_start3A_33 = tpu.memref_slice %arg2[%mul3A_31, %dma_start3A_32] : memref<163840x32xf32, #tpu.memory_space<hbm>> -> memref<128x32xf32, #tpu.memory_space<hbm>>
    %dma_start3A_34 = arith.constant 0 : i32
    %dma_start3A_35 = tpu.memref_slice %arg2[%mul3A_31, %dma_start3A_34] : memref<163840x32xf32, #tpu.memory_space<hbm>> -> memref<128x32xf32, #tpu.memory_space<hbm>>
    tpu.enqueue_dma source(%dma_start3A_35 : memref<128x32xf32, #tpu.memory_space<hbm>>) target(%arg10 : memref<128x32xf32, #tpu.memory_space<vmem>>) target_semaphore(%arg14 : memref<!tpu.dma_semaphore, #tpu.memory_space<semaphore_mem>>)
    %scan3A = arith.constant 0 : i32
    %scan3A_36 = arith.constant 0 : i32
    %scan3A_37 = arith.constant 9 : i32
    %scan3A_38 = arith.addi %scan3A_36, %scan3A_37 : i32
    %scan3A_39 = arith.constant 1 : i32
    scf.for %scan3A_78 = %scan3A_36 to %scan3A_38 step %scan3A_39  : i32 {
      %mul3A_79 = arith.constant 4 : i32
      %mul3A_80 = arith.muli %scan3A_78, %mul3A_79 : i32
      %add3A_81 = arith.constant 0 : i32
      %add3A_82 = arith.addi %mul3A_80, %add3A_81 : i32
      %add3A_83 = arith.addi %mul3A_2, %add3A_82 : i32
      %mul3A_84 = arith.constant 128 : i32
      %mul3A_85 = arith.muli %add3A_83, %mul3A_84 : i32
      %dma_wait3A_86 = arith.constant 0 : i32
      %dma_wait3A_87 = tpu.memref_slice %arg2[%mul3A_85, %dma_wait3A_86] : memref<163840x32xf32, #tpu.memory_space<hbm>> -> memref<128x32xf32, #tpu.memory_space<hbm>>
      %dma_wait3A_88 = arith.constant 0 : i32
      %dma_wait3A_89 = tpu.memref_slice %arg2[%mul3A_85, %dma_wait3A_88] : memref<163840x32xf32, #tpu.memory_space<hbm>> -> memref<128x32xf32, #tpu.memory_space<hbm>>
      tpu.wait_dma2 semaphore(%arg11 : memref<!tpu.dma_semaphore, #tpu.memory_space<semaphore_mem>>) src(%dma_wait3A_89 : memref<128x32xf32, #tpu.memory_space<hbm>>) dst(%arg7 : memref<128x32xf32, #tpu.memory_space<vmem>>)
      %dma_start3A_90 = arith.constant 0 : i32
      %dma_start3A_91 = tpu.memref_slice %arg6[%add3A_82, %dma_start3A_90] : memref<40x128xi32, #tpu.memory_space<vmem>> -> memref<1x128xi32, #tpu.memory_space<vmem>>
      %dma_start3A_92 = tpu.memref_squeeze %dma_start3A_91 : memref<1x128xi32, #tpu.memory_space<vmem>> -> memref<128xi32, #tpu.memory_space<vmem>>
      %dma_start3A_93 = arith.constant 0 : i32
      %dma_start3A_94 = arith.constant 0 : i32
      %dma_start3A_95 = tpu.memref_slice %arg19[%dma_start3A_93, %dma_start3A_94] : memref<10112x32xf32, #tpu.memory_space<vmem_shared>> -> memref<10112x32xf32, #tpu.memory_space<vmem_shared>>
      tpu.enqueue_indirect_dma source(%arg7 : memref<128x32xf32, #tpu.memory_space<vmem>>) target(%dma_start3A_95 : memref<10112x32xf32, #tpu.memory_space<vmem_shared>>) offsets(%dma_start3A_92 : memref<128xi32, #tpu.memory_space<vmem>>) semaphore(%arg15 : memref<!tpu.dma_semaphore, #tpu.memory_space<semaphore_mem>>) {add = true}
      %dma_wait3A_96 = arith.constant 0 : i32
      %dma_wait3A_97 = tpu.memref_slice %arg6[%add3A_82, %dma_wait3A_96] : memref<40x128xi32, #tpu.memory_space<vmem>> -> memref<1x128xi32, #tpu.memory_space<vmem>>
      %dma_wait3A_98 = tpu.memref_squeeze %dma_wait3A_97 : memref<1x128xi32, #tpu.memory_space<vmem>> -> memref<128xi32, #tpu.memory_space<vmem>>
      %dma_wait3A_99 = arith.constant 0 : i32
      %dma_wait3A_100 = arith.constant 0 : i32
      %dma_wait3A_101 = tpu.memref_slice %arg19[%dma_wait3A_99, %dma_wait3A_100] : memref<10112x32xf32, #tpu.memory_space<vmem_shared>> -> memref<10112x32xf32, #tpu.memory_space<vmem_shared>>
      tpu.wait_indirect_dma semaphore(%arg15 : memref<!tpu.dma_semaphore, #tpu.memory_space<semaphore_mem>>) src(%arg7 : memref<128x32xf32, #tpu.memory_space<vmem>>) dst(%dma_wait3A_101 : memref<10112x32xf32, #tpu.memory_space<vmem_shared>>)
      %add3A_102 = arith.addi %mul3A_2, %add3A_82 : i32
      %add3A_103 = arith.constant 4 : i32
      %add3A_104 = arith.addi %add3A_102, %add3A_103 : i32
      %mul3A_105 = arith.constant 128 : i32
      %mul3A_106 = arith.muli %add3A_104, %mul3A_105 : i32
      %dma_start3A_107 = arith.constant 0 : i32
      %dma_start3A_108 = tpu.memref_slice %arg2[%mul3A_106, %dma_start3A_107] : memref<163840x32xf32, #tpu.memory_space<hbm>> -> memref<128x32xf32, #tpu.memory_space<hbm>>
      %dma_start3A_109 = arith.constant 0 : i32
      %dma_start3A_110 = tpu.memref_slice %arg2[%mul3A_106, %dma_start3A_109] : memref<163840x32xf32, #tpu.memory_space<hbm>> -> memref<128x32xf32, #tpu.memory_space<hbm>>
      tpu.enqueue_dma source(%dma_start3A_110 : memref<128x32xf32, #tpu.memory_space<hbm>>) target(%arg7 : memref<128x32xf32, #tpu.memory_space<vmem>>) target_semaphore(%arg11 : memref<!tpu.dma_semaphore, #tpu.memory_space<semaphore_mem>>)
      %mul3A_111 = arith.constant 4 : i32
      %mul3A_112 = arith.muli %scan3A_78, %mul3A_111 : i32
      %add3A_113 = arith.constant 1 : i32
      %add3A_114 = arith.addi %mul3A_112, %add3A_113 : i32
      %add3A_115 = arith.addi %mul3A_2, %add3A_114 : i32
      %mul3A_116 = arith.constant 128 : i32
      %mul3A_117 = arith.muli %add3A_115, %mul3A_116 : i32
      %dma_wait3A_118 = arith.constant 0 : i32
      %dma_wait3A_119 = tpu.memref_slice %arg2[%mul3A_117, %dma_wait3A_118] : memref<163840x32xf32, #tpu.memory_space<hbm>> -> memref<128x32xf32, #tpu.memory_space<hbm>>
      %dma_wait3A_120 = arith.constant 0 : i32
      %dma_wait3A_121 = tpu.memref_slice %arg2[%mul3A_117, %dma_wait3A_120] : memref<163840x32xf32, #tpu.memory_space<hbm>> -> memref<128x32xf32, #tpu.memory_space<hbm>>
      tpu.wait_dma2 semaphore(%arg12 : memref<!tpu.dma_semaphore, #tpu.memory_space<semaphore_mem>>) src(%dma_wait3A_121 : memref<128x32xf32, #tpu.memory_space<hbm>>) dst(%arg8 : memref<128x32xf32, #tpu.memory_space<vmem>>)
      %dma_start3A_122 = arith.constant 0 : i32
      %dma_start3A_123 = tpu.memref_slice %arg6[%add3A_114, %dma_start3A_122] : memref<40x128xi32, #tpu.memory_space<vmem>> -> memref<1x128xi32, #tpu.memory_space<vmem>>
      %dma_start3A_124 = tpu.memref_squeeze %dma_start3A_123 : memref<1x128xi32, #tpu.memory_space<vmem>> -> memref<128xi32, #tpu.memory_space<vmem>>
      %dma_start3A_125 = arith.constant 0 : i32
      %dma_start3A_126 = arith.constant 0 : i32
      %dma_start3A_127 = tpu.memref_slice %arg19[%dma_start3A_125, %dma_start3A_126] : memref<10112x32xf32, #tpu.memory_space<vmem_shared>> -> memref<10112x32xf32, #tpu.memory_space<vmem_shared>>
      tpu.enqueue_indirect_dma source(%arg8 : memref<128x32xf32, #tpu.memory_space<vmem>>) target(%dma_start3A_127 : memref<10112x32xf32, #tpu.memory_space<vmem_shared>>) offsets(%dma_start3A_124 : memref<128xi32, #tpu.memory_space<vmem>>) semaphore(%arg16 : memref<!tpu.dma_semaphore, #tpu.memory_space<semaphore_mem>>) {add = true}
      %dma_wait3A_128 = arith.constant 0 : i32
      %dma_wait3A_129 = tpu.memref_slice %arg6[%add3A_114, %dma_wait3A_128] : memref<40x128xi32, #tpu.memory_space<vmem>> -> memref<1x128xi32, #tpu.memory_space<vmem>>
      %dma_wait3A_130 = tpu.memref_squeeze %dma_wait3A_129 : memref<1x128xi32, #tpu.memory_space<vmem>> -> memref<128xi32, #tpu.memory_space<vmem>>
      %dma_wait3A_131 = arith.constant 0 : i32
      %dma_wait3A_132 = arith.constant 0 : i32
      %dma_wait3A_133 = tpu.memref_slice %arg19[%dma_wait3A_131, %dma_wait3A_132] : memref<10112x32xf32, #tpu.memory_space<vmem_shared>> -> memref<10112x32xf32, #tpu.memory_space<vmem_shared>>
      tpu.wait_indirect_dma semaphore(%arg16 : memref<!tpu.dma_semaphore, #tpu.memory_space<semaphore_mem>>) src(%arg8 : memref<128x32xf32, #tpu.memory_space<vmem>>) dst(%dma_wait3A_133 : memref<10112x32xf32, #tpu.memory_space<vmem_shared>>)
      %add3A_134 = arith.addi %mul3A_2, %add3A_114 : i32
      %add3A_135 = arith.constant 4 : i32
      %add3A_136 = arith.addi %add3A_134, %add3A_135 : i32
      %mul3A_137 = arith.constant 128 : i32
      %mul3A_138 = arith.muli %add3A_136, %mul3A_137 : i32
      %dma_start3A_139 = arith.constant 0 : i32
      %dma_start3A_140 = tpu.memref_slice %arg2[%mul3A_138, %dma_start3A_139] : memref<163840x32xf32, #tpu.memory_space<hbm>> -> memref<128x32xf32, #tpu.memory_space<hbm>>
      %dma_start3A_141 = arith.constant 0 : i32
      %dma_start3A_142 = tpu.memref_slice %arg2[%mul3A_138, %dma_start3A_141] : memref<163840x32xf32, #tpu.memory_space<hbm>> -> memref<128x32xf32, #tpu.memory_space<hbm>>
      tpu.enqueue_dma source(%dma_start3A_142 : memref<128x32xf32, #tpu.memory_space<hbm>>) target(%arg8 : memref<128x32xf32, #tpu.memory_space<vmem>>) target_semaphore(%arg12 : memref<!tpu.dma_semaphore, #tpu.memory_space<semaphore_mem>>)
      %mul3A_143 = arith.constant 4 : i32
      %mul3A_144 = arith.muli %scan3A_78, %mul3A_143 : i32
      %add3A_145 = arith.constant 2 : i32
      %add3A_146 = arith.addi %mul3A_144, %add3A_145 : i32
      %add3A_147 = arith.addi %mul3A_2, %add3A_146 : i32
      %mul3A_148 = arith.constant 128 : i32
      %mul3A_149 = arith.muli %add3A_147, %mul3A_148 : i32
      %dma_wait3A_150 = arith.constant 0 : i32
      %dma_wait3A_151 = tpu.memref_slice %arg2[%mul3A_149, %dma_wait3A_150] : memref<163840x32xf32, #tpu.memory_space<hbm>> -> memref<128x32xf32, #tpu.memory_space<hbm>>
      %dma_wait3A_152 = arith.constant 0 : i32
      %dma_wait3A_153 = tpu.memref_slice %arg2[%mul3A_149, %dma_wait3A_152] : memref<163840x32xf32, #tpu.memory_space<hbm>> -> memref<128x32xf32, #tpu.memory_space<hbm>>
      tpu.wait_dma2 semaphore(%arg13 : memref<!tpu.dma_semaphore, #tpu.memory_space<semaphore_mem>>) src(%dma_wait3A_153 : memref<128x32xf32, #tpu.memory_space<hbm>>) dst(%arg9 : memref<128x32xf32, #tpu.memory_space<vmem>>)
      %dma_start3A_154 = arith.constant 0 : i32
      %dma_start3A_155 = tpu.memref_slice %arg6[%add3A_146, %dma_start3A_154] : memref<40x128xi32, #tpu.memory_space<vmem>> -> memref<1x128xi32, #tpu.memory_space<vmem>>
      %dma_start3A_156 = tpu.memref_squeeze %dma_start3A_155 : memref<1x128xi32, #tpu.memory_space<vmem>> -> memref<128xi32, #tpu.memory_space<vmem>>
      %dma_start3A_157 = arith.constant 0 : i32
      %dma_start3A_158 = arith.constant 0 : i32
      %dma_start3A_159 = tpu.memref_slice %arg19[%dma_start3A_157, %dma_start3A_158] : memref<10112x32xf32, #tpu.memory_space<vmem_shared>> -> memref<10112x32xf32, #tpu.memory_space<vmem_shared>>
      tpu.enqueue_indirect_dma source(%arg9 : memref<128x32xf32, #tpu.memory_space<vmem>>) target(%dma_start3A_159 : memref<10112x32xf32, #tpu.memory_space<vmem_shared>>) offsets(%dma_start3A_156 : memref<128xi32, #tpu.memory_space<vmem>>) semaphore(%arg17 : memref<!tpu.dma_semaphore, #tpu.memory_space<semaphore_mem>>) {add = true}
      %dma_wait3A_160 = arith.constant 0 : i32
      %dma_wait3A_161 = tpu.memref_slice %arg6[%add3A_146, %dma_wait3A_160] : memref<40x128xi32, #tpu.memory_space<vmem>> -> memref<1x128xi32, #tpu.memory_space<vmem>>
      %dma_wait3A_162 = tpu.memref_squeeze %dma_wait3A_161 : memref<1x128xi32, #tpu.memory_space<vmem>> -> memref<128xi32, #tpu.memory_space<vmem>>
      %dma_wait3A_163 = arith.constant 0 : i32
      %dma_wait3A_164 = arith.constant 0 : i32
      %dma_wait3A_165 = tpu.memref_slice %arg19[%dma_wait3A_163, %dma_wait3A_164] : memref<10112x32xf32, #tpu.memory_space<vmem_shared>> -> memref<10112x32xf32, #tpu.memory_space<vmem_shared>>
      tpu.wait_indirect_dma semaphore(%arg17 : memref<!tpu.dma_semaphore, #tpu.memory_space<semaphore_mem>>) src(%arg9 : memref<128x32xf32, #tpu.memory_space<vmem>>) dst(%dma_wait3A_165 : memref<10112x32xf32, #tpu.memory_space<vmem_shared>>)
      %add3A_166 = arith.addi %mul3A_2, %add3A_146 : i32
      %add3A_167 = arith.constant 4 : i32
      %add3A_168 = arith.addi %add3A_166, %add3A_167 : i32
      %mul3A_169 = arith.constant 128 : i32
      %mul3A_170 = arith.muli %add3A_168, %mul3A_169 : i32
      %dma_start3A_171 = arith.constant 0 : i32
      %dma_start3A_172 = tpu.memref_slice %arg2[%mul3A_170, %dma_start3A_171] : memref<163840x32xf32, #tpu.memory_space<hbm>> -> memref<128x32xf32, #tpu.memory_space<hbm>>
      %dma_start3A_173 = arith.constant 0 : i32
      %dma_start3A_174 = tpu.memref_slice %arg2[%mul3A_170, %dma_start3A_173] : memref<163840x32xf32, #tpu.memory_space<hbm>> -> memref<128x32xf32, #tpu.memory_space<hbm>>
      tpu.enqueue_dma source(%dma_start3A_174 : memref<128x32xf32, #tpu.memory_space<hbm>>) target(%arg9 : memref<128x32xf32, #tpu.memory_space<vmem>>) target_semaphore(%arg13 : memref<!tpu.dma_semaphore, #tpu.memory_space<semaphore_mem>>)
      %mul3A_175 = arith.constant 4 : i32
      %mul3A_176 = arith.muli %scan3A_78, %mul3A_175 : i32
      %add3A_177 = arith.constant 3 : i32
      %add3A_178 = arith.addi %mul3A_176, %add3A_177 : i32
      %add3A_179 = arith.addi %mul3A_2, %add3A_178 : i32
      %mul3A_180 = arith.constant 128 : i32
      %mul3A_181 = arith.muli %add3A_179, %mul3A_180 : i32
      %dma_wait3A_182 = arith.constant 0 : i32
      %dma_wait3A_183 = tpu.memref_slice %arg2[%mul3A_181, %dma_wait3A_182] : memref<163840x32xf32, #tpu.memory_space<hbm>> -> memref<128x32xf32, #tpu.memory_space<hbm>>
      %dma_wait3A_184 = arith.constant 0 : i32
      %dma_wait3A_185 = tpu.memref_slice %arg2[%mul3A_181, %dma_wait3A_184] : memref<163840x32xf32, #tpu.memory_space<hbm>> -> memref<128x32xf32, #tpu.memory_space<hbm>>
      tpu.wait_dma2 semaphore(%arg14 : memref<!tpu.dma_semaphore, #tpu.memory_space<semaphore_mem>>) src(%dma_wait3A_185 : memref<128x32xf32, #tpu.memory_space<hbm>>) dst(%arg10 : memref<128x32xf32, #tpu.memory_space<vmem>>)
      %dma_start3A_186 = arith.constant 0 : i32
      %dma_start3A_187 = tpu.memref_slice %arg6[%add3A_178, %dma_start3A_186] : memref<40x128xi32, #tpu.memory_space<vmem>> -> memref<1x128xi32, #tpu.memory_space<vmem>>
      %dma_start3A_188 = tpu.memref_squeeze %dma_start3A_187 : memref<1x128xi32, #tpu.memory_space<vmem>> -> memref<128xi32, #tpu.memory_space<vmem>>
      %dma_start3A_189 = arith.constant 0 : i32
      %dma_start3A_190 = arith.constant 0 : i32
      %dma_start3A_191 = tpu.memref_slice %arg19[%dma_start3A_189, %dma_start3A_190] : memref<10112x32xf32, #tpu.memory_space<vmem_shared>> -> memref<10112x32xf32, #tpu.memory_space<vmem_shared>>
      tpu.enqueue_indirect_dma source(%arg10 : memref<128x32xf32, #tpu.memory_space<vmem>>) target(%dma_start3A_191 : memref<10112x32xf32, #tpu.memory_space<vmem_shared>>) offsets(%dma_start3A_188 : memref<128xi32, #tpu.memory_space<vmem>>) semaphore(%arg18 : memref<!tpu.dma_semaphore, #tpu.memory_space<semaphore_mem>>) {add = true}
      %dma_wait3A_192 = arith.constant 0 : i32
      %dma_wait3A_193 = tpu.memref_slice %arg6[%add3A_178, %dma_wait3A_192] : memref<40x128xi32, #tpu.memory_space<vmem>> -> memref<1x128xi32, #tpu.memory_space<vmem>>
      %dma_wait3A_194 = tpu.memref_squeeze %dma_wait3A_193 : memref<1x128xi32, #tpu.memory_space<vmem>> -> memref<128xi32, #tpu.memory_space<vmem>>
      %dma_wait3A_195 = arith.constant 0 : i32
      %dma_wait3A_196 = arith.constant 0 : i32
      %dma_wait3A_197 = tpu.memref_slice %arg19[%dma_wait3A_195, %dma_wait3A_196] : memref<10112x32xf32, #tpu.memory_space<vmem_shared>> -> memref<10112x32xf32, #tpu.memory_space<vmem_shared>>
      tpu.wait_indirect_dma semaphore(%arg18 : memref<!tpu.dma_semaphore, #tpu.memory_space<semaphore_mem>>) src(%arg10 : memref<128x32xf32, #tpu.memory_space<vmem>>) dst(%dma_wait3A_197 : memref<10112x32xf32, #tpu.memory_space<vmem_shared>>)
      %add3A_198 = arith.addi %mul3A_2, %add3A_178 : i32
      %add3A_199 = arith.constant 4 : i32
      %add3A_200 = arith.addi %add3A_198, %add3A_199 : i32
      %mul3A_201 = arith.constant 128 : i32
      %mul3A_202 = arith.muli %add3A_200, %mul3A_201 : i32
      %dma_start3A_203 = arith.constant 0 : i32
      %dma_start3A_204 = tpu.memref_slice %arg2[%mul3A_202, %dma_start3A_203] : memref<163840x32xf32, #tpu.memory_space<hbm>> -> memref<128x32xf32, #tpu.memory_space<hbm>>
      %dma_start3A_205 = arith.constant 0 : i32
      %dma_start3A_206 = tpu.memref_slice %arg2[%mul3A_202, %dma_start3A_205] : memref<163840x32xf32, #tpu.memory_space<hbm>> -> memref<128x32xf32, #tpu.memory_space<hbm>>
      tpu.enqueue_dma source(%dma_start3A_206 : memref<128x32xf32, #tpu.memory_space<hbm>>) target(%arg10 : memref<128x32xf32, #tpu.memory_space<vmem>>) target_semaphore(%arg14 : memref<!tpu.dma_semaphore, #tpu.memory_space<semaphore_mem>>)
    }
    %scan3A_40 = arith.constant 9 : i32
    %add3A_41 = arith.constant 36 : i32
    %add3A_42 = arith.addi %mul3A_2, %add3A_41 : i32
    %mul3A_43 = arith.constant 128 : i32
    %mul3A_44 = arith.muli %add3A_42, %mul3A_43 : i32
    %dma_wait3A = arith.constant 0 : i32
    %dma_wait3A_45 = tpu.memref_slice %arg2[%mul3A_44, %dma_wait3A] : memref<163840x32xf32, #tpu.memory_space<hbm>> -> memref<128x32xf32, #tpu.memory_space<hbm>>
    %dma_wait3A_46 = arith.constant 0 : i32
    %dma_wait3A_47 = tpu.memref_slice %arg2[%mul3A_44, %dma_wait3A_46] : memref<163840x32xf32, #tpu.memory_space<hbm>> -> memref<128x32xf32, #tpu.memory_space<hbm>>
    tpu.wait_dma2 semaphore(%arg11 : memref<!tpu.dma_semaphore, #tpu.memory_space<semaphore_mem>>) src(%dma_wait3A_47 : memref<128x32xf32, #tpu.memory_space<hbm>>) dst(%arg7 : memref<128x32xf32, #tpu.memory_space<vmem>>)
    %run_scoped3A = arith.constant 36 : i32
    "tpu.region"() ({
      %run_scoped3A_78 = tpu.sem_alloc : memref<!tpu.dma_semaphore, #tpu.memory_space<semaphore_mem>>
      %dma_start3A_79 = arith.constant 0 : i32
      %dma_start3A_80 = tpu.memref_slice %arg6[%run_scoped3A, %dma_start3A_79] : memref<40x128xi32, #tpu.memory_space<vmem>> -> memref<1x128xi32, #tpu.memory_space<vmem>>
      %dma_start3A_81 = tpu.memref_squeeze %dma_start3A_80 : memref<1x128xi32, #tpu.memory_space<vmem>> -> memref<128xi32, #tpu.memory_space<vmem>>
      %dma_start3A_82 = arith.constant 0 : i32
      %dma_start3A_83 = arith.constant 0 : i32
      %dma_start3A_84 = tpu.memref_slice %arg19[%dma_start3A_82, %dma_start3A_83] : memref<10112x32xf32, #tpu.memory_space<vmem_shared>> -> memref<10112x32xf32, #tpu.memory_space<vmem_shared>>
      tpu.enqueue_indirect_dma source(%arg7 : memref<128x32xf32, #tpu.memory_space<vmem>>) target(%dma_start3A_84 : memref<10112x32xf32, #tpu.memory_space<vmem_shared>>) offsets(%dma_start3A_81 : memref<128xi32, #tpu.memory_space<vmem>>) semaphore(%run_scoped3A_78 : memref<!tpu.dma_semaphore, #tpu.memory_space<semaphore_mem>>) {add = true}
      %dma_wait3A_85 = arith.constant 0 : i32
      %dma_wait3A_86 = tpu.memref_slice %arg6[%run_scoped3A, %dma_wait3A_85] : memref<40x128xi32, #tpu.memory_space<vmem>> -> memref<1x128xi32, #tpu.memory_space<vmem>>
      %dma_wait3A_87 = tpu.memref_squeeze %dma_wait3A_86 : memref<1x128xi32, #tpu.memory_space<vmem>> -> memref<128xi32, #tpu.memory_space<vmem>>
      %dma_wait3A_88 = arith.constant 0 : i32
      %dma_wait3A_89 = arith.constant 0 : i32
      %dma_wait3A_90 = tpu.memref_slice %arg19[%dma_wait3A_88, %dma_wait3A_89] : memref<10112x32xf32, #tpu.memory_space<vmem_shared>> -> memref<10112x32xf32, #tpu.memory_space<vmem_shared>>
      tpu.wait_indirect_dma semaphore(%run_scoped3A_78 : memref<!tpu.dma_semaphore, #tpu.memory_space<semaphore_mem>>) src(%arg7 : memref<128x32xf32, #tpu.memory_space<vmem>>) dst(%dma_wait3A_90 : memref<10112x32xf32, #tpu.memory_space<vmem_shared>>)
      tpu.yield
    }) : () -> ()
    %add3A_48 = arith.constant 37 : i32
    %add3A_49 = arith.addi %mul3A_2, %add3A_48 : i32
    %mul3A_50 = arith.constant 128 : i32
    %mul3A_51 = arith.muli %add3A_49, %mul3A_50 : i32
    %dma_wait3A_52 = arith.constant 0 : i32
    %dma_wait3A_53 = tpu.memref_slice %arg2[%mul3A_51, %dma_wait3A_52] : memref<163840x32xf32, #tpu.memory_space<hbm>> -> memref<128x32xf32, #tpu.memory_space<hbm>>
    %dma_wait3A_54 = arith.constant 0 : i32
    %dma_wait3A_55 = tpu.memref_slice %arg2[%mul3A_51, %dma_wait3A_54] : memref<163840x32xf32, #tpu.memory_space<hbm>> -> memref<128x32xf32, #tpu.memory_space<hbm>>
    tpu.wait_dma2 semaphore(%arg12 : memref<!tpu.dma_semaphore, #tpu.memory_space<semaphore_mem>>) src(%dma_wait3A_55 : memref<128x32xf32, #tpu.memory_space<hbm>>) dst(%arg8 : memref<128x32xf32, #tpu.memory_space<vmem>>)
    %run_scoped3A_56 = arith.constant 37 : i32
    "tpu.region"() ({
      %run_scoped3A_78 = tpu.sem_alloc : memref<!tpu.dma_semaphore, #tpu.memory_space<semaphore_mem>>
      %dma_start3A_79 = arith.constant 0 : i32
      %dma_start3A_80 = tpu.memref_slice %arg6[%run_scoped3A_56, %dma_start3A_79] : memref<40x128xi32, #tpu.memory_space<vmem>> -> memref<1x128xi32, #tpu.memory_space<vmem>>
      %dma_start3A_81 = tpu.memref_squeeze %dma_start3A_80 : memref<1x128xi32, #tpu.memory_space<vmem>> -> memref<128xi32, #tpu.memory_space<vmem>>
      %dma_start3A_82 = arith.constant 0 : i32
      %dma_start3A_83 = arith.constant 0 : i32
      %dma_start3A_84 = tpu.memref_slice %arg19[%dma_start3A_82, %dma_start3A_83] : memref<10112x32xf32, #tpu.memory_space<vmem_shared>> -> memref<10112x32xf32, #tpu.memory_space<vmem_shared>>
      tpu.enqueue_indirect_dma source(%arg8 : memref<128x32xf32, #tpu.memory_space<vmem>>) target(%dma_start3A_84 : memref<10112x32xf32, #tpu.memory_space<vmem_shared>>) offsets(%dma_start3A_81 : memref<128xi32, #tpu.memory_space<vmem>>) semaphore(%run_scoped3A_78 : memref<!tpu.dma_semaphore, #tpu.memory_space<semaphore_mem>>) {add = true}
      %dma_wait3A_85 = arith.constant 0 : i32
      %dma_wait3A_86 = tpu.memref_slice %arg6[%run_scoped3A_56, %dma_wait3A_85] : memref<40x128xi32, #tpu.memory_space<vmem>> -> memref<1x128xi32, #tpu.memory_space<vmem>>
      %dma_wait3A_87 = tpu.memref_squeeze %dma_wait3A_86 : memref<1x128xi32, #tpu.memory_space<vmem>> -> memref<128xi32, #tpu.memory_space<vmem>>
      %dma_wait3A_88 = arith.constant 0 : i32
      %dma_wait3A_89 = arith.constant 0 : i32
      %dma_wait3A_90 = tpu.memref_slice %arg19[%dma_wait3A_88, %dma_wait3A_89] : memref<10112x32xf32, #tpu.memory_space<vmem_shared>> -> memref<10112x32xf32, #tpu.memory_space<vmem_shared>>
      tpu.wait_indirect_dma semaphore(%run_scoped3A_78 : memref<!tpu.dma_semaphore, #tpu.memory_space<semaphore_mem>>) src(%arg8 : memref<128x32xf32, #tpu.memory_space<vmem>>) dst(%dma_wait3A_90 : memref<10112x32xf32, #tpu.memory_space<vmem_shared>>)
      tpu.yield
    }) : () -> ()
    %add3A_57 = arith.constant 38 : i32
    %add3A_58 = arith.addi %mul3A_2, %add3A_57 : i32
    %mul3A_59 = arith.constant 128 : i32
    %mul3A_60 = arith.muli %add3A_58, %mul3A_59 : i32
    %dma_wait3A_61 = arith.constant 0 : i32
    %dma_wait3A_62 = tpu.memref_slice %arg2[%mul3A_60, %dma_wait3A_61] : memref<163840x32xf32, #tpu.memory_space<hbm>> -> memref<128x32xf32, #tpu.memory_space<hbm>>
    %dma_wait3A_63 = arith.constant 0 : i32
    %dma_wait3A_64 = tpu.memref_slice %arg2[%mul3A_60, %dma_wait3A_63] : memref<163840x32xf32, #tpu.memory_space<hbm>> -> memref<128x32xf32, #tpu.memory_space<hbm>>
    tpu.wait_dma2 semaphore(%arg13 : memref<!tpu.dma_semaphore, #tpu.memory_space<semaphore_mem>>) src(%dma_wait3A_64 : memref<128x32xf32, #tpu.memory_space<hbm>>) dst(%arg9 : memref<128x32xf32, #tpu.memory_space<vmem>>)
    %run_scoped3A_65 = arith.constant 38 : i32
    "tpu.region"() ({
      %run_scoped3A_78 = tpu.sem_alloc : memref<!tpu.dma_semaphore, #tpu.memory_space<semaphore_mem>>
      %dma_start3A_79 = arith.constant 0 : i32
      %dma_start3A_80 = tpu.memref_slice %arg6[%run_scoped3A_65, %dma_start3A_79] : memref<40x128xi32, #tpu.memory_space<vmem>> -> memref<1x128xi32, #tpu.memory_space<vmem>>
      %dma_start3A_81 = tpu.memref_squeeze %dma_start3A_80 : memref<1x128xi32, #tpu.memory_space<vmem>> -> memref<128xi32, #tpu.memory_space<vmem>>
      %dma_start3A_82 = arith.constant 0 : i32
      %dma_start3A_83 = arith.constant 0 : i32
      %dma_start3A_84 = tpu.memref_slice %arg19[%dma_start3A_82, %dma_start3A_83] : memref<10112x32xf32, #tpu.memory_space<vmem_shared>> -> memref<10112x32xf32, #tpu.memory_space<vmem_shared>>
      tpu.enqueue_indirect_dma source(%arg9 : memref<128x32xf32, #tpu.memory_space<vmem>>) target(%dma_start3A_84 : memref<10112x32xf32, #tpu.memory_space<vmem_shared>>) offsets(%dma_start3A_81 : memref<128xi32, #tpu.memory_space<vmem>>) semaphore(%run_scoped3A_78 : memref<!tpu.dma_semaphore, #tpu.memory_space<semaphore_mem>>) {add = true}
      %dma_wait3A_85 = arith.constant 0 : i32
      %dma_wait3A_86 = tpu.memref_slice %arg6[%run_scoped3A_65, %dma_wait3A_85] : memref<40x128xi32, #tpu.memory_space<vmem>> -> memref<1x128xi32, #tpu.memory_space<vmem>>
      %dma_wait3A_87 = tpu.memref_squeeze %dma_wait3A_86 : memref<1x128xi32, #tpu.memory_space<vmem>> -> memref<128xi32, #tpu.memory_space<vmem>>
      %dma_wait3A_88 = arith.constant 0 : i32
      %dma_wait3A_89 = arith.constant 0 : i32
      %dma_wait3A_90 = tpu.memref_slice %arg19[%dma_wait3A_88, %dma_wait3A_89] : memref<10112x32xf32, #tpu.memory_space<vmem_shared>> -> memref<10112x32xf32, #tpu.memory_space<vmem_shared>>
      tpu.wait_indirect_dma semaphore(%run_scoped3A_78 : memref<!tpu.dma_semaphore, #tpu.memory_space<semaphore_mem>>) src(%arg9 : memref<128x32xf32, #tpu.memory_space<vmem>>) dst(%dma_wait3A_90 : memref<10112x32xf32, #tpu.memory_space<vmem_shared>>)
      tpu.yield
    }) : () -> ()
    %add3A_66 = arith.constant 39 : i32
    %add3A_67 = arith.addi %mul3A_2, %add3A_66 : i32
    %mul3A_68 = arith.constant 128 : i32
    %mul3A_69 = arith.muli %add3A_67, %mul3A_68 : i32
    %dma_wait3A_70 = arith.constant 0 : i32
    %dma_wait3A_71 = tpu.memref_slice %arg2[%mul3A_69, %dma_wait3A_70] : memref<163840x32xf32, #tpu.memory_space<hbm>> -> memref<128x32xf32, #tpu.memory_space<hbm>>
    %dma_wait3A_72 = arith.constant 0 : i32
    %dma_wait3A_73 = tpu.memref_slice %arg2[%mul3A_69, %dma_wait3A_72] : memref<163840x32xf32, #tpu.memory_space<hbm>> -> memref<128x32xf32, #tpu.memory_space<hbm>>
    tpu.wait_dma2 semaphore(%arg14 : memref<!tpu.dma_semaphore, #tpu.memory_space<semaphore_mem>>) src(%dma_wait3A_73 : memref<128x32xf32, #tpu.memory_space<hbm>>) dst(%arg10 : memref<128x32xf32, #tpu.memory_space<vmem>>)
    %run_scoped3A_74 = arith.constant 39 : i32
    "tpu.region"() ({
      %run_scoped3A_78 = tpu.sem_alloc : memref<!tpu.dma_semaphore, #tpu.memory_space<semaphore_mem>>
      %dma_start3A_79 = arith.constant 0 : i32
      %dma_start3A_80 = tpu.memref_slice %arg6[%run_scoped3A_74, %dma_start3A_79] : memref<40x128xi32, #tpu.memory_space<vmem>> -> memref<1x128xi32, #tpu.memory_space<vmem>>
      %dma_start3A_81 = tpu.memref_squeeze %dma_start3A_80 : memref<1x128xi32, #tpu.memory_space<vmem>> -> memref<128xi32, #tpu.memory_space<vmem>>
      %dma_start3A_82 = arith.constant 0 : i32
      %dma_start3A_83 = arith.constant 0 : i32
      %dma_start3A_84 = tpu.memref_slice %arg19[%dma_start3A_82, %dma_start3A_83] : memref<10112x32xf32, #tpu.memory_space<vmem_shared>> -> memref<10112x32xf32, #tpu.memory_space<vmem_shared>>
      tpu.enqueue_indirect_dma source(%arg10 : memref<128x32xf32, #tpu.memory_space<vmem>>) target(%dma_start3A_84 : memref<10112x32xf32, #tpu.memory_space<vmem_shared>>) offsets(%dma_start3A_81 : memref<128xi32, #tpu.memory_space<vmem>>) semaphore(%run_scoped3A_78 : memref<!tpu.dma_semaphore, #tpu.memory_space<semaphore_mem>>) {add = true}
      %dma_wait3A_85 = arith.constant 0 : i32
      %dma_wait3A_86 = tpu.memref_slice %arg6[%run_scoped3A_74, %dma_wait3A_85] : memref<40x128xi32, #tpu.memory_space<vmem>> -> memref<1x128xi32, #tpu.memory_space<vmem>>
      %dma_wait3A_87 = tpu.memref_squeeze %dma_wait3A_86 : memref<1x128xi32, #tpu.memory_space<vmem>> -> memref<128xi32, #tpu.memory_space<vmem>>
      %dma_wait3A_88 = arith.constant 0 : i32
      %dma_wait3A_89 = arith.constant 0 : i32
      %dma_wait3A_90 = tpu.memref_slice %arg19[%dma_wait3A_88, %dma_wait3A_89] : memref<10112x32xf32, #tpu.memory_space<vmem_shared>> -> memref<10112x32xf32, #tpu.memory_space<vmem_shared>>
      tpu.wait_indirect_dma semaphore(%run_scoped3A_78 : memref<!tpu.dma_semaphore, #tpu.memory_space<semaphore_mem>>) src(%arg10 : memref<128x32xf32, #tpu.memory_space<vmem>>) dst(%dma_wait3A_90 : memref<10112x32xf32, #tpu.memory_space<vmem_shared>>)
      tpu.yield
    }) : () -> ()
    %barrier3A_75 = arith.constant 0 : index
    tpu.barrier barrier_id(%barrier3A_75)
    %eq3A = arith.constant 0 : i32
    %eq3A_76 = arith.cmpi eq, %arg1, %eq3A : i32
    %convert_element_type3A = arith.extui %eq3A_76 : i1 to i32
    %cond3A = arith.constant 0 : i32
    %cond3A_77 = arith.cmpi ne, %convert_element_type3A, %cond3A : i32
    scf.if %cond3A_77 {
      "tpu.region"() ({
        %run_scoped3A_78 = tpu.sem_alloc : memref<!tpu.dma_semaphore, #tpu.memory_space<semaphore_mem>>
        %dma_start3A_79 = arith.constant 0 : i32
        %dma_start3A_80 = arith.constant 0 : i32
        %dma_start3A_81 = tpu.memref_slice %arg5[%arg0, %dma_start3A_79, %dma_start3A_80] : memref<2x10112x32xf32, #tpu.memory_space<hbm>> -> memref<1x10112x32xf32, #tpu.memory_space<hbm>>
        %dma_start3A_82 = tpu.memref_squeeze %dma_start3A_81 : memref<1x10112x32xf32, #tpu.memory_space<hbm>> -> memref<10112x32xf32, #tpu.memory_space<hbm>>
        tpu.enqueue_dma source(%arg19 : memref<10112x32xf32, #tpu.memory_space<vmem_shared>>) target(%dma_start3A_82 : memref<10112x32xf32, #tpu.memory_space<hbm>>) target_semaphore(%run_scoped3A_78 : memref<!tpu.dma_semaphore, #tpu.memory_space<semaphore_mem>>)
        %dma_wait3A_83 = arith.constant 0 : i32
        %dma_wait3A_84 = arith.constant 0 : i32
        %dma_wait3A_85 = tpu.memref_slice %arg5[%arg0, %dma_wait3A_83, %dma_wait3A_84] : memref<2x10112x32xf32, #tpu.memory_space<hbm>> -> memref<1x10112x32xf32, #tpu.memory_space<hbm>>
        %dma_wait3A_86 = tpu.memref_squeeze %dma_wait3A_85 : memref<1x10112x32xf32, #tpu.memory_space<hbm>> -> memref<10112x32xf32, #tpu.memory_space<hbm>>
        tpu.wait_dma2 semaphore(%run_scoped3A_78 : memref<!tpu.dma_semaphore, #tpu.memory_space<semaphore_mem>>) src(%arg19 : memref<10112x32xf32, #tpu.memory_space<vmem_shared>>) dst(%dma_wait3A_86 : memref<10112x32xf32, #tpu.memory_space<hbm>>)
        tpu.yield
      }) : () -> ()
    } else {
    }
    return
  }
}

#map = affine_map<(d0, d1) -> (0, 0)>
#map1 = affine_map<(d0, d1) -> (0, 0, 0)>
module attributes {stable_mosaic.version = 14 : i64} {
  func.func @gather_k(%arg0: i32, %arg1: i32, %arg2: memref<10000x32xf32, #tpu.memory_space<hbm>>, %arg3: memref<32x40x128xi32, #tpu.memory_space<hbm>>, %arg4: memref<163840x32xf32, #tpu.memory_space<hbm>>, %arg5: memref<40x128xi32, #tpu.memory_space<vmem>>, %arg6: memref<128x32xf32, #tpu.memory_space<vmem>>, %arg7: memref<128x32xf32, #tpu.memory_space<vmem>>, %arg8: memref<128x32xf32, #tpu.memory_space<vmem>>, %arg9: memref<128x32xf32, #tpu.memory_space<vmem>>, %arg10: memref<!tpu.dma_semaphore, #tpu.memory_space<semaphore_mem>>, %arg11: memref<!tpu.dma_semaphore, #tpu.memory_space<semaphore_mem>>, %arg12: memref<!tpu.dma_semaphore, #tpu.memory_space<semaphore_mem>>, %arg13: memref<!tpu.dma_semaphore, #tpu.memory_space<semaphore_mem>>, %arg14: memref<!tpu.dma_semaphore, #tpu.memory_space<semaphore_mem>>, %arg15: memref<!tpu.dma_semaphore, #tpu.memory_space<semaphore_mem>>, %arg16: memref<!tpu.dma_semaphore, #tpu.memory_space<semaphore_mem>>, %arg17: memref<!tpu.dma_semaphore, #tpu.memory_space<semaphore_mem>>, %arg18: memref<10000x32xf32, #tpu.memory_space<vmem_shared>>) attributes {dimension_semantics = [#tpu.dimension_semantics<core_parallel>, #tpu.dimension_semantics<subcore_parallel>], iteration_bounds = array<i64: 2, 16>, scalar_prefetch = 0 : i64, scratch_operands = 14 : i64, tpu.core_type = #tpu.core_type<sc_vector_subcore>, window_params = [{transform_indices = #map}, {transform_indices = #map1}, {transform_indices = #map}]} {
    %mul3A = arith.constant 2 : i32
    %mul3A_0 = arith.muli %arg1, %mul3A : i32
    %add3A = arith.addi %mul3A_0, %arg0 : i32
    %mul3A_1 = arith.constant 40 : i32
    %mul3A_2 = arith.muli %add3A, %mul3A_1 : i32
    %mul3A_3 = arith.constant 625 : i32
    %mul3A_4 = arith.muli %arg1, %mul3A_3 : i32
    %mul3A_5 = arith.constant 625 : i32
    %mul3A_6 = arith.muli %arg1, %mul3A_5 : i32
    "tpu.region"() ({
      %run_scoped3A = tpu.sem_alloc : memref<!tpu.dma_semaphore, #tpu.memory_space<semaphore_mem>>
      %dma_start3A_82 = arith.constant 0 : i32
      %dma_start3A_83 = tpu.memref_slice %arg18[%mul3A_6, %dma_start3A_82] : memref<10000x32xf32, #tpu.memory_space<vmem_shared>> -> memref<625x32xf32, #tpu.memory_space<vmem_shared>>
      %dma_start3A_84 = arith.constant 0 : i32
      %dma_start3A_85 = tpu.memref_slice %arg2[%mul3A_4, %dma_start3A_84] : memref<10000x32xf32, #tpu.memory_space<hbm>> -> memref<625x32xf32, #tpu.memory_space<hbm>>
      tpu.enqueue_dma source(%dma_start3A_85 : memref<625x32xf32, #tpu.memory_space<hbm>>) target(%dma_start3A_83 : memref<625x32xf32, #tpu.memory_space<vmem_shared>>) target_semaphore(%run_scoped3A : memref<!tpu.dma_semaphore, #tpu.memory_space<semaphore_mem>>)
      %dma_wait3A_86 = arith.constant 0 : i32
      %dma_wait3A_87 = tpu.memref_slice %arg18[%mul3A_6, %dma_wait3A_86] : memref<10000x32xf32, #tpu.memory_space<vmem_shared>> -> memref<625x32xf32, #tpu.memory_space<vmem_shared>>
      %dma_wait3A_88 = arith.constant 0 : i32
      %dma_wait3A_89 = tpu.memref_slice %arg2[%mul3A_4, %dma_wait3A_88] : memref<10000x32xf32, #tpu.memory_space<hbm>> -> memref<625x32xf32, #tpu.memory_space<hbm>>
      tpu.wait_dma2 semaphore(%run_scoped3A : memref<!tpu.dma_semaphore, #tpu.memory_space<semaphore_mem>>) src(%dma_wait3A_89 : memref<625x32xf32, #tpu.memory_space<hbm>>) dst(%dma_wait3A_87 : memref<625x32xf32, #tpu.memory_space<vmem_shared>>)
      tpu.yield
    }) : () -> ()
    "tpu.region"() ({
      %run_scoped3A = tpu.sem_alloc : memref<!tpu.dma_semaphore, #tpu.memory_space<semaphore_mem>>
      %dma_start3A_82 = arith.constant 0 : i32
      %dma_start3A_83 = arith.constant 0 : i32
      %dma_start3A_84 = tpu.memref_slice %arg3[%add3A, %dma_start3A_82, %dma_start3A_83] : memref<32x40x128xi32, #tpu.memory_space<hbm>> -> memref<1x40x128xi32, #tpu.memory_space<hbm>>
      %dma_start3A_85 = tpu.memref_squeeze %dma_start3A_84 : memref<1x40x128xi32, #tpu.memory_space<hbm>> -> memref<40x128xi32, #tpu.memory_space<hbm>>
      %dma_start3A_86 = arith.constant 0 : i32
      %dma_start3A_87 = arith.constant 0 : i32
      %dma_start3A_88 = tpu.memref_slice %arg3[%add3A, %dma_start3A_86, %dma_start3A_87] : memref<32x40x128xi32, #tpu.memory_space<hbm>> -> memref<1x40x128xi32, #tpu.memory_space<hbm>>
      %dma_start3A_89 = tpu.memref_squeeze %dma_start3A_88 : memref<1x40x128xi32, #tpu.memory_space<hbm>> -> memref<40x128xi32, #tpu.memory_space<hbm>>
      tpu.enqueue_dma source(%dma_start3A_89 : memref<40x128xi32, #tpu.memory_space<hbm>>) target(%arg5 : memref<40x128xi32, #tpu.memory_space<vmem>>) target_semaphore(%run_scoped3A : memref<!tpu.dma_semaphore, #tpu.memory_space<semaphore_mem>>)
      %dma_wait3A_90 = arith.constant 0 : i32
      %dma_wait3A_91 = arith.constant 0 : i32
      %dma_wait3A_92 = tpu.memref_slice %arg3[%add3A, %dma_wait3A_90, %dma_wait3A_91] : memref<32x40x128xi32, #tpu.memory_space<hbm>> -> memref<1x40x128xi32, #tpu.memory_space<hbm>>
      %dma_wait3A_93 = tpu.memref_squeeze %dma_wait3A_92 : memref<1x40x128xi32, #tpu.memory_space<hbm>> -> memref<40x128xi32, #tpu.memory_space<hbm>>
      %dma_wait3A_94 = arith.constant 0 : i32
      %dma_wait3A_95 = arith.constant 0 : i32
      %dma_wait3A_96 = tpu.memref_slice %arg3[%add3A, %dma_wait3A_94, %dma_wait3A_95] : memref<32x40x128xi32, #tpu.memory_space<hbm>> -> memref<1x40x128xi32, #tpu.memory_space<hbm>>
      %dma_wait3A_97 = tpu.memref_squeeze %dma_wait3A_96 : memref<1x40x128xi32, #tpu.memory_space<hbm>> -> memref<40x128xi32, #tpu.memory_space<hbm>>
      tpu.wait_dma2 semaphore(%run_scoped3A : memref<!tpu.dma_semaphore, #tpu.memory_space<semaphore_mem>>) src(%dma_wait3A_97 : memref<40x128xi32, #tpu.memory_space<hbm>>) dst(%arg5 : memref<40x128xi32, #tpu.memory_space<vmem>>)
      tpu.yield
    }) : () -> ()
    %barrier3A = arith.constant 0 : index
    tpu.barrier barrier_id(%barrier3A)
    %dma_start3A = arith.constant 0 : i32
    %dma_start3A_7 = arith.constant 0 : i32
    %dma_start3A_8 = tpu.memref_slice %arg5[%dma_start3A, %dma_start3A_7] : memref<40x128xi32, #tpu.memory_space<vmem>> -> memref<1x128xi32, #tpu.memory_space<vmem>>
    %dma_start3A_9 = tpu.memref_squeeze %dma_start3A_8 : memref<1x128xi32, #tpu.memory_space<vmem>> -> memref<128xi32, #tpu.memory_space<vmem>>
    %dma_start3A_10 = arith.constant 0 : i32
    %dma_start3A_11 = arith.constant 0 : i32
    %dma_start3A_12 = tpu.memref_slice %arg18[%dma_start3A_10, %dma_start3A_11] : memref<10000x32xf32, #tpu.memory_space<vmem_shared>> -> memref<10000x32xf32, #tpu.memory_space<vmem_shared>>
    tpu.enqueue_indirect_dma source(%dma_start3A_12 : memref<10000x32xf32, #tpu.memory_space<vmem_shared>>) target(%arg6 : memref<128x32xf32, #tpu.memory_space<vmem>>) offsets(%dma_start3A_9 : memref<128xi32, #tpu.memory_space<vmem>>) semaphore(%arg10 : memref<!tpu.dma_semaphore, #tpu.memory_space<semaphore_mem>>)
    %dma_start3A_13 = arith.constant 1 : i32
    %dma_start3A_14 = arith.constant 0 : i32
    %dma_start3A_15 = tpu.memref_slice %arg5[%dma_start3A_13, %dma_start3A_14] : memref<40x128xi32, #tpu.memory_space<vmem>> -> memref<1x128xi32, #tpu.memory_space<vmem>>
    %dma_start3A_16 = tpu.memref_squeeze %dma_start3A_15 : memref<1x128xi32, #tpu.memory_space<vmem>> -> memref<128xi32, #tpu.memory_space<vmem>>
    %dma_start3A_17 = arith.constant 0 : i32
    %dma_start3A_18 = arith.constant 0 : i32
    %dma_start3A_19 = tpu.memref_slice %arg18[%dma_start3A_17, %dma_start3A_18] : memref<10000x32xf32, #tpu.memory_space<vmem_shared>> -> memref<10000x32xf32, #tpu.memory_space<vmem_shared>>
    tpu.enqueue_indirect_dma source(%dma_start3A_19 : memref<10000x32xf32, #tpu.memory_space<vmem_shared>>) target(%arg7 : memref<128x32xf32, #tpu.memory_space<vmem>>) offsets(%dma_start3A_16 : memref<128xi32, #tpu.memory_space<vmem>>) semaphore(%arg11 : memref<!tpu.dma_semaphore, #tpu.memory_space<semaphore_mem>>)
    %dma_start3A_20 = arith.constant 2 : i32
    %dma_start3A_21 = arith.constant 0 : i32
    %dma_start3A_22 = tpu.memref_slice %arg5[%dma_start3A_20, %dma_start3A_21] : memref<40x128xi32, #tpu.memory_space<vmem>> -> memref<1x128xi32, #tpu.memory_space<vmem>>
    %dma_start3A_23 = tpu.memref_squeeze %dma_start3A_22 : memref<1x128xi32, #tpu.memory_space<vmem>> -> memref<128xi32, #tpu.memory_space<vmem>>
    %dma_start3A_24 = arith.constant 0 : i32
    %dma_start3A_25 = arith.constant 0 : i32
    %dma_start3A_26 = tpu.memref_slice %arg18[%dma_start3A_24, %dma_start3A_25] : memref<10000x32xf32, #tpu.memory_space<vmem_shared>> -> memref<10000x32xf32, #tpu.memory_space<vmem_shared>>
    tpu.enqueue_indirect_dma source(%dma_start3A_26 : memref<10000x32xf32, #tpu.memory_space<vmem_shared>>) target(%arg8 : memref<128x32xf32, #tpu.memory_space<vmem>>) offsets(%dma_start3A_23 : memref<128xi32, #tpu.memory_space<vmem>>) semaphore(%arg12 : memref<!tpu.dma_semaphore, #tpu.memory_space<semaphore_mem>>)
    %dma_start3A_27 = arith.constant 3 : i32
    %dma_start3A_28 = arith.constant 0 : i32
    %dma_start3A_29 = tpu.memref_slice %arg5[%dma_start3A_27, %dma_start3A_28] : memref<40x128xi32, #tpu.memory_space<vmem>> -> memref<1x128xi32, #tpu.memory_space<vmem>>
    %dma_start3A_30 = tpu.memref_squeeze %dma_start3A_29 : memref<1x128xi32, #tpu.memory_space<vmem>> -> memref<128xi32, #tpu.memory_space<vmem>>
    %dma_start3A_31 = arith.constant 0 : i32
    %dma_start3A_32 = arith.constant 0 : i32
    %dma_start3A_33 = tpu.memref_slice %arg18[%dma_start3A_31, %dma_start3A_32] : memref<10000x32xf32, #tpu.memory_space<vmem_shared>> -> memref<10000x32xf32, #tpu.memory_space<vmem_shared>>
    tpu.enqueue_indirect_dma source(%dma_start3A_33 : memref<10000x32xf32, #tpu.memory_space<vmem_shared>>) target(%arg9 : memref<128x32xf32, #tpu.memory_space<vmem>>) offsets(%dma_start3A_30 : memref<128xi32, #tpu.memory_space<vmem>>) semaphore(%arg13 : memref<!tpu.dma_semaphore, #tpu.memory_space<semaphore_mem>>)
    %scan3A = arith.constant 0 : i32
    %scan3A_34 = arith.constant 0 : i32
    %scan3A_35 = arith.constant 9 : i32
    %scan3A_36 = arith.addi %scan3A_34, %scan3A_35 : i32
    %scan3A_37 = arith.constant 1 : i32
    scf.for %scan3A_82 = %scan3A_34 to %scan3A_36 step %scan3A_37  : i32 {
      %mul3A_83 = arith.constant 4 : i32
      %mul3A_84 = arith.muli %scan3A_82, %mul3A_83 : i32
      %add3A_85 = arith.constant 0 : i32
      %add3A_86 = arith.addi %mul3A_84, %add3A_85 : i32
      %add3A_87 = arith.addi %mul3A_2, %add3A_86 : i32
      %mul3A_88 = arith.constant 128 : i32
      %mul3A_89 = arith.muli %add3A_87, %mul3A_88 : i32
      %dma_wait3A_90 = arith.constant 0 : i32
      %dma_wait3A_91 = tpu.memref_slice %arg5[%add3A_86, %dma_wait3A_90] : memref<40x128xi32, #tpu.memory_space<vmem>> -> memref<1x128xi32, #tpu.memory_space<vmem>>
      %dma_wait3A_92 = tpu.memref_squeeze %dma_wait3A_91 : memref<1x128xi32, #tpu.memory_space<vmem>> -> memref<128xi32, #tpu.memory_space<vmem>>
      %dma_wait3A_93 = arith.constant 0 : i32
      %dma_wait3A_94 = arith.constant 0 : i32
      %dma_wait3A_95 = tpu.memref_slice %arg18[%dma_wait3A_93, %dma_wait3A_94] : memref<10000x32xf32, #tpu.memory_space<vmem_shared>> -> memref<10000x32xf32, #tpu.memory_space<vmem_shared>>
      tpu.wait_indirect_dma semaphore(%arg10 : memref<!tpu.dma_semaphore, #tpu.memory_space<semaphore_mem>>) src(%dma_wait3A_95 : memref<10000x32xf32, #tpu.memory_space<vmem_shared>>) dst(%arg6 : memref<128x32xf32, #tpu.memory_space<vmem>>)
      %dma_start3A_96 = arith.constant 0 : i32
      %dma_start3A_97 = tpu.memref_slice %arg4[%mul3A_89, %dma_start3A_96] : memref<163840x32xf32, #tpu.memory_space<hbm>> -> memref<128x32xf32, #tpu.memory_space<hbm>>
      %dma_start3A_98 = arith.constant 0 : i32
      %dma_start3A_99 = tpu.memref_slice %arg4[%mul3A_89, %dma_start3A_98] : memref<163840x32xf32, #tpu.memory_space<hbm>> -> memref<128x32xf32, #tpu.memory_space<hbm>>
      tpu.enqueue_dma source(%arg6 : memref<128x32xf32, #tpu.memory_space<vmem>>) target(%dma_start3A_99 : memref<128x32xf32, #tpu.memory_space<hbm>>) target_semaphore(%arg14 : memref<!tpu.dma_semaphore, #tpu.memory_space<semaphore_mem>>)
      %dma_wait3A_100 = arith.constant 0 : i32
      %dma_wait3A_101 = tpu.memref_slice %arg4[%mul3A_89, %dma_wait3A_100] : memref<163840x32xf32, #tpu.memory_space<hbm>> -> memref<128x32xf32, #tpu.memory_space<hbm>>
      %dma_wait3A_102 = arith.constant 0 : i32
      %dma_wait3A_103 = tpu.memref_slice %arg4[%mul3A_89, %dma_wait3A_102] : memref<163840x32xf32, #tpu.memory_space<hbm>> -> memref<128x32xf32, #tpu.memory_space<hbm>>
      tpu.wait_dma2 semaphore(%arg14 : memref<!tpu.dma_semaphore, #tpu.memory_space<semaphore_mem>>) src(%arg6 : memref<128x32xf32, #tpu.memory_space<vmem>>) dst(%dma_wait3A_103 : memref<128x32xf32, #tpu.memory_space<hbm>>)
      %add3A_104 = arith.constant 4 : i32
      %add3A_105 = arith.addi %add3A_86, %add3A_104 : i32
      %dma_start3A_106 = arith.constant 0 : i32
      %dma_start3A_107 = tpu.memref_slice %arg5[%add3A_105, %dma_start3A_106] : memref<40x128xi32, #tpu.memory_space<vmem>> -> memref<1x128xi32, #tpu.memory_space<vmem>>
      %dma_start3A_108 = tpu.memref_squeeze %dma_start3A_107 : memref<1x128xi32, #tpu.memory_space<vmem>> -> memref<128xi32, #tpu.memory_space<vmem>>
      %dma_start3A_109 = arith.constant 0 : i32
      %dma_start3A_110 = arith.constant 0 : i32
      %dma_start3A_111 = tpu.memref_slice %arg18[%dma_start3A_109, %dma_start3A_110] : memref<10000x32xf32, #tpu.memory_space<vmem_shared>> -> memref<10000x32xf32, #tpu.memory_space<vmem_shared>>
      tpu.enqueue_indirect_dma source(%dma_start3A_111 : memref<10000x32xf32, #tpu.memory_space<vmem_shared>>) target(%arg6 : memref<128x32xf32, #tpu.memory_space<vmem>>) offsets(%dma_start3A_108 : memref<128xi32, #tpu.memory_space<vmem>>) semaphore(%arg10 : memref<!tpu.dma_semaphore, #tpu.memory_space<semaphore_mem>>)
      %mul3A_112 = arith.constant 4 : i32
      %mul3A_113 = arith.muli %scan3A_82, %mul3A_112 : i32
      %add3A_114 = arith.constant 1 : i32
      %add3A_115 = arith.addi %mul3A_113, %add3A_114 : i32
      %add3A_116 = arith.addi %mul3A_2, %add3A_115 : i32
      %mul3A_117 = arith.constant 128 : i32
      %mul3A_118 = arith.muli %add3A_116, %mul3A_117 : i32
      %dma_wait3A_119 = arith.constant 0 : i32
      %dma_wait3A_120 = tpu.memref_slice %arg5[%add3A_115, %dma_wait3A_119] : memref<40x128xi32, #tpu.memory_space<vmem>> -> memref<1x128xi32, #tpu.memory_space<vmem>>
      %dma_wait3A_121 = tpu.memref_squeeze %dma_wait3A_120 : memref<1x128xi32, #tpu.memory_space<vmem>> -> memref<128xi32, #tpu.memory_space<vmem>>
      %dma_wait3A_122 = arith.constant 0 : i32
      %dma_wait3A_123 = arith.constant 0 : i32
      %dma_wait3A_124 = tpu.memref_slice %arg18[%dma_wait3A_122, %dma_wait3A_123] : memref<10000x32xf32, #tpu.memory_space<vmem_shared>> -> memref<10000x32xf32, #tpu.memory_space<vmem_shared>>
      tpu.wait_indirect_dma semaphore(%arg11 : memref<!tpu.dma_semaphore, #tpu.memory_space<semaphore_mem>>) src(%dma_wait3A_124 : memref<10000x32xf32, #tpu.memory_space<vmem_shared>>) dst(%arg7 : memref<128x32xf32, #tpu.memory_space<vmem>>)
      %dma_start3A_125 = arith.constant 0 : i32
      %dma_start3A_126 = tpu.memref_slice %arg4[%mul3A_118, %dma_start3A_125] : memref<163840x32xf32, #tpu.memory_space<hbm>> -> memref<128x32xf32, #tpu.memory_space<hbm>>
      %dma_start3A_127 = arith.constant 0 : i32
      %dma_start3A_128 = tpu.memref_slice %arg4[%mul3A_118, %dma_start3A_127] : memref<163840x32xf32, #tpu.memory_space<hbm>> -> memref<128x32xf32, #tpu.memory_space<hbm>>
      tpu.enqueue_dma source(%arg7 : memref<128x32xf32, #tpu.memory_space<vmem>>) target(%dma_start3A_128 : memref<128x32xf32, #tpu.memory_space<hbm>>) target_semaphore(%arg15 : memref<!tpu.dma_semaphore, #tpu.memory_space<semaphore_mem>>)
      %dma_wait3A_129 = arith.constant 0 : i32
      %dma_wait3A_130 = tpu.memref_slice %arg4[%mul3A_118, %dma_wait3A_129] : memref<163840x32xf32, #tpu.memory_space<hbm>> -> memref<128x32xf32, #tpu.memory_space<hbm>>
      %dma_wait3A_131 = arith.constant 0 : i32
      %dma_wait3A_132 = tpu.memref_slice %arg4[%mul3A_118, %dma_wait3A_131] : memref<163840x32xf32, #tpu.memory_space<hbm>> -> memref<128x32xf32, #tpu.memory_space<hbm>>
      tpu.wait_dma2 semaphore(%arg15 : memref<!tpu.dma_semaphore, #tpu.memory_space<semaphore_mem>>) src(%arg7 : memref<128x32xf32, #tpu.memory_space<vmem>>) dst(%dma_wait3A_132 : memref<128x32xf32, #tpu.memory_space<hbm>>)
      %add3A_133 = arith.constant 4 : i32
      %add3A_134 = arith.addi %add3A_115, %add3A_133 : i32
      %dma_start3A_135 = arith.constant 0 : i32
      %dma_start3A_136 = tpu.memref_slice %arg5[%add3A_134, %dma_start3A_135] : memref<40x128xi32, #tpu.memory_space<vmem>> -> memref<1x128xi32, #tpu.memory_space<vmem>>
      %dma_start3A_137 = tpu.memref_squeeze %dma_start3A_136 : memref<1x128xi32, #tpu.memory_space<vmem>> -> memref<128xi32, #tpu.memory_space<vmem>>
      %dma_start3A_138 = arith.constant 0 : i32
      %dma_start3A_139 = arith.constant 0 : i32
      %dma_start3A_140 = tpu.memref_slice %arg18[%dma_start3A_138, %dma_start3A_139] : memref<10000x32xf32, #tpu.memory_space<vmem_shared>> -> memref<10000x32xf32, #tpu.memory_space<vmem_shared>>
      tpu.enqueue_indirect_dma source(%dma_start3A_140 : memref<10000x32xf32, #tpu.memory_space<vmem_shared>>) target(%arg7 : memref<128x32xf32, #tpu.memory_space<vmem>>) offsets(%dma_start3A_137 : memref<128xi32, #tpu.memory_space<vmem>>) semaphore(%arg11 : memref<!tpu.dma_semaphore, #tpu.memory_space<semaphore_mem>>)
      %mul3A_141 = arith.constant 4 : i32
      %mul3A_142 = arith.muli %scan3A_82, %mul3A_141 : i32
      %add3A_143 = arith.constant 2 : i32
      %add3A_144 = arith.addi %mul3A_142, %add3A_143 : i32
      %add3A_145 = arith.addi %mul3A_2, %add3A_144 : i32
      %mul3A_146 = arith.constant 128 : i32
      %mul3A_147 = arith.muli %add3A_145, %mul3A_146 : i32
      %dma_wait3A_148 = arith.constant 0 : i32
      %dma_wait3A_149 = tpu.memref_slice %arg5[%add3A_144, %dma_wait3A_148] : memref<40x128xi32, #tpu.memory_space<vmem>> -> memref<1x128xi32, #tpu.memory_space<vmem>>
      %dma_wait3A_150 = tpu.memref_squeeze %dma_wait3A_149 : memref<1x128xi32, #tpu.memory_space<vmem>> -> memref<128xi32, #tpu.memory_space<vmem>>
      %dma_wait3A_151 = arith.constant 0 : i32
      %dma_wait3A_152 = arith.constant 0 : i32
      %dma_wait3A_153 = tpu.memref_slice %arg18[%dma_wait3A_151, %dma_wait3A_152] : memref<10000x32xf32, #tpu.memory_space<vmem_shared>> -> memref<10000x32xf32, #tpu.memory_space<vmem_shared>>
      tpu.wait_indirect_dma semaphore(%arg12 : memref<!tpu.dma_semaphore, #tpu.memory_space<semaphore_mem>>) src(%dma_wait3A_153 : memref<10000x32xf32, #tpu.memory_space<vmem_shared>>) dst(%arg8 : memref<128x32xf32, #tpu.memory_space<vmem>>)
      %dma_start3A_154 = arith.constant 0 : i32
      %dma_start3A_155 = tpu.memref_slice %arg4[%mul3A_147, %dma_start3A_154] : memref<163840x32xf32, #tpu.memory_space<hbm>> -> memref<128x32xf32, #tpu.memory_space<hbm>>
      %dma_start3A_156 = arith.constant 0 : i32
      %dma_start3A_157 = tpu.memref_slice %arg4[%mul3A_147, %dma_start3A_156] : memref<163840x32xf32, #tpu.memory_space<hbm>> -> memref<128x32xf32, #tpu.memory_space<hbm>>
      tpu.enqueue_dma source(%arg8 : memref<128x32xf32, #tpu.memory_space<vmem>>) target(%dma_start3A_157 : memref<128x32xf32, #tpu.memory_space<hbm>>) target_semaphore(%arg16 : memref<!tpu.dma_semaphore, #tpu.memory_space<semaphore_mem>>)
      %dma_wait3A_158 = arith.constant 0 : i32
      %dma_wait3A_159 = tpu.memref_slice %arg4[%mul3A_147, %dma_wait3A_158] : memref<163840x32xf32, #tpu.memory_space<hbm>> -> memref<128x32xf32, #tpu.memory_space<hbm>>
      %dma_wait3A_160 = arith.constant 0 : i32
      %dma_wait3A_161 = tpu.memref_slice %arg4[%mul3A_147, %dma_wait3A_160] : memref<163840x32xf32, #tpu.memory_space<hbm>> -> memref<128x32xf32, #tpu.memory_space<hbm>>
      tpu.wait_dma2 semaphore(%arg16 : memref<!tpu.dma_semaphore, #tpu.memory_space<semaphore_mem>>) src(%arg8 : memref<128x32xf32, #tpu.memory_space<vmem>>) dst(%dma_wait3A_161 : memref<128x32xf32, #tpu.memory_space<hbm>>)
      %add3A_162 = arith.constant 4 : i32
      %add3A_163 = arith.addi %add3A_144, %add3A_162 : i32
      %dma_start3A_164 = arith.constant 0 : i32
      %dma_start3A_165 = tpu.memref_slice %arg5[%add3A_163, %dma_start3A_164] : memref<40x128xi32, #tpu.memory_space<vmem>> -> memref<1x128xi32, #tpu.memory_space<vmem>>
      %dma_start3A_166 = tpu.memref_squeeze %dma_start3A_165 : memref<1x128xi32, #tpu.memory_space<vmem>> -> memref<128xi32, #tpu.memory_space<vmem>>
      %dma_start3A_167 = arith.constant 0 : i32
      %dma_start3A_168 = arith.constant 0 : i32
      %dma_start3A_169 = tpu.memref_slice %arg18[%dma_start3A_167, %dma_start3A_168] : memref<10000x32xf32, #tpu.memory_space<vmem_shared>> -> memref<10000x32xf32, #tpu.memory_space<vmem_shared>>
      tpu.enqueue_indirect_dma source(%dma_start3A_169 : memref<10000x32xf32, #tpu.memory_space<vmem_shared>>) target(%arg8 : memref<128x32xf32, #tpu.memory_space<vmem>>) offsets(%dma_start3A_166 : memref<128xi32, #tpu.memory_space<vmem>>) semaphore(%arg12 : memref<!tpu.dma_semaphore, #tpu.memory_space<semaphore_mem>>)
      %mul3A_170 = arith.constant 4 : i32
      %mul3A_171 = arith.muli %scan3A_82, %mul3A_170 : i32
      %add3A_172 = arith.constant 3 : i32
      %add3A_173 = arith.addi %mul3A_171, %add3A_172 : i32
      %add3A_174 = arith.addi %mul3A_2, %add3A_173 : i32
      %mul3A_175 = arith.constant 128 : i32
      %mul3A_176 = arith.muli %add3A_174, %mul3A_175 : i32
      %dma_wait3A_177 = arith.constant 0 : i32
      %dma_wait3A_178 = tpu.memref_slice %arg5[%add3A_173, %dma_wait3A_177] : memref<40x128xi32, #tpu.memory_space<vmem>> -> memref<1x128xi32, #tpu.memory_space<vmem>>
      %dma_wait3A_179 = tpu.memref_squeeze %dma_wait3A_178 : memref<1x128xi32, #tpu.memory_space<vmem>> -> memref<128xi32, #tpu.memory_space<vmem>>
      %dma_wait3A_180 = arith.constant 0 : i32
      %dma_wait3A_181 = arith.constant 0 : i32
      %dma_wait3A_182 = tpu.memref_slice %arg18[%dma_wait3A_180, %dma_wait3A_181] : memref<10000x32xf32, #tpu.memory_space<vmem_shared>> -> memref<10000x32xf32, #tpu.memory_space<vmem_shared>>
      tpu.wait_indirect_dma semaphore(%arg13 : memref<!tpu.dma_semaphore, #tpu.memory_space<semaphore_mem>>) src(%dma_wait3A_182 : memref<10000x32xf32, #tpu.memory_space<vmem_shared>>) dst(%arg9 : memref<128x32xf32, #tpu.memory_space<vmem>>)
      %dma_start3A_183 = arith.constant 0 : i32
      %dma_start3A_184 = tpu.memref_slice %arg4[%mul3A_176, %dma_start3A_183] : memref<163840x32xf32, #tpu.memory_space<hbm>> -> memref<128x32xf32, #tpu.memory_space<hbm>>
      %dma_start3A_185 = arith.constant 0 : i32
      %dma_start3A_186 = tpu.memref_slice %arg4[%mul3A_176, %dma_start3A_185] : memref<163840x32xf32, #tpu.memory_space<hbm>> -> memref<128x32xf32, #tpu.memory_space<hbm>>
      tpu.enqueue_dma source(%arg9 : memref<128x32xf32, #tpu.memory_space<vmem>>) target(%dma_start3A_186 : memref<128x32xf32, #tpu.memory_space<hbm>>) target_semaphore(%arg17 : memref<!tpu.dma_semaphore, #tpu.memory_space<semaphore_mem>>)
      %dma_wait3A_187 = arith.constant 0 : i32
      %dma_wait3A_188 = tpu.memref_slice %arg4[%mul3A_176, %dma_wait3A_187] : memref<163840x32xf32, #tpu.memory_space<hbm>> -> memref<128x32xf32, #tpu.memory_space<hbm>>
      %dma_wait3A_189 = arith.constant 0 : i32
      %dma_wait3A_190 = tpu.memref_slice %arg4[%mul3A_176, %dma_wait3A_189] : memref<163840x32xf32, #tpu.memory_space<hbm>> -> memref<128x32xf32, #tpu.memory_space<hbm>>
      tpu.wait_dma2 semaphore(%arg17 : memref<!tpu.dma_semaphore, #tpu.memory_space<semaphore_mem>>) src(%arg9 : memref<128x32xf32, #tpu.memory_space<vmem>>) dst(%dma_wait3A_190 : memref<128x32xf32, #tpu.memory_space<hbm>>)
      %add3A_191 = arith.constant 4 : i32
      %add3A_192 = arith.addi %add3A_173, %add3A_191 : i32
      %dma_start3A_193 = arith.constant 0 : i32
      %dma_start3A_194 = tpu.memref_slice %arg5[%add3A_192, %dma_start3A_193] : memref<40x128xi32, #tpu.memory_space<vmem>> -> memref<1x128xi32, #tpu.memory_space<vmem>>
      %dma_start3A_195 = tpu.memref_squeeze %dma_start3A_194 : memref<1x128xi32, #tpu.memory_space<vmem>> -> memref<128xi32, #tpu.memory_space<vmem>>
      %dma_start3A_196 = arith.constant 0 : i32
      %dma_start3A_197 = arith.constant 0 : i32
      %dma_start3A_198 = tpu.memref_slice %arg18[%dma_start3A_196, %dma_start3A_197] : memref<10000x32xf32, #tpu.memory_space<vmem_shared>> -> memref<10000x32xf32, #tpu.memory_space<vmem_shared>>
      tpu.enqueue_indirect_dma source(%dma_start3A_198 : memref<10000x32xf32, #tpu.memory_space<vmem_shared>>) target(%arg9 : memref<128x32xf32, #tpu.memory_space<vmem>>) offsets(%dma_start3A_195 : memref<128xi32, #tpu.memory_space<vmem>>) semaphore(%arg13 : memref<!tpu.dma_semaphore, #tpu.memory_space<semaphore_mem>>)
    }
    %scan3A_38 = arith.constant 9 : i32
    %dma_wait3A = arith.constant 36 : i32
    %dma_wait3A_39 = arith.constant 0 : i32
    %dma_wait3A_40 = tpu.memref_slice %arg5[%dma_wait3A, %dma_wait3A_39] : memref<40x128xi32, #tpu.memory_space<vmem>> -> memref<1x128xi32, #tpu.memory_space<vmem>>
    %dma_wait3A_41 = tpu.memref_squeeze %dma_wait3A_40 : memref<1x128xi32, #tpu.memory_space<vmem>> -> memref<128xi32, #tpu.memory_space<vmem>>
    %dma_wait3A_42 = arith.constant 0 : i32
    %dma_wait3A_43 = arith.constant 0 : i32
    %dma_wait3A_44 = tpu.memref_slice %arg18[%dma_wait3A_42, %dma_wait3A_43] : memref<10000x32xf32, #tpu.memory_space<vmem_shared>> -> memref<10000x32xf32, #tpu.memory_space<vmem_shared>>
    tpu.wait_indirect_dma semaphore(%arg10 : memref<!tpu.dma_semaphore, #tpu.memory_space<semaphore_mem>>) src(%dma_wait3A_44 : memref<10000x32xf32, #tpu.memory_space<vmem_shared>>) dst(%arg6 : memref<128x32xf32, #tpu.memory_space<vmem>>)
    %add3A_45 = arith.constant 36 : i32
    %add3A_46 = arith.addi %mul3A_2, %add3A_45 : i32
    %mul3A_47 = arith.constant 128 : i32
    %mul3A_48 = arith.muli %add3A_46, %mul3A_47 : i32
    "tpu.region"() ({
      %run_scoped3A = tpu.sem_alloc : memref<!tpu.dma_semaphore, #tpu.memory_space<semaphore_mem>>
      %dma_start3A_82 = arith.constant 0 : i32
      %dma_start3A_83 = tpu.memref_slice %arg4[%mul3A_48, %dma_start3A_82] : memref<163840x32xf32, #tpu.memory_space<hbm>> -> memref<128x32xf32, #tpu.memory_space<hbm>>
      %dma_start3A_84 = arith.constant 0 : i32
      %dma_start3A_85 = tpu.memref_slice %arg4[%mul3A_48, %dma_start3A_84] : memref<163840x32xf32, #tpu.memory_space<hbm>> -> memref<128x32xf32, #tpu.memory_space<hbm>>
      tpu.enqueue_dma source(%arg6 : memref<128x32xf32, #tpu.memory_space<vmem>>) target(%dma_start3A_85 : memref<128x32xf32, #tpu.memory_space<hbm>>) target_semaphore(%run_scoped3A : memref<!tpu.dma_semaphore, #tpu.memory_space<semaphore_mem>>)
      %dma_wait3A_86 = arith.constant 0 : i32
      %dma_wait3A_87 = tpu.memref_slice %arg4[%mul3A_48, %dma_wait3A_86] : memref<163840x32xf32, #tpu.memory_space<hbm>> -> memref<128x32xf32, #tpu.memory_space<hbm>>
      %dma_wait3A_88 = arith.constant 0 : i32
      %dma_wait3A_89 = tpu.memref_slice %arg4[%mul3A_48, %dma_wait3A_88] : memref<163840x32xf32, #tpu.memory_space<hbm>> -> memref<128x32xf32, #tpu.memory_space<hbm>>
      tpu.wait_dma2 semaphore(%run_scoped3A : memref<!tpu.dma_semaphore, #tpu.memory_space<semaphore_mem>>) src(%arg6 : memref<128x32xf32, #tpu.memory_space<vmem>>) dst(%dma_wait3A_89 : memref<128x32xf32, #tpu.memory_space<hbm>>)
      tpu.yield
    }) : () -> ()
    %dma_wait3A_49 = arith.constant 37 : i32
    %dma_wait3A_50 = arith.constant 0 : i32
    %dma_wait3A_51 = tpu.memref_slice %arg5[%dma_wait3A_49, %dma_wait3A_50] : memref<40x128xi32, #tpu.memory_space<vmem>> -> memref<1x128xi32, #tpu.memory_space<vmem>>
    %dma_wait3A_52 = tpu.memref_squeeze %dma_wait3A_51 : memref<1x128xi32, #tpu.memory_space<vmem>> -> memref<128xi32, #tpu.memory_space<vmem>>
    %dma_wait3A_53 = arith.constant 0 : i32
    %dma_wait3A_54 = arith.constant 0 : i32
    %dma_wait3A_55 = tpu.memref_slice %arg18[%dma_wait3A_53, %dma_wait3A_54] : memref<10000x32xf32, #tpu.memory_space<vmem_shared>> -> memref<10000x32xf32, #tpu.memory_space<vmem_shared>>
    tpu.wait_indirect_dma semaphore(%arg11 : memref<!tpu.dma_semaphore, #tpu.memory_space<semaphore_mem>>) src(%dma_wait3A_55 : memref<10000x32xf32, #tpu.memory_space<vmem_shared>>) dst(%arg7 : memref<128x32xf32, #tpu.memory_space<vmem>>)
    %add3A_56 = arith.constant 37 : i32
    %add3A_57 = arith.addi %mul3A_2, %add3A_56 : i32
    %mul3A_58 = arith.constant 128 : i32
    %mul3A_59 = arith.muli %add3A_57, %mul3A_58 : i32
    "tpu.region"() ({
      %run_scoped3A = tpu.sem_alloc : memref<!tpu.dma_semaphore, #tpu.memory_space<semaphore_mem>>
      %dma_start3A_82 = arith.constant 0 : i32
      %dma_start3A_83 = tpu.memref_slice %arg4[%mul3A_59, %dma_start3A_82] : memref<163840x32xf32, #tpu.memory_space<hbm>> -> memref<128x32xf32, #tpu.memory_space<hbm>>
      %dma_start3A_84 = arith.constant 0 : i32
      %dma_start3A_85 = tpu.memref_slice %arg4[%mul3A_59, %dma_start3A_84] : memref<163840x32xf32, #tpu.memory_space<hbm>> -> memref<128x32xf32, #tpu.memory_space<hbm>>
      tpu.enqueue_dma source(%arg7 : memref<128x32xf32, #tpu.memory_space<vmem>>) target(%dma_start3A_85 : memref<128x32xf32, #tpu.memory_space<hbm>>) target_semaphore(%run_scoped3A : memref<!tpu.dma_semaphore, #tpu.memory_space<semaphore_mem>>)
      %dma_wait3A_86 = arith.constant 0 : i32
      %dma_wait3A_87 = tpu.memref_slice %arg4[%mul3A_59, %dma_wait3A_86] : memref<163840x32xf32, #tpu.memory_space<hbm>> -> memref<128x32xf32, #tpu.memory_space<hbm>>
      %dma_wait3A_88 = arith.constant 0 : i32
      %dma_wait3A_89 = tpu.memref_slice %arg4[%mul3A_59, %dma_wait3A_88] : memref<163840x32xf32, #tpu.memory_space<hbm>> -> memref<128x32xf32, #tpu.memory_space<hbm>>
      tpu.wait_dma2 semaphore(%run_scoped3A : memref<!tpu.dma_semaphore, #tpu.memory_space<semaphore_mem>>) src(%arg7 : memref<128x32xf32, #tpu.memory_space<vmem>>) dst(%dma_wait3A_89 : memref<128x32xf32, #tpu.memory_space<hbm>>)
      tpu.yield
    }) : () -> ()
    %dma_wait3A_60 = arith.constant 38 : i32
    %dma_wait3A_61 = arith.constant 0 : i32
    %dma_wait3A_62 = tpu.memref_slice %arg5[%dma_wait3A_60, %dma_wait3A_61] : memref<40x128xi32, #tpu.memory_space<vmem>> -> memref<1x128xi32, #tpu.memory_space<vmem>>
    %dma_wait3A_63 = tpu.memref_squeeze %dma_wait3A_62 : memref<1x128xi32, #tpu.memory_space<vmem>> -> memref<128xi32, #tpu.memory_space<vmem>>
    %dma_wait3A_64 = arith.constant 0 : i32
    %dma_wait3A_65 = arith.constant 0 : i32
    %dma_wait3A_66 = tpu.memref_slice %arg18[%dma_wait3A_64, %dma_wait3A_65] : memref<10000x32xf32, #tpu.memory_space<vmem_shared>> -> memref<10000x32xf32, #tpu.memory_space<vmem_shared>>
    tpu.wait_indirect_dma semaphore(%arg12 : memref<!tpu.dma_semaphore, #tpu.memory_space<semaphore_mem>>) src(%dma_wait3A_66 : memref<10000x32xf32, #tpu.memory_space<vmem_shared>>) dst(%arg8 : memref<128x32xf32, #tpu.memory_space<vmem>>)
    %add3A_67 = arith.constant 38 : i32
    %add3A_68 = arith.addi %mul3A_2, %add3A_67 : i32
    %mul3A_69 = arith.constant 128 : i32
    %mul3A_70 = arith.muli %add3A_68, %mul3A_69 : i32
    "tpu.region"() ({
      %run_scoped3A = tpu.sem_alloc : memref<!tpu.dma_semaphore, #tpu.memory_space<semaphore_mem>>
      %dma_start3A_82 = arith.constant 0 : i32
      %dma_start3A_83 = tpu.memref_slice %arg4[%mul3A_70, %dma_start3A_82] : memref<163840x32xf32, #tpu.memory_space<hbm>> -> memref<128x32xf32, #tpu.memory_space<hbm>>
      %dma_start3A_84 = arith.constant 0 : i32
      %dma_start3A_85 = tpu.memref_slice %arg4[%mul3A_70, %dma_start3A_84] : memref<163840x32xf32, #tpu.memory_space<hbm>> -> memref<128x32xf32, #tpu.memory_space<hbm>>
      tpu.enqueue_dma source(%arg8 : memref<128x32xf32, #tpu.memory_space<vmem>>) target(%dma_start3A_85 : memref<128x32xf32, #tpu.memory_space<hbm>>) target_semaphore(%run_scoped3A : memref<!tpu.dma_semaphore, #tpu.memory_space<semaphore_mem>>)
      %dma_wait3A_86 = arith.constant 0 : i32
      %dma_wait3A_87 = tpu.memref_slice %arg4[%mul3A_70, %dma_wait3A_86] : memref<163840x32xf32, #tpu.memory_space<hbm>> -> memref<128x32xf32, #tpu.memory_space<hbm>>
      %dma_wait3A_88 = arith.constant 0 : i32
      %dma_wait3A_89 = tpu.memref_slice %arg4[%mul3A_70, %dma_wait3A_88] : memref<163840x32xf32, #tpu.memory_space<hbm>> -> memref<128x32xf32, #tpu.memory_space<hbm>>
      tpu.wait_dma2 semaphore(%run_scoped3A : memref<!tpu.dma_semaphore, #tpu.memory_space<semaphore_mem>>) src(%arg8 : memref<128x32xf32, #tpu.memory_space<vmem>>) dst(%dma_wait3A_89 : memref<128x32xf32, #tpu.memory_space<hbm>>)
      tpu.yield
    }) : () -> ()
    %dma_wait3A_71 = arith.constant 39 : i32
    %dma_wait3A_72 = arith.constant 0 : i32
    %dma_wait3A_73 = tpu.memref_slice %arg5[%dma_wait3A_71, %dma_wait3A_72] : memref<40x128xi32, #tpu.memory_space<vmem>> -> memref<1x128xi32, #tpu.memory_space<vmem>>
    %dma_wait3A_74 = tpu.memref_squeeze %dma_wait3A_73 : memref<1x128xi32, #tpu.memory_space<vmem>> -> memref<128xi32, #tpu.memory_space<vmem>>
    %dma_wait3A_75 = arith.constant 0 : i32
    %dma_wait3A_76 = arith.constant 0 : i32
    %dma_wait3A_77 = tpu.memref_slice %arg18[%dma_wait3A_75, %dma_wait3A_76] : memref<10000x32xf32, #tpu.memory_space<vmem_shared>> -> memref<10000x32xf32, #tpu.memory_space<vmem_shared>>
    tpu.wait_indirect_dma semaphore(%arg13 : memref<!tpu.dma_semaphore, #tpu.memory_space<semaphore_mem>>) src(%dma_wait3A_77 : memref<10000x32xf32, #tpu.memory_space<vmem_shared>>) dst(%arg9 : memref<128x32xf32, #tpu.memory_space<vmem>>)
    %add3A_78 = arith.constant 39 : i32
    %add3A_79 = arith.addi %mul3A_2, %add3A_78 : i32
    %mul3A_80 = arith.constant 128 : i32
    %mul3A_81 = arith.muli %add3A_79, %mul3A_80 : i32
    "tpu.region"() ({
      %run_scoped3A = tpu.sem_alloc : memref<!tpu.dma_semaphore, #tpu.memory_space<semaphore_mem>>
      %dma_start3A_82 = arith.constant 0 : i32
      %dma_start3A_83 = tpu.memref_slice %arg4[%mul3A_81, %dma_start3A_82] : memref<163840x32xf32, #tpu.memory_space<hbm>> -> memref<128x32xf32, #tpu.memory_space<hbm>>
      %dma_start3A_84 = arith.constant 0 : i32
      %dma_start3A_85 = tpu.memref_slice %arg4[%mul3A_81, %dma_start3A_84] : memref<163840x32xf32, #tpu.memory_space<hbm>> -> memref<128x32xf32, #tpu.memory_space<hbm>>
      tpu.enqueue_dma source(%arg9 : memref<128x32xf32, #tpu.memory_space<vmem>>) target(%dma_start3A_85 : memref<128x32xf32, #tpu.memory_space<hbm>>) target_semaphore(%run_scoped3A : memref<!tpu.dma_semaphore, #tpu.memory_space<semaphore_mem>>)
      %dma_wait3A_86 = arith.constant 0 : i32
      %dma_wait3A_87 = tpu.memref_slice %arg4[%mul3A_81, %dma_wait3A_86] : memref<163840x32xf32, #tpu.memory_space<hbm>> -> memref<128x32xf32, #tpu.memory_space<hbm>>
      %dma_wait3A_88 = arith.constant 0 : i32
      %dma_wait3A_89 = tpu.memref_slice %arg4[%mul3A_81, %dma_wait3A_88] : memref<163840x32xf32, #tpu.memory_space<hbm>> -> memref<128x32xf32, #tpu.memory_space<hbm>>
      tpu.wait_dma2 semaphore(%run_scoped3A : memref<!tpu.dma_semaphore, #tpu.memory_space<semaphore_mem>>) src(%arg9 : memref<128x32xf32, #tpu.memory_space<vmem>>) dst(%dma_wait3A_89 : memref<128x32xf32, #tpu.memory_space<hbm>>)
      tpu.yield
    }) : () -> ()
    return
  }
}

#map = affine_map<(d0, d1) -> (0, 0)>
#map1 = affine_map<(d0, d1) -> (0, 0, 0)>
module attributes {stable_mosaic.version = 14 : i64} {
  func.func @scatter_k(%arg0: i32, %arg1: i32, %arg2: memref<163840x32xf32, #tpu.memory_space<hbm>>, %arg3: memref<32x40x128xi32, #tpu.memory_space<hbm>>, %arg4: memref<632x32xf32, #tpu.memory_space<hbm>>, %arg5: memref<2x10112x32xf32, #tpu.memory_space<hbm>>, %arg6: memref<40x128xi32, #tpu.memory_space<vmem>>, %arg7: memref<128x32xf32, #tpu.memory_space<vmem>>, %arg8: memref<128x32xf32, #tpu.memory_space<vmem>>, %arg9: memref<128x32xf32, #tpu.memory_space<vmem>>, %arg10: memref<128x32xf32, #tpu.memory_space<vmem>>, %arg11: memref<!tpu.dma_semaphore, #tpu.memory_space<semaphore_mem>>, %arg12: memref<!tpu.dma_semaphore, #tpu.memory_space<semaphore_mem>>, %arg13: memref<!tpu.dma_semaphore, #tpu.memory_space<semaphore_mem>>, %arg14: memref<!tpu.dma_semaphore, #tpu.memory_space<semaphore_mem>>, %arg15: memref<!tpu.dma_semaphore, #tpu.memory_space<semaphore_mem>>, %arg16: memref<!tpu.dma_semaphore, #tpu.memory_space<semaphore_mem>>, %arg17: memref<!tpu.dma_semaphore, #tpu.memory_space<semaphore_mem>>, %arg18: memref<!tpu.dma_semaphore, #tpu.memory_space<semaphore_mem>>, %arg19: memref<10112x32xf32, #tpu.memory_space<vmem_shared>>) attributes {dimension_semantics = [#tpu.dimension_semantics<core_parallel>, #tpu.dimension_semantics<subcore_parallel>], iteration_bounds = array<i64: 2, 16>, scalar_prefetch = 0 : i64, scratch_operands = 14 : i64, tpu.core_type = #tpu.core_type<sc_vector_subcore>, window_params = [{transform_indices = #map}, {transform_indices = #map1}, {transform_indices = #map}, {transform_indices = #map1}]} {
    %mul3A = arith.constant 2 : i32
    %mul3A_0 = arith.muli %arg1, %mul3A : i32
    %add3A = arith.addi %mul3A_0, %arg0 : i32
    %mul3A_1 = arith.constant 40 : i32
    %mul3A_2 = arith.muli %add3A, %mul3A_1 : i32
    %mul3A_3 = arith.constant 632 : i32
    %mul3A_4 = arith.muli %arg1, %mul3A_3 : i32
    "tpu.region"() ({
      %run_scoped3A_78 = tpu.sem_alloc : memref<!tpu.dma_semaphore, #tpu.memory_space<semaphore_mem>>
      %dma_start3A_79 = arith.constant 0 : i32
      %dma_start3A_80 = tpu.memref_slice %arg19[%mul3A_4, %dma_start3A_79] : memref<10112x32xf32, #tpu.memory_space<vmem_shared>> -> memref<632x32xf32, #tpu.memory_space<vmem_shared>>
      tpu.enqueue_dma source(%arg4 : memref<632x32xf32, #tpu.memory_space<hbm>>) target(%dma_start3A_80 : memref<632x32xf32, #tpu.memory_space<vmem_shared>>) target_semaphore(%run_scoped3A_78 : memref<!tpu.dma_semaphore, #tpu.memory_space<semaphore_mem>>)
      %dma_wait3A_81 = arith.constant 0 : i32
      %dma_wait3A_82 = tpu.memref_slice %arg19[%mul3A_4, %dma_wait3A_81] : memref<10112x32xf32, #tpu.memory_space<vmem_shared>> -> memref<632x32xf32, #tpu.memory_space<vmem_shared>>
      tpu.wait_dma2 semaphore(%run_scoped3A_78 : memref<!tpu.dma_semaphore, #tpu.memory_space<semaphore_mem>>) src(%arg4 : memref<632x32xf32, #tpu.memory_space<hbm>>) dst(%dma_wait3A_82 : memref<632x32xf32, #tpu.memory_space<vmem_shared>>)
      tpu.yield
    }) : () -> ()
    "tpu.region"() ({
      %run_scoped3A_78 = tpu.sem_alloc : memref<!tpu.dma_semaphore, #tpu.memory_space<semaphore_mem>>
      %dma_start3A_79 = arith.constant 0 : i32
      %dma_start3A_80 = arith.constant 0 : i32
      %dma_start3A_81 = tpu.memref_slice %arg3[%add3A, %dma_start3A_79, %dma_start3A_80] : memref<32x40x128xi32, #tpu.memory_space<hbm>> -> memref<1x40x128xi32, #tpu.memory_space<hbm>>
      %dma_start3A_82 = tpu.memref_squeeze %dma_start3A_81 : memref<1x40x128xi32, #tpu.memory_space<hbm>> -> memref<40x128xi32, #tpu.memory_space<hbm>>
      %dma_start3A_83 = arith.constant 0 : i32
      %dma_start3A_84 = arith.constant 0 : i32
      %dma_start3A_85 = tpu.memref_slice %arg3[%add3A, %dma_start3A_83, %dma_start3A_84] : memref<32x40x128xi32, #tpu.memory_space<hbm>> -> memref<1x40x128xi32, #tpu.memory_space<hbm>>
      %dma_start3A_86 = tpu.memref_squeeze %dma_start3A_85 : memref<1x40x128xi32, #tpu.memory_space<hbm>> -> memref<40x128xi32, #tpu.memory_space<hbm>>
      tpu.enqueue_dma source(%dma_start3A_86 : memref<40x128xi32, #tpu.memory_space<hbm>>) target(%arg6 : memref<40x128xi32, #tpu.memory_space<vmem>>) target_semaphore(%run_scoped3A_78 : memref<!tpu.dma_semaphore, #tpu.memory_space<semaphore_mem>>)
      %dma_wait3A_87 = arith.constant 0 : i32
      %dma_wait3A_88 = arith.constant 0 : i32
      %dma_wait3A_89 = tpu.memref_slice %arg3[%add3A, %dma_wait3A_87, %dma_wait3A_88] : memref<32x40x128xi32, #tpu.memory_space<hbm>> -> memref<1x40x128xi32, #tpu.memory_space<hbm>>
      %dma_wait3A_90 = tpu.memref_squeeze %dma_wait3A_89 : memref<1x40x128xi32, #tpu.memory_space<hbm>> -> memref<40x128xi32, #tpu.memory_space<hbm>>
      %dma_wait3A_91 = arith.constant 0 : i32
      %dma_wait3A_92 = arith.constant 0 : i32
      %dma_wait3A_93 = tpu.memref_slice %arg3[%add3A, %dma_wait3A_91, %dma_wait3A_92] : memref<32x40x128xi32, #tpu.memory_space<hbm>> -> memref<1x40x128xi32, #tpu.memory_space<hbm>>
      %dma_wait3A_94 = tpu.memref_squeeze %dma_wait3A_93 : memref<1x40x128xi32, #tpu.memory_space<hbm>> -> memref<40x128xi32, #tpu.memory_space<hbm>>
      tpu.wait_dma2 semaphore(%run_scoped3A_78 : memref<!tpu.dma_semaphore, #tpu.memory_space<semaphore_mem>>) src(%dma_wait3A_94 : memref<40x128xi32, #tpu.memory_space<hbm>>) dst(%arg6 : memref<40x128xi32, #tpu.memory_space<vmem>>)
      tpu.yield
    }) : () -> ()
    %barrier3A = arith.constant 0 : index
    tpu.barrier barrier_id(%barrier3A)
    %add3A_5 = arith.constant 0 : i32
    %add3A_6 = arith.addi %mul3A_2, %add3A_5 : i32
    %mul3A_7 = arith.constant 128 : i32
    %mul3A_8 = arith.muli %add3A_6, %mul3A_7 : i32
    %dma_start3A = arith.constant 0 : i32
    %dma_start3A_9 = tpu.memref_slice %arg2[%mul3A_8, %dma_start3A] : memref<163840x32xf32, #tpu.memory_space<hbm>> -> memref<128x32xf32, #tpu.memory_space<hbm>>
    %dma_start3A_10 = arith.constant 0 : i32
    %dma_start3A_11 = tpu.memref_slice %arg2[%mul3A_8, %dma_start3A_10] : memref<163840x32xf32, #tpu.memory_space<hbm>> -> memref<128x32xf32, #tpu.memory_space<hbm>>
    tpu.enqueue_dma source(%dma_start3A_11 : memref<128x32xf32, #tpu.memory_space<hbm>>) target(%arg7 : memref<128x32xf32, #tpu.memory_space<vmem>>) target_semaphore(%arg11 : memref<!tpu.dma_semaphore, #tpu.memory_space<semaphore_mem>>)
    %add3A_12 = arith.constant 1 : i32
    %add3A_13 = arith.addi %mul3A_2, %add3A_12 : i32
    %mul3A_14 = arith.constant 128 : i32
    %mul3A_15 = arith.muli %add3A_13, %mul3A_14 : i32
    %dma_start3A_16 = arith.constant 0 : i32
    %dma_start3A_17 = tpu.memref_slice %arg2[%mul3A_15, %dma_start3A_16] : memref<163840x32xf32, #tpu.memory_space<hbm>> -> memref<128x32xf32, #tpu.memory_space<hbm>>
    %dma_start3A_18 = arith.constant 0 : i32
    %dma_start3A_19 = tpu.memref_slice %arg2[%mul3A_15, %dma_start3A_18] : memref<163840x32xf32, #tpu.memory_space<hbm>> -> memref<128x32xf32, #tpu.memory_space<hbm>>
    tpu.enqueue_dma source(%dma_start3A_19 : memref<128x32xf32, #tpu.memory_space<hbm>>) target(%arg8 : memref<128x32xf32, #tpu.memory_space<vmem>>) target_semaphore(%arg12 : memref<!tpu.dma_semaphore, #tpu.memory_space<semaphore_mem>>)
    %add3A_20 = arith.constant 2 : i32
    %add3A_21 = arith.addi %mul3A_2, %add3A_20 : i32
    %mul3A_22 = arith.constant 128 : i32
    %mul3A_23 = arith.muli %add3A_21, %mul3A_22 : i32
    %dma_start3A_24 = arith.constant 0 : i32
    %dma_start3A_25 = tpu.memref_slice %arg2[%mul3A_23, %dma_start3A_24] : memref<163840x32xf32, #tpu.memory_space<hbm>> -> memref<128x32xf32, #tpu.memory_space<hbm>>
    %dma_start3A_26 = arith.constant 0 : i32
    %dma_start3A_27 = tpu.memref_slice %arg2[%mul3A_23, %dma_start3A_26] : memref<163840x32xf32, #tpu.memory_space<hbm>> -> memref<128x32xf32, #tpu.memory_space<hbm>>
    tpu.enqueue_dma source(%dma_start3A_27 : memref<128x32xf32, #tpu.memory_space<hbm>>) target(%arg9 : memref<128x32xf32, #tpu.memory_space<vmem>>) target_semaphore(%arg13 : memref<!tpu.dma_semaphore, #tpu.memory_space<semaphore_mem>>)
    %add3A_28 = arith.constant 3 : i32
    %add3A_29 = arith.addi %mul3A_2, %add3A_28 : i32
    %mul3A_30 = arith.constant 128 : i32
    %mul3A_31 = arith.muli %add3A_29, %mul3A_30 : i32
    %dma_start3A_32 = arith.constant 0 : i32
    %dma_start3A_33 = tpu.memref_slice %arg2[%mul3A_31, %dma_start3A_32] : memref<163840x32xf32, #tpu.memory_space<hbm>> -> memref<128x32xf32, #tpu.memory_space<hbm>>
    %dma_start3A_34 = arith.constant 0 : i32
    %dma_start3A_35 = tpu.memref_slice %arg2[%mul3A_31, %dma_start3A_34] : memref<163840x32xf32, #tpu.memory_space<hbm>> -> memref<128x32xf32, #tpu.memory_space<hbm>>
    tpu.enqueue_dma source(%dma_start3A_35 : memref<128x32xf32, #tpu.memory_space<hbm>>) target(%arg10 : memref<128x32xf32, #tpu.memory_space<vmem>>) target_semaphore(%arg14 : memref<!tpu.dma_semaphore, #tpu.memory_space<semaphore_mem>>)
    %scan3A = arith.constant 0 : i32
    %scan3A_36 = arith.constant 0 : i32
    %scan3A_37 = arith.constant 9 : i32
    %scan3A_38 = arith.addi %scan3A_36, %scan3A_37 : i32
    %scan3A_39 = arith.constant 1 : i32
    scf.for %scan3A_78 = %scan3A_36 to %scan3A_38 step %scan3A_39  : i32 {
      %mul3A_79 = arith.constant 4 : i32
      %mul3A_80 = arith.muli %scan3A_78, %mul3A_79 : i32
      %add3A_81 = arith.constant 0 : i32
      %add3A_82 = arith.addi %mul3A_80, %add3A_81 : i32
      %add3A_83 = arith.addi %mul3A_2, %add3A_82 : i32
      %mul3A_84 = arith.constant 128 : i32
      %mul3A_85 = arith.muli %add3A_83, %mul3A_84 : i32
      %dma_wait3A_86 = arith.constant 0 : i32
      %dma_wait3A_87 = tpu.memref_slice %arg2[%mul3A_85, %dma_wait3A_86] : memref<163840x32xf32, #tpu.memory_space<hbm>> -> memref<128x32xf32, #tpu.memory_space<hbm>>
      %dma_wait3A_88 = arith.constant 0 : i32
      %dma_wait3A_89 = tpu.memref_slice %arg2[%mul3A_85, %dma_wait3A_88] : memref<163840x32xf32, #tpu.memory_space<hbm>> -> memref<128x32xf32, #tpu.memory_space<hbm>>
      tpu.wait_dma2 semaphore(%arg11 : memref<!tpu.dma_semaphore, #tpu.memory_space<semaphore_mem>>) src(%dma_wait3A_89 : memref<128x32xf32, #tpu.memory_space<hbm>>) dst(%arg7 : memref<128x32xf32, #tpu.memory_space<vmem>>)
      %dma_start3A_90 = arith.constant 0 : i32
      %dma_start3A_91 = tpu.memref_slice %arg6[%add3A_82, %dma_start3A_90] : memref<40x128xi32, #tpu.memory_space<vmem>> -> memref<1x128xi32, #tpu.memory_space<vmem>>
      %dma_start3A_92 = tpu.memref_squeeze %dma_start3A_91 : memref<1x128xi32, #tpu.memory_space<vmem>> -> memref<128xi32, #tpu.memory_space<vmem>>
      %dma_start3A_93 = arith.constant 0 : i32
      %dma_start3A_94 = arith.constant 0 : i32
      %dma_start3A_95 = tpu.memref_slice %arg19[%dma_start3A_93, %dma_start3A_94] : memref<10112x32xf32, #tpu.memory_space<vmem_shared>> -> memref<10112x32xf32, #tpu.memory_space<vmem_shared>>
      tpu.enqueue_indirect_dma source(%arg7 : memref<128x32xf32, #tpu.memory_space<vmem>>) target(%dma_start3A_95 : memref<10112x32xf32, #tpu.memory_space<vmem_shared>>) offsets(%dma_start3A_92 : memref<128xi32, #tpu.memory_space<vmem>>) semaphore(%arg15 : memref<!tpu.dma_semaphore, #tpu.memory_space<semaphore_mem>>) {add = true}
      %dma_wait3A_96 = arith.constant 0 : i32
      %dma_wait3A_97 = tpu.memref_slice %arg6[%add3A_82, %dma_wait3A_96] : memref<40x128xi32, #tpu.memory_space<vmem>> -> memref<1x128xi32, #tpu.memory_space<vmem>>
      %dma_wait3A_98 = tpu.memref_squeeze %dma_wait3A_97 : memref<1x128xi32, #tpu.memory_space<vmem>> -> memref<128xi32, #tpu.memory_space<vmem>>
      %dma_wait3A_99 = arith.constant 0 : i32
      %dma_wait3A_100 = arith.constant 0 : i32
      %dma_wait3A_101 = tpu.memref_slice %arg19[%dma_wait3A_99, %dma_wait3A_100] : memref<10112x32xf32, #tpu.memory_space<vmem_shared>> -> memref<10112x32xf32, #tpu.memory_space<vmem_shared>>
      tpu.wait_indirect_dma semaphore(%arg15 : memref<!tpu.dma_semaphore, #tpu.memory_space<semaphore_mem>>) src(%arg7 : memref<128x32xf32, #tpu.memory_space<vmem>>) dst(%dma_wait3A_101 : memref<10112x32xf32, #tpu.memory_space<vmem_shared>>)
      %add3A_102 = arith.addi %mul3A_2, %add3A_82 : i32
      %add3A_103 = arith.constant 4 : i32
      %add3A_104 = arith.addi %add3A_102, %add3A_103 : i32
      %mul3A_105 = arith.constant 128 : i32
      %mul3A_106 = arith.muli %add3A_104, %mul3A_105 : i32
      %dma_start3A_107 = arith.constant 0 : i32
      %dma_start3A_108 = tpu.memref_slice %arg2[%mul3A_106, %dma_start3A_107] : memref<163840x32xf32, #tpu.memory_space<hbm>> -> memref<128x32xf32, #tpu.memory_space<hbm>>
      %dma_start3A_109 = arith.constant 0 : i32
      %dma_start3A_110 = tpu.memref_slice %arg2[%mul3A_106, %dma_start3A_109] : memref<163840x32xf32, #tpu.memory_space<hbm>> -> memref<128x32xf32, #tpu.memory_space<hbm>>
      tpu.enqueue_dma source(%dma_start3A_110 : memref<128x32xf32, #tpu.memory_space<hbm>>) target(%arg7 : memref<128x32xf32, #tpu.memory_space<vmem>>) target_semaphore(%arg11 : memref<!tpu.dma_semaphore, #tpu.memory_space<semaphore_mem>>)
      %mul3A_111 = arith.constant 4 : i32
      %mul3A_112 = arith.muli %scan3A_78, %mul3A_111 : i32
      %add3A_113 = arith.constant 1 : i32
      %add3A_114 = arith.addi %mul3A_112, %add3A_113 : i32
      %add3A_115 = arith.addi %mul3A_2, %add3A_114 : i32
      %mul3A_116 = arith.constant 128 : i32
      %mul3A_117 = arith.muli %add3A_115, %mul3A_116 : i32
      %dma_wait3A_118 = arith.constant 0 : i32
      %dma_wait3A_119 = tpu.memref_slice %arg2[%mul3A_117, %dma_wait3A_118] : memref<163840x32xf32, #tpu.memory_space<hbm>> -> memref<128x32xf32, #tpu.memory_space<hbm>>
      %dma_wait3A_120 = arith.constant 0 : i32
      %dma_wait3A_121 = tpu.memref_slice %arg2[%mul3A_117, %dma_wait3A_120] : memref<163840x32xf32, #tpu.memory_space<hbm>> -> memref<128x32xf32, #tpu.memory_space<hbm>>
      tpu.wait_dma2 semaphore(%arg12 : memref<!tpu.dma_semaphore, #tpu.memory_space<semaphore_mem>>) src(%dma_wait3A_121 : memref<128x32xf32, #tpu.memory_space<hbm>>) dst(%arg8 : memref<128x32xf32, #tpu.memory_space<vmem>>)
      %dma_start3A_122 = arith.constant 0 : i32
      %dma_start3A_123 = tpu.memref_slice %arg6[%add3A_114, %dma_start3A_122] : memref<40x128xi32, #tpu.memory_space<vmem>> -> memref<1x128xi32, #tpu.memory_space<vmem>>
      %dma_start3A_124 = tpu.memref_squeeze %dma_start3A_123 : memref<1x128xi32, #tpu.memory_space<vmem>> -> memref<128xi32, #tpu.memory_space<vmem>>
      %dma_start3A_125 = arith.constant 0 : i32
      %dma_start3A_126 = arith.constant 0 : i32
      %dma_start3A_127 = tpu.memref_slice %arg19[%dma_start3A_125, %dma_start3A_126] : memref<10112x32xf32, #tpu.memory_space<vmem_shared>> -> memref<10112x32xf32, #tpu.memory_space<vmem_shared>>
      tpu.enqueue_indirect_dma source(%arg8 : memref<128x32xf32, #tpu.memory_space<vmem>>) target(%dma_start3A_127 : memref<10112x32xf32, #tpu.memory_space<vmem_shared>>) offsets(%dma_start3A_124 : memref<128xi32, #tpu.memory_space<vmem>>) semaphore(%arg16 : memref<!tpu.dma_semaphore, #tpu.memory_space<semaphore_mem>>) {add = true}
      %dma_wait3A_128 = arith.constant 0 : i32
      %dma_wait3A_129 = tpu.memref_slice %arg6[%add3A_114, %dma_wait3A_128] : memref<40x128xi32, #tpu.memory_space<vmem>> -> memref<1x128xi32, #tpu.memory_space<vmem>>
      %dma_wait3A_130 = tpu.memref_squeeze %dma_wait3A_129 : memref<1x128xi32, #tpu.memory_space<vmem>> -> memref<128xi32, #tpu.memory_space<vmem>>
      %dma_wait3A_131 = arith.constant 0 : i32
      %dma_wait3A_132 = arith.constant 0 : i32
      %dma_wait3A_133 = tpu.memref_slice %arg19[%dma_wait3A_131, %dma_wait3A_132] : memref<10112x32xf32, #tpu.memory_space<vmem_shared>> -> memref<10112x32xf32, #tpu.memory_space<vmem_shared>>
      tpu.wait_indirect_dma semaphore(%arg16 : memref<!tpu.dma_semaphore, #tpu.memory_space<semaphore_mem>>) src(%arg8 : memref<128x32xf32, #tpu.memory_space<vmem>>) dst(%dma_wait3A_133 : memref<10112x32xf32, #tpu.memory_space<vmem_shared>>)
      %add3A_134 = arith.addi %mul3A_2, %add3A_114 : i32
      %add3A_135 = arith.constant 4 : i32
      %add3A_136 = arith.addi %add3A_134, %add3A_135 : i32
      %mul3A_137 = arith.constant 128 : i32
      %mul3A_138 = arith.muli %add3A_136, %mul3A_137 : i32
      %dma_start3A_139 = arith.constant 0 : i32
      %dma_start3A_140 = tpu.memref_slice %arg2[%mul3A_138, %dma_start3A_139] : memref<163840x32xf32, #tpu.memory_space<hbm>> -> memref<128x32xf32, #tpu.memory_space<hbm>>
      %dma_start3A_141 = arith.constant 0 : i32
      %dma_start3A_142 = tpu.memref_slice %arg2[%mul3A_138, %dma_start3A_141] : memref<163840x32xf32, #tpu.memory_space<hbm>> -> memref<128x32xf32, #tpu.memory_space<hbm>>
      tpu.enqueue_dma source(%dma_start3A_142 : memref<128x32xf32, #tpu.memory_space<hbm>>) target(%arg8 : memref<128x32xf32, #tpu.memory_space<vmem>>) target_semaphore(%arg12 : memref<!tpu.dma_semaphore, #tpu.memory_space<semaphore_mem>>)
      %mul3A_143 = arith.constant 4 : i32
      %mul3A_144 = arith.muli %scan3A_78, %mul3A_143 : i32
      %add3A_145 = arith.constant 2 : i32
      %add3A_146 = arith.addi %mul3A_144, %add3A_145 : i32
      %add3A_147 = arith.addi %mul3A_2, %add3A_146 : i32
      %mul3A_148 = arith.constant 128 : i32
      %mul3A_149 = arith.muli %add3A_147, %mul3A_148 : i32
      %dma_wait3A_150 = arith.constant 0 : i32
      %dma_wait3A_151 = tpu.memref_slice %arg2[%mul3A_149, %dma_wait3A_150] : memref<163840x32xf32, #tpu.memory_space<hbm>> -> memref<128x32xf32, #tpu.memory_space<hbm>>
      %dma_wait3A_152 = arith.constant 0 : i32
      %dma_wait3A_153 = tpu.memref_slice %arg2[%mul3A_149, %dma_wait3A_152] : memref<163840x32xf32, #tpu.memory_space<hbm>> -> memref<128x32xf32, #tpu.memory_space<hbm>>
      tpu.wait_dma2 semaphore(%arg13 : memref<!tpu.dma_semaphore, #tpu.memory_space<semaphore_mem>>) src(%dma_wait3A_153 : memref<128x32xf32, #tpu.memory_space<hbm>>) dst(%arg9 : memref<128x32xf32, #tpu.memory_space<vmem>>)
      %dma_start3A_154 = arith.constant 0 : i32
      %dma_start3A_155 = tpu.memref_slice %arg6[%add3A_146, %dma_start3A_154] : memref<40x128xi32, #tpu.memory_space<vmem>> -> memref<1x128xi32, #tpu.memory_space<vmem>>
      %dma_start3A_156 = tpu.memref_squeeze %dma_start3A_155 : memref<1x128xi32, #tpu.memory_space<vmem>> -> memref<128xi32, #tpu.memory_space<vmem>>
      %dma_start3A_157 = arith.constant 0 : i32
      %dma_start3A_158 = arith.constant 0 : i32
      %dma_start3A_159 = tpu.memref_slice %arg19[%dma_start3A_157, %dma_start3A_158] : memref<10112x32xf32, #tpu.memory_space<vmem_shared>> -> memref<10112x32xf32, #tpu.memory_space<vmem_shared>>
      tpu.enqueue_indirect_dma source(%arg9 : memref<128x32xf32, #tpu.memory_space<vmem>>) target(%dma_start3A_159 : memref<10112x32xf32, #tpu.memory_space<vmem_shared>>) offsets(%dma_start3A_156 : memref<128xi32, #tpu.memory_space<vmem>>) semaphore(%arg17 : memref<!tpu.dma_semaphore, #tpu.memory_space<semaphore_mem>>) {add = true}
      %dma_wait3A_160 = arith.constant 0 : i32
      %dma_wait3A_161 = tpu.memref_slice %arg6[%add3A_146, %dma_wait3A_160] : memref<40x128xi32, #tpu.memory_space<vmem>> -> memref<1x128xi32, #tpu.memory_space<vmem>>
      %dma_wait3A_162 = tpu.memref_squeeze %dma_wait3A_161 : memref<1x128xi32, #tpu.memory_space<vmem>> -> memref<128xi32, #tpu.memory_space<vmem>>
      %dma_wait3A_163 = arith.constant 0 : i32
      %dma_wait3A_164 = arith.constant 0 : i32
      %dma_wait3A_165 = tpu.memref_slice %arg19[%dma_wait3A_163, %dma_wait3A_164] : memref<10112x32xf32, #tpu.memory_space<vmem_shared>> -> memref<10112x32xf32, #tpu.memory_space<vmem_shared>>
      tpu.wait_indirect_dma semaphore(%arg17 : memref<!tpu.dma_semaphore, #tpu.memory_space<semaphore_mem>>) src(%arg9 : memref<128x32xf32, #tpu.memory_space<vmem>>) dst(%dma_wait3A_165 : memref<10112x32xf32, #tpu.memory_space<vmem_shared>>)
      %add3A_166 = arith.addi %mul3A_2, %add3A_146 : i32
      %add3A_167 = arith.constant 4 : i32
      %add3A_168 = arith.addi %add3A_166, %add3A_167 : i32
      %mul3A_169 = arith.constant 128 : i32
      %mul3A_170 = arith.muli %add3A_168, %mul3A_169 : i32
      %dma_start3A_171 = arith.constant 0 : i32
      %dma_start3A_172 = tpu.memref_slice %arg2[%mul3A_170, %dma_start3A_171] : memref<163840x32xf32, #tpu.memory_space<hbm>> -> memref<128x32xf32, #tpu.memory_space<hbm>>
      %dma_start3A_173 = arith.constant 0 : i32
      %dma_start3A_174 = tpu.memref_slice %arg2[%mul3A_170, %dma_start3A_173] : memref<163840x32xf32, #tpu.memory_space<hbm>> -> memref<128x32xf32, #tpu.memory_space<hbm>>
      tpu.enqueue_dma source(%dma_start3A_174 : memref<128x32xf32, #tpu.memory_space<hbm>>) target(%arg9 : memref<128x32xf32, #tpu.memory_space<vmem>>) target_semaphore(%arg13 : memref<!tpu.dma_semaphore, #tpu.memory_space<semaphore_mem>>)
      %mul3A_175 = arith.constant 4 : i32
      %mul3A_176 = arith.muli %scan3A_78, %mul3A_175 : i32
      %add3A_177 = arith.constant 3 : i32
      %add3A_178 = arith.addi %mul3A_176, %add3A_177 : i32
      %add3A_179 = arith.addi %mul3A_2, %add3A_178 : i32
      %mul3A_180 = arith.constant 128 : i32
      %mul3A_181 = arith.muli %add3A_179, %mul3A_180 : i32
      %dma_wait3A_182 = arith.constant 0 : i32
      %dma_wait3A_183 = tpu.memref_slice %arg2[%mul3A_181, %dma_wait3A_182] : memref<163840x32xf32, #tpu.memory_space<hbm>> -> memref<128x32xf32, #tpu.memory_space<hbm>>
      %dma_wait3A_184 = arith.constant 0 : i32
      %dma_wait3A_185 = tpu.memref_slice %arg2[%mul3A_181, %dma_wait3A_184] : memref<163840x32xf32, #tpu.memory_space<hbm>> -> memref<128x32xf32, #tpu.memory_space<hbm>>
      tpu.wait_dma2 semaphore(%arg14 : memref<!tpu.dma_semaphore, #tpu.memory_space<semaphore_mem>>) src(%dma_wait3A_185 : memref<128x32xf32, #tpu.memory_space<hbm>>) dst(%arg10 : memref<128x32xf32, #tpu.memory_space<vmem>>)
      %dma_start3A_186 = arith.constant 0 : i32
      %dma_start3A_187 = tpu.memref_slice %arg6[%add3A_178, %dma_start3A_186] : memref<40x128xi32, #tpu.memory_space<vmem>> -> memref<1x128xi32, #tpu.memory_space<vmem>>
      %dma_start3A_188 = tpu.memref_squeeze %dma_start3A_187 : memref<1x128xi32, #tpu.memory_space<vmem>> -> memref<128xi32, #tpu.memory_space<vmem>>
      %dma_start3A_189 = arith.constant 0 : i32
      %dma_start3A_190 = arith.constant 0 : i32
      %dma_start3A_191 = tpu.memref_slice %arg19[%dma_start3A_189, %dma_start3A_190] : memref<10112x32xf32, #tpu.memory_space<vmem_shared>> -> memref<10112x32xf32, #tpu.memory_space<vmem_shared>>
      tpu.enqueue_indirect_dma source(%arg10 : memref<128x32xf32, #tpu.memory_space<vmem>>) target(%dma_start3A_191 : memref<10112x32xf32, #tpu.memory_space<vmem_shared>>) offsets(%dma_start3A_188 : memref<128xi32, #tpu.memory_space<vmem>>) semaphore(%arg18 : memref<!tpu.dma_semaphore, #tpu.memory_space<semaphore_mem>>) {add = true}
      %dma_wait3A_192 = arith.constant 0 : i32
      %dma_wait3A_193 = tpu.memref_slice %arg6[%add3A_178, %dma_wait3A_192] : memref<40x128xi32, #tpu.memory_space<vmem>> -> memref<1x128xi32, #tpu.memory_space<vmem>>
      %dma_wait3A_194 = tpu.memref_squeeze %dma_wait3A_193 : memref<1x128xi32, #tpu.memory_space<vmem>> -> memref<128xi32, #tpu.memory_space<vmem>>
      %dma_wait3A_195 = arith.constant 0 : i32
      %dma_wait3A_196 = arith.constant 0 : i32
      %dma_wait3A_197 = tpu.memref_slice %arg19[%dma_wait3A_195, %dma_wait3A_196] : memref<10112x32xf32, #tpu.memory_space<vmem_shared>> -> memref<10112x32xf32, #tpu.memory_space<vmem_shared>>
      tpu.wait_indirect_dma semaphore(%arg18 : memref<!tpu.dma_semaphore, #tpu.memory_space<semaphore_mem>>) src(%arg10 : memref<128x32xf32, #tpu.memory_space<vmem>>) dst(%dma_wait3A_197 : memref<10112x32xf32, #tpu.memory_space<vmem_shared>>)
      %add3A_198 = arith.addi %mul3A_2, %add3A_178 : i32
      %add3A_199 = arith.constant 4 : i32
      %add3A_200 = arith.addi %add3A_198, %add3A_199 : i32
      %mul3A_201 = arith.constant 128 : i32
      %mul3A_202 = arith.muli %add3A_200, %mul3A_201 : i32
      %dma_start3A_203 = arith.constant 0 : i32
      %dma_start3A_204 = tpu.memref_slice %arg2[%mul3A_202, %dma_start3A_203] : memref<163840x32xf32, #tpu.memory_space<hbm>> -> memref<128x32xf32, #tpu.memory_space<hbm>>
      %dma_start3A_205 = arith.constant 0 : i32
      %dma_start3A_206 = tpu.memref_slice %arg2[%mul3A_202, %dma_start3A_205] : memref<163840x32xf32, #tpu.memory_space<hbm>> -> memref<128x32xf32, #tpu.memory_space<hbm>>
      tpu.enqueue_dma source(%dma_start3A_206 : memref<128x32xf32, #tpu.memory_space<hbm>>) target(%arg10 : memref<128x32xf32, #tpu.memory_space<vmem>>) target_semaphore(%arg14 : memref<!tpu.dma_semaphore, #tpu.memory_space<semaphore_mem>>)
    }
    %scan3A_40 = arith.constant 9 : i32
    %add3A_41 = arith.constant 36 : i32
    %add3A_42 = arith.addi %mul3A_2, %add3A_41 : i32
    %mul3A_43 = arith.constant 128 : i32
    %mul3A_44 = arith.muli %add3A_42, %mul3A_43 : i32
    %dma_wait3A = arith.constant 0 : i32
    %dma_wait3A_45 = tpu.memref_slice %arg2[%mul3A_44, %dma_wait3A] : memref<163840x32xf32, #tpu.memory_space<hbm>> -> memref<128x32xf32, #tpu.memory_space<hbm>>
    %dma_wait3A_46 = arith.constant 0 : i32
    %dma_wait3A_47 = tpu.memref_slice %arg2[%mul3A_44, %dma_wait3A_46] : memref<163840x32xf32, #tpu.memory_space<hbm>> -> memref<128x32xf32, #tpu.memory_space<hbm>>
    tpu.wait_dma2 semaphore(%arg11 : memref<!tpu.dma_semaphore, #tpu.memory_space<semaphore_mem>>) src(%dma_wait3A_47 : memref<128x32xf32, #tpu.memory_space<hbm>>) dst(%arg7 : memref<128x32xf32, #tpu.memory_space<vmem>>)
    %run_scoped3A = arith.constant 36 : i32
    "tpu.region"() ({
      %run_scoped3A_78 = tpu.sem_alloc : memref<!tpu.dma_semaphore, #tpu.memory_space<semaphore_mem>>
      %dma_start3A_79 = arith.constant 0 : i32
      %dma_start3A_80 = tpu.memref_slice %arg6[%run_scoped3A, %dma_start3A_79] : memref<40x128xi32, #tpu.memory_space<vmem>> -> memref<1x128xi32, #tpu.memory_space<vmem>>
      %dma_start3A_81 = tpu.memref_squeeze %dma_start3A_80 : memref<1x128xi32, #tpu.memory_space<vmem>> -> memref<128xi32, #tpu.memory_space<vmem>>
      %dma_start3A_82 = arith.constant 0 : i32
      %dma_start3A_83 = arith.constant 0 : i32
      %dma_start3A_84 = tpu.memref_slice %arg19[%dma_start3A_82, %dma_start3A_83] : memref<10112x32xf32, #tpu.memory_space<vmem_shared>> -> memref<10112x32xf32, #tpu.memory_space<vmem_shared>>
      tpu.enqueue_indirect_dma source(%arg7 : memref<128x32xf32, #tpu.memory_space<vmem>>) target(%dma_start3A_84 : memref<10112x32xf32, #tpu.memory_space<vmem_shared>>) offsets(%dma_start3A_81 : memref<128xi32, #tpu.memory_space<vmem>>) semaphore(%run_scoped3A_78 : memref<!tpu.dma_semaphore, #tpu.memory_space<semaphore_mem>>) {add = true}
      %dma_wait3A_85 = arith.constant 0 : i32
      %dma_wait3A_86 = tpu.memref_slice %arg6[%run_scoped3A, %dma_wait3A_85] : memref<40x128xi32, #tpu.memory_space<vmem>> -> memref<1x128xi32, #tpu.memory_space<vmem>>
      %dma_wait3A_87 = tpu.memref_squeeze %dma_wait3A_86 : memref<1x128xi32, #tpu.memory_space<vmem>> -> memref<128xi32, #tpu.memory_space<vmem>>
      %dma_wait3A_88 = arith.constant 0 : i32
      %dma_wait3A_89 = arith.constant 0 : i32
      %dma_wait3A_90 = tpu.memref_slice %arg19[%dma_wait3A_88, %dma_wait3A_89] : memref<10112x32xf32, #tpu.memory_space<vmem_shared>> -> memref<10112x32xf32, #tpu.memory_space<vmem_shared>>
      tpu.wait_indirect_dma semaphore(%run_scoped3A_78 : memref<!tpu.dma_semaphore, #tpu.memory_space<semaphore_mem>>) src(%arg7 : memref<128x32xf32, #tpu.memory_space<vmem>>) dst(%dma_wait3A_90 : memref<10112x32xf32, #tpu.memory_space<vmem_shared>>)
      tpu.yield
    }) : () -> ()
    %add3A_48 = arith.constant 37 : i32
    %add3A_49 = arith.addi %mul3A_2, %add3A_48 : i32
    %mul3A_50 = arith.constant 128 : i32
    %mul3A_51 = arith.muli %add3A_49, %mul3A_50 : i32
    %dma_wait3A_52 = arith.constant 0 : i32
    %dma_wait3A_53 = tpu.memref_slice %arg2[%mul3A_51, %dma_wait3A_52] : memref<163840x32xf32, #tpu.memory_space<hbm>> -> memref<128x32xf32, #tpu.memory_space<hbm>>
    %dma_wait3A_54 = arith.constant 0 : i32
    %dma_wait3A_55 = tpu.memref_slice %arg2[%mul3A_51, %dma_wait3A_54] : memref<163840x32xf32, #tpu.memory_space<hbm>> -> memref<128x32xf32, #tpu.memory_space<hbm>>
    tpu.wait_dma2 semaphore(%arg12 : memref<!tpu.dma_semaphore, #tpu.memory_space<semaphore_mem>>) src(%dma_wait3A_55 : memref<128x32xf32, #tpu.memory_space<hbm>>) dst(%arg8 : memref<128x32xf32, #tpu.memory_space<vmem>>)
    %run_scoped3A_56 = arith.constant 37 : i32
    "tpu.region"() ({
      %run_scoped3A_78 = tpu.sem_alloc : memref<!tpu.dma_semaphore, #tpu.memory_space<semaphore_mem>>
      %dma_start3A_79 = arith.constant 0 : i32
      %dma_start3A_80 = tpu.memref_slice %arg6[%run_scoped3A_56, %dma_start3A_79] : memref<40x128xi32, #tpu.memory_space<vmem>> -> memref<1x128xi32, #tpu.memory_space<vmem>>
      %dma_start3A_81 = tpu.memref_squeeze %dma_start3A_80 : memref<1x128xi32, #tpu.memory_space<vmem>> -> memref<128xi32, #tpu.memory_space<vmem>>
      %dma_start3A_82 = arith.constant 0 : i32
      %dma_start3A_83 = arith.constant 0 : i32
      %dma_start3A_84 = tpu.memref_slice %arg19[%dma_start3A_82, %dma_start3A_83] : memref<10112x32xf32, #tpu.memory_space<vmem_shared>> -> memref<10112x32xf32, #tpu.memory_space<vmem_shared>>
      tpu.enqueue_indirect_dma source(%arg8 : memref<128x32xf32, #tpu.memory_space<vmem>>) target(%dma_start3A_84 : memref<10112x32xf32, #tpu.memory_space<vmem_shared>>) offsets(%dma_start3A_81 : memref<128xi32, #tpu.memory_space<vmem>>) semaphore(%run_scoped3A_78 : memref<!tpu.dma_semaphore, #tpu.memory_space<semaphore_mem>>) {add = true}
      %dma_wait3A_85 = arith.constant 0 : i32
      %dma_wait3A_86 = tpu.memref_slice %arg6[%run_scoped3A_56, %dma_wait3A_85] : memref<40x128xi32, #tpu.memory_space<vmem>> -> memref<1x128xi32, #tpu.memory_space<vmem>>
      %dma_wait3A_87 = tpu.memref_squeeze %dma_wait3A_86 : memref<1x128xi32, #tpu.memory_space<vmem>> -> memref<128xi32, #tpu.memory_space<vmem>>
      %dma_wait3A_88 = arith.constant 0 : i32
      %dma_wait3A_89 = arith.constant 0 : i32
      %dma_wait3A_90 = tpu.memref_slice %arg19[%dma_wait3A_88, %dma_wait3A_89] : memref<10112x32xf32, #tpu.memory_space<vmem_shared>> -> memref<10112x32xf32, #tpu.memory_space<vmem_shared>>
      tpu.wait_indirect_dma semaphore(%run_scoped3A_78 : memref<!tpu.dma_semaphore, #tpu.memory_space<semaphore_mem>>) src(%arg8 : memref<128x32xf32, #tpu.memory_space<vmem>>) dst(%dma_wait3A_90 : memref<10112x32xf32, #tpu.memory_space<vmem_shared>>)
      tpu.yield
    }) : () -> ()
    %add3A_57 = arith.constant 38 : i32
    %add3A_58 = arith.addi %mul3A_2, %add3A_57 : i32
    %mul3A_59 = arith.constant 128 : i32
    %mul3A_60 = arith.muli %add3A_58, %mul3A_59 : i32
    %dma_wait3A_61 = arith.constant 0 : i32
    %dma_wait3A_62 = tpu.memref_slice %arg2[%mul3A_60, %dma_wait3A_61] : memref<163840x32xf32, #tpu.memory_space<hbm>> -> memref<128x32xf32, #tpu.memory_space<hbm>>
    %dma_wait3A_63 = arith.constant 0 : i32
    %dma_wait3A_64 = tpu.memref_slice %arg2[%mul3A_60, %dma_wait3A_63] : memref<163840x32xf32, #tpu.memory_space<hbm>> -> memref<128x32xf32, #tpu.memory_space<hbm>>
    tpu.wait_dma2 semaphore(%arg13 : memref<!tpu.dma_semaphore, #tpu.memory_space<semaphore_mem>>) src(%dma_wait3A_64 : memref<128x32xf32, #tpu.memory_space<hbm>>) dst(%arg9 : memref<128x32xf32, #tpu.memory_space<vmem>>)
    %run_scoped3A_65 = arith.constant 38 : i32
    "tpu.region"() ({
      %run_scoped3A_78 = tpu.sem_alloc : memref<!tpu.dma_semaphore, #tpu.memory_space<semaphore_mem>>
      %dma_start3A_79 = arith.constant 0 : i32
      %dma_start3A_80 = tpu.memref_slice %arg6[%run_scoped3A_65, %dma_start3A_79] : memref<40x128xi32, #tpu.memory_space<vmem>> -> memref<1x128xi32, #tpu.memory_space<vmem>>
      %dma_start3A_81 = tpu.memref_squeeze %dma_start3A_80 : memref<1x128xi32, #tpu.memory_space<vmem>> -> memref<128xi32, #tpu.memory_space<vmem>>
      %dma_start3A_82 = arith.constant 0 : i32
      %dma_start3A_83 = arith.constant 0 : i32
      %dma_start3A_84 = tpu.memref_slice %arg19[%dma_start3A_82, %dma_start3A_83] : memref<10112x32xf32, #tpu.memory_space<vmem_shared>> -> memref<10112x32xf32, #tpu.memory_space<vmem_shared>>
      tpu.enqueue_indirect_dma source(%arg9 : memref<128x32xf32, #tpu.memory_space<vmem>>) target(%dma_start3A_84 : memref<10112x32xf32, #tpu.memory_space<vmem_shared>>) offsets(%dma_start3A_81 : memref<128xi32, #tpu.memory_space<vmem>>) semaphore(%run_scoped3A_78 : memref<!tpu.dma_semaphore, #tpu.memory_space<semaphore_mem>>) {add = true}
      %dma_wait3A_85 = arith.constant 0 : i32
      %dma_wait3A_86 = tpu.memref_slice %arg6[%run_scoped3A_65, %dma_wait3A_85] : memref<40x128xi32, #tpu.memory_space<vmem>> -> memref<1x128xi32, #tpu.memory_space<vmem>>
      %dma_wait3A_87 = tpu.memref_squeeze %dma_wait3A_86 : memref<1x128xi32, #tpu.memory_space<vmem>> -> memref<128xi32, #tpu.memory_space<vmem>>
      %dma_wait3A_88 = arith.constant 0 : i32
      %dma_wait3A_89 = arith.constant 0 : i32
      %dma_wait3A_90 = tpu.memref_slice %arg19[%dma_wait3A_88, %dma_wait3A_89] : memref<10112x32xf32, #tpu.memory_space<vmem_shared>> -> memref<10112x32xf32, #tpu.memory_space<vmem_shared>>
      tpu.wait_indirect_dma semaphore(%run_scoped3A_78 : memref<!tpu.dma_semaphore, #tpu.memory_space<semaphore_mem>>) src(%arg9 : memref<128x32xf32, #tpu.memory_space<vmem>>) dst(%dma_wait3A_90 : memref<10112x32xf32, #tpu.memory_space<vmem_shared>>)
      tpu.yield
    }) : () -> ()
    %add3A_66 = arith.constant 39 : i32
    %add3A_67 = arith.addi %mul3A_2, %add3A_66 : i32
    %mul3A_68 = arith.constant 128 : i32
    %mul3A_69 = arith.muli %add3A_67, %mul3A_68 : i32
    %dma_wait3A_70 = arith.constant 0 : i32
    %dma_wait3A_71 = tpu.memref_slice %arg2[%mul3A_69, %dma_wait3A_70] : memref<163840x32xf32, #tpu.memory_space<hbm>> -> memref<128x32xf32, #tpu.memory_space<hbm>>
    %dma_wait3A_72 = arith.constant 0 : i32
    %dma_wait3A_73 = tpu.memref_slice %arg2[%mul3A_69, %dma_wait3A_72] : memref<163840x32xf32, #tpu.memory_space<hbm>> -> memref<128x32xf32, #tpu.memory_space<hbm>>
    tpu.wait_dma2 semaphore(%arg14 : memref<!tpu.dma_semaphore, #tpu.memory_space<semaphore_mem>>) src(%dma_wait3A_73 : memref<128x32xf32, #tpu.memory_space<hbm>>) dst(%arg10 : memref<128x32xf32, #tpu.memory_space<vmem>>)
    %run_scoped3A_74 = arith.constant 39 : i32
    "tpu.region"() ({
      %run_scoped3A_78 = tpu.sem_alloc : memref<!tpu.dma_semaphore, #tpu.memory_space<semaphore_mem>>
      %dma_start3A_79 = arith.constant 0 : i32
      %dma_start3A_80 = tpu.memref_slice %arg6[%run_scoped3A_74, %dma_start3A_79] : memref<40x128xi32, #tpu.memory_space<vmem>> -> memref<1x128xi32, #tpu.memory_space<vmem>>
      %dma_start3A_81 = tpu.memref_squeeze %dma_start3A_80 : memref<1x128xi32, #tpu.memory_space<vmem>> -> memref<128xi32, #tpu.memory_space<vmem>>
      %dma_start3A_82 = arith.constant 0 : i32
      %dma_start3A_83 = arith.constant 0 : i32
      %dma_start3A_84 = tpu.memref_slice %arg19[%dma_start3A_82, %dma_start3A_83] : memref<10112x32xf32, #tpu.memory_space<vmem_shared>> -> memref<10112x32xf32, #tpu.memory_space<vmem_shared>>
      tpu.enqueue_indirect_dma source(%arg10 : memref<128x32xf32, #tpu.memory_space<vmem>>) target(%dma_start3A_84 : memref<10112x32xf32, #tpu.memory_space<vmem_shared>>) offsets(%dma_start3A_81 : memref<128xi32, #tpu.memory_space<vmem>>) semaphore(%run_scoped3A_78 : memref<!tpu.dma_semaphore, #tpu.memory_space<semaphore_mem>>) {add = true}
      %dma_wait3A_85 = arith.constant 0 : i32
      %dma_wait3A_86 = tpu.memref_slice %arg6[%run_scoped3A_74, %dma_wait3A_85] : memref<40x128xi32, #tpu.memory_space<vmem>> -> memref<1x128xi32, #tpu.memory_space<vmem>>
      %dma_wait3A_87 = tpu.memref_squeeze %dma_wait3A_86 : memref<1x128xi32, #tpu.memory_space<vmem>> -> memref<128xi32, #tpu.memory_space<vmem>>
      %dma_wait3A_88 = arith.constant 0 : i32
      %dma_wait3A_89 = arith.constant 0 : i32
      %dma_wait3A_90 = tpu.memref_slice %arg19[%dma_wait3A_88, %dma_wait3A_89] : memref<10112x32xf32, #tpu.memory_space<vmem_shared>> -> memref<10112x32xf32, #tpu.memory_space<vmem_shared>>
      tpu.wait_indirect_dma semaphore(%run_scoped3A_78 : memref<!tpu.dma_semaphore, #tpu.memory_space<semaphore_mem>>) src(%arg10 : memref<128x32xf32, #tpu.memory_space<vmem>>) dst(%dma_wait3A_90 : memref<10112x32xf32, #tpu.memory_space<vmem_shared>>)
      tpu.yield
    }) : () -> ()
    %barrier3A_75 = arith.constant 0 : index
    tpu.barrier barrier_id(%barrier3A_75)
    %eq3A = arith.constant 0 : i32
    %eq3A_76 = arith.cmpi eq, %arg1, %eq3A : i32
    %convert_element_type3A = arith.extui %eq3A_76 : i1 to i32
    %cond3A = arith.constant 0 : i32
    %cond3A_77 = arith.cmpi ne, %convert_element_type3A, %cond3A : i32
    scf.if %cond3A_77 {
      "tpu.region"() ({
        %run_scoped3A_78 = tpu.sem_alloc : memref<!tpu.dma_semaphore, #tpu.memory_space<semaphore_mem>>
        %dma_start3A_79 = arith.constant 0 : i32
        %dma_start3A_80 = arith.constant 0 : i32
        %dma_start3A_81 = tpu.memref_slice %arg5[%arg0, %dma_start3A_79, %dma_start3A_80] : memref<2x10112x32xf32, #tpu.memory_space<hbm>> -> memref<1x10112x32xf32, #tpu.memory_space<hbm>>
        %dma_start3A_82 = tpu.memref_squeeze %dma_start3A_81 : memref<1x10112x32xf32, #tpu.memory_space<hbm>> -> memref<10112x32xf32, #tpu.memory_space<hbm>>
        tpu.enqueue_dma source(%arg19 : memref<10112x32xf32, #tpu.memory_space<vmem_shared>>) target(%dma_start3A_82 : memref<10112x32xf32, #tpu.memory_space<hbm>>) target_semaphore(%run_scoped3A_78 : memref<!tpu.dma_semaphore, #tpu.memory_space<semaphore_mem>>)
        %dma_wait3A_83 = arith.constant 0 : i32
        %dma_wait3A_84 = arith.constant 0 : i32
        %dma_wait3A_85 = tpu.memref_slice %arg5[%arg0, %dma_wait3A_83, %dma_wait3A_84] : memref<2x10112x32xf32, #tpu.memory_space<hbm>> -> memref<1x10112x32xf32, #tpu.memory_space<hbm>>
        %dma_wait3A_86 = tpu.memref_squeeze %dma_wait3A_85 : memref<1x10112x32xf32, #tpu.memory_space<hbm>> -> memref<10112x32xf32, #tpu.memory_space<hbm>>
        tpu.wait_dma2 semaphore(%run_scoped3A_78 : memref<!tpu.dma_semaphore, #tpu.memory_space<semaphore_mem>>) src(%arg19 : memref<10112x32xf32, #tpu.memory_space<vmem_shared>>) dst(%dma_wait3A_86 : memref<10112x32xf32, #tpu.memory_space<hbm>>)
        tpu.yield
      }) : () -> ()
    } else {
    }
    return
  }
}

#map = affine_map<(d0, d1) -> (0, 0)>
#map1 = affine_map<(d0, d1) -> (0, 0, 0)>
module attributes {stable_mosaic.version = 14 : i64} {
  func.func @gather_k(%arg0: i32, %arg1: i32, %arg2: memref<10000x32xf32, #tpu.memory_space<hbm>>, %arg3: memref<32x52x128xi32, #tpu.memory_space<hbm>>, %arg4: memref<212992x32xf32, #tpu.memory_space<hbm>>, %arg5: memref<52x128xi32, #tpu.memory_space<vmem>>, %arg6: memref<128x32xf32, #tpu.memory_space<vmem>>, %arg7: memref<128x32xf32, #tpu.memory_space<vmem>>, %arg8: memref<128x32xf32, #tpu.memory_space<vmem>>, %arg9: memref<128x32xf32, #tpu.memory_space<vmem>>, %arg10: memref<!tpu.dma_semaphore, #tpu.memory_space<semaphore_mem>>, %arg11: memref<!tpu.dma_semaphore, #tpu.memory_space<semaphore_mem>>, %arg12: memref<!tpu.dma_semaphore, #tpu.memory_space<semaphore_mem>>, %arg13: memref<!tpu.dma_semaphore, #tpu.memory_space<semaphore_mem>>, %arg14: memref<!tpu.dma_semaphore, #tpu.memory_space<semaphore_mem>>, %arg15: memref<!tpu.dma_semaphore, #tpu.memory_space<semaphore_mem>>, %arg16: memref<!tpu.dma_semaphore, #tpu.memory_space<semaphore_mem>>, %arg17: memref<!tpu.dma_semaphore, #tpu.memory_space<semaphore_mem>>, %arg18: memref<10000x32xf32, #tpu.memory_space<vmem_shared>>) attributes {dimension_semantics = [#tpu.dimension_semantics<core_parallel>, #tpu.dimension_semantics<subcore_parallel>], iteration_bounds = array<i64: 2, 16>, scalar_prefetch = 0 : i64, scratch_operands = 14 : i64, tpu.core_type = #tpu.core_type<sc_vector_subcore>, window_params = [{transform_indices = #map}, {transform_indices = #map1}, {transform_indices = #map}]} {
    %mul3A = arith.constant 2 : i32
    %mul3A_0 = arith.muli %arg1, %mul3A : i32
    %add3A = arith.addi %mul3A_0, %arg0 : i32
    %mul3A_1 = arith.constant 52 : i32
    %mul3A_2 = arith.muli %add3A, %mul3A_1 : i32
    %mul3A_3 = arith.constant 625 : i32
    %mul3A_4 = arith.muli %arg1, %mul3A_3 : i32
    %mul3A_5 = arith.constant 625 : i32
    %mul3A_6 = arith.muli %arg1, %mul3A_5 : i32
    "tpu.region"() ({
      %run_scoped3A = tpu.sem_alloc : memref<!tpu.dma_semaphore, #tpu.memory_space<semaphore_mem>>
      %dma_start3A_82 = arith.constant 0 : i32
      %dma_start3A_83 = tpu.memref_slice %arg18[%mul3A_6, %dma_start3A_82] : memref<10000x32xf32, #tpu.memory_space<vmem_shared>> -> memref<625x32xf32, #tpu.memory_space<vmem_shared>>
      %dma_start3A_84 = arith.constant 0 : i32
      %dma_start3A_85 = tpu.memref_slice %arg2[%mul3A_4, %dma_start3A_84] : memref<10000x32xf32, #tpu.memory_space<hbm>> -> memref<625x32xf32, #tpu.memory_space<hbm>>
      tpu.enqueue_dma source(%dma_start3A_85 : memref<625x32xf32, #tpu.memory_space<hbm>>) target(%dma_start3A_83 : memref<625x32xf32, #tpu.memory_space<vmem_shared>>) target_semaphore(%run_scoped3A : memref<!tpu.dma_semaphore, #tpu.memory_space<semaphore_mem>>)
      %dma_wait3A_86 = arith.constant 0 : i32
      %dma_wait3A_87 = tpu.memref_slice %arg18[%mul3A_6, %dma_wait3A_86] : memref<10000x32xf32, #tpu.memory_space<vmem_shared>> -> memref<625x32xf32, #tpu.memory_space<vmem_shared>>
      %dma_wait3A_88 = arith.constant 0 : i32
      %dma_wait3A_89 = tpu.memref_slice %arg2[%mul3A_4, %dma_wait3A_88] : memref<10000x32xf32, #tpu.memory_space<hbm>> -> memref<625x32xf32, #tpu.memory_space<hbm>>
      tpu.wait_dma2 semaphore(%run_scoped3A : memref<!tpu.dma_semaphore, #tpu.memory_space<semaphore_mem>>) src(%dma_wait3A_89 : memref<625x32xf32, #tpu.memory_space<hbm>>) dst(%dma_wait3A_87 : memref<625x32xf32, #tpu.memory_space<vmem_shared>>)
      tpu.yield
    }) : () -> ()
    "tpu.region"() ({
      %run_scoped3A = tpu.sem_alloc : memref<!tpu.dma_semaphore, #tpu.memory_space<semaphore_mem>>
      %dma_start3A_82 = arith.constant 0 : i32
      %dma_start3A_83 = arith.constant 0 : i32
      %dma_start3A_84 = tpu.memref_slice %arg3[%add3A, %dma_start3A_82, %dma_start3A_83] : memref<32x52x128xi32, #tpu.memory_space<hbm>> -> memref<1x52x128xi32, #tpu.memory_space<hbm>>
      %dma_start3A_85 = tpu.memref_squeeze %dma_start3A_84 : memref<1x52x128xi32, #tpu.memory_space<hbm>> -> memref<52x128xi32, #tpu.memory_space<hbm>>
      %dma_start3A_86 = arith.constant 0 : i32
      %dma_start3A_87 = arith.constant 0 : i32
      %dma_start3A_88 = tpu.memref_slice %arg3[%add3A, %dma_start3A_86, %dma_start3A_87] : memref<32x52x128xi32, #tpu.memory_space<hbm>> -> memref<1x52x128xi32, #tpu.memory_space<hbm>>
      %dma_start3A_89 = tpu.memref_squeeze %dma_start3A_88 : memref<1x52x128xi32, #tpu.memory_space<hbm>> -> memref<52x128xi32, #tpu.memory_space<hbm>>
      tpu.enqueue_dma source(%dma_start3A_89 : memref<52x128xi32, #tpu.memory_space<hbm>>) target(%arg5 : memref<52x128xi32, #tpu.memory_space<vmem>>) target_semaphore(%run_scoped3A : memref<!tpu.dma_semaphore, #tpu.memory_space<semaphore_mem>>)
      %dma_wait3A_90 = arith.constant 0 : i32
      %dma_wait3A_91 = arith.constant 0 : i32
      %dma_wait3A_92 = tpu.memref_slice %arg3[%add3A, %dma_wait3A_90, %dma_wait3A_91] : memref<32x52x128xi32, #tpu.memory_space<hbm>> -> memref<1x52x128xi32, #tpu.memory_space<hbm>>
      %dma_wait3A_93 = tpu.memref_squeeze %dma_wait3A_92 : memref<1x52x128xi32, #tpu.memory_space<hbm>> -> memref<52x128xi32, #tpu.memory_space<hbm>>
      %dma_wait3A_94 = arith.constant 0 : i32
      %dma_wait3A_95 = arith.constant 0 : i32
      %dma_wait3A_96 = tpu.memref_slice %arg3[%add3A, %dma_wait3A_94, %dma_wait3A_95] : memref<32x52x128xi32, #tpu.memory_space<hbm>> -> memref<1x52x128xi32, #tpu.memory_space<hbm>>
      %dma_wait3A_97 = tpu.memref_squeeze %dma_wait3A_96 : memref<1x52x128xi32, #tpu.memory_space<hbm>> -> memref<52x128xi32, #tpu.memory_space<hbm>>
      tpu.wait_dma2 semaphore(%run_scoped3A : memref<!tpu.dma_semaphore, #tpu.memory_space<semaphore_mem>>) src(%dma_wait3A_97 : memref<52x128xi32, #tpu.memory_space<hbm>>) dst(%arg5 : memref<52x128xi32, #tpu.memory_space<vmem>>)
      tpu.yield
    }) : () -> ()
    %barrier3A = arith.constant 0 : index
    tpu.barrier barrier_id(%barrier3A)
    %dma_start3A = arith.constant 0 : i32
    %dma_start3A_7 = arith.constant 0 : i32
    %dma_start3A_8 = tpu.memref_slice %arg5[%dma_start3A, %dma_start3A_7] : memref<52x128xi32, #tpu.memory_space<vmem>> -> memref<1x128xi32, #tpu.memory_space<vmem>>
    %dma_start3A_9 = tpu.memref_squeeze %dma_start3A_8 : memref<1x128xi32, #tpu.memory_space<vmem>> -> memref<128xi32, #tpu.memory_space<vmem>>
    %dma_start3A_10 = arith.constant 0 : i32
    %dma_start3A_11 = arith.constant 0 : i32
    %dma_start3A_12 = tpu.memref_slice %arg18[%dma_start3A_10, %dma_start3A_11] : memref<10000x32xf32, #tpu.memory_space<vmem_shared>> -> memref<10000x32xf32, #tpu.memory_space<vmem_shared>>
    tpu.enqueue_indirect_dma source(%dma_start3A_12 : memref<10000x32xf32, #tpu.memory_space<vmem_shared>>) target(%arg6 : memref<128x32xf32, #tpu.memory_space<vmem>>) offsets(%dma_start3A_9 : memref<128xi32, #tpu.memory_space<vmem>>) semaphore(%arg10 : memref<!tpu.dma_semaphore, #tpu.memory_space<semaphore_mem>>)
    %dma_start3A_13 = arith.constant 1 : i32
    %dma_start3A_14 = arith.constant 0 : i32
    %dma_start3A_15 = tpu.memref_slice %arg5[%dma_start3A_13, %dma_start3A_14] : memref<52x128xi32, #tpu.memory_space<vmem>> -> memref<1x128xi32, #tpu.memory_space<vmem>>
    %dma_start3A_16 = tpu.memref_squeeze %dma_start3A_15 : memref<1x128xi32, #tpu.memory_space<vmem>> -> memref<128xi32, #tpu.memory_space<vmem>>
    %dma_start3A_17 = arith.constant 0 : i32
    %dma_start3A_18 = arith.constant 0 : i32
    %dma_start3A_19 = tpu.memref_slice %arg18[%dma_start3A_17, %dma_start3A_18] : memref<10000x32xf32, #tpu.memory_space<vmem_shared>> -> memref<10000x32xf32, #tpu.memory_space<vmem_shared>>
    tpu.enqueue_indirect_dma source(%dma_start3A_19 : memref<10000x32xf32, #tpu.memory_space<vmem_shared>>) target(%arg7 : memref<128x32xf32, #tpu.memory_space<vmem>>) offsets(%dma_start3A_16 : memref<128xi32, #tpu.memory_space<vmem>>) semaphore(%arg11 : memref<!tpu.dma_semaphore, #tpu.memory_space<semaphore_mem>>)
    %dma_start3A_20 = arith.constant 2 : i32
    %dma_start3A_21 = arith.constant 0 : i32
    %dma_start3A_22 = tpu.memref_slice %arg5[%dma_start3A_20, %dma_start3A_21] : memref<52x128xi32, #tpu.memory_space<vmem>> -> memref<1x128xi32, #tpu.memory_space<vmem>>
    %dma_start3A_23 = tpu.memref_squeeze %dma_start3A_22 : memref<1x128xi32, #tpu.memory_space<vmem>> -> memref<128xi32, #tpu.memory_space<vmem>>
    %dma_start3A_24 = arith.constant 0 : i32
    %dma_start3A_25 = arith.constant 0 : i32
    %dma_start3A_26 = tpu.memref_slice %arg18[%dma_start3A_24, %dma_start3A_25] : memref<10000x32xf32, #tpu.memory_space<vmem_shared>> -> memref<10000x32xf32, #tpu.memory_space<vmem_shared>>
    tpu.enqueue_indirect_dma source(%dma_start3A_26 : memref<10000x32xf32, #tpu.memory_space<vmem_shared>>) target(%arg8 : memref<128x32xf32, #tpu.memory_space<vmem>>) offsets(%dma_start3A_23 : memref<128xi32, #tpu.memory_space<vmem>>) semaphore(%arg12 : memref<!tpu.dma_semaphore, #tpu.memory_space<semaphore_mem>>)
    %dma_start3A_27 = arith.constant 3 : i32
    %dma_start3A_28 = arith.constant 0 : i32
    %dma_start3A_29 = tpu.memref_slice %arg5[%dma_start3A_27, %dma_start3A_28] : memref<52x128xi32, #tpu.memory_space<vmem>> -> memref<1x128xi32, #tpu.memory_space<vmem>>
    %dma_start3A_30 = tpu.memref_squeeze %dma_start3A_29 : memref<1x128xi32, #tpu.memory_space<vmem>> -> memref<128xi32, #tpu.memory_space<vmem>>
    %dma_start3A_31 = arith.constant 0 : i32
    %dma_start3A_32 = arith.constant 0 : i32
    %dma_start3A_33 = tpu.memref_slice %arg18[%dma_start3A_31, %dma_start3A_32] : memref<10000x32xf32, #tpu.memory_space<vmem_shared>> -> memref<10000x32xf32, #tpu.memory_space<vmem_shared>>
    tpu.enqueue_indirect_dma source(%dma_start3A_33 : memref<10000x32xf32, #tpu.memory_space<vmem_shared>>) target(%arg9 : memref<128x32xf32, #tpu.memory_space<vmem>>) offsets(%dma_start3A_30 : memref<128xi32, #tpu.memory_space<vmem>>) semaphore(%arg13 : memref<!tpu.dma_semaphore, #tpu.memory_space<semaphore_mem>>)
    %scan3A = arith.constant 0 : i32
    %scan3A_34 = arith.constant 0 : i32
    %scan3A_35 = arith.constant 12 : i32
    %scan3A_36 = arith.addi %scan3A_34, %scan3A_35 : i32
    %scan3A_37 = arith.constant 1 : i32
    scf.for %scan3A_82 = %scan3A_34 to %scan3A_36 step %scan3A_37  : i32 {
      %mul3A_83 = arith.constant 4 : i32
      %mul3A_84 = arith.muli %scan3A_82, %mul3A_83 : i32
      %add3A_85 = arith.constant 0 : i32
      %add3A_86 = arith.addi %mul3A_84, %add3A_85 : i32
      %add3A_87 = arith.addi %mul3A_2, %add3A_86 : i32
      %mul3A_88 = arith.constant 128 : i32
      %mul3A_89 = arith.muli %add3A_87, %mul3A_88 : i32
      %dma_wait3A_90 = arith.constant 0 : i32
      %dma_wait3A_91 = tpu.memref_slice %arg5[%add3A_86, %dma_wait3A_90] : memref<52x128xi32, #tpu.memory_space<vmem>> -> memref<1x128xi32, #tpu.memory_space<vmem>>
      %dma_wait3A_92 = tpu.memref_squeeze %dma_wait3A_91 : memref<1x128xi32, #tpu.memory_space<vmem>> -> memref<128xi32, #tpu.memory_space<vmem>>
      %dma_wait3A_93 = arith.constant 0 : i32
      %dma_wait3A_94 = arith.constant 0 : i32
      %dma_wait3A_95 = tpu.memref_slice %arg18[%dma_wait3A_93, %dma_wait3A_94] : memref<10000x32xf32, #tpu.memory_space<vmem_shared>> -> memref<10000x32xf32, #tpu.memory_space<vmem_shared>>
      tpu.wait_indirect_dma semaphore(%arg10 : memref<!tpu.dma_semaphore, #tpu.memory_space<semaphore_mem>>) src(%dma_wait3A_95 : memref<10000x32xf32, #tpu.memory_space<vmem_shared>>) dst(%arg6 : memref<128x32xf32, #tpu.memory_space<vmem>>)
      %dma_start3A_96 = arith.constant 0 : i32
      %dma_start3A_97 = tpu.memref_slice %arg4[%mul3A_89, %dma_start3A_96] : memref<212992x32xf32, #tpu.memory_space<hbm>> -> memref<128x32xf32, #tpu.memory_space<hbm>>
      %dma_start3A_98 = arith.constant 0 : i32
      %dma_start3A_99 = tpu.memref_slice %arg4[%mul3A_89, %dma_start3A_98] : memref<212992x32xf32, #tpu.memory_space<hbm>> -> memref<128x32xf32, #tpu.memory_space<hbm>>
      tpu.enqueue_dma source(%arg6 : memref<128x32xf32, #tpu.memory_space<vmem>>) target(%dma_start3A_99 : memref<128x32xf32, #tpu.memory_space<hbm>>) target_semaphore(%arg14 : memref<!tpu.dma_semaphore, #tpu.memory_space<semaphore_mem>>)
      %dma_wait3A_100 = arith.constant 0 : i32
      %dma_wait3A_101 = tpu.memref_slice %arg4[%mul3A_89, %dma_wait3A_100] : memref<212992x32xf32, #tpu.memory_space<hbm>> -> memref<128x32xf32, #tpu.memory_space<hbm>>
      %dma_wait3A_102 = arith.constant 0 : i32
      %dma_wait3A_103 = tpu.memref_slice %arg4[%mul3A_89, %dma_wait3A_102] : memref<212992x32xf32, #tpu.memory_space<hbm>> -> memref<128x32xf32, #tpu.memory_space<hbm>>
      tpu.wait_dma2 semaphore(%arg14 : memref<!tpu.dma_semaphore, #tpu.memory_space<semaphore_mem>>) src(%arg6 : memref<128x32xf32, #tpu.memory_space<vmem>>) dst(%dma_wait3A_103 : memref<128x32xf32, #tpu.memory_space<hbm>>)
      %add3A_104 = arith.constant 4 : i32
      %add3A_105 = arith.addi %add3A_86, %add3A_104 : i32
      %dma_start3A_106 = arith.constant 0 : i32
      %dma_start3A_107 = tpu.memref_slice %arg5[%add3A_105, %dma_start3A_106] : memref<52x128xi32, #tpu.memory_space<vmem>> -> memref<1x128xi32, #tpu.memory_space<vmem>>
      %dma_start3A_108 = tpu.memref_squeeze %dma_start3A_107 : memref<1x128xi32, #tpu.memory_space<vmem>> -> memref<128xi32, #tpu.memory_space<vmem>>
      %dma_start3A_109 = arith.constant 0 : i32
      %dma_start3A_110 = arith.constant 0 : i32
      %dma_start3A_111 = tpu.memref_slice %arg18[%dma_start3A_109, %dma_start3A_110] : memref<10000x32xf32, #tpu.memory_space<vmem_shared>> -> memref<10000x32xf32, #tpu.memory_space<vmem_shared>>
      tpu.enqueue_indirect_dma source(%dma_start3A_111 : memref<10000x32xf32, #tpu.memory_space<vmem_shared>>) target(%arg6 : memref<128x32xf32, #tpu.memory_space<vmem>>) offsets(%dma_start3A_108 : memref<128xi32, #tpu.memory_space<vmem>>) semaphore(%arg10 : memref<!tpu.dma_semaphore, #tpu.memory_space<semaphore_mem>>)
      %mul3A_112 = arith.constant 4 : i32
      %mul3A_113 = arith.muli %scan3A_82, %mul3A_112 : i32
      %add3A_114 = arith.constant 1 : i32
      %add3A_115 = arith.addi %mul3A_113, %add3A_114 : i32
      %add3A_116 = arith.addi %mul3A_2, %add3A_115 : i32
      %mul3A_117 = arith.constant 128 : i32
      %mul3A_118 = arith.muli %add3A_116, %mul3A_117 : i32
      %dma_wait3A_119 = arith.constant 0 : i32
      %dma_wait3A_120 = tpu.memref_slice %arg5[%add3A_115, %dma_wait3A_119] : memref<52x128xi32, #tpu.memory_space<vmem>> -> memref<1x128xi32, #tpu.memory_space<vmem>>
      %dma_wait3A_121 = tpu.memref_squeeze %dma_wait3A_120 : memref<1x128xi32, #tpu.memory_space<vmem>> -> memref<128xi32, #tpu.memory_space<vmem>>
      %dma_wait3A_122 = arith.constant 0 : i32
      %dma_wait3A_123 = arith.constant 0 : i32
      %dma_wait3A_124 = tpu.memref_slice %arg18[%dma_wait3A_122, %dma_wait3A_123] : memref<10000x32xf32, #tpu.memory_space<vmem_shared>> -> memref<10000x32xf32, #tpu.memory_space<vmem_shared>>
      tpu.wait_indirect_dma semaphore(%arg11 : memref<!tpu.dma_semaphore, #tpu.memory_space<semaphore_mem>>) src(%dma_wait3A_124 : memref<10000x32xf32, #tpu.memory_space<vmem_shared>>) dst(%arg7 : memref<128x32xf32, #tpu.memory_space<vmem>>)
      %dma_start3A_125 = arith.constant 0 : i32
      %dma_start3A_126 = tpu.memref_slice %arg4[%mul3A_118, %dma_start3A_125] : memref<212992x32xf32, #tpu.memory_space<hbm>> -> memref<128x32xf32, #tpu.memory_space<hbm>>
      %dma_start3A_127 = arith.constant 0 : i32
      %dma_start3A_128 = tpu.memref_slice %arg4[%mul3A_118, %dma_start3A_127] : memref<212992x32xf32, #tpu.memory_space<hbm>> -> memref<128x32xf32, #tpu.memory_space<hbm>>
      tpu.enqueue_dma source(%arg7 : memref<128x32xf32, #tpu.memory_space<vmem>>) target(%dma_start3A_128 : memref<128x32xf32, #tpu.memory_space<hbm>>) target_semaphore(%arg15 : memref<!tpu.dma_semaphore, #tpu.memory_space<semaphore_mem>>)
      %dma_wait3A_129 = arith.constant 0 : i32
      %dma_wait3A_130 = tpu.memref_slice %arg4[%mul3A_118, %dma_wait3A_129] : memref<212992x32xf32, #tpu.memory_space<hbm>> -> memref<128x32xf32, #tpu.memory_space<hbm>>
      %dma_wait3A_131 = arith.constant 0 : i32
      %dma_wait3A_132 = tpu.memref_slice %arg4[%mul3A_118, %dma_wait3A_131] : memref<212992x32xf32, #tpu.memory_space<hbm>> -> memref<128x32xf32, #tpu.memory_space<hbm>>
      tpu.wait_dma2 semaphore(%arg15 : memref<!tpu.dma_semaphore, #tpu.memory_space<semaphore_mem>>) src(%arg7 : memref<128x32xf32, #tpu.memory_space<vmem>>) dst(%dma_wait3A_132 : memref<128x32xf32, #tpu.memory_space<hbm>>)
      %add3A_133 = arith.constant 4 : i32
      %add3A_134 = arith.addi %add3A_115, %add3A_133 : i32
      %dma_start3A_135 = arith.constant 0 : i32
      %dma_start3A_136 = tpu.memref_slice %arg5[%add3A_134, %dma_start3A_135] : memref<52x128xi32, #tpu.memory_space<vmem>> -> memref<1x128xi32, #tpu.memory_space<vmem>>
      %dma_start3A_137 = tpu.memref_squeeze %dma_start3A_136 : memref<1x128xi32, #tpu.memory_space<vmem>> -> memref<128xi32, #tpu.memory_space<vmem>>
      %dma_start3A_138 = arith.constant 0 : i32
      %dma_start3A_139 = arith.constant 0 : i32
      %dma_start3A_140 = tpu.memref_slice %arg18[%dma_start3A_138, %dma_start3A_139] : memref<10000x32xf32, #tpu.memory_space<vmem_shared>> -> memref<10000x32xf32, #tpu.memory_space<vmem_shared>>
      tpu.enqueue_indirect_dma source(%dma_start3A_140 : memref<10000x32xf32, #tpu.memory_space<vmem_shared>>) target(%arg7 : memref<128x32xf32, #tpu.memory_space<vmem>>) offsets(%dma_start3A_137 : memref<128xi32, #tpu.memory_space<vmem>>) semaphore(%arg11 : memref<!tpu.dma_semaphore, #tpu.memory_space<semaphore_mem>>)
      %mul3A_141 = arith.constant 4 : i32
      %mul3A_142 = arith.muli %scan3A_82, %mul3A_141 : i32
      %add3A_143 = arith.constant 2 : i32
      %add3A_144 = arith.addi %mul3A_142, %add3A_143 : i32
      %add3A_145 = arith.addi %mul3A_2, %add3A_144 : i32
      %mul3A_146 = arith.constant 128 : i32
      %mul3A_147 = arith.muli %add3A_145, %mul3A_146 : i32
      %dma_wait3A_148 = arith.constant 0 : i32
      %dma_wait3A_149 = tpu.memref_slice %arg5[%add3A_144, %dma_wait3A_148] : memref<52x128xi32, #tpu.memory_space<vmem>> -> memref<1x128xi32, #tpu.memory_space<vmem>>
      %dma_wait3A_150 = tpu.memref_squeeze %dma_wait3A_149 : memref<1x128xi32, #tpu.memory_space<vmem>> -> memref<128xi32, #tpu.memory_space<vmem>>
      %dma_wait3A_151 = arith.constant 0 : i32
      %dma_wait3A_152 = arith.constant 0 : i32
      %dma_wait3A_153 = tpu.memref_slice %arg18[%dma_wait3A_151, %dma_wait3A_152] : memref<10000x32xf32, #tpu.memory_space<vmem_shared>> -> memref<10000x32xf32, #tpu.memory_space<vmem_shared>>
      tpu.wait_indirect_dma semaphore(%arg12 : memref<!tpu.dma_semaphore, #tpu.memory_space<semaphore_mem>>) src(%dma_wait3A_153 : memref<10000x32xf32, #tpu.memory_space<vmem_shared>>) dst(%arg8 : memref<128x32xf32, #tpu.memory_space<vmem>>)
      %dma_start3A_154 = arith.constant 0 : i32
      %dma_start3A_155 = tpu.memref_slice %arg4[%mul3A_147, %dma_start3A_154] : memref<212992x32xf32, #tpu.memory_space<hbm>> -> memref<128x32xf32, #tpu.memory_space<hbm>>
      %dma_start3A_156 = arith.constant 0 : i32
      %dma_start3A_157 = tpu.memref_slice %arg4[%mul3A_147, %dma_start3A_156] : memref<212992x32xf32, #tpu.memory_space<hbm>> -> memref<128x32xf32, #tpu.memory_space<hbm>>
      tpu.enqueue_dma source(%arg8 : memref<128x32xf32, #tpu.memory_space<vmem>>) target(%dma_start3A_157 : memref<128x32xf32, #tpu.memory_space<hbm>>) target_semaphore(%arg16 : memref<!tpu.dma_semaphore, #tpu.memory_space<semaphore_mem>>)
      %dma_wait3A_158 = arith.constant 0 : i32
      %dma_wait3A_159 = tpu.memref_slice %arg4[%mul3A_147, %dma_wait3A_158] : memref<212992x32xf32, #tpu.memory_space<hbm>> -> memref<128x32xf32, #tpu.memory_space<hbm>>
      %dma_wait3A_160 = arith.constant 0 : i32
      %dma_wait3A_161 = tpu.memref_slice %arg4[%mul3A_147, %dma_wait3A_160] : memref<212992x32xf32, #tpu.memory_space<hbm>> -> memref<128x32xf32, #tpu.memory_space<hbm>>
      tpu.wait_dma2 semaphore(%arg16 : memref<!tpu.dma_semaphore, #tpu.memory_space<semaphore_mem>>) src(%arg8 : memref<128x32xf32, #tpu.memory_space<vmem>>) dst(%dma_wait3A_161 : memref<128x32xf32, #tpu.memory_space<hbm>>)
      %add3A_162 = arith.constant 4 : i32
      %add3A_163 = arith.addi %add3A_144, %add3A_162 : i32
      %dma_start3A_164 = arith.constant 0 : i32
      %dma_start3A_165 = tpu.memref_slice %arg5[%add3A_163, %dma_start3A_164] : memref<52x128xi32, #tpu.memory_space<vmem>> -> memref<1x128xi32, #tpu.memory_space<vmem>>
      %dma_start3A_166 = tpu.memref_squeeze %dma_start3A_165 : memref<1x128xi32, #tpu.memory_space<vmem>> -> memref<128xi32, #tpu.memory_space<vmem>>
      %dma_start3A_167 = arith.constant 0 : i32
      %dma_start3A_168 = arith.constant 0 : i32
      %dma_start3A_169 = tpu.memref_slice %arg18[%dma_start3A_167, %dma_start3A_168] : memref<10000x32xf32, #tpu.memory_space<vmem_shared>> -> memref<10000x32xf32, #tpu.memory_space<vmem_shared>>
      tpu.enqueue_indirect_dma source(%dma_start3A_169 : memref<10000x32xf32, #tpu.memory_space<vmem_shared>>) target(%arg8 : memref<128x32xf32, #tpu.memory_space<vmem>>) offsets(%dma_start3A_166 : memref<128xi32, #tpu.memory_space<vmem>>) semaphore(%arg12 : memref<!tpu.dma_semaphore, #tpu.memory_space<semaphore_mem>>)
      %mul3A_170 = arith.constant 4 : i32
      %mul3A_171 = arith.muli %scan3A_82, %mul3A_170 : i32
      %add3A_172 = arith.constant 3 : i32
      %add3A_173 = arith.addi %mul3A_171, %add3A_172 : i32
      %add3A_174 = arith.addi %mul3A_2, %add3A_173 : i32
      %mul3A_175 = arith.constant 128 : i32
      %mul3A_176 = arith.muli %add3A_174, %mul3A_175 : i32
      %dma_wait3A_177 = arith.constant 0 : i32
      %dma_wait3A_178 = tpu.memref_slice %arg5[%add3A_173, %dma_wait3A_177] : memref<52x128xi32, #tpu.memory_space<vmem>> -> memref<1x128xi32, #tpu.memory_space<vmem>>
      %dma_wait3A_179 = tpu.memref_squeeze %dma_wait3A_178 : memref<1x128xi32, #tpu.memory_space<vmem>> -> memref<128xi32, #tpu.memory_space<vmem>>
      %dma_wait3A_180 = arith.constant 0 : i32
      %dma_wait3A_181 = arith.constant 0 : i32
      %dma_wait3A_182 = tpu.memref_slice %arg18[%dma_wait3A_180, %dma_wait3A_181] : memref<10000x32xf32, #tpu.memory_space<vmem_shared>> -> memref<10000x32xf32, #tpu.memory_space<vmem_shared>>
      tpu.wait_indirect_dma semaphore(%arg13 : memref<!tpu.dma_semaphore, #tpu.memory_space<semaphore_mem>>) src(%dma_wait3A_182 : memref<10000x32xf32, #tpu.memory_space<vmem_shared>>) dst(%arg9 : memref<128x32xf32, #tpu.memory_space<vmem>>)
      %dma_start3A_183 = arith.constant 0 : i32
      %dma_start3A_184 = tpu.memref_slice %arg4[%mul3A_176, %dma_start3A_183] : memref<212992x32xf32, #tpu.memory_space<hbm>> -> memref<128x32xf32, #tpu.memory_space<hbm>>
      %dma_start3A_185 = arith.constant 0 : i32
      %dma_start3A_186 = tpu.memref_slice %arg4[%mul3A_176, %dma_start3A_185] : memref<212992x32xf32, #tpu.memory_space<hbm>> -> memref<128x32xf32, #tpu.memory_space<hbm>>
      tpu.enqueue_dma source(%arg9 : memref<128x32xf32, #tpu.memory_space<vmem>>) target(%dma_start3A_186 : memref<128x32xf32, #tpu.memory_space<hbm>>) target_semaphore(%arg17 : memref<!tpu.dma_semaphore, #tpu.memory_space<semaphore_mem>>)
      %dma_wait3A_187 = arith.constant 0 : i32
      %dma_wait3A_188 = tpu.memref_slice %arg4[%mul3A_176, %dma_wait3A_187] : memref<212992x32xf32, #tpu.memory_space<hbm>> -> memref<128x32xf32, #tpu.memory_space<hbm>>
      %dma_wait3A_189 = arith.constant 0 : i32
      %dma_wait3A_190 = tpu.memref_slice %arg4[%mul3A_176, %dma_wait3A_189] : memref<212992x32xf32, #tpu.memory_space<hbm>> -> memref<128x32xf32, #tpu.memory_space<hbm>>
      tpu.wait_dma2 semaphore(%arg17 : memref<!tpu.dma_semaphore, #tpu.memory_space<semaphore_mem>>) src(%arg9 : memref<128x32xf32, #tpu.memory_space<vmem>>) dst(%dma_wait3A_190 : memref<128x32xf32, #tpu.memory_space<hbm>>)
      %add3A_191 = arith.constant 4 : i32
      %add3A_192 = arith.addi %add3A_173, %add3A_191 : i32
      %dma_start3A_193 = arith.constant 0 : i32
      %dma_start3A_194 = tpu.memref_slice %arg5[%add3A_192, %dma_start3A_193] : memref<52x128xi32, #tpu.memory_space<vmem>> -> memref<1x128xi32, #tpu.memory_space<vmem>>
      %dma_start3A_195 = tpu.memref_squeeze %dma_start3A_194 : memref<1x128xi32, #tpu.memory_space<vmem>> -> memref<128xi32, #tpu.memory_space<vmem>>
      %dma_start3A_196 = arith.constant 0 : i32
      %dma_start3A_197 = arith.constant 0 : i32
      %dma_start3A_198 = tpu.memref_slice %arg18[%dma_start3A_196, %dma_start3A_197] : memref<10000x32xf32, #tpu.memory_space<vmem_shared>> -> memref<10000x32xf32, #tpu.memory_space<vmem_shared>>
      tpu.enqueue_indirect_dma source(%dma_start3A_198 : memref<10000x32xf32, #tpu.memory_space<vmem_shared>>) target(%arg9 : memref<128x32xf32, #tpu.memory_space<vmem>>) offsets(%dma_start3A_195 : memref<128xi32, #tpu.memory_space<vmem>>) semaphore(%arg13 : memref<!tpu.dma_semaphore, #tpu.memory_space<semaphore_mem>>)
    }
    %scan3A_38 = arith.constant 12 : i32
    %dma_wait3A = arith.constant 48 : i32
    %dma_wait3A_39 = arith.constant 0 : i32
    %dma_wait3A_40 = tpu.memref_slice %arg5[%dma_wait3A, %dma_wait3A_39] : memref<52x128xi32, #tpu.memory_space<vmem>> -> memref<1x128xi32, #tpu.memory_space<vmem>>
    %dma_wait3A_41 = tpu.memref_squeeze %dma_wait3A_40 : memref<1x128xi32, #tpu.memory_space<vmem>> -> memref<128xi32, #tpu.memory_space<vmem>>
    %dma_wait3A_42 = arith.constant 0 : i32
    %dma_wait3A_43 = arith.constant 0 : i32
    %dma_wait3A_44 = tpu.memref_slice %arg18[%dma_wait3A_42, %dma_wait3A_43] : memref<10000x32xf32, #tpu.memory_space<vmem_shared>> -> memref<10000x32xf32, #tpu.memory_space<vmem_shared>>
    tpu.wait_indirect_dma semaphore(%arg10 : memref<!tpu.dma_semaphore, #tpu.memory_space<semaphore_mem>>) src(%dma_wait3A_44 : memref<10000x32xf32, #tpu.memory_space<vmem_shared>>) dst(%arg6 : memref<128x32xf32, #tpu.memory_space<vmem>>)
    %add3A_45 = arith.constant 48 : i32
    %add3A_46 = arith.addi %mul3A_2, %add3A_45 : i32
    %mul3A_47 = arith.constant 128 : i32
    %mul3A_48 = arith.muli %add3A_46, %mul3A_47 : i32
    "tpu.region"() ({
      %run_scoped3A = tpu.sem_alloc : memref<!tpu.dma_semaphore, #tpu.memory_space<semaphore_mem>>
      %dma_start3A_82 = arith.constant 0 : i32
      %dma_start3A_83 = tpu.memref_slice %arg4[%mul3A_48, %dma_start3A_82] : memref<212992x32xf32, #tpu.memory_space<hbm>> -> memref<128x32xf32, #tpu.memory_space<hbm>>
      %dma_start3A_84 = arith.constant 0 : i32
      %dma_start3A_85 = tpu.memref_slice %arg4[%mul3A_48, %dma_start3A_84] : memref<212992x32xf32, #tpu.memory_space<hbm>> -> memref<128x32xf32, #tpu.memory_space<hbm>>
      tpu.enqueue_dma source(%arg6 : memref<128x32xf32, #tpu.memory_space<vmem>>) target(%dma_start3A_85 : memref<128x32xf32, #tpu.memory_space<hbm>>) target_semaphore(%run_scoped3A : memref<!tpu.dma_semaphore, #tpu.memory_space<semaphore_mem>>)
      %dma_wait3A_86 = arith.constant 0 : i32
      %dma_wait3A_87 = tpu.memref_slice %arg4[%mul3A_48, %dma_wait3A_86] : memref<212992x32xf32, #tpu.memory_space<hbm>> -> memref<128x32xf32, #tpu.memory_space<hbm>>
      %dma_wait3A_88 = arith.constant 0 : i32
      %dma_wait3A_89 = tpu.memref_slice %arg4[%mul3A_48, %dma_wait3A_88] : memref<212992x32xf32, #tpu.memory_space<hbm>> -> memref<128x32xf32, #tpu.memory_space<hbm>>
      tpu.wait_dma2 semaphore(%run_scoped3A : memref<!tpu.dma_semaphore, #tpu.memory_space<semaphore_mem>>) src(%arg6 : memref<128x32xf32, #tpu.memory_space<vmem>>) dst(%dma_wait3A_89 : memref<128x32xf32, #tpu.memory_space<hbm>>)
      tpu.yield
    }) : () -> ()
    %dma_wait3A_49 = arith.constant 49 : i32
    %dma_wait3A_50 = arith.constant 0 : i32
    %dma_wait3A_51 = tpu.memref_slice %arg5[%dma_wait3A_49, %dma_wait3A_50] : memref<52x128xi32, #tpu.memory_space<vmem>> -> memref<1x128xi32, #tpu.memory_space<vmem>>
    %dma_wait3A_52 = tpu.memref_squeeze %dma_wait3A_51 : memref<1x128xi32, #tpu.memory_space<vmem>> -> memref<128xi32, #tpu.memory_space<vmem>>
    %dma_wait3A_53 = arith.constant 0 : i32
    %dma_wait3A_54 = arith.constant 0 : i32
    %dma_wait3A_55 = tpu.memref_slice %arg18[%dma_wait3A_53, %dma_wait3A_54] : memref<10000x32xf32, #tpu.memory_space<vmem_shared>> -> memref<10000x32xf32, #tpu.memory_space<vmem_shared>>
    tpu.wait_indirect_dma semaphore(%arg11 : memref<!tpu.dma_semaphore, #tpu.memory_space<semaphore_mem>>) src(%dma_wait3A_55 : memref<10000x32xf32, #tpu.memory_space<vmem_shared>>) dst(%arg7 : memref<128x32xf32, #tpu.memory_space<vmem>>)
    %add3A_56 = arith.constant 49 : i32
    %add3A_57 = arith.addi %mul3A_2, %add3A_56 : i32
    %mul3A_58 = arith.constant 128 : i32
    %mul3A_59 = arith.muli %add3A_57, %mul3A_58 : i32
    "tpu.region"() ({
      %run_scoped3A = tpu.sem_alloc : memref<!tpu.dma_semaphore, #tpu.memory_space<semaphore_mem>>
      %dma_start3A_82 = arith.constant 0 : i32
      %dma_start3A_83 = tpu.memref_slice %arg4[%mul3A_59, %dma_start3A_82] : memref<212992x32xf32, #tpu.memory_space<hbm>> -> memref<128x32xf32, #tpu.memory_space<hbm>>
      %dma_start3A_84 = arith.constant 0 : i32
      %dma_start3A_85 = tpu.memref_slice %arg4[%mul3A_59, %dma_start3A_84] : memref<212992x32xf32, #tpu.memory_space<hbm>> -> memref<128x32xf32, #tpu.memory_space<hbm>>
      tpu.enqueue_dma source(%arg7 : memref<128x32xf32, #tpu.memory_space<vmem>>) target(%dma_start3A_85 : memref<128x32xf32, #tpu.memory_space<hbm>>) target_semaphore(%run_scoped3A : memref<!tpu.dma_semaphore, #tpu.memory_space<semaphore_mem>>)
      %dma_wait3A_86 = arith.constant 0 : i32
      %dma_wait3A_87 = tpu.memref_slice %arg4[%mul3A_59, %dma_wait3A_86] : memref<212992x32xf32, #tpu.memory_space<hbm>> -> memref<128x32xf32, #tpu.memory_space<hbm>>
      %dma_wait3A_88 = arith.constant 0 : i32
      %dma_wait3A_89 = tpu.memref_slice %arg4[%mul3A_59, %dma_wait3A_88] : memref<212992x32xf32, #tpu.memory_space<hbm>> -> memref<128x32xf32, #tpu.memory_space<hbm>>
      tpu.wait_dma2 semaphore(%run_scoped3A : memref<!tpu.dma_semaphore, #tpu.memory_space<semaphore_mem>>) src(%arg7 : memref<128x32xf32, #tpu.memory_space<vmem>>) dst(%dma_wait3A_89 : memref<128x32xf32, #tpu.memory_space<hbm>>)
      tpu.yield
    }) : () -> ()
    %dma_wait3A_60 = arith.constant 50 : i32
    %dma_wait3A_61 = arith.constant 0 : i32
    %dma_wait3A_62 = tpu.memref_slice %arg5[%dma_wait3A_60, %dma_wait3A_61] : memref<52x128xi32, #tpu.memory_space<vmem>> -> memref<1x128xi32, #tpu.memory_space<vmem>>
    %dma_wait3A_63 = tpu.memref_squeeze %dma_wait3A_62 : memref<1x128xi32, #tpu.memory_space<vmem>> -> memref<128xi32, #tpu.memory_space<vmem>>
    %dma_wait3A_64 = arith.constant 0 : i32
    %dma_wait3A_65 = arith.constant 0 : i32
    %dma_wait3A_66 = tpu.memref_slice %arg18[%dma_wait3A_64, %dma_wait3A_65] : memref<10000x32xf32, #tpu.memory_space<vmem_shared>> -> memref<10000x32xf32, #tpu.memory_space<vmem_shared>>
    tpu.wait_indirect_dma semaphore(%arg12 : memref<!tpu.dma_semaphore, #tpu.memory_space<semaphore_mem>>) src(%dma_wait3A_66 : memref<10000x32xf32, #tpu.memory_space<vmem_shared>>) dst(%arg8 : memref<128x32xf32, #tpu.memory_space<vmem>>)
    %add3A_67 = arith.constant 50 : i32
    %add3A_68 = arith.addi %mul3A_2, %add3A_67 : i32
    %mul3A_69 = arith.constant 128 : i32
    %mul3A_70 = arith.muli %add3A_68, %mul3A_69 : i32
    "tpu.region"() ({
      %run_scoped3A = tpu.sem_alloc : memref<!tpu.dma_semaphore, #tpu.memory_space<semaphore_mem>>
      %dma_start3A_82 = arith.constant 0 : i32
      %dma_start3A_83 = tpu.memref_slice %arg4[%mul3A_70, %dma_start3A_82] : memref<212992x32xf32, #tpu.memory_space<hbm>> -> memref<128x32xf32, #tpu.memory_space<hbm>>
      %dma_start3A_84 = arith.constant 0 : i32
      %dma_start3A_85 = tpu.memref_slice %arg4[%mul3A_70, %dma_start3A_84] : memref<212992x32xf32, #tpu.memory_space<hbm>> -> memref<128x32xf32, #tpu.memory_space<hbm>>
      tpu.enqueue_dma source(%arg8 : memref<128x32xf32, #tpu.memory_space<vmem>>) target(%dma_start3A_85 : memref<128x32xf32, #tpu.memory_space<hbm>>) target_semaphore(%run_scoped3A : memref<!tpu.dma_semaphore, #tpu.memory_space<semaphore_mem>>)
      %dma_wait3A_86 = arith.constant 0 : i32
      %dma_wait3A_87 = tpu.memref_slice %arg4[%mul3A_70, %dma_wait3A_86] : memref<212992x32xf32, #tpu.memory_space<hbm>> -> memref<128x32xf32, #tpu.memory_space<hbm>>
      %dma_wait3A_88 = arith.constant 0 : i32
      %dma_wait3A_89 = tpu.memref_slice %arg4[%mul3A_70, %dma_wait3A_88] : memref<212992x32xf32, #tpu.memory_space<hbm>> -> memref<128x32xf32, #tpu.memory_space<hbm>>
      tpu.wait_dma2 semaphore(%run_scoped3A : memref<!tpu.dma_semaphore, #tpu.memory_space<semaphore_mem>>) src(%arg8 : memref<128x32xf32, #tpu.memory_space<vmem>>) dst(%dma_wait3A_89 : memref<128x32xf32, #tpu.memory_space<hbm>>)
      tpu.yield
    }) : () -> ()
    %dma_wait3A_71 = arith.constant 51 : i32
    %dma_wait3A_72 = arith.constant 0 : i32
    %dma_wait3A_73 = tpu.memref_slice %arg5[%dma_wait3A_71, %dma_wait3A_72] : memref<52x128xi32, #tpu.memory_space<vmem>> -> memref<1x128xi32, #tpu.memory_space<vmem>>
    %dma_wait3A_74 = tpu.memref_squeeze %dma_wait3A_73 : memref<1x128xi32, #tpu.memory_space<vmem>> -> memref<128xi32, #tpu.memory_space<vmem>>
    %dma_wait3A_75 = arith.constant 0 : i32
    %dma_wait3A_76 = arith.constant 0 : i32
    %dma_wait3A_77 = tpu.memref_slice %arg18[%dma_wait3A_75, %dma_wait3A_76] : memref<10000x32xf32, #tpu.memory_space<vmem_shared>> -> memref<10000x32xf32, #tpu.memory_space<vmem_shared>>
    tpu.wait_indirect_dma semaphore(%arg13 : memref<!tpu.dma_semaphore, #tpu.memory_space<semaphore_mem>>) src(%dma_wait3A_77 : memref<10000x32xf32, #tpu.memory_space<vmem_shared>>) dst(%arg9 : memref<128x32xf32, #tpu.memory_space<vmem>>)
    %add3A_78 = arith.constant 51 : i32
    %add3A_79 = arith.addi %mul3A_2, %add3A_78 : i32
    %mul3A_80 = arith.constant 128 : i32
    %mul3A_81 = arith.muli %add3A_79, %mul3A_80 : i32
    "tpu.region"() ({
      %run_scoped3A = tpu.sem_alloc : memref<!tpu.dma_semaphore, #tpu.memory_space<semaphore_mem>>
      %dma_start3A_82 = arith.constant 0 : i32
      %dma_start3A_83 = tpu.memref_slice %arg4[%mul3A_81, %dma_start3A_82] : memref<212992x32xf32, #tpu.memory_space<hbm>> -> memref<128x32xf32, #tpu.memory_space<hbm>>
      %dma_start3A_84 = arith.constant 0 : i32
      %dma_start3A_85 = tpu.memref_slice %arg4[%mul3A_81, %dma_start3A_84] : memref<212992x32xf32, #tpu.memory_space<hbm>> -> memref<128x32xf32, #tpu.memory_space<hbm>>
      tpu.enqueue_dma source(%arg9 : memref<128x32xf32, #tpu.memory_space<vmem>>) target(%dma_start3A_85 : memref<128x32xf32, #tpu.memory_space<hbm>>) target_semaphore(%run_scoped3A : memref<!tpu.dma_semaphore, #tpu.memory_space<semaphore_mem>>)
      %dma_wait3A_86 = arith.constant 0 : i32
      %dma_wait3A_87 = tpu.memref_slice %arg4[%mul3A_81, %dma_wait3A_86] : memref<212992x32xf32, #tpu.memory_space<hbm>> -> memref<128x32xf32, #tpu.memory_space<hbm>>
      %dma_wait3A_88 = arith.constant 0 : i32
      %dma_wait3A_89 = tpu.memref_slice %arg4[%mul3A_81, %dma_wait3A_88] : memref<212992x32xf32, #tpu.memory_space<hbm>> -> memref<128x32xf32, #tpu.memory_space<hbm>>
      tpu.wait_dma2 semaphore(%run_scoped3A : memref<!tpu.dma_semaphore, #tpu.memory_space<semaphore_mem>>) src(%arg9 : memref<128x32xf32, #tpu.memory_space<vmem>>) dst(%dma_wait3A_89 : memref<128x32xf32, #tpu.memory_space<hbm>>)
      tpu.yield
    }) : () -> ()
    return
  }
}

module attributes {stable_mosaic.version = 14 : i64} {
  func.func @_enc_node_body(%arg0: i32, %arg1: memref<2000x8xf32, #tpu.memory_space<vmem>>, %arg2: memref<8x32xf32, #tpu.memory_space<vmem>>, %arg3: memref<1x32xf32, #tpu.memory_space<vmem>>, %arg4: memref<2000x32xf32, #tpu.memory_space<vmem>>) attributes {dimension_semantics = [#tpu.dimension_semantics<arbitrary>], iteration_bounds = array<i64: 5>, scalar_prefetch = 0 : i64, scratch_operands = 0 : i64, tpu.core_type = #tpu.core_type<tc>, window_params = [{transform_indices = @transform_0, window_bounds = array<i64: 2000, 8>}, {pipeline_mode = #tpu.pipeline_mode<synchronous>, transform_indices = @transform_1, window_bounds = array<i64: 8, 32>}, {pipeline_mode = #tpu.pipeline_mode<synchronous>, transform_indices = @transform_2, window_bounds = array<i64: 1, 32>}, {transform_indices = @transform_3, window_bounds = array<i64: 2000, 32>}]} {
    %get3A = arith.constant 0 : index
    %get3A_0 = arith.constant 0 : index
    %get3A_1 = vector.load %arg1[%get3A, %get3A_0] : memref<2000x8xf32, #tpu.memory_space<vmem>>, vector<2000x8xf32>
    %get3A_2 = arith.constant 0 : index
    %get3A_3 = arith.constant 0 : index
    %get3A_4 = vector.load %arg2[%get3A_2, %get3A_3] : memref<8x32xf32, #tpu.memory_space<vmem>>, vector<8x32xf32>
    %dot_general3A = arith.constant dense<0.000000e+00> : vector<2000x32xf32>
    %dot_general3A_5 = tpu.matmul %get3A_1, %get3A_4, %dot_general3A {dimension_numbers = #tpu.dot_dimension_numbers<[1], [0], [0], [1], [0, 0, 1, 1], [], []>, transpose_lhs_hint = false} : vector<2000x8xf32>, vector<8x32xf32>, vector<2000x32xf32> -> vector<2000x32xf32>
    %get3A_6 = arith.constant 0 : index
    %get3A_7 = arith.constant 0 : index
    %get3A_8 = vector.load %arg3[%get3A_6, %get3A_7] : memref<1x32xf32, #tpu.memory_space<vmem>>, vector<1x32xf32>
    %add3A = vector.broadcast %get3A_8 : vector<1x32xf32> to vector<2000x32xf32>
    %add3A_9 = arith.addf %dot_general3A_5, %add3A : vector<2000x32xf32>
    %max3A = arith.constant 0.000000e+00 : f32
    %max3A_10 = vector.broadcast %max3A : f32 to vector<2000x32xf32>
    %max3A_11 = arith.maximumf %add3A_9, %max3A_10 : vector<2000x32xf32>
    %swap3A = arith.constant 0 : index
    %swap3A_12 = arith.constant 0 : index
    %swap3A_13 = vector.load %arg4[%swap3A, %swap3A_12] : memref<2000x32xf32, #tpu.memory_space<vmem>>, vector<2000x32xf32>
    tpu.vector_store %arg4[%swap3A, %swap3A_12], %max3A_11 {strides = array<i32>} : memref<2000x32xf32, #tpu.memory_space<vmem>>, vector<2000x32xf32>,
    return
  }
  func.func @transform_0(%arg0: i32) -> (i32, i32) {
    %c0_i32 = arith.constant 0 : i32
    %c0_i32_0 = arith.constant 0 : i32
    return %arg0, %c0_i32 : i32, i32
  }
  func.func @transform_1(%arg0: i32) -> (i32, i32) {
    %c0_i32 = arith.constant 0 : i32
    %c0_i32_0 = arith.constant 0 : i32
    %c0_i32_1 = arith.constant 0 : i32
    return %c0_i32, %c0_i32_0 : i32, i32
  }
  func.func @transform_2(%arg0: i32) -> (i32, i32) {
    %c0_i32 = arith.constant 0 : i32
    %c0_i32_0 = arith.constant 0 : i32
    %c0_i32_1 = arith.constant 0 : i32
    return %c0_i32, %c0_i32_0 : i32, i32
  }
  func.func @transform_3(%arg0: i32) -> (i32, i32) {
    %c0_i32 = arith.constant 0 : i32
    %c0_i32_0 = arith.constant 0 : i32
    return %arg0, %c0_i32 : i32, i32
  }
}

module attributes {stable_mosaic.version = 14 : i64} {
  func.func @_msg_body(%arg0: i32, %arg1: memref<4096x19xf32, #tpu.memory_space<vmem>>, %arg2: memref<4096x32xf32, #tpu.memory_space<vmem>>, %arg3: memref<19x12xf32, #tpu.memory_space<vmem>>, %arg4: memref<1x12xf32, #tpu.memory_space<vmem>>, %arg5: memref<12x128xf32, #tpu.memory_space<vmem>>, %arg6: memref<1x128xf32, #tpu.memory_space<vmem>>, %arg7: memref<128x1024xbf16, #tpu.memory_space<vmem>>, %arg8: memref<64x1024xbf16, #tpu.memory_space<vmem>>, %arg9: memref<64x32xbf16, #tpu.memory_space<vmem>>, %arg10: memref<4096x32xf32, #tpu.memory_space<vmem>>) attributes {dimension_semantics = [#tpu.dimension_semantics<arbitrary>], iteration_bounds = array<i64: 40>, scalar_prefetch = 0 : i64, scratch_operands = 0 : i64, tpu.core_type = #tpu.core_type<tc>, window_params = [{transform_indices = @transform_0, window_bounds = array<i64: 4096, 19>}, {transform_indices = @transform_1, window_bounds = array<i64: 4096, 32>}, {pipeline_mode = #tpu.pipeline_mode<synchronous>, transform_indices = @transform_2, window_bounds = array<i64: 19, 12>}, {pipeline_mode = #tpu.pipeline_mode<synchronous>, transform_indices = @transform_3, window_bounds = array<i64: 1, 12>}, {pipeline_mode = #tpu.pipeline_mode<synchronous>, transform_indices = @transform_4, window_bounds = array<i64: 12, 128>}, {pipeline_mode = #tpu.pipeline_mode<synchronous>, transform_indices = @transform_5, window_bounds = array<i64: 1, 128>}, {pipeline_mode = #tpu.pipeline_mode<synchronous>, transform_indices = @transform_6, window_bounds = array<i64: 128, 1024>}, {pipeline_mode = #tpu.pipeline_mode<synchronous>, transform_indices = @transform_7, window_bounds = array<i64: 64, 1024>}, {pipeline_mode = #tpu.pipeline_mode<synchronous>, transform_indices = @transform_8, window_bounds = array<i64: 64, 32>}, {transform_indices = @transform_9, window_bounds = array<i64: 4096, 32>}]} {
    %get3A = arith.constant 0 : index
    %get3A_0 = arith.constant 0 : index
    %get3A_1 = vector.load %arg1[%get3A, %get3A_0] : memref<4096x19xf32, #tpu.memory_space<vmem>>, vector<4096x19xf32>
    %get3A_2 = arith.constant 0 : index
    %get3A_3 = arith.constant 0 : index
    %get3A_4 = vector.load %arg3[%get3A_2, %get3A_3] : memref<19x12xf32, #tpu.memory_space<vmem>>, vector<19x12xf32>
    %dot_general3A = arith.constant dense<0.000000e+00> : vector<4096x12xf32>
    %dot_general3A_5 = tpu.matmul %get3A_1, %get3A_4, %dot_general3A {dimension_numbers = #tpu.dot_dimension_numbers<[1], [0], [0], [1], [0, 0, 1, 1], [], []>, transpose_lhs_hint = false} : vector<4096x19xf32>, vector<19x12xf32>, vector<4096x12xf32> -> vector<4096x12xf32>
    %get3A_6 = arith.constant 0 : index
    %get3A_7 = arith.constant 0 : index
    %get3A_8 = vector.load %arg4[%get3A_6, %get3A_7] : memref<1x12xf32, #tpu.memory_space<vmem>>, vector<1x12xf32>
    %add3A = vector.broadcast %get3A_8 : vector<1x12xf32> to vector<4096x12xf32>
    %add3A_9 = arith.addf %dot_general3A_5, %add3A : vector<4096x12xf32>
    %max3A = arith.constant 0.000000e+00 : f32
    %max3A_10 = vector.broadcast %max3A : f32 to vector<4096x12xf32>
    %max3A_11 = arith.maximumf %add3A_9, %max3A_10 : vector<4096x12xf32>
    %get3A_12 = arith.constant 0 : index
    %get3A_13 = arith.constant 0 : index
    %get3A_14 = vector.load %arg5[%get3A_12, %get3A_13] : memref<12x128xf32, #tpu.memory_space<vmem>>, vector<12x128xf32>
    %dot_general3A_15 = arith.constant dense<0.000000e+00> : vector<4096x128xf32>
    %dot_general3A_16 = tpu.matmul %max3A_11, %get3A_14, %dot_general3A_15 {dimension_numbers = #tpu.dot_dimension_numbers<[1], [0], [0], [1], [0, 0, 1, 1], [], []>, transpose_lhs_hint = false} : vector<4096x12xf32>, vector<12x128xf32>, vector<4096x128xf32> -> vector<4096x128xf32>
    %get3A_17 = arith.constant 0 : index
    %get3A_18 = arith.constant 0 : index
    %get3A_19 = vector.load %arg6[%get3A_17, %get3A_18] : memref<1x128xf32, #tpu.memory_space<vmem>>, vector<1x128xf32>
    %add3A_20 = vector.broadcast %get3A_19 : vector<1x128xf32> to vector<4096x128xf32>
    %add3A_21 = arith.addf %dot_general3A_16, %add3A_20 : vector<4096x128xf32>
    %max3A_22 = arith.constant 0.000000e+00 : f32
    %max3A_23 = vector.broadcast %max3A_22 : f32 to vector<4096x128xf32>
    %max3A_24 = arith.maximumf %add3A_21, %max3A_23 : vector<4096x128xf32>
    %convert_element_type3A = arith.truncf %max3A_24 : vector<4096x128xf32> to vector<4096x128xbf16>
    %get3A_25 = arith.constant 0 : index
    %get3A_26 = arith.constant 0 : index
    %get3A_27 = vector.load %arg7[%get3A_25, %get3A_26] : memref<128x1024xbf16, #tpu.memory_space<vmem>>, vector<128x1024xbf16>
    %dot_general3A_28 = arith.constant dense<0.000000e+00> : vector<4096x1024xf32>
    %dot_general3A_29 = tpu.matmul %convert_element_type3A, %get3A_27, %dot_general3A_28 {dimension_numbers = #tpu.dot_dimension_numbers<[1], [0], [0], [1], [0, 0, 1, 1], [], []>, transpose_lhs_hint = false} : vector<4096x128xbf16>, vector<128x1024xbf16>, vector<4096x1024xf32> -> vector<4096x1024xf32>
    %get3A_30 = arith.constant 0 : index
    %get3A_31 = arith.constant 0 : index
    %get3A_32 = vector.load %arg2[%get3A_30, %get3A_31] : memref<4096x32xf32, #tpu.memory_space<vmem>>, vector<4096x32xf32>
    %convert_element_type3A_33 = arith.truncf %get3A_32 : vector<4096x32xf32> to vector<4096x32xbf16>
    %convert_element_type3A_34 = arith.extf %convert_element_type3A_33 : vector<4096x32xbf16> to vector<4096x32xf32>
    %sub3A = arith.subf %get3A_32, %convert_element_type3A_34 : vector<4096x32xf32>
    %convert_element_type3A_35 = arith.truncf %sub3A : vector<4096x32xf32> to vector<4096x32xbf16>
    %concatenate3A = tpu.concatenate %convert_element_type3A_33, %convert_element_type3A_35 in 1 : vector<4096x32xbf16>, vector<4096x32xbf16> -> vector<4096x64xbf16>
    %get3A_36 = arith.constant 0 : index
    %get3A_37 = arith.constant 0 : index
    %get3A_38 = vector.load %arg8[%get3A_36, %get3A_37] : memref<64x1024xbf16, #tpu.memory_space<vmem>>, vector<64x1024xbf16>
    %dot_general3A_39 = arith.constant dense<0.000000e+00> : vector<4096x1024xf32>
    %dot_general3A_40 = tpu.matmul %concatenate3A, %get3A_38, %dot_general3A_39 {dimension_numbers = #tpu.dot_dimension_numbers<[1], [0], [0], [1], [0, 0, 1, 1], [], []>, transpose_lhs_hint = false} : vector<4096x64xbf16>, vector<64x1024xbf16>, vector<4096x1024xf32> -> vector<4096x1024xf32>
    %mul3A = arith.mulf %dot_general3A_29, %dot_general3A_40 : vector<4096x1024xf32>
    %slice3A = vector.extract_strided_slice %mul3A {offsets = [0, 0], sizes = [4096, 512], strides = [1, 1]} : vector<4096x1024xf32> to vector<4096x512xf32>
    %slice3A_41 = vector.extract_strided_slice %mul3A {offsets = [0, 512], sizes = [4096, 512], strides = [1, 1]} : vector<4096x1024xf32> to vector<4096x512xf32>
    %add3A_42 = arith.addf %slice3A, %slice3A_41 : vector<4096x512xf32>
    %slice3A_43 = vector.extract_strided_slice %add3A_42 {offsets = [0, 0], sizes = [4096, 256], strides = [1, 1]} : vector<4096x512xf32> to vector<4096x256xf32>
    %slice3A_44 = vector.extract_strided_slice %add3A_42 {offsets = [0, 256], sizes = [4096, 256], strides = [1, 1]} : vector<4096x512xf32> to vector<4096x256xf32>
    %add3A_45 = arith.addf %slice3A_43, %slice3A_44 : vector<4096x256xf32>
    %slice3A_46 = vector.extract_strided_slice %add3A_45 {offsets = [0, 0], sizes = [4096, 128], strides = [1, 1]} : vector<4096x256xf32> to vector<4096x128xf32>
    %slice3A_47 = vector.extract_strided_slice %add3A_45 {offsets = [0, 128], sizes = [4096, 128], strides = [1, 1]} : vector<4096x256xf32> to vector<4096x128xf32>
    %add3A_48 = arith.addf %slice3A_46, %slice3A_47 : vector<4096x128xf32>
    %slice3A_49 = vector.extract_strided_slice %add3A_48 {offsets = [0, 0], sizes = [4096, 32], strides = [1, 1]} : vector<4096x128xf32> to vector<4096x32xf32>
    %slice3A_50 = vector.extract_strided_slice %add3A_48 {offsets = [0, 32], sizes = [4096, 32], strides = [1, 1]} : vector<4096x128xf32> to vector<4096x32xf32>
    %add3A_51 = arith.addf %slice3A_49, %slice3A_50 : vector<4096x32xf32>
    %slice3A_52 = vector.extract_strided_slice %add3A_48 {offsets = [0, 64], sizes = [4096, 32], strides = [1, 1]} : vector<4096x128xf32> to vector<4096x32xf32>
    %add3A_53 = arith.addf %add3A_51, %slice3A_52 : vector<4096x32xf32>
    %slice3A_54 = vector.extract_strided_slice %add3A_48 {offsets = [0, 96], sizes = [4096, 32], strides = [1, 1]} : vector<4096x128xf32> to vector<4096x32xf32>
    %add3A_55 = arith.addf %add3A_53, %slice3A_54 : vector<4096x32xf32>
    %get3A_56 = arith.constant 0 : index
    %get3A_57 = arith.constant 0 : index
    %get3A_58 = vector.load %arg9[%get3A_56, %get3A_57] : memref<64x32xbf16, #tpu.memory_space<vmem>>, vector<64x32xbf16>
    %dot_general3A_59 = arith.constant dense<0.000000e+00> : vector<4096x32xf32>
    %dot_general3A_60 = tpu.matmul %concatenate3A, %get3A_58, %dot_general3A_59 {dimension_numbers = #tpu.dot_dimension_numbers<[1], [0], [0], [1], [0, 0, 1, 1], [], []>, transpose_lhs_hint = false} : vector<4096x64xbf16>, vector<64x32xbf16>, vector<4096x32xf32> -> vector<4096x32xf32>
    %add3A_61 = arith.addf %add3A_55, %dot_general3A_60 : vector<4096x32xf32>
    %swap3A = arith.constant 0 : index
    %swap3A_62 = arith.constant 0 : index
    %swap3A_63 = vector.load %arg10[%swap3A, %swap3A_62] : memref<4096x32xf32, #tpu.memory_space<vmem>>, vector<4096x32xf32>
    tpu.vector_store %arg10[%swap3A, %swap3A_62], %add3A_61 {strides = array<i32>} : memref<4096x32xf32, #tpu.memory_space<vmem>>, vector<4096x32xf32>,
    return
  }
  func.func @transform_0(%arg0: i32) -> (i32, i32) {
    %min3A = arith.constant 39 : i32
    %min3A_0 = arith.minsi %arg0, %min3A : i32
    %c0_i32 = arith.constant 0 : i32
    %c0_i32_1 = arith.constant 0 : i32
    return %min3A_0, %c0_i32 : i32, i32
  }
  func.func @transform_1(%arg0: i32) -> (i32, i32) {
    %c0_i32 = arith.constant 0 : i32
    %c0_i32_0 = arith.constant 0 : i32
    return %arg0, %c0_i32 : i32, i32
  }
  func.func @transform_2(%arg0: i32) -> (i32, i32) {
    %c0_i32 = arith.constant 0 : i32
    %c0_i32_0 = arith.constant 0 : i32
    %c0_i32_1 = arith.constant 0 : i32
    return %c0_i32, %c0_i32_0 : i32, i32
  }
  func.func @transform_3(%arg0: i32) -> (i32, i32) {
    %c0_i32 = arith.constant 0 : i32
    %c0_i32_0 = arith.constant 0 : i32
    %c0_i32_1 = arith.constant 0 : i32
    return %c0_i32, %c0_i32_0 : i32, i32
  }
  func.func @transform_4(%arg0: i32) -> (i32, i32) {
    %c0_i32 = arith.constant 0 : i32
    %c0_i32_0 = arith.constant 0 : i32
    %c0_i32_1 = arith.constant 0 : i32
    return %c0_i32, %c0_i32_0 : i32, i32
  }
  func.func @transform_5(%arg0: i32) -> (i32, i32) {
    %c0_i32 = arith.constant 0 : i32
    %c0_i32_0 = arith.constant 0 : i32
    %c0_i32_1 = arith.constant 0 : i32
    return %c0_i32, %c0_i32_0 : i32, i32
  }
  func.func @transform_6(%arg0: i32) -> (i32, i32) {
    %c0_i32 = arith.constant 0 : i32
    %c0_i32_0 = arith.constant 0 : i32
    %c0_i32_1 = arith.constant 0 : i32
    return %c0_i32, %c0_i32_0 : i32, i32
  }
  func.func @transform_7(%arg0: i32) -> (i32, i32) {
    %c0_i32 = arith.constant 0 : i32
    %c0_i32_0 = arith.constant 0 : i32
    %c0_i32_1 = arith.constant 0 : i32
    return %c0_i32, %c0_i32_0 : i32, i32
  }
  func.func @transform_8(%arg0: i32) -> (i32, i32) {
    %c0_i32 = arith.constant 0 : i32
    %c0_i32_0 = arith.constant 0 : i32
    %c0_i32_1 = arith.constant 0 : i32
    return %c0_i32, %c0_i32_0 : i32, i32
  }
  func.func @transform_9(%arg0: i32) -> (i32, i32) {
    %c0_i32 = arith.constant 0 : i32
    %c0_i32_0 = arith.constant 0 : i32
    return %arg0, %c0_i32 : i32, i32
  }
}

module attributes {stable_mosaic.version = 14 : i64} {
  func.func @_gru_body(%arg0: i32, %arg1: memref<2000x32xf32, #tpu.memory_space<vmem>>, %arg2: memref<2000x32xf32, #tpu.memory_space<vmem>>, %arg3: memref<2000x1xf32, #tpu.memory_space<vmem>>, %arg4: memref<2000x1xf32, #tpu.memory_space<vmem>>, %arg5: memref<2000x32xf32, #tpu.memory_space<vmem>>, %arg6: memref<1x32xf32, #tpu.memory_space<vmem>>, %arg7: memref<32x96xf32, #tpu.memory_space<vmem>>, %arg8: memref<32x96xf32, #tpu.memory_space<vmem>>, %arg9: memref<1x96xf32, #tpu.memory_space<vmem>>, %arg10: memref<1x96xf32, #tpu.memory_space<vmem>>, %arg11: memref<2000x32xf32, #tpu.memory_space<vmem>>) attributes {dimension_semantics = [#tpu.dimension_semantics<arbitrary>], iteration_bounds = array<i64: 5>, scalar_prefetch = 0 : i64, scratch_operands = 0 : i64, tpu.core_type = #tpu.core_type<tc>, window_params = [{transform_indices = @transform_0, window_bounds = array<i64: 2000, 32>}, {transform_indices = @transform_1, window_bounds = array<i64: 2000, 32>}, {transform_indices = @transform_2, window_bounds = array<i64: 2000, 1>}, {transform_indices = @transform_3, window_bounds = array<i64: 2000, 1>}, {transform_indices = @transform_4, window_bounds = array<i64: 2000, 32>}, {pipeline_mode = #tpu.pipeline_mode<synchronous>, transform_indices = @transform_5, window_bounds = array<i64: 1, 32>}, {pipeline_mode = #tpu.pipeline_mode<synchronous>, transform_indices = @transform_6, window_bounds = array<i64: 32, 96>}, {pipeline_mode = #tpu.pipeline_mode<synchronous>, transform_indices = @transform_7, window_bounds = array<i64: 32, 96>}, {pipeline_mode = #tpu.pipeline_mode<synchronous>, transform_indices = @transform_8, window_bounds = array<i64: 1, 96>}, {pipeline_mode = #tpu.pipeline_mode<synchronous>, transform_indices = @transform_9, window_bounds = array<i64: 1, 96>}, {transform_indices = @transform_10, window_bounds = array<i64: 2000, 32>}]} {
    %get3A = arith.constant 0 : index
    %get3A_0 = arith.constant 0 : index
    %get3A_1 = vector.load %arg3[%get3A, %get3A_0] : memref<2000x1xf32, #tpu.memory_space<vmem>>, vector<2000x1xf32>
    %get3A_2 = arith.constant 0 : index
    %get3A_3 = arith.constant 0 : index
    %get3A_4 = vector.load %arg4[%get3A_2, %get3A_3] : memref<2000x1xf32, #tpu.memory_space<vmem>>, vector<2000x1xf32>
    %add3A = arith.addf %get3A_1, %get3A_4 : vector<2000x1xf32>
    %max3A = arith.constant 1.000000e+00 : f32
    %max3A_5 = vector.broadcast %max3A : f32 to vector<2000x1xf32>
    %max3A_6 = arith.maximumf %add3A, %max3A_5 : vector<2000x1xf32>
    %get3A_7 = arith.constant 0 : index
    %get3A_8 = arith.constant 0 : index
    %get3A_9 = vector.load %arg1[%get3A_7, %get3A_8] : memref<2000x32xf32, #tpu.memory_space<vmem>>, vector<2000x32xf32>
    %get3A_10 = arith.constant 0 : index
    %get3A_11 = arith.constant 0 : index
    %get3A_12 = vector.load %arg2[%get3A_10, %get3A_11] : memref<2000x32xf32, #tpu.memory_space<vmem>>, vector<2000x32xf32>
    %add3A_13 = arith.addf %get3A_9, %get3A_12 : vector<2000x32xf32>
    %div3A = vector.broadcast %max3A_6 : vector<2000x1xf32> to vector<2000x32xf32>
    %div3A_14 = arith.divf %add3A_13, %div3A : vector<2000x32xf32>
    %get3A_15 = arith.constant 0 : index
    %get3A_16 = arith.constant 0 : index
    %get3A_17 = vector.load %arg6[%get3A_15, %get3A_16] : memref<1x32xf32, #tpu.memory_space<vmem>>, vector<1x32xf32>
    %add3A_18 = vector.broadcast %get3A_17 : vector<1x32xf32> to vector<2000x32xf32>
    %add3A_19 = arith.addf %div3A_14, %add3A_18 : vector<2000x32xf32>
    %max3A_20 = arith.constant 0.000000e+00 : f32
    %max3A_21 = vector.broadcast %max3A_20 : f32 to vector<2000x32xf32>
    %max3A_22 = arith.maximumf %add3A_19, %max3A_21 : vector<2000x32xf32>
    %get3A_23 = arith.constant 0 : index
    %get3A_24 = arith.constant 0 : index
    %get3A_25 = vector.load %arg5[%get3A_23, %get3A_24] : memref<2000x32xf32, #tpu.memory_space<vmem>>, vector<2000x32xf32>
    %get3A_26 = arith.constant 0 : index
    %get3A_27 = arith.constant 0 : index
    %get3A_28 = vector.load %arg7[%get3A_26, %get3A_27] : memref<32x96xf32, #tpu.memory_space<vmem>>, vector<32x96xf32>
    %dot_general3A = arith.constant dense<0.000000e+00> : vector<2000x96xf32>
    %dot_general3A_29 = tpu.matmul %max3A_22, %get3A_28, %dot_general3A {dimension_numbers = #tpu.dot_dimension_numbers<[1], [0], [0], [1], [0, 0, 1, 1], [], []>, transpose_lhs_hint = false} : vector<2000x32xf32>, vector<32x96xf32>, vector<2000x96xf32> -> vector<2000x96xf32>
    %get3A_30 = arith.constant 0 : index
    %get3A_31 = arith.constant 0 : index
    %get3A_32 = vector.load %arg9[%get3A_30, %get3A_31] : memref<1x96xf32, #tpu.memory_space<vmem>>, vector<1x96xf32>
    %add3A_33 = vector.broadcast %get3A_32 : vector<1x96xf32> to vector<2000x96xf32>
    %add3A_34 = arith.addf %dot_general3A_29, %add3A_33 : vector<2000x96xf32>
    %get3A_35 = arith.constant 0 : index
    %get3A_36 = arith.constant 0 : index
    %get3A_37 = vector.load %arg8[%get3A_35, %get3A_36] : memref<32x96xf32, #tpu.memory_space<vmem>>, vector<32x96xf32>
    %dot_general3A_38 = arith.constant dense<0.000000e+00> : vector<2000x96xf32>
    %dot_general3A_39 = tpu.matmul %get3A_25, %get3A_37, %dot_general3A_38 {dimension_numbers = #tpu.dot_dimension_numbers<[1], [0], [0], [1], [0, 0, 1, 1], [], []>, transpose_lhs_hint = false} : vector<2000x32xf32>, vector<32x96xf32>, vector<2000x96xf32> -> vector<2000x96xf32>
    %get3A_40 = arith.constant 0 : index
    %get3A_41 = arith.constant 0 : index
    %get3A_42 = vector.load %arg10[%get3A_40, %get3A_41] : memref<1x96xf32, #tpu.memory_space<vmem>>, vector<1x96xf32>
    %add3A_43 = vector.broadcast %get3A_42 : vector<1x96xf32> to vector<2000x96xf32>
    %add3A_44 = arith.addf %dot_general3A_39, %add3A_43 : vector<2000x96xf32>
    %slice3A = vector.extract_strided_slice %add3A_34 {offsets = [0, 0], sizes = [2000, 32], strides = [1, 1]} : vector<2000x96xf32> to vector<2000x32xf32>
    %slice3A_45 = vector.extract_strided_slice %add3A_44 {offsets = [0, 0], sizes = [2000, 32], strides = [1, 1]} : vector<2000x96xf32> to vector<2000x32xf32>
    %add3A_46 = arith.addf %slice3A, %slice3A_45 : vector<2000x32xf32>
    %logistic3A = arith.negf %add3A_46 : vector<2000x32xf32>
    %logistic3A_47 = math.exp %logistic3A : vector<2000x32xf32>
    %logistic3A_48 = arith.constant 1.000000e+00 : f32
    %logistic3A_49 = vector.broadcast %logistic3A_48 : f32 to vector<2000x32xf32>
    %logistic3A_50 = arith.addf %logistic3A_49, %logistic3A_47 : vector<2000x32xf32>
    %logistic3A_51 = arith.divf %logistic3A_49, %logistic3A_50 : vector<2000x32xf32>
    %slice3A_52 = vector.extract_strided_slice %add3A_34 {offsets = [0, 32], sizes = [2000, 32], strides = [1, 1]} : vector<2000x96xf32> to vector<2000x32xf32>
    %slice3A_53 = vector.extract_strided_slice %add3A_44 {offsets = [0, 32], sizes = [2000, 32], strides = [1, 1]} : vector<2000x96xf32> to vector<2000x32xf32>
    %add3A_54 = arith.addf %slice3A_52, %slice3A_53 : vector<2000x32xf32>
    %logistic3A_55 = arith.negf %add3A_54 : vector<2000x32xf32>
    %logistic3A_56 = math.exp %logistic3A_55 : vector<2000x32xf32>
    %logistic3A_57 = arith.constant 1.000000e+00 : f32
    %logistic3A_58 = vector.broadcast %logistic3A_57 : f32 to vector<2000x32xf32>
    %logistic3A_59 = arith.addf %logistic3A_58, %logistic3A_56 : vector<2000x32xf32>
    %logistic3A_60 = arith.divf %logistic3A_58, %logistic3A_59 : vector<2000x32xf32>
    %slice3A_61 = vector.extract_strided_slice %add3A_34 {offsets = [0, 64], sizes = [2000, 32], strides = [1, 1]} : vector<2000x96xf32> to vector<2000x32xf32>
    %slice3A_62 = vector.extract_strided_slice %add3A_44 {offsets = [0, 64], sizes = [2000, 32], strides = [1, 1]} : vector<2000x96xf32> to vector<2000x32xf32>
    %mul3A = arith.mulf %logistic3A_51, %slice3A_62 : vector<2000x32xf32>
    %add3A_63 = arith.addf %slice3A_61, %mul3A : vector<2000x32xf32>
    %tanh3A = math.tanh %add3A_63 : vector<2000x32xf32>
    %sub3A = arith.constant 1.000000e+00 : f32
    %sub3A_64 = vector.broadcast %sub3A : f32 to vector<2000x32xf32>
    %sub3A_65 = arith.subf %sub3A_64, %logistic3A_60 : vector<2000x32xf32>
    %mul3A_66 = arith.mulf %sub3A_65, %tanh3A : vector<2000x32xf32>
    %mul3A_67 = arith.mulf %logistic3A_60, %get3A_25 : vector<2000x32xf32>
    %add3A_68 = arith.addf %mul3A_66, %mul3A_67 : vector<2000x32xf32>
    %swap3A = arith.constant 0 : index
    %swap3A_69 = arith.constant 0 : index
    %swap3A_70 = vector.load %arg11[%swap3A, %swap3A_69] : memref<2000x32xf32, #tpu.memory_space<vmem>>, vector<2000x32xf32>
    tpu.vector_store %arg11[%swap3A, %swap3A_69], %add3A_68 {strides = array<i32>} : memref<2000x32xf32, #tpu.memory_space<vmem>>, vector<2000x32xf32>,
    return
  }
  func.func @transform_0(%arg0: i32) -> (i32, i32) {
    %c0_i32 = arith.constant 0 : i32
    %c0_i32_0 = arith.constant 0 : i32
    return %arg0, %c0_i32 : i32, i32
  }
  func.func @transform_1(%arg0: i32) -> (i32, i32) {
    %c0_i32 = arith.constant 0 : i32
    %c0_i32_0 = arith.constant 0 : i32
    return %arg0, %c0_i32 : i32, i32
  }
  func.func @transform_2(%arg0: i32) -> (i32, i32) {
    %c0_i32 = arith.constant 0 : i32
    %c0_i32_0 = arith.constant 0 : i32
    return %arg0, %c0_i32 : i32, i32
  }
  func.func @transform_3(%arg0: i32) -> (i32, i32) {
    %c0_i32 = arith.constant 0 : i32
    %c0_i32_0 = arith.constant 0 : i32
    return %arg0, %c0_i32 : i32, i32
  }
  func.func @transform_4(%arg0: i32) -> (i32, i32) {
    %c0_i32 = arith.constant 0 : i32
    %c0_i32_0 = arith.constant 0 : i32
    return %arg0, %c0_i32 : i32, i32
  }
  func.func @transform_5(%arg0: i32) -> (i32, i32) {
    %c0_i32 = arith.constant 0 : i32
    %c0_i32_0 = arith.constant 0 : i32
    %c0_i32_1 = arith.constant 0 : i32
    return %c0_i32, %c0_i32_0 : i32, i32
  }
  func.func @transform_6(%arg0: i32) -> (i32, i32) {
    %c0_i32 = arith.constant 0 : i32
    %c0_i32_0 = arith.constant 0 : i32
    %c0_i32_1 = arith.constant 0 : i32
    return %c0_i32, %c0_i32_0 : i32, i32
  }
  func.func @transform_7(%arg0: i32) -> (i32, i32) {
    %c0_i32 = arith.constant 0 : i32
    %c0_i32_0 = arith.constant 0 : i32
    %c0_i32_1 = arith.constant 0 : i32
    return %c0_i32, %c0_i32_0 : i32, i32
  }
  func.func @transform_8(%arg0: i32) -> (i32, i32) {
    %c0_i32 = arith.constant 0 : i32
    %c0_i32_0 = arith.constant 0 : i32
    %c0_i32_1 = arith.constant 0 : i32
    return %c0_i32, %c0_i32_0 : i32, i32
  }
  func.func @transform_9(%arg0: i32) -> (i32, i32) {
    %c0_i32 = arith.constant 0 : i32
    %c0_i32_0 = arith.constant 0 : i32
    %c0_i32_1 = arith.constant 0 : i32
    return %c0_i32, %c0_i32_0 : i32, i32
  }
  func.func @transform_10(%arg0: i32) -> (i32, i32) {
    %c0_i32 = arith.constant 0 : i32
    %c0_i32_0 = arith.constant 0 : i32
    return %arg0, %c0_i32 : i32, i32
  }
}

module attributes {stable_mosaic.version = 14 : i64} {
  func.func @_head_body(%arg0: i32, %arg1: memref<512x128xf32, #tpu.memory_space<vmem>>, %arg2: memref<512x128xf32, #tpu.memory_space<vmem>>, %arg3: memref<512x32xf32, #tpu.memory_space<vmem>>, %arg4: memref<128x512xf32, #tpu.memory_space<vmem>>, %arg5: memref<32x512xf32, #tpu.memory_space<vmem>>, %arg6: memref<1x512xf32, #tpu.memory_space<vmem>>, %arg7: memref<512x4xf32, #tpu.memory_space<vmem>>, %arg8: memref<1x1xf32, #tpu.memory_space<vmem>>, %arg9: memref<512x4xf32, #tpu.memory_space<vmem>>) attributes {dimension_semantics = [#tpu.dimension_semantics<arbitrary>], iteration_bounds = array<i64: 49>, scalar_prefetch = 0 : i64, scratch_operands = 0 : i64, tpu.core_type = #tpu.core_type<tc>, window_params = [{transform_indices = @transform_0, window_bounds = array<i64: 512, 128>}, {transform_indices = @transform_1, window_bounds = array<i64: 512, 128>}, {transform_indices = @transform_2, window_bounds = array<i64: 512, 32>}, {pipeline_mode = #tpu.pipeline_mode<synchronous>, transform_indices = @transform_3, window_bounds = array<i64: 128, 512>}, {pipeline_mode = #tpu.pipeline_mode<synchronous>, transform_indices = @transform_4, window_bounds = array<i64: 32, 512>}, {pipeline_mode = #tpu.pipeline_mode<synchronous>, transform_indices = @transform_5, window_bounds = array<i64: 1, 512>}, {pipeline_mode = #tpu.pipeline_mode<synchronous>, transform_indices = @transform_6, window_bounds = array<i64: 512, 4>}, {pipeline_mode = #tpu.pipeline_mode<synchronous>, transform_indices = @transform_7, window_bounds = array<i64: 1, 1>}, {transform_indices = @transform_8, window_bounds = array<i64: 512, 4>}]} {
    %get3A = arith.constant 0 : index
    %get3A_0 = arith.constant 0 : index
    %get3A_1 = vector.load %arg1[%get3A, %get3A_0] : memref<512x128xf32, #tpu.memory_space<vmem>>, vector<512x128xf32>
    %get3A_2 = arith.constant 0 : index
    %get3A_3 = arith.constant 0 : index
    %get3A_4 = vector.load %arg2[%get3A_2, %get3A_3] : memref<512x128xf32, #tpu.memory_space<vmem>>, vector<512x128xf32>
    %add3A = arith.addf %get3A_1, %get3A_4 : vector<512x128xf32>
    %mul3A = arith.constant 5.000000e-01 : f32
    %mul3A_5 = vector.broadcast %mul3A : f32 to vector<512x128xf32>
    %mul3A_6 = arith.mulf %add3A, %mul3A_5 : vector<512x128xf32>
    %get3A_7 = arith.constant 0 : index
    %get3A_8 = arith.constant 0 : index
    %get3A_9 = vector.load %arg4[%get3A_7, %get3A_8] : memref<128x512xf32, #tpu.memory_space<vmem>>, vector<128x512xf32>
    %dot_general3A = arith.constant dense<0.000000e+00> : vector<512x512xf32>
    %dot_general3A_10 = tpu.matmul %mul3A_6, %get3A_9, %dot_general3A {dimension_numbers = #tpu.dot_dimension_numbers<[1], [0], [0], [1], [0, 0, 1, 1], [], []>, transpose_lhs_hint = false} : vector<512x128xf32>, vector<128x512xf32>, vector<512x512xf32> -> vector<512x512xf32>
    %get3A_11 = arith.constant 0 : index
    %get3A_12 = arith.constant 0 : index
    %get3A_13 = vector.load %arg3[%get3A_11, %get3A_12] : memref<512x32xf32, #tpu.memory_space<vmem>>, vector<512x32xf32>
    %get3A_14 = arith.constant 0 : index
    %get3A_15 = arith.constant 0 : index
    %get3A_16 = vector.load %arg5[%get3A_14, %get3A_15] : memref<32x512xf32, #tpu.memory_space<vmem>>, vector<32x512xf32>
    %dot_general3A_17 = arith.constant dense<0.000000e+00> : vector<512x512xf32>
    %dot_general3A_18 = tpu.matmul %get3A_13, %get3A_16, %dot_general3A_17 {dimension_numbers = #tpu.dot_dimension_numbers<[1], [0], [0], [1], [0, 0, 1, 1], [], []>, transpose_lhs_hint = false} : vector<512x32xf32>, vector<32x512xf32>, vector<512x512xf32> -> vector<512x512xf32>
    %add3A_19 = arith.addf %dot_general3A_10, %dot_general3A_18 : vector<512x512xf32>
    %get3A_20 = arith.constant 0 : index
    %get3A_21 = arith.constant 0 : index
    %get3A_22 = vector.load %arg6[%get3A_20, %get3A_21] : memref<1x512xf32, #tpu.memory_space<vmem>>, vector<1x512xf32>
    %add3A_23 = vector.broadcast %get3A_22 : vector<1x512xf32> to vector<512x512xf32>
    %add3A_24 = arith.addf %add3A_19, %add3A_23 : vector<512x512xf32>
    %max3A = arith.constant 0.000000e+00 : f32
    %max3A_25 = vector.broadcast %max3A : f32 to vector<512x512xf32>
    %max3A_26 = arith.maximumf %add3A_24, %max3A_25 : vector<512x512xf32>
    %get3A_27 = arith.constant 0 : index
    %get3A_28 = arith.constant 0 : index
    %get3A_29 = vector.load %arg7[%get3A_27, %get3A_28] : memref<512x4xf32, #tpu.memory_space<vmem>>, vector<512x4xf32>
    %dot_general3A_30 = arith.constant dense<0.000000e+00> : vector<512x4xf32>
    %dot_general3A_31 = tpu.matmul %max3A_26, %get3A_29, %dot_general3A_30 {dimension_numbers = #tpu.dot_dimension_numbers<[1], [0], [0], [1], [0, 0, 1, 1], [], []>, transpose_lhs_hint = false} : vector<512x512xf32>, vector<512x4xf32>, vector<512x4xf32> -> vector<512x4xf32>
    %get3A_32 = arith.constant 0 : index
    %get3A_33 = arith.constant 0 : index
    %get3A_34 = vector.load %arg8[%get3A_32, %get3A_33] : memref<1x1xf32, #tpu.memory_space<vmem>>, vector<1x1xf32>
    %add3A_35 = vector.broadcast %get3A_34 : vector<1x1xf32> to vector<512x4xf32>
    %add3A_36 = arith.addf %dot_general3A_31, %add3A_35 : vector<512x4xf32>
    %swap3A = arith.constant 0 : index
    %swap3A_37 = arith.constant 0 : index
    %swap3A_38 = vector.load %arg9[%swap3A, %swap3A_37] : memref<512x4xf32, #tpu.memory_space<vmem>>, vector<512x4xf32>
    tpu.vector_store %arg9[%swap3A, %swap3A_37], %add3A_36 {strides = array<i32>} : memref<512x4xf32, #tpu.memory_space<vmem>>, vector<512x4xf32>,
    return
  }
  func.func @transform_0(%arg0: i32) -> (i32, i32) {
    %c0_i32 = arith.constant 0 : i32
    %c0_i32_0 = arith.constant 0 : i32
    return %arg0, %c0_i32 : i32, i32
  }
  func.func @transform_1(%arg0: i32) -> (i32, i32) {
    %add3A = arith.constant 52 : i32
    %add3A_0 = arith.addi %arg0, %add3A : i32
    %c0_i32 = arith.constant 0 : i32
    %c0_i32_1 = arith.constant 0 : i32
    return %add3A_0, %c0_i32 : i32, i32
  }
  func.func @transform_2(%arg0: i32) -> (i32, i32) {
    %c0_i32 = arith.constant 0 : i32
    %c0_i32_0 = arith.constant 0 : i32
    return %arg0, %c0_i32 : i32, i32
  }
  func.func @transform_3(%arg0: i32) -> (i32, i32) {
    %c0_i32 = arith.constant 0 : i32
    %c0_i32_0 = arith.constant 0 : i32
    %c0_i32_1 = arith.constant 0 : i32
    return %c0_i32, %c0_i32_0 : i32, i32
  }
  func.func @transform_4(%arg0: i32) -> (i32, i32) {
    %c0_i32 = arith.constant 0 : i32
    %c0_i32_0 = arith.constant 0 : i32
    %c0_i32_1 = arith.constant 0 : i32
    return %c0_i32, %c0_i32_0 : i32, i32
  }
  func.func @transform_5(%arg0: i32) -> (i32, i32) {
    %c0_i32 = arith.constant 0 : i32
    %c0_i32_0 = arith.constant 0 : i32
    %c0_i32_1 = arith.constant 0 : i32
    return %c0_i32, %c0_i32_0 : i32, i32
  }
  func.func @transform_6(%arg0: i32) -> (i32, i32) {
    %c0_i32 = arith.constant 0 : i32
    %c0_i32_0 = arith.constant 0 : i32
    %c0_i32_1 = arith.constant 0 : i32
    return %c0_i32, %c0_i32_0 : i32, i32
  }
  func.func @transform_7(%arg0: i32) -> (i32, i32) {
    %c0_i32 = arith.constant 0 : i32
    %c0_i32_0 = arith.constant 0 : i32
    %c0_i32_1 = arith.constant 0 : i32
    return %c0_i32, %c0_i32_0 : i32, i32
  }
  func.func @transform_8(%arg0: i32) -> (i32, i32) {
    %c0_i32 = arith.constant 0 : i32
    %c0_i32_0 = arith.constant 0 : i32
    return %arg0, %c0_i32 : i32, i32
  }
}

</mosaic_0001>

<sc_bundles>
// kernel: kernel.18.cloned.1.call-start
scs
__scs_entry_jumppad:
0x0: {  	(pc) =	sbr.rel $0x88, $3  }
0x1: {  	(tag) =	ssettag $0x0;
	lr =	simm.s32 $0x1  }
0x2: {  	[smem:$0x3F8B] =	sst lr;
	_ =	strace $0xD0000000  }
0x3: {  	_ = 	snop  }
0x4: {  	_ = 	snop  }
0x5: {  	_ = 	snop  }
0x6: {  	_ = 	snop  }
0x7: {  	_ = 	snop  }
__scs_overlays_trampoline_lowered:
0x8: {  	[smem:$0x3F9A] =	sst s0  }
0x9: {  	[smem:$0x3F9B] =	sst s1  }
0xa: {  	[smem:$0x3F9C] =	sst s2  }
0xb: {  	[smem:$0x3F9D] =	sst s3  }
0xc: {  	[smem:$0x3F9E] =	sst s4  }
0xd: {  	[smem:$0x3F9F] =	sst s5  }
0xe: {  	[smem:$0x3FA0] =	sst s6  }
0xf: {  	[smem:$0x3FA1] =	sst s7  }
0x10: {  	[smem:$0x3FA2] =	sst s8  }
0x11: {  	[smem:$0x3FA3] =	sst s9;
	s0 =	simm.s32 @!p0 $0x0  }
0x12: {  	s1 =	sld [smem:$0x3F89];
	s0 =	simm.s32 @p0 $0x1  }
0x13: {  	[smem:$0x3FA4] =	sst s0;
	s0 =	simm.s32 @!p1 $0x0  }
0x14: {  	s2 =	sld [smem:$0x3F88];
	s0 =	simm.s32 @p1 $0x1  }
0x15: {  	[smem:$0x3FA5] =	sst s0;
	s0 =	simm.s32 @!p2 $0x0  }
0x16: {  	s3 =	sld [smem:$0x3FDB];
	s0 =	simm.s32 @p2 $0x1  }
0x17: {  	s4 =	simm.s32 $0x1BF5;
	[smem:$0x3FA7] =	sst s0  }
0x18: {  	s0 =	sld [smem:$0x3F8A];
	_ =	swait.ge [sflag:s4], $0x0  }
0x19: {  	s7 =	sld [smem:$0x3F8B]  }
0x1a: {  	s8 =	sadd.s32 $0xFFFFE003, lr  }
0x1b: {  	s9 =	sadd.s32 $0xFFFFFEF7, lr;
	s5 =	simm.s32 $0xFFFFFFFF;
	p2 =	slt.u32 s8, $0xFFFFF086  }
0x1c: {  	p1 =	slt.u32 s9, $0xF7A;
	s5 =	simm.s32 @!p2 $0x0  }
0x1d: {  	s5 =	simm.s32 @p1 $0x1;
	p0 =	seq.s32 s7, s2  }
0x1e: {  	s7 =	smul.u32 @!p0 $0xF7A, s2;
	p2 =	seq.s32 @!p0 s5, $0x0  }
0x1f: {  	s9 =	smul.u32 $0xF7A, s1;
	s8 =	simm.s32 @!p0 $0x1BF5;
	p2 =	por !p2, p0  }
0x20: {  	[sflag:s8] =	ssyncset.s32 @!p0 $0xFFFFF086;
	s6 =	sadd.s32 @!p0 s3, s7;
	s7 =	simm.s32 @!p0 $0x108  }
0x21: {  	s3 =	sadd.s32 s3, s9;
	s6 =	sadd.s32 @!p0 $0x88, s6;
	s7 =	simm.s32 @p2 $0x1082  }
0x22: {  	[simem:s7], [sflag:s8] =	dma.local @!p0 [hbm:s6], $0xF7A  }
0x23: {  	s9 =	sor.u32 $0xD0000000, s2;
	s6 =	simm.s32 $0x108;
	_ =	swait.ge @!p0 [sflag:s8], $0x0  }
0x24: {  	s3 =	sadd.s32 $0x88, s3;
	s6 =	simm.s32 @!p1 $0x1082;
	[sflag:s4] =	ssyncset.s32 $0xFFFFF086  }
0x25: {  	[simem:s6], [sflag:s4] =	dma.local [hbm:s3], $0xF7A  }
0x26: {  	[smem:$0x3F8B] =	sst s1;
	(tag) =	ssettag s2;
	_ =	strace s9  }
0x27: {  	s1 =	sld [smem:$0x3F9B]  }
0x28: {  	s2 =	sld [smem:$0x3F9C]  }
0x29: {  	s4 =	sld [smem:$0x3F9E]  }
0x2a: {  	p0 =	seq.s32 s5, $0x0;
	s5 =	sld [smem:$0x3F9F]  }
0x2b: {  	s6 =	sld [smem:$0x3FA0]  }
0x2c: {  	s7 =	sld [smem:$0x3FA1]  }
0x2d: {  	s3 =	simm.s32 $0x108;
	s8 =	sld [smem:$0x3FA2]  }
0x2e: {  	s3 =	simm.s32 @!p0 $0x1082;
	s9 =	sld [smem:$0x3FA3]  }
0x2f: {  	lr =	sadd.s32 s0, s3;
	s0 =	sld [smem:$0x3F9A]  }
0x30: {  	s3 =	sld [smem:$0x3F9D]  }
0x31: {  	[smem:$0x3FA6] =	sst s10  }
0x32: {  	s10 =	sld [smem:$0x3FA4];
	_ =	sdelay $0x3  }
0x33: {  	p0 =	seq.s32 s10, $0x1;
	s10 =	sld [smem:$0x3FA6];
	_ =	sdelay $0x3  }
0x34: {  	[smem:$0x3FA6] =	sst s10  }
0x35: {  	s10 =	sld [smem:$0x3FA5];
	_ =	sdelay $0x3  }
0x36: {  	p1 =	seq.s32 s10, $0x1;
	s10 =	sld [smem:$0x3FA6];
	_ =	sdelay $0x3  }
0x37: {  	[smem:$0x3FA6] =	sst s10  }
0x38: {  	s10 =	sld [smem:$0x3FA7]  }
0x39: {  	_ = 	snop;
	(pc) =	sbr.ind lr, $3  }
0x3a: {  	_ = 	snop  }
0x3b: {  	_ = 	snop  }
0x3c: {  	p2 =	seq.s32 s10, $0x1;
	s10 =	sld [smem:$0x3FA6]  }
0x3d: {  	_ =	shalt  }
0x3e: {  	_ =	shalt  }
0x3f: {  	_ =	shalt  }
0x40: {  	_ =	shalt  }
0x41: {  	_ =	shalt  }
0x42: {  	_ =	shalt  }
0x43: {  	_ =	shalt  }
0x44: {  	_ =	shalt  }
0x45: {  	_ =	shalt  }
0x46: {  	_ =	shalt  }
0x47: {  	_ =	shalt  }
0x48: {  	_ =	shalt  }
0x49: {  	_ =	shalt  }
0x4a: {  	_ =	shalt  }
0x4b: {  	_ =	shalt  }
0x4c: {  	_ =	shalt  }
0x4d: {  	_ =	shalt  }
0x4e: {  	_ =	shalt  }
0x4f: {  	_ =	shalt  }
0x50: {  	_ =	shalt  }
0x51: {  	_ =	shalt  }
0x52: {  	_ =	shalt  }
0x53: {  	_ =	shalt  }
0x54: {  	_ =	shalt  }
0x55: {  	_ =	shalt  }
0x56: {  	_ =	shalt  }
0x57: {  	_ =	shalt  }
0x58: {  	_ =	shalt  }
0x59: {  	_ =	shalt  }
0x5a: {  	_ =	shalt  }
0x5b: {  	_ =	shalt  }
0x5c: {  	_ =	shalt  }
0x5d: {  	_ =	shalt  }
0x5e: {  	_ =	shalt  }
0x5f: {  	_ =	shalt  }
0x60: {  	_ =	shalt  }
0x61: {  	_ =	shalt  }
0x62: {  	_ =	shalt  }
0x63: {  	_ =	shalt  }
0x64: {  	_ =	shalt  }
0x65: {  	_ =	shalt  }
0x66: {  	_ =	shalt  }
0x67: {  	_ =	shalt  }
0x68: {  	_ =	shalt  }
0x69: {  	_ =	shalt  }
0x6a: {  	_ =	shalt  }
0x6b: {  	_ =	shalt  }
0x6c: {  	_ =	shalt  }
0x6d: {  	_ =	shalt  }
0x6e: {  	_ =	shalt  }
0x6f: {  	_ =	shalt  }
0x70: {  	_ =	shalt  }
0x71: {  	_ =	shalt  }
0x72: {  	_ =	shalt  }
0x73: {  	_ =	shalt  }
0x74: {  	_ =	shalt  }
0x75: {  	_ =	shalt  }
0x76: {  	_ =	shalt  }
0x77: {  	_ =	shalt  }
0x78: {  	_ =	shalt  }
0x79: {  	_ =	shalt  }
0x7a: {  	_ =	shalt  }
0x7b: {  	_ =	shalt  }
0x7c: {  	_ =	shalt  }
0x7d: {  	_ =	shalt  }
0x7e: {  	_ =	shalt  }
0x7f: {  	_ =	shalt  }
0x80: {  	_ =	shalt  }
0x81: {  	_ =	shalt  }
0x82: {  	_ =	shalt  }
0x83: {  	_ =	shalt  }
0x84: {  	_ =	shalt  }
0x85: {  	_ =	shalt  }
0x86: {  	_ =	shalt  }
0x87: {  	_ =	shalt  }
.Lfunc_end0:
.L_simem_size_0:
called_computation_lowered:
.L_overlay_start_0:
0x88: {  	s2 =	sld [smem:$0x3FD9]  }
0x89: {  	s3 =	sld [smem:$0x3FFE];
	_ =	sdelay $0x1  }
0x8a: {  	s1 =	srdreg.scid  }
0x8b: {  	s0 =	sand.u32 $0x1, s1  }
0x8c: {  	s17 =	sshll.u32 s0, $0xA;
	s2 =	sadd.s32 s3, s2  }
0x8d: {  	s2 =	sadd.s32 s2, s17  }
0x8e: {  	[smem:$0x3FB2] =	sst s2  }
0x8f: {  	_ = 	snop  }
0x90: {  	(tm) =	ssettm $0x1  }
0x91: {  	s18 =	sld [smem:$0x3FFB];
	_ =	sdelay $0x3  }
0x92: {  	_ =	strace s18  }
0x93: {  	s2 =	sld [smem:$0x3FFC];
	_ =	sdelay $0x3  }
0x94: {  	_ =	strace s2  }
0x95: {  	s2 =	sld [smem:$0x3FFD];
	_ =	sdelay $0x3  }
0x96: {  	_ =	strace s2  }
0x97: {  	_ =	strace $0x8FFFFFFF  }
0x98: {  	s19 =	sld [smem:$0x3FDB];
	_ =	sdelay $0x1  }
0x99: {  	s20 =	simm.s32 $_scs_section_size  }
0x9a: {  	s4 =	simm.s32 $_size__tile_overlayer_lowered;
	s5 =	simm.s32 $_tile_overlayer_lowered  }
0x9b: {  	s6 =	simm.s32 $0x1BFF;
	s21 =	sshll.u32 s5, $0x1;
	s3 =	sadd.s32 s20, s19  }
0x9c: {  	s22 =	simm.s32 $0x0;
	s4 =	sshll.u32 s4, $0x1;
	s5 =	sadd.s32 s21, s3  }
0x9d: {  	[timem:s22], [sflag:s6] =	dma.local [hbm:s5], s4  }
0x9e: {  	_ =	swait.ge [sflag:s6], s4  }
0x9f: {  	s4 =	ssub.s32 $0x0, s4;
	[sflag:s6] =	ssyncset.done $0x0  }
0xa0: {  	[sflag:s6] =	ssyncadd.s32 s4;
	_ =	sdelay $0x1  }
0xa1: {  	s23 =	simm.s32 $0x1B8B  }
0xa2: {  	_ =	swait.ge [sflag:s23], $0x1  }
0xa3: {  	[sflag:s23] =	ssyncset.done $0x0  }
0xa4: {  	[sflag:s23] =	ssyncadd.s32 $0xFFFFFFFF  }
0xa5: {  	s4 =	sld [smem:$0x0]  }
0xa6: {  	s5 =	sand.u32 $0xFFFFFFFE, s1  }
0xa7: {  	p0 =	sne.s32 s1, s5  }
0xa8: {  	s5 =	sshll.u32 @p0 s5, $0xE  }
0xa9: {  	s5 =	sadd.s32 @p0 $0x11B8D, s5;
	s6 =	sshll.u32 @p0 s4, $0x11  }
0xaa: {  	s5 =	sor.u32 @p0 s6, s5  }
0xab: {  	[sflag:s5] =	ssyncadd.remote.s32 @p0 $0x1;
	_ =	sdelay $0x1  }
0xac: {  	s5 =	simm.s32 @p0 $0x1B8D  }
0xad: {  	_ =	swait.eq @p0 [sflag:s5], $0x1  }
0xae: {  	[sflag:s5] =	ssyncadd.s32 @p0 $0xFFFFFFFF  }
0xaf: {  	s6 =	sshll.u32 @!p0 s1, $0xE  }
0xb0: {  	s6 =	sor.u32 @!p0 $0x4000, s6;
	s5 =	simm.s32 @!p0 $0x1B8D  }
0xb1: {  	s4 =	sshll.u32 @!p0 s4, $0x11;
	s6 =	sadd.s32 @!p0 $0x11B8D, s6;
	_ =	swait.eq @!p0 [sflag:s5], $0x1  }
0xb2: {  	s4 =	sor.u32 @!p0 s4, s6;
	[sflag:s5] =	ssyncadd.s32 @!p0 $0xFFFFFFFF  }
0xb3: {  	s25 =	simm.s32 $0x1B8E;
	s24 =	sld [smem:$0x3FFE];
	[sflag:s4] =	ssyncadd.remote.s32 @!p0 $0x1  }
0xb4: {  	s26 =	simm.s32 $execute0_lowered;
	[smem:$0x3FD2] =	sst s25  }
0xb5: {  	s5 =	sshll.u32 s26, $0x1;
	_ =	strace $0x80000049;
	[dreg:$0x1] =	wrdreg $0xFFFFFFFF  }
0xb6: {  	s28 =	simm.s32 $_size_execute0_lowered;
	s3 =	sadd.s32 s3, s5;
	[dreg:$0x0] =	wrdreg $0x0  }
0xb7: {  	s5 =	sshll.u32 s28, $0x1;
	[dreg:$0x2] =	wrdreg s3  }
0xb8: {  	[dreg:$0x3] =	wrdreg s5  }
0xb9: {  	[dreg:$0x4] =	wrdreg $0xC0  }
0xba: {  	_ =	task [dreg:s22], $0x5FFFF  }
0xbb: {  	[dreg:$0x1] =	wrdreg $0xFFFFFFFF  }
0xbc: {  	[dreg:$0x0] =	wrdreg $0x60  }
0xbd: {  	[dreg:$0x2] =	wrdreg s24  }
0xbe: {  	[dreg:$0x3] =	wrdreg $0x14800  }
0xbf: {  	[dreg:$0x4] =	wrdreg $0x9  }
0xc0: {  	_ =	task.clear_ibuf [dreg:s22], $0x5FFFF;
	_ =	strace $0x90000049  }
0xc1: {  	s29 =	simm.s32 $0x9;
	_ =	strace $0x8000004B  }
0xc2: {  	_ =	swait.ge [sflag:s29], $0x1  }
0xc3: {  	[sflag:s29] =	ssyncadd.s32 $0xFFFFFFFF  }
0xc4: {  	_ =	strace $0x9000004B  }
0xc5: {  	_ =	sfence  }
0xc6: {  	s30 =	sld [smem:$0x0];
	_ =	sdelay $0x2  }
0xc7: {  	s31 =	sshll.u32 s1, $0xD;
	s1 =	sshrl.u32 s1, $0x2  }
0xc8: {  	s4 =	sand.u32 $0x4000, s31;
	s1 =	sadd.s32 s1, s30  }
0xc9: {  	s0 =	sor.u32 s4, s0;
	s1 =	sshll.u32 s1, $0x11  }
0xca: {  	s0 =	sor.u32 s1, s0  }
0xcb: {  	s0 =	sadd.s32 $0x8F2B, s0  }
0xcc: {  	[sflag:s0] =	ssyncadd.remote.s32 $0x1  }
0xcd: {  	_ =	sfence.sel $0xFFFF  }
0xce: {  	[dreg:$0x0] =	wrdreg $0xFFFFFFFF;
	(pc) =	sbr.abs _section_cstart, $3  }
0xcf: {  	[dreg:$0x1] =	wrdreg $0xFFFFFFFF  }
0xd0: {  	_ =	task.clear_ibuf [dreg:s22], $0x2FFFF;
	_ =	strace $0x9FFFFFFF  }
0xd1: {  	(tm) =	ssettm $0x7FFFFFFF  }
tec
execute0_lowered:
.L_overlay_start_1:
0x0: {  	(tag) =	ssettag $0x1  }
0x1: {  	s0 =	srdreg.scid;
	s5 =	rddreg [dreg:$0x0]  }
0x2: {  	s12 =	stileid.u32;
	s1 =	rddreg [dreg:$0x1];
	s2 =	simm.s32 $0x0  }
0x3: {  	s11 =	simm.s32 $0x1400;
	s4 =	sand.u32 $0x1, s0;
	s0 =	rddreg [dreg:$0x2]  }
0x4: {  	s14 =	simm.s32 $0x0;
	s28 =	sshll.u32 s12, $0x1;
	[smem:$0x7FF] =	sst s2  }
0x5: {  	s9 =	smul.u32 $0x9E0, s12;
	s31 =	sshll.u32 s12, $0x6;
	p0 =	sne.s32 s12, $0x0  }
0x6: {  	s12 =	simm.s32 $0x80;
	s3 =	sor.u32 s4, s28;
	_ =	strace $0x8000004A  }
0x7: {  	s7 =	smul.u32 $0x4F0, s4;
	s8 =	ssub.s32 $0x2, s4;
	s4 =	sadd.s32 $0xE2A00, s5  }
0x8: {  	s13 =	sshrl.u32 @!p0 s1, $0x3;
	s3 =	smul.u32 $0x280, s3;
	s29 =	sshrl.u32 s8, $0x1  }
0x9: {  	s30 =	sshrl.u32 s9, $0x2;
	s7 =	sadd.s32 s7, s5;
	s8 =	ssub.s32 s8, s29  }
0xa: {  	s10 =	sadd.s32 s30, s1;
	s6 =	sadd.s32 s3, s5;
	s3 =	sadd.s32 $0xE2C00, s5  }
0xb: {  	s5 =	sor.u32 $0x1C01, s31;
	s7 =	sadd.s32 $0xE2E00, s7;
	s8 =	smax.u32 s8, $0x1  }
0xc: {  	s9 =	sshrl.u32 s10, $0x3;
	s10 =	simm.s32 $0x1;
	s6 =	sadd.s32 $0xDDA00, s6  }
.LBB2_1:
0xd: {  	[spmem:s9], [sflag:s5] =	dma.local [hbm:s4], $0x4F  }
0xe: {  	_ =	swait.ge [sflag:s10], $0x4F  }
0xf: {  	[sflag:s10] =	ssyncset.done $0x0  }
0x10: {  	[sflag:s10] =	ssyncadd.s32 $0xFFFFFFB1  }
0x11: {  	[bflag:$0x0] =	sbarrier.arrive $0xFFFF  }
0x12: {  	[tilespmem:s2], [sflag:$0x1] =	stream.linear.gather [hbm4b:s6+s2], $0x1400, $0x38;
	[tilespmem:$0x16F8] =	vst v63  }
0x13: {  	_ =	swait.ge [sflag:s10], $0x1400  }
0x14: {  	[sflag:s10] =	ssyncset.done $0x0  }
0x15: {  	[sflag:s10] =	ssyncadd.s32 $0xFFFFEC00  }
0x16: {  	[tilespmem:s11], [sflag:$0x1] =	stream.linear.gather [hbm4b:s3+s2], $0x80, $0x38;
	[tilespmem:$0x16F8] =	vst v63  }
0x17: {  	_ =	swait.ge [sflag:s10], $0x80  }
0x18: {  	[sflag:s10] =	ssyncset.done $0x0  }
0x19: {  	s15 =	simm.s32 $0x0;
	[sflag:s10] =	ssyncadd.s32 $0xFFFFFF80  }
0x1a: {  	[spmem:s1] =	stream.indirect.scatter.add.f32 [tilespmem:s11], [sflag:$0x1], $0x1, s15, s12, $0xb8;
	[tilespmem:$0x16F8] =	vst v63  }
0x1b: {  	_ =	swait.ge [sflag:s10], $0x80  }
0x1c: {  	s15 =	simm.s32 $0x200;
	[sflag:s10] =	ssyncset.done $0x0  }
.LBB2_2:
0x1d: {  	s16 =	sshra.s32 s15, $0x2;
	[sflag:s10] =	ssyncadd.s32 $0xFFFFFF80;
	p1 =	sne.s32 s15, $0x4E00  }
0x1e: {  	[spmem:s1] =	stream.indirect.scatter.add.f32 [tilespmem:s11], [sflag:$0x1], $0x1, s16, s12, $0xb8;
	[tilespmem:$0x16F8] =	vst v63  }
.Ltmp0:
0x1f: {  	_ = 	snop;
	(pc) =	sbr.rel @p1 .LBB2_2-.Ltmp0, $4  }
0x20: {  	_ = 	snop  }
0x21: {  	s15 =	sadd.s32 $0x200, s15  }
0x22: {  	_ =	swait.ge [sflag:s10], $0x80  }
0x23: {  	[sflag:s10] =	ssyncset.done $0x0  }
0x24: {  	s14 =	sadd.s32 $0x1, s14  }
0x25: {  	[sflag:s10] =	ssyncadd.s32 $0xFFFFFF80;
	p1 =	sne.s32 s14, s8  }
.Ltmp1:
0x26: {  	s15 =	simm.s32 @!p0 $0x1;
	[bflag:$0x0] =	sbarrier.arrive $0xFFFF;
	(pc) =	sbr.rel @p1 .LBB2_1-.Ltmp1, $4  }
0x27: {  	[hbm:s7], [sflag:s5] =	dma.local @!p0 [spmem:s13], $0x4F0  }
0x28: {  	_ =	swait.ge @!p0 [sflag:s15], $0x4F0  }
0x29: {  	[sflag:s15] =	ssyncset.done @!p0 $0x0  }
0x2a: {  	[sflag:s15] =	ssyncadd.s32 @!p0 $0xFFFFFB10  }
0x2b: {  	_ =	sfence.sel $0x180000  }
0x2c: {  	[bflag:$0x0] =	sbarrier.arrive $0xFFFF  }
0x2d: {  	_ =	strace $0x9000004A  }
0x2e: {  	s0 =	sadd.s32 @!p0 $0x100000, s0;
	[bflag:$0x2] =	sbarrier.arrive $0xFFFF  }
0x2f: {  	[sflag:s0] =	ssyncadd.tile.s32 @!p0 $0x1;
	_ =	shalt  }
.Lfunc_end2:
_tile_overlayer_lowered:
.L_overlay_start_2:
0x30: {  	(tag) =	ssettag $0x2  }
0x31: {  	s0 =	rddreg [dreg:$0x0];
	s2 =	stileid.u32  }
0x32: {  	s1 =	rddreg [dreg:$0x1];
	p0 =	sne.s32 s2, $0x0  }
0x33: {  	s3 =	rddreg [dreg:$0x2];
	[bflag:$0x3] =	sbarrier.arrive $0xFFFF;
	s2 =	simm.s32 @!p0 $0x1C01  }
0x34: {  	[timem:s3], [sflag:s2] =	dma.local @!p0 [hbm:s0], s1  }
0x35: {  	s0 =	simm.s32 @!p0 $0x1  }
0x36: {  	_ =	swait.ge @!p0 [sflag:s0], s1  }
0x37: {  	s1 =	ssub.s32 @!p0 $0x0, s1;
	[sflag:s0] =	ssyncset.done @!p0 $0x0  }
0x38: {  	[sflag:s0] =	ssyncadd.s32 @!p0 s1  }
0x39: {  	[bflag:$0x3] =	sbarrier.arrive $0xFFFF  }
0x3a: {  	_ =	shalt  }

// kernel: kernel.21.cloned.1.call-start
scs
__scs_entry_jumppad:
0x0: {  	(pc) =	sbr.rel $0x88, $3  }
0x1: {  	(tag) =	ssettag $0x0;
	lr =	simm.s32 $0x1  }
0x2: {  	[smem:$0x3F8B] =	sst lr;
	_ =	strace $0xD0000000  }
0x3: {  	_ = 	snop  }
0x4: {  	_ = 	snop  }
0x5: {  	_ = 	snop  }
0x6: {  	_ = 	snop  }
0x7: {  	_ = 	snop  }
__scs_overlays_trampoline_lowered:
0x8: {  	[smem:$0x3F9A] =	sst s0  }
0x9: {  	[smem:$0x3F9B] =	sst s1  }
0xa: {  	[smem:$0x3F9C] =	sst s2  }
0xb: {  	[smem:$0x3F9D] =	sst s3  }
0xc: {  	[smem:$0x3F9E] =	sst s4  }
0xd: {  	[smem:$0x3F9F] =	sst s5  }
0xe: {  	[smem:$0x3FA0] =	sst s6  }
0xf: {  	[smem:$0x3FA1] =	sst s7  }
0x10: {  	[smem:$0x3FA2] =	sst s8  }
0x11: {  	[smem:$0x3FA3] =	sst s9;
	s0 =	simm.s32 @!p0 $0x0  }
0x12: {  	s1 =	sld [smem:$0x3F89];
	s0 =	simm.s32 @p0 $0x1  }
0x13: {  	[smem:$0x3FA4] =	sst s0;
	s0 =	simm.s32 @!p1 $0x0  }
0x14: {  	s2 =	sld [smem:$0x3F88];
	s0 =	simm.s32 @p1 $0x1  }
0x15: {  	[smem:$0x3FA5] =	sst s0;
	s0 =	simm.s32 @!p2 $0x0  }
0x16: {  	s3 =	sld [smem:$0x3FDB];
	s0 =	simm.s32 @p2 $0x1  }
0x17: {  	s4 =	simm.s32 $0x1BF5;
	[smem:$0x3FA7] =	sst s0  }
0x18: {  	s0 =	sld [smem:$0x3F8A];
	_ =	swait.ge [sflag:s4], $0x0  }
0x19: {  	s7 =	sld [smem:$0x3F8B]  }
0x1a: {  	s8 =	sadd.s32 $0xFFFFE003, lr  }
0x1b: {  	s9 =	sadd.s32 $0xFFFFFEF7, lr;
	s5 =	simm.s32 $0xFFFFFFFF;
	p2 =	slt.u32 s8, $0xFFFFF086  }
0x1c: {  	p1 =	slt.u32 s9, $0xF7A;
	s5 =	simm.s32 @!p2 $0x0  }
0x1d: {  	s5 =	simm.s32 @p1 $0x1;
	p0 =	seq.s32 s7, s2  }
0x1e: {  	s7 =	smul.u32 @!p0 $0xF7A, s2;
	p2 =	seq.s32 @!p0 s5, $0x0  }
0x1f: {  	s9 =	smul.u32 $0xF7A, s1;
	s8 =	simm.s32 @!p0 $0x1BF5;
	p2 =	por !p2, p0  }
0x20: {  	[sflag:s8] =	ssyncset.s32 @!p0 $0xFFFFF086;
	s6 =	sadd.s32 @!p0 s3, s7;
	s7 =	simm.s32 @!p0 $0x108  }
0x21: {  	s3 =	sadd.s32 s3, s9;
	s6 =	sadd.s32 @!p0 $0x88, s6;
	s7 =	simm.s32 @p2 $0x1082  }
0x22: {  	[simem:s7], [sflag:s8] =	dma.local @!p0 [hbm:s6], $0xF7A  }
0x23: {  	s9 =	sor.u32 $0xD0000000, s2;
	s6 =	simm.s32 $0x108;
	_ =	swait.ge @!p0 [sflag:s8], $0x0  }
0x24: {  	s3 =	sadd.s32 $0x88, s3;
	s6 =	simm.s32 @!p1 $0x1082;
	[sflag:s4] =	ssyncset.s32 $0xFFFFF086  }
0x25: {  	[simem:s6], [sflag:s4] =	dma.local [hbm:s3], $0xF7A  }
0x26: {  	[smem:$0x3F8B] =	sst s1;
	(tag) =	ssettag s2;
	_ =	strace s9  }
0x27: {  	s1 =	sld [smem:$0x3F9B]  }
0x28: {  	s2 =	sld [smem:$0x3F9C]  }
0x29: {  	s4 =	sld [smem:$0x3F9E]  }
0x2a: {  	p0 =	seq.s32 s5, $0x0;
	s5 =	sld [smem:$0x3F9F]  }
0x2b: {  	s6 =	sld [smem:$0x3FA0]  }
0x2c: {  	s7 =	sld [smem:$0x3FA1]  }
0x2d: {  	s3 =	simm.s32 $0x108;
	s8 =	sld [smem:$0x3FA2]  }
0x2e: {  	s3 =	simm.s32 @!p0 $0x1082;
	s9 =	sld [smem:$0x3FA3]  }
0x2f: {  	lr =	sadd.s32 s0, s3;
	s0 =	sld [smem:$0x3F9A]  }
0x30: {  	s3 =	sld [smem:$0x3F9D]  }
0x31: {  	[smem:$0x3FA6] =	sst s10  }
0x32: {  	s10 =	sld [smem:$0x3FA4];
	_ =	sdelay $0x3  }
0x33: {  	p0 =	seq.s32 s10, $0x1;
	s10 =	sld [smem:$0x3FA6];
	_ =	sdelay $0x3  }
0x34: {  	[smem:$0x3FA6] =	sst s10  }
0x35: {  	s10 =	sld [smem:$0x3FA5];
	_ =	sdelay $0x3  }
0x36: {  	p1 =	seq.s32 s10, $0x1;
	s10 =	sld [smem:$0x3FA6];
	_ =	sdelay $0x3  }
0x37: {  	[smem:$0x3FA6] =	sst s10  }
0x38: {  	s10 =	sld [smem:$0x3FA7]  }
0x39: {  	_ = 	snop;
	(pc) =	sbr.ind lr, $3  }
0x3a: {  	_ = 	snop  }
0x3b: {  	_ = 	snop  }
0x3c: {  	p2 =	seq.s32 s10, $0x1;
	s10 =	sld [smem:$0x3FA6]  }
0x3d: {  	_ =	shalt  }
0x3e: {  	_ =	shalt  }
0x3f: {  	_ =	shalt  }
0x40: {  	_ =	shalt  }
0x41: {  	_ =	shalt  }
0x42: {  	_ =	shalt  }
0x43: {  	_ =	shalt  }
0x44: {  	_ =	shalt  }
0x45: {  	_ =	shalt  }
0x46: {  	_ =	shalt  }
0x47: {  	_ =	shalt  }
0x48: {  	_ =	shalt  }
0x49: {  	_ =	shalt  }
0x4a: {  	_ =	shalt  }
0x4b: {  	_ =	shalt  }
0x4c: {  	_ =	shalt  }
0x4d: {  	_ =	shalt  }
0x4e: {  	_ =	shalt  }
0x4f: {  	_ =	shalt  }
0x50: {  	_ =	shalt  }
0x51: {  	_ =	shalt  }
0x52: {  	_ =	shalt  }
0x53: {  	_ =	shalt  }
0x54: {  	_ =	shalt  }
0x55: {  	_ =	shalt  }
0x56: {  	_ =	shalt  }
0x57: {  	_ =	shalt  }
0x58: {  	_ =	shalt  }
0x59: {  	_ =	shalt  }
0x5a: {  	_ =	shalt  }
0x5b: {  	_ =	shalt  }
0x5c: {  	_ =	shalt  }
0x5d: {  	_ =	shalt  }
0x5e: {  	_ =	shalt  }
0x5f: {  	_ =	shalt  }
0x60: {  	_ =	shalt  }
0x61: {  	_ =	shalt  }
0x62: {  	_ =	shalt  }
0x63: {  	_ =	shalt  }
0x64: {  	_ =	shalt  }
0x65: {  	_ =	shalt  }
0x66: {  	_ =	shalt  }
0x67: {  	_ =	shalt  }
0x68: {  	_ =	shalt  }
0x69: {  	_ =	shalt  }
0x6a: {  	_ =	shalt  }
0x6b: {  	_ =	shalt  }
0x6c: {  	_ =	shalt  }
0x6d: {  	_ =	shalt  }
0x6e: {  	_ =	shalt  }
0x6f: {  	_ =	shalt  }
0x70: {  	_ =	shalt  }
0x71: {  	_ =	shalt  }
0x72: {  	_ =	shalt  }
0x73: {  	_ =	shalt  }
0x74: {  	_ =	shalt  }
0x75: {  	_ =	shalt  }
0x76: {  	_ =	shalt  }
0x77: {  	_ =	shalt  }
0x78: {  	_ =	shalt  }
0x79: {  	_ =	shalt  }
0x7a: {  	_ =	shalt  }
0x7b: {  	_ =	shalt  }
0x7c: {  	_ =	shalt  }
0x7d: {  	_ =	shalt  }
0x7e: {  	_ =	shalt  }
0x7f: {  	_ =	shalt  }
0x80: {  	_ =	shalt  }
0x81: {  	_ =	shalt  }
0x82: {  	_ =	shalt  }
0x83: {  	_ =	shalt  }
0x84: {  	_ =	shalt  }
0x85: {  	_ =	shalt  }
0x86: {  	_ =	shalt  }
0x87: {  	_ =	shalt  }
.Lfunc_end0:
.L_simem_size_0:
called_computation.1_lowered:
.L_overlay_start_0:
0x88: {  	s2 =	sld [smem:$0x3FD9]  }
0x89: {  	s3 =	sld [smem:$0x3FFE];
	_ =	sdelay $0x1  }
0x8a: {  	s1 =	srdreg.scid  }
0x8b: {  	s0 =	sand.u32 $0x1, s1  }
0x8c: {  	s16 =	sshll.u32 s0, $0xA;
	s2 =	sadd.s32 s3, s2  }
0x8d: {  	s2 =	sadd.s32 s2, s16  }
0x8e: {  	[smem:$0x3FB2] =	sst s2  }
0x8f: {  	_ = 	snop  }
0x90: {  	(tm) =	ssettm $0x1  }
0x91: {  	s17 =	sld [smem:$0x3FFB];
	_ =	sdelay $0x3  }
0x92: {  	_ =	strace s17  }
0x93: {  	s2 =	sld [smem:$0x3FFC];
	_ =	sdelay $0x3  }
0x94: {  	_ =	strace s2  }
0x95: {  	s2 =	sld [smem:$0x3FFD];
	_ =	sdelay $0x3  }
0x96: {  	_ =	strace s2  }
0x97: {  	_ =	strace $0x8FFFFFFF  }
0x98: {  	s18 =	sld [smem:$0x3FDB];
	_ =	sdelay $0x1  }
0x99: {  	s19 =	simm.s32 $_scs_section_size  }
0x9a: {  	s4 =	simm.s32 $_size__tile_overlayer_lowered;
	s5 =	simm.s32 $_tile_overlayer_lowered  }
0x9b: {  	s22 =	simm.s32 $0x1BFF;
	s21 =	sshll.u32 s5, $0x1;
	s2 =	sadd.s32 s19, s18  }
0x9c: {  	s6 =	simm.s32 $0x0;
	s20 =	sshll.u32 s4, $0x1;
	s4 =	sadd.s32 s21, s2  }
0x9d: {  	[timem:s6], [sflag:s22] =	dma.local [hbm:s4], s20  }
0x9e: {  	_ =	swait.ge [sflag:s22], s20  }
0x9f: {  	s3 =	ssub.s32 $0x0, s20;
	[sflag:s22] =	ssyncset.done $0x0  }
0xa0: {  	[sflag:s22] =	ssyncadd.s32 s3;
	_ =	sdelay $0x1  }
0xa1: {  	s23 =	simm.s32 $0x1B8B  }
0xa2: {  	_ =	swait.ge [sflag:s23], $0x1  }
0xa3: {  	[sflag:s23] =	ssyncset.done $0x0  }
0xa4: {  	s25 =	simm.s32 $0x1B8E;
	s24 =	sld [smem:$0x3FFE];
	[sflag:s23] =	ssyncadd.s32 $0xFFFFFFFF  }
0xa5: {  	s26 =	simm.s32 $execute0_lowered;
	[smem:$0x3FD2] =	sst s25  }
0xa6: {  	s4 =	sshll.u32 s26, $0x1;
	_ =	strace $0x80000046;
	[dreg:$0x1] =	wrdreg $0xFFFFFFFF  }
0xa7: {  	s28 =	simm.s32 $_size_execute0_lowered;
	s2 =	sadd.s32 s2, s4;
	[dreg:$0x0] =	wrdreg $0x0  }
0xa8: {  	s4 =	sshll.u32 s28, $0x1;
	[dreg:$0x2] =	wrdreg s2  }
0xa9: {  	[dreg:$0x3] =	wrdreg s4  }
0xaa: {  	[dreg:$0x4] =	wrdreg $0xC0  }
0xab: {  	_ =	task [dreg:s6], $0x5FFFF  }
0xac: {  	[dreg:$0x1] =	wrdreg $0xFFFFFFFF  }
0xad: {  	[dreg:$0x0] =	wrdreg $0x60  }
0xae: {  	[dreg:$0x2] =	wrdreg s24  }
0xaf: {  	[dreg:$0x3] =	wrdreg $0x54000  }
0xb0: {  	[dreg:$0x4] =	wrdreg $0xA  }
0xb1: {  	_ =	task.clear_ibuf [dreg:s6], $0x5FFFF;
	_ =	strace $0x90000046  }
0xb2: {  	s29 =	simm.s32 $0xA;
	_ =	strace $0x80000048  }
0xb3: {  	_ =	swait.ge [sflag:s29], $0x1  }
0xb4: {  	[sflag:s29] =	ssyncadd.s32 $0xFFFFFFFF  }
0xb5: {  	_ =	strace $0x90000048  }
0xb6: {  	_ =	sfence  }
0xb7: {  	s30 =	sld [smem:$0x0];
	_ =	sdelay $0x2  }
0xb8: {  	s31 =	sshll.u32 s1, $0xD;
	s1 =	sshrl.u32 s1, $0x2  }
0xb9: {  	s3 =	sand.u32 $0x4000, s31;
	s1 =	sadd.s32 s1, s30  }
0xba: {  	s0 =	sor.u32 s3, s0;
	s1 =	sshll.u32 s1, $0x11  }
0xbb: {  	s0 =	sor.u32 s1, s0  }
0xbc: {  	s0 =	sadd.s32 $0x8F2B, s0  }
0xbd: {  	[sflag:s0] =	ssyncadd.remote.s32 $0x1  }
0xbe: {  	_ =	sfence.sel $0xFFFF  }
0xbf: {  	[dreg:$0x0] =	wrdreg $0xFFFFFFFF;
	(pc) =	sbr.abs _section_cstart, $3  }
0xc0: {  	[dreg:$0x1] =	wrdreg $0xFFFFFFFF  }
0xc1: {  	_ =	task.clear_ibuf [dreg:s6], $0x2FFFF;
	_ =	strace $0x9FFFFFFF  }
0xc2: {  	(tm) =	ssettm $0x7FFFFFFF  }
0xc3: {  	_ =	shalt  }
tec
execute0_lowered:
.L_overlay_start_1:
0x0: {  	(tag) =	ssettag $0x1  }
0x1: {  	s0 =	rddreg [dreg:$0x0]  }
0x2: {  	s2 =	rddreg [dreg:$0x1]  }
0x3: {  	s13 =	stileid.u32;
	s1 =	srdreg.scid  }
0x4: {  	s3 =	simm.s32 $0x0;
	s16 =	simm.s32 $0x9;
	s17 =	simm.s32 $0x80  }
0x5: {  	s18 =	simm.s32 $0x1400;
	s19 =	simm.s32 $0x2400;
	s21 =	simm.s32 $0x3400  }
0x6: {  	s28 =	simm.s32 $0x6;
	s29 =	simm.s32 $0x3;
	s30 =	simm.s32 $0x7  }
0x7: {  	s31 =	simm.s32 $0x4;
	s4 =	smul.u32 $0x4E20, s13;
	s1 =	sand.u32 $0x1, s1  }
0x8: {  	s5 =	sshll.u32 s13, $0x1;
	[smem:$0x7FF] =	sst s3;
	s23 =	smul.u32 $0x50, s13  }
0x9: {  	s24 =	sshll.u32 s13, $0x6;
	s13 =	smul.u32 $0xA000, s13;
	s5 =	sor.u32 s1, s5  }
0xa: {  	_ =	strace $0x80000047;
	s8 =	ssub.s32 $0x2, s1;
	s11 =	smul.u32 $0x28, s1  }
0xb: {  	s25 =	sor.u32 $0x1C09, s24;
	s1 =	smul.u32 $0x5000, s1;
	s24 =	simm.s32 $0x1  }
0xc: {  	s6 =	sshrl.u32 s4, $0x3;
	s7 =	smul.u32 $0x280, s5;
	s9 =	sshrl.u32 s8, $0x1  }
0xd: {  	s5 =	smul.u32 $0x28000, s5;
	s15 =	sadd.s32 s4, s2;
	[dreg:$0x4] =	wrdreg s25  }
0xe: {  	s25 =	simm.s32 $0x5;
	s6 =	sadd.s32 s6, s0;
	s12 =	ssub.s32 s8, s9  }
0xf: {  	s11 =	sadd.s32 s11, s23;
	s15 =	sshrl.u32 s15, $0x3;
	s23 =	simm.s32 $0x4400  }
0x10: {  	s7 =	sadd.s32 s7, s0;
	s0 =	sadd.s32 $0x3DA00, s0;
	s22 =	sadd.s32 $0x2EC00, s6  }
0x11: {  	s5 =	sshrl.u32 s5, $0x3;
	s11 =	sshll.u32 s11, $0x9;
	s12 =	smax.u32 s12, $0x1  }
0x12: {  	[dreg:$0x3] =	wrdreg s22;
	s10 =	sadd.s32 s0, s5;
	s26 =	sadd.s32 $0x38A00, s7  }
0x13: {  	s11 =	sadd.s32 s11, s0;
	s0 =	sadd.s32 s13, s0;
	[dreg:$0x5] =	wrdreg s26  }
0x14: {  	s7 =	sadd.s32 $0x4800, s10;
	s8 =	sadd.s32 $0x4A00, s10;
	s9 =	sadd.s32 $0x4C00, s10  }
0x15: {  	s10 =	sadd.s32 $0x4E00, s10;
	s13 =	sadd.s32 $0x400, s11;
	s14 =	sadd.s32 s1, s0  }
0x16: {  	s26 =	simm.s32 $0x2;
	s1 =	simm.s32 $0x8;
	s0 =	simm.s32 $0x0  }
.LBB2_1:
0x17: {  	s4 =	rddreg [dreg:$0x3]  }
0x18: {  	s5 =	rddreg [dreg:$0x4]  }
0x19: {  	[spmem:s15], [sflag:s5] =	dma.local [hbm:s4], $0x9C4  }
0x1a: {  	_ =	swait.ge [sflag:s16], $0x9C4  }
0x1b: {  	[sflag:s16] =	ssyncset.done $0x0  }
0x1c: {  	s5 =	rddreg [dreg:$0x5];
	[sflag:s16] =	ssyncadd.s32 $0xFFFFF63C  }
0x1d: {  	[tilespmem:s3], [sflag:$0x9] =	stream.linear.gather [hbm4b:s5+s3], $0x1400, $0x38;
	[tilespmem:$0xA220] =	vst v63  }
0x1e: {  	_ =	swait.ge [sflag:s16], $0x1400  }
0x1f: {  	[sflag:s16] =	ssyncset.done $0x0  }
0x20: {  	[sflag:s16] =	ssyncadd.s32 $0xFFFFEC00  }
0x21: {  	[bflag:$0x0] =	sbarrier.arrive $0xFFFF  }
0x22: {  	[tilespmem:s18], [sflag:$0x1] =	stream.indirect.gather [spmem:s2], $0x20, s3, s17, $0xb8;
	[tilespmem:$0xA220] =	vst v63  }
0x23: {  	_ = 	snop  }
0x24: {  	[tilespmem:s19], [sflag:$0x2] =	stream.indirect.gather [spmem:s2], $0x20, s17, s17, $0xb8;
	[tilespmem:$0xA220] =	vst v63  }
0x25: {  	s6 =	simm.s32 $0x100  }
0x26: {  	[tilespmem:s21], [sflag:$0x3] =	stream.indirect.gather [spmem:s2], $0x20, s6, s17, $0xb8;
	[tilespmem:$0xA220] =	vst v63  }
0x27: {  	s20 =	simm.s32 $0x180  }
0x28: {  	[tilespmem:s23], [sflag:$0x4] =	stream.indirect.gather [spmem:s2], $0x20, s20, s17, $0xb8;
	[tilespmem:$0xA220] =	vst v63  }
0x29: {  	_ =	swait.ge [sflag:s24], $0x1000  }
0x2a: {  	[sflag:s24] =	ssyncset.done $0x0  }
0x2b: {  	s20 =	sadd.s32 $0x0, s14;
	[sflag:s24] =	ssyncadd.s32 $0xFFFFF000  }
0x2c: {  	[hbm4b:s20+s3] =	stream.linear.scatter [tilespmem:s18], [sflag:$0x5], $0x1000, $0x38;
	[tilespmem:$0xA220] =	vst v63  }
0x2d: {  	_ =	swait.ge [sflag:s25], $0x1000  }
0x2e: {  	[sflag:s25] =	ssyncset.done $0x0  }
0x2f: {  	s22 =	simm.s32 $0x200;
	[sflag:s25] =	ssyncadd.s32 $0xFFFFF000  }
0x30: {  	[tilespmem:s18], [sflag:$0x1] =	stream.indirect.gather [spmem:s2], $0x20, s22, s17, $0xb8;
	[tilespmem:$0xA220] =	vst v63  }
0x31: {  	_ =	swait.ge [sflag:s26], $0x1000  }
0x32: {  	s20 =	sadd.s32 $0x0, s11;
	[sflag:s26] =	ssyncset.done $0x0  }
0x33: {  	s22 =	sadd.s32 $0x200, s20;
	[sflag:s26] =	ssyncadd.s32 $0xFFFFF000  }
0x34: {  	[hbm4b:s22+s3] =	stream.linear.scatter [tilespmem:s19], [sflag:$0x6], $0x1000, $0x38;
	[tilespmem:$0xA220] =	vst v63  }
0x35: {  	_ =	swait.ge [sflag:s28], $0x1000  }
0x36: {  	[sflag:s28] =	ssyncset.done $0x0  }
0x37: {  	s4 =	simm.s32 $0x280;
	[sflag:s28] =	ssyncadd.s32 $0xFFFFF000  }
0x38: {  	[tilespmem:s19], [sflag:$0x2] =	stream.indirect.gather [spmem:s2], $0x20, s4, s17, $0xb8;
	[tilespmem:$0xA220] =	vst v63  }
0x39: {  	_ =	swait.ge [sflag:s29], $0x1000  }
0x3a: {  	[sflag:s29] =	ssyncset.done $0x0  }
0x3b: {  	s5 =	sadd.s32 $0x0, s13;
	[sflag:s29] =	ssyncadd.s32 $0xFFFFF000  }
0x3c: {  	[hbm4b:s5+s3] =	stream.linear.scatter [tilespmem:s21], [sflag:$0x7], $0x1000, $0x38;
	[tilespmem:$0xA220] =	vst v63  }
0x3d: {  	_ =	swait.ge [sflag:s30], $0x1000  }
0x3e: {  	[sflag:s30] =	ssyncset.done $0x0  }
0x3f: {  	s6 =	simm.s32 $0x300;
	[sflag:s30] =	ssyncadd.s32 $0xFFFFF000  }
0x40: {  	[tilespmem:s21], [sflag:$0x3] =	stream.indirect.gather [spmem:s2], $0x20, s6, s17, $0xb8;
	[tilespmem:$0xA220] =	vst v63  }
0x41: {  	_ =	swait.ge [sflag:s31], $0x1000  }
0x42: {  	[sflag:s31] =	ssyncset.done $0x0  }
0x43: {  	s20 =	sadd.s32 $0x600, s20;
	[sflag:s31] =	ssyncadd.s32 $0xFFFFF000  }
0x44: {  	[hbm4b:s20+s3] =	stream.linear.scatter [tilespmem:s23], [sflag:$0x8], $0x1000, $0x38;
	[tilespmem:$0xA220] =	vst v63  }
0x45: {  	_ =	swait.ge [sflag:s1], $0x1000  }
0x46: {  	[sflag:s1] =	ssyncset.done $0x0  }
0x47: {  	s22 =	simm.s32 $0x380;
	s20 =	simm.s32 $0x800;
	[sflag:s1] =	ssyncadd.s32 $0xFFFFF000  }
.LBB2_2:
0x48: {  	[tilespmem:s23], [sflag:$0x4] =	stream.indirect.gather [spmem:s2], $0x20, s22, s17, $0xb8;
	[tilespmem:$0xA220] =	vst v63  }
0x49: {  	s22 =	smov.u32 s20  }
0x4a: {  	p0 =	sne.s32 s20, $0x4000;
	s20 =	sadd.s32 $0x800, s20;
	_ =	swait.ge [sflag:s24], $0x1000  }
0x4b: {  	[sflag:s24] =	ssyncset.done $0x0  }
0x4c: {  	s4 =	sadd.s32 s22, s14;
	[sflag:s24] =	ssyncadd.s32 $0xFFFFF000  }
0x4d: {  	[hbm4b:s4+s3] =	stream.linear.scatter [tilespmem:s18], [sflag:$0x5], $0x1000, $0x38;
	[tilespmem:$0xA220] =	vst v63  }
0x4e: {  	_ =	swait.ge [sflag:s25], $0x1000  }
0x4f: {  	s4 =	sshra.s32 s22, $0x2;
	[sflag:s25] =	ssyncset.done $0x0  }
0x50: {  	s5 =	sadd.s32 $0x200, s4;
	[sflag:s25] =	ssyncadd.s32 $0xFFFFF000  }
0x51: {  	[tilespmem:s18], [sflag:$0x1] =	stream.indirect.gather [spmem:s2], $0x20, s5, s17, $0xb8;
	[tilespmem:$0xA220] =	vst v63  }
0x52: {  	_ =	swait.ge [sflag:s26], $0x1000  }
0x53: {  	s5 =	sadd.s32 s22, s11;
	[sflag:s26] =	ssyncset.done $0x0  }
0x54: {  	s6 =	sadd.s32 $0x200, s5;
	[sflag:s26] =	ssyncadd.s32 $0xFFFFF000  }
0x55: {  	[hbm4b:s6+s3] =	stream.linear.scatter [tilespmem:s19], [sflag:$0x6], $0x1000, $0x38;
	[tilespmem:$0xA220] =	vst v63  }
0x56: {  	_ =	swait.ge [sflag:s28], $0x1000  }
0x57: {  	[sflag:s28] =	ssyncset.done $0x0  }
0x58: {  	s6 =	sadd.s32 $0x280, s4;
	[sflag:s28] =	ssyncadd.s32 $0xFFFFF000  }
0x59: {  	[tilespmem:s19], [sflag:$0x2] =	stream.indirect.gather [spmem:s2], $0x20, s6, s17, $0xb8;
	[tilespmem:$0xA220] =	vst v63  }
0x5a: {  	_ =	swait.ge [sflag:s29], $0x1000  }
0x5b: {  	[sflag:s29] =	ssyncset.done $0x0  }
0x5c: {  	s6 =	sadd.s32 s22, s13;
	[sflag:s29] =	ssyncadd.s32 $0xFFFFF000  }
0x5d: {  	[hbm4b:s6+s3] =	stream.linear.scatter [tilespmem:s21], [sflag:$0x7], $0x1000, $0x38;
	[tilespmem:$0xA220] =	vst v63  }
0x5e: {  	_ =	swait.ge [sflag:s30], $0x1000  }
0x5f: {  	[sflag:s30] =	ssyncset.done $0x0  }
0x60: {  	s6 =	sadd.s32 $0x300, s4;
	[sflag:s30] =	ssyncadd.s32 $0xFFFFF000  }
0x61: {  	[tilespmem:s21], [sflag:$0x3] =	stream.indirect.gather [spmem:s2], $0x20, s6, s17, $0xb8;
	[tilespmem:$0xA220] =	vst v63  }
0x62: {  	_ =	swait.ge [sflag:s31], $0x1000  }
0x63: {  	[sflag:s31] =	ssyncset.done $0x0  }
.Ltmp0:
0x64: {  	s5 =	sadd.s32 $0x600, s5;
	[sflag:s31] =	ssyncadd.s32 $0xFFFFF000;
	(pc) =	sbr.rel @p0 .LBB2_2-.Ltmp0, $4  }
0x65: {  	[hbm4b:s5+s3] =	stream.linear.scatter [tilespmem:s23], [sflag:$0x8], $0x1000, $0x38;
	[tilespmem:$0xA220] =	vst v63  }
0x66: {  	_ =	swait.ge [sflag:s1], $0x1000  }
0x67: {  	[sflag:s1] =	ssyncset.done $0x0  }
0x68: {  	s22 =	sadd.s32 $0x380, s4;
	[sflag:s1] =	ssyncadd.s32 $0xFFFFF000  }
0x69: {  	[tilespmem:s23], [sflag:$0x4] =	stream.indirect.gather [spmem:s2], $0x20, s22, s17, $0xb8;
	[tilespmem:$0xA220] =	vst v63  }
0x6a: {  	_ =	swait.ge [sflag:s24], $0x1000  }
0x6b: {  	[sflag:s24] =	ssyncset.done $0x0  }
0x6c: {  	[sflag:s24] =	ssyncadd.s32 $0xFFFFF000  }
0x6d: {  	[hbm4b:s7+s3] =	stream.linear.scatter [tilespmem:s18], [sflag:$0x9], $0x1000, $0x38;
	[tilespmem:$0xA220] =	vst v63  }
0x6e: {  	_ =	swait.ge [sflag:s16], $0x1000  }
0x6f: {  	[sflag:s16] =	ssyncset.done $0x0  }
0x70: {  	[sflag:s16] =	ssyncadd.s32 $0xFFFFF000  }
0x71: {  	_ =	swait.ge [sflag:s26], $0x1000  }
0x72: {  	[sflag:s26] =	ssyncset.done $0x0  }
0x73: {  	[sflag:s26] =	ssyncadd.s32 $0xFFFFF000  }
0x74: {  	[hbm4b:s8+s3] =	stream.linear.scatter [tilespmem:s19], [sflag:$0x9], $0x1000, $0x38;
	[tilespmem:$0xA220] =	vst v63  }
0x75: {  	_ =	swait.ge [sflag:s16], $0x1000  }
0x76: {  	[sflag:s16] =	ssyncset.done $0x0  }
0x77: {  	[sflag:s16] =	ssyncadd.s32 $0xFFFFF000  }
0x78: {  	_ =	swait.ge [sflag:s29], $0x1000  }
0x79: {  	[sflag:s29] =	ssyncset.done $0x0  }
0x7a: {  	[sflag:s29] =	ssyncadd.s32 $0xFFFFF000  }
0x7b: {  	[hbm4b:s9+s3] =	stream.linear.scatter [tilespmem:s21], [sflag:$0x9], $0x1000, $0x38;
	[tilespmem:$0xA220] =	vst v63  }
0x7c: {  	_ =	swait.ge [sflag:s16], $0x1000  }
0x7d: {  	[sflag:s16] =	ssyncset.done $0x0  }
0x7e: {  	[sflag:s16] =	ssyncadd.s32 $0xFFFFF000  }
0x7f: {  	s0 =	sadd.s32 $0x1, s0;
	_ =	swait.ge [sflag:s31], $0x1000  }
0x80: {  	p0 =	sne.s32 s0, s12;
	[sflag:s31] =	ssyncset.done $0x0  }
.Ltmp1:
0x81: {  	[sflag:s31] =	ssyncadd.s32 $0xFFFFF000;
	(pc) =	sbr.rel @p0 .LBB2_1-.Ltmp1, $4  }
0x82: {  	[hbm4b:s10+s3] =	stream.linear.scatter [tilespmem:s23], [sflag:$0x9], $0x1000, $0x38;
	[tilespmem:$0xA220] =	vst v63  }
0x83: {  	_ =	swait.ge [sflag:s16], $0x1000  }
0x84: {  	[sflag:s16] =	ssyncset.done $0x0  }
0x85: {  	[sflag:s16] =	ssyncadd.s32 $0xFFFFF000  }
0x86: {  	_ =	sfence.sel $0x180000  }
0x87: {  	[bflag:$0x0] =	sbarrier.arrive $0xFFFF  }
0x88: {  	_ =	strace $0x90000047  }
0x89: {  	s0 =	stileid.u32;
	[bflag:$0x2] =	sbarrier.arrive $0xFFFF  }
0x8a: {  	p0 =	sne.s32 s0, $0x0;
	s0 =	rddreg [dreg:$0x2]  }
0x8b: {  	s0 =	sadd.s32 @!p0 $0x100000, s0  }
0x8c: {  	[sflag:s0] =	ssyncadd.tile.s32 @!p0 $0x1;
	_ =	shalt  }
.Lfunc_end2:
_tile_overlayer_lowered:
.L_overlay_start_2:
0x8d: {  	(tag) =	ssettag $0x2  }
0x8e: {  	s0 =	rddreg [dreg:$0x0];
	s2 =	stileid.u32  }
0x8f: {  	s1 =	rddreg [dreg:$0x1];
	p0 =	sne.s32 s2, $0x0  }
0x90: {  	s3 =	rddreg [dreg:$0x2];
	[bflag:$0x3] =	sbarrier.arrive $0xFFFF;
	s2 =	simm.s32 @!p0 $0x1C09  }
0x91: {  	[timem:s3], [sflag:s2] =	dma.local @!p0 [hbm:s0], s1  }
0x92: {  	s0 =	simm.s32 @!p0 $0x9  }
0x93: {  	_ =	swait.ge @!p0 [sflag:s0], s1  }
0x94: {  	s1 =	ssub.s32 @!p0 $0x0, s1;
	[sflag:s0] =	ssyncset.done @!p0 $0x0  }
0x95: {  	[sflag:s0] =	ssyncadd.s32 @!p0 s1  }
0x96: {  	[bflag:$0x3] =	sbarrier.arrive $0xFFFF  }
0x97: {  	_ =	shalt  }

// kernel: kernel.24.cloned.1.call-start
scs
__scs_entry_jumppad:
0x0: {  	(pc) =	sbr.rel $0x88, $3  }
0x1: {  	(tag) =	ssettag $0x0;
	lr =	simm.s32 $0x1  }
0x2: {  	[smem:$0x3F8B] =	sst lr;
	_ =	strace $0xD0000000  }
0x3: {  	_ = 	snop  }
0x4: {  	_ = 	snop  }
0x5: {  	_ = 	snop  }
0x6: {  	_ = 	snop  }
0x7: {  	_ = 	snop  }
__scs_overlays_trampoline_lowered:
0x8: {  	[smem:$0x3F9A] =	sst s0  }
0x9: {  	[smem:$0x3F9B] =	sst s1  }
0xa: {  	[smem:$0x3F9C] =	sst s2  }
0xb: {  	[smem:$0x3F9D] =	sst s3  }
0xc: {  	[smem:$0x3F9E] =	sst s4  }
0xd: {  	[smem:$0x3F9F] =	sst s5  }
0xe: {  	[smem:$0x3FA0] =	sst s6  }
0xf: {  	[smem:$0x3FA1] =	sst s7  }
0x10: {  	[smem:$0x3FA2] =	sst s8  }
0x11: {  	[smem:$0x3FA3] =	sst s9;
	s0 =	simm.s32 @!p0 $0x0  }
0x12: {  	s1 =	sld [smem:$0x3F89];
	s0 =	simm.s32 @p0 $0x1  }
0x13: {  	[smem:$0x3FA4] =	sst s0;
	s0 =	simm.s32 @!p1 $0x0  }
0x14: {  	s2 =	sld [smem:$0x3F88];
	s0 =	simm.s32 @p1 $0x1  }
0x15: {  	[smem:$0x3FA5] =	sst s0;
	s0 =	simm.s32 @!p2 $0x0  }
0x16: {  	s3 =	sld [smem:$0x3FDB];
	s0 =	simm.s32 @p2 $0x1  }
0x17: {  	s4 =	simm.s32 $0x1BF5;
	[smem:$0x3FA7] =	sst s0  }
0x18: {  	s0 =	sld [smem:$0x3F8A];
	_ =	swait.ge [sflag:s4], $0x0  }
0x19: {  	s7 =	sld [smem:$0x3F8B]  }
0x1a: {  	s8 =	sadd.s32 $0xFFFFE003, lr  }
0x1b: {  	s9 =	sadd.s32 $0xFFFFFEF7, lr;
	s5 =	simm.s32 $0xFFFFFFFF;
	p2 =	slt.u32 s8, $0xFFFFF086  }
0x1c: {  	p1 =	slt.u32 s9, $0xF7A;
	s5 =	simm.s32 @!p2 $0x0  }
0x1d: {  	s5 =	simm.s32 @p1 $0x1;
	p0 =	seq.s32 s7, s2  }
0x1e: {  	s7 =	smul.u32 @!p0 $0xF7A, s2;
	p2 =	seq.s32 @!p0 s5, $0x0  }
0x1f: {  	s9 =	smul.u32 $0xF7A, s1;
	s8 =	simm.s32 @!p0 $0x1BF5;
	p2 =	por !p2, p0  }
0x20: {  	[sflag:s8] =	ssyncset.s32 @!p0 $0xFFFFF086;
	s6 =	sadd.s32 @!p0 s3, s7;
	s7 =	simm.s32 @!p0 $0x108  }
0x21: {  	s3 =	sadd.s32 s3, s9;
	s6 =	sadd.s32 @!p0 $0x88, s6;
	s7 =	simm.s32 @p2 $0x1082  }
0x22: {  	[simem:s7], [sflag:s8] =	dma.local @!p0 [hbm:s6], $0xF7A  }
0x23: {  	s9 =	sor.u32 $0xD0000000, s2;
	s6 =	simm.s32 $0x108;
	_ =	swait.ge @!p0 [sflag:s8], $0x0  }
0x24: {  	s3 =	sadd.s32 $0x88, s3;
	s6 =	simm.s32 @!p1 $0x1082;
	[sflag:s4] =	ssyncset.s32 $0xFFFFF086  }
0x25: {  	[simem:s6], [sflag:s4] =	dma.local [hbm:s3], $0xF7A  }
0x26: {  	[smem:$0x3F8B] =	sst s1;
	(tag) =	ssettag s2;
	_ =	strace s9  }
0x27: {  	s1 =	sld [smem:$0x3F9B]  }
0x28: {  	s2 =	sld [smem:$0x3F9C]  }
0x29: {  	s4 =	sld [smem:$0x3F9E]  }
0x2a: {  	p0 =	seq.s32 s5, $0x0;
	s5 =	sld [smem:$0x3F9F]  }
0x2b: {  	s6 =	sld [smem:$0x3FA0]  }
0x2c: {  	s7 =	sld [smem:$0x3FA1]  }
0x2d: {  	s3 =	simm.s32 $0x108;
	s8 =	sld [smem:$0x3FA2]  }
0x2e: {  	s3 =	simm.s32 @!p0 $0x1082;
	s9 =	sld [smem:$0x3FA3]  }
0x2f: {  	lr =	sadd.s32 s0, s3;
	s0 =	sld [smem:$0x3F9A]  }
0x30: {  	s3 =	sld [smem:$0x3F9D]  }
0x31: {  	[smem:$0x3FA6] =	sst s10  }
0x32: {  	s10 =	sld [smem:$0x3FA4];
	_ =	sdelay $0x3  }
0x33: {  	p0 =	seq.s32 s10, $0x1;
	s10 =	sld [smem:$0x3FA6];
	_ =	sdelay $0x3  }
0x34: {  	[smem:$0x3FA6] =	sst s10  }
0x35: {  	s10 =	sld [smem:$0x3FA5];
	_ =	sdelay $0x3  }
0x36: {  	p1 =	seq.s32 s10, $0x1;
	s10 =	sld [smem:$0x3FA6];
	_ =	sdelay $0x3  }
0x37: {  	[smem:$0x3FA6] =	sst s10  }
0x38: {  	s10 =	sld [smem:$0x3FA7]  }
0x39: {  	_ = 	snop;
	(pc) =	sbr.ind lr, $3  }
0x3a: {  	_ = 	snop  }
0x3b: {  	_ = 	snop  }
0x3c: {  	p2 =	seq.s32 s10, $0x1;
	s10 =	sld [smem:$0x3FA6]  }
0x3d: {  	_ =	shalt  }
0x3e: {  	_ =	shalt  }
0x3f: {  	_ =	shalt  }
0x40: {  	_ =	shalt  }
0x41: {  	_ =	shalt  }
0x42: {  	_ =	shalt  }
0x43: {  	_ =	shalt  }
0x44: {  	_ =	shalt  }
0x45: {  	_ =	shalt  }
0x46: {  	_ =	shalt  }
0x47: {  	_ =	shalt  }
0x48: {  	_ =	shalt  }
0x49: {  	_ =	shalt  }
0x4a: {  	_ =	shalt  }
0x4b: {  	_ =	shalt  }
0x4c: {  	_ =	shalt  }
0x4d: {  	_ =	shalt  }
0x4e: {  	_ =	shalt  }
0x4f: {  	_ =	shalt  }
0x50: {  	_ =	shalt  }
0x51: {  	_ =	shalt  }
0x52: {  	_ =	shalt  }
0x53: {  	_ =	shalt  }
0x54: {  	_ =	shalt  }
0x55: {  	_ =	shalt  }
0x56: {  	_ =	shalt  }
0x57: {  	_ =	shalt  }
0x58: {  	_ =	shalt  }
0x59: {  	_ =	shalt  }
0x5a: {  	_ =	shalt  }
0x5b: {  	_ =	shalt  }
0x5c: {  	_ =	shalt  }
0x5d: {  	_ =	shalt  }
0x5e: {  	_ =	shalt  }
0x5f: {  	_ =	shalt  }
0x60: {  	_ =	shalt  }
0x61: {  	_ =	shalt  }
0x62: {  	_ =	shalt  }
0x63: {  	_ =	shalt  }
0x64: {  	_ =	shalt  }
0x65: {  	_ =	shalt  }
0x66: {  	_ =	shalt  }
0x67: {  	_ =	shalt  }
0x68: {  	_ =	shalt  }
0x69: {  	_ =	shalt  }
0x6a: {  	_ =	shalt  }
0x6b: {  	_ =	shalt  }
0x6c: {  	_ =	shalt  }
0x6d: {  	_ =	shalt  }
0x6e: {  	_ =	shalt  }
0x6f: {  	_ =	shalt  }
0x70: {  	_ =	shalt  }
0x71: {  	_ =	shalt  }
0x72: {  	_ =	shalt  }
0x73: {  	_ =	shalt  }
0x74: {  	_ =	shalt  }
0x75: {  	_ =	shalt  }
0x76: {  	_ =	shalt  }
0x77: {  	_ =	shalt  }
0x78: {  	_ =	shalt  }
0x79: {  	_ =	shalt  }
0x7a: {  	_ =	shalt  }
0x7b: {  	_ =	shalt  }
0x7c: {  	_ =	shalt  }
0x7d: {  	_ =	shalt  }
0x7e: {  	_ =	shalt  }
0x7f: {  	_ =	shalt  }
0x80: {  	_ =	shalt  }
0x81: {  	_ =	shalt  }
0x82: {  	_ =	shalt  }
0x83: {  	_ =	shalt  }
0x84: {  	_ =	shalt  }
0x85: {  	_ =	shalt  }
0x86: {  	_ =	shalt  }
0x87: {  	_ =	shalt  }
.Lfunc_end0:
.L_simem_size_0:
called_computation.2_lowered:
.L_overlay_start_0:
0x88: {  	s2 =	sld [smem:$0x3FD9]  }
0x89: {  	s3 =	sld [smem:$0x3FFE];
	_ =	sdelay $0x1  }
0x8a: {  	s1 =	srdreg.scid  }
0x8b: {  	s0 =	sand.u32 $0x1, s1  }
0x8c: {  	s17 =	sshll.u32 s0, $0xA;
	s2 =	sadd.s32 s3, s2  }
0x8d: {  	s2 =	sadd.s32 s2, s17  }
0x8e: {  	[smem:$0x3FB2] =	sst s2  }
0x8f: {  	_ = 	snop  }
0x90: {  	s18 =	sld [smem:$0x3FD0];
	(tm) =	ssettm $0x1  }
0x91: {  	s19 =	sld [smem:$0x3FFB];
	_ =	sdelay $0x3  }
0x92: {  	_ =	strace s19  }
0x93: {  	s2 =	sld [smem:$0x3FFC];
	_ =	sdelay $0x3  }
0x94: {  	_ =	strace s2  }
0x95: {  	s2 =	sld [smem:$0x3FFD];
	_ =	sdelay $0x3  }
0x96: {  	_ =	strace s2  }
0x97: {  	_ =	strace $0x8FFFFFFF  }
0x98: {  	s20 =	sld [smem:$0x3FDB];
	_ =	sdelay $0x1  }
0x99: {  	s4 =	simm.s32 $_scs_section_size  }
0x9a: {  	s5 =	simm.s32 $_size__tile_overlayer_lowered;
	s6 =	simm.s32 $_tile_overlayer_lowered  }
0x9b: {  	s7 =	simm.s32 $0x1BFF;
	s21 =	sshll.u32 s6, $0x1;
	s4 =	sadd.s32 s4, s20  }
0x9c: {  	s22 =	simm.s32 $0x0;
	s5 =	sshll.u32 s5, $0x1;
	s6 =	sadd.s32 s21, s4  }
0x9d: {  	[timem:s22], [sflag:s7] =	dma.local [hbm:s6], s5  }
0x9e: {  	_ =	swait.ge [sflag:s7], s5  }
0x9f: {  	s5 =	ssub.s32 $0x0, s5;
	[sflag:s7] =	ssyncset.done $0x0  }
0xa0: {  	[sflag:s7] =	ssyncadd.s32 s5;
	_ =	sdelay $0x1  }
0xa1: {  	s23 =	simm.s32 $0x1B8B  }
0xa2: {  	_ =	swait.ge [sflag:s23], $0x1  }
0xa3: {  	[sflag:s23] =	ssyncset.done $0x0  }
0xa4: {  	[sflag:s23] =	ssyncadd.s32 $0xFFFFFFFF  }
0xa5: {  	s5 =	sld [smem:$0x0]  }
0xa6: {  	s6 =	sand.u32 $0xFFFFFFFE, s1  }
0xa7: {  	p0 =	sne.s32 s1, s6  }
0xa8: {  	s6 =	sshll.u32 @p0 s6, $0xE  }
0xa9: {  	s6 =	sadd.s32 @p0 $0x11B8D, s6;
	s7 =	sshll.u32 @p0 s5, $0x11  }
0xaa: {  	s6 =	sor.u32 @p0 s7, s6  }
0xab: {  	[sflag:s6] =	ssyncadd.remote.s32 @p0 $0x1;
	_ =	sdelay $0x1  }
0xac: {  	s6 =	simm.s32 @p0 $0x1B8D  }
0xad: {  	_ =	swait.eq @p0 [sflag:s6], $0x1  }
0xae: {  	[sflag:s6] =	ssyncadd.s32 @p0 $0xFFFFFFFF  }
0xaf: {  	s7 =	sshll.u32 @!p0 s1, $0xE  }
0xb0: {  	s7 =	sor.u32 @!p0 $0x4000, s7;
	s6 =	simm.s32 @!p0 $0x1B8D  }
0xb1: {  	s5 =	sshll.u32 @!p0 s5, $0x11;
	s7 =	sadd.s32 @!p0 $0x11B8D, s7;
	_ =	swait.eq @!p0 [sflag:s6], $0x1  }
0xb2: {  	s5 =	sor.u32 @!p0 s5, s7;
	[sflag:s6] =	ssyncadd.s32 @!p0 $0xFFFFFFFF  }
0xb3: {  	s25 =	simm.s32 $0x1B8E;
	s24 =	sld [smem:$0x3FFE];
	[sflag:s5] =	ssyncadd.remote.s32 @!p0 $0x1  }
0xb4: {  	s26 =	simm.s32 $execute0_lowered;
	[smem:$0x3FD2] =	sst s25  }
0xb5: {  	s6 =	sshll.u32 s26, $0x1;
	_ =	strace $0x8000004C;
	[dreg:$0x1] =	wrdreg $0xFFFFFFFF  }
0xb6: {  	s28 =	simm.s32 $_size_execute0_lowered;
	s4 =	sadd.s32 s4, s6;
	[dreg:$0x0] =	wrdreg $0x0  }
0xb7: {  	s6 =	sshll.u32 s28, $0x1;
	[dreg:$0x2] =	wrdreg s4  }
0xb8: {  	[dreg:$0x3] =	wrdreg s6  }
0xb9: {  	[dreg:$0x4] =	wrdreg $0xC0  }
0xba: {  	_ =	task [dreg:s22], $0x5FFFF  }
0xbb: {  	[dreg:$0x1] =	wrdreg $0xFFFFFFFF  }
0xbc: {  	[dreg:$0x0] =	wrdreg $0x60  }
0xbd: {  	[dreg:$0x2] =	wrdreg s24  }
0xbe: {  	[dreg:$0x3] =	wrdreg s18  }
0xbf: {  	[dreg:$0x4] =	wrdreg $0x54000  }
0xc0: {  	[dreg:$0x5] =	wrdreg $0xA  }
0xc1: {  	_ =	task.clear_ibuf [dreg:s22], $0x6FFFF;
	_ =	strace $0x9000004C  }
0xc2: {  	s29 =	simm.s32 $0xA;
	_ =	strace $0x8000004E  }
0xc3: {  	_ =	swait.ge [sflag:s29], $0x1  }
0xc4: {  	[sflag:s29] =	ssyncadd.s32 $0xFFFFFFFF  }
0xc5: {  	_ =	strace $0x9000004E  }
0xc6: {  	_ =	sfence  }
0xc7: {  	s30 =	sld [smem:$0x0];
	_ =	sdelay $0x2  }
0xc8: {  	s31 =	sshll.u32 s1, $0xD;
	s1 =	sshrl.u32 s1, $0x2  }
0xc9: {  	s4 =	sand.u32 $0x4000, s31;
	s1 =	sadd.s32 s1, s30  }
0xca: {  	s0 =	sor.u32 s4, s0;
	s1 =	sshll.u32 s1, $0x11  }
0xcb: {  	s0 =	sor.u32 s1, s0  }
0xcc: {  	s0 =	sadd.s32 $0x8F2B, s0  }
0xcd: {  	[sflag:s0] =	ssyncadd.remote.s32 $0x1  }
0xce: {  	_ =	sfence.sel $0xFFFF  }
0xcf: {  	[dreg:$0x0] =	wrdreg $0xFFFFFFFF;
	(pc) =	sbr.abs _section_cstart, $3  }
0xd0: {  	[dreg:$0x1] =	wrdreg $0xFFFFFFFF  }
0xd1: {  	_ =	task.clear_ibuf [dreg:s22], $0x2FFFF;
	_ =	strace $0x9FFFFFFF  }
0xd2: {  	(tm) =	ssettm $0x7FFFFFFF  }
0xd3: {  	_ =	shalt  }
tec
execute0_lowered:
.L_overlay_start_1:
0x0: {  	(tag) =	ssettag $0x1  }
0x1: {  	s0 =	rddreg [dreg:$0x0];
	s1 =	srdreg.scid  }
0x2: {  	s25 =	stileid.u32;
	s2 =	rddreg [dreg:$0x2]  }
0x3: {  	s14 =	simm.s32 $0x9;
	s15 =	simm.s32 $0x1400;
	s16 =	simm.s32 $0x2400  }
0x4: {  	s17 =	simm.s32 $0x3400;
	s18 =	simm.s32 $0x4400;
	s19 =	simm.s32 $0x1  }
0x5: {  	s20 =	simm.s32 $0x80;
	s21 =	simm.s32 $0x5;
	s22 =	simm.s32 $0x2  }
0x6: {  	s23 =	simm.s32 $0x6;
	s24 =	simm.s32 $0x3;
	s26 =	simm.s32 $0x4  }
0x7: {  	s28 =	simm.s32 $0x8;
	s1 =	sand.u32 $0x1, s1;
	s7 =	smul.u32 $0x13C00, s25  }
0x8: {  	s3 =	sshll.u32 s25, $0x1;
	s10 =	sadd.s32 $0x3DA00, s0;
	s12 =	smul.u32 $0xA000, s25  }
0x9: {  	s31 =	sshll.u32 s25, $0x6;
	p0 =	sne.s32 s25, $0x0;
	s6 =	smul.u32 $0x9E00, s1  }
0xa: {  	s4 =	sor.u32 s1, s3;
	s29 =	ssub.s32 $0x2, s1;
	s1 =	smul.u32 $0x5000, s1  }
0xb: {  	s25 =	simm.s32 $0x7;
	s3 =	simm.s32 $0x0;
	s5 =	smul.u32 $0x280, s4  }
0xc: {  	[smem:$0x7FF] =	sst s3;
	s30 =	sshrl.u32 s29, $0x1;
	s7 =	sshrl.u32 s7, $0x2  }
0xd: {  	s9 =	smul.u32 $0x5000, s4;
	s4 =	sor.u32 $0x1C09, s31;
	s12 =	sadd.s32 s12, s10  }
0xe: {  	_ =	strace $0x8000004D;
	s11 =	ssub.s32 s29, s30;
	s13 =	sadd.s32 s7, s2  }
0xf: {  	s12 =	sadd.s32 s1, s12;
	s1 =	simm.s32 $0x0;
	s8 =	sadd.s32 s5, s0  }
0x10: {  	s0 =	sadd.s32 s6, s0;
	s5 =	sadd.s32 s10, s9;
	s11 =	smax.u32 s11, $0x1  }
0x11: {  	s13 =	sshrl.u32 s13, $0x3;
	s6 =	sadd.s32 $0xDDA00, s8;
	s7 =	sadd.s32 $0x200, s5  }
0x12: {  	s8 =	sadd.s32 $0x400, s5;
	s9 =	sadd.s32 $0x600, s5;
	s10 =	sadd.s32 $0x354800, s0  }
.LBB2_1:
0x13: {  	s0 =	rddreg [dreg:$0x1]  }
0x14: {  	[spmem:s13], [sflag:s4] =	dma.local [hbm:s0], $0x9E0  }
0x15: {  	_ =	swait.ge [sflag:s14], $0x9E0  }
0x16: {  	[sflag:s14] =	ssyncset.done $0x0  }
0x17: {  	[sflag:s14] =	ssyncadd.s32 $0xFFFFF620  }
0x18: {  	[tilespmem:s3], [sflag:$0x9] =	stream.linear.gather [hbm4b:s6+s3], $0x1400, $0x38;
	[tilespmem:$0xA300] =	vst v63  }
0x19: {  	_ =	swait.ge [sflag:s14], $0x1400  }
0x1a: {  	[sflag:s14] =	ssyncset.done $0x0  }
0x1b: {  	[sflag:s14] =	ssyncadd.s32 $0xFFFFEC00  }
0x1c: {  	[bflag:$0x0] =	sbarrier.arrive $0xFFFF  }
0x1d: {  	[tilespmem:s15], [sflag:$0x1] =	stream.linear.gather [hbm4b:s5+s3], $0x1000, $0x38;
	[tilespmem:$0xA300] =	vst v63  }
0x1e: {  	_ = 	snop  }
0x1f: {  	[tilespmem:s16], [sflag:$0x2] =	stream.linear.gather [hbm4b:s7+s3], $0x1000, $0x38;
	[tilespmem:$0xA300] =	vst v63  }
0x20: {  	_ = 	snop  }
0x21: {  	[tilespmem:s17], [sflag:$0x3] =	stream.linear.gather [hbm4b:s8+s3], $0x1000, $0x38;
	[tilespmem:$0xA300] =	vst v63  }
0x22: {  	_ = 	snop  }
0x23: {  	[tilespmem:s18], [sflag:$0x4] =	stream.linear.gather [hbm4b:s9+s3], $0x1000, $0x38;
	[tilespmem:$0xA300] =	vst v63  }
0x24: {  	_ =	swait.ge [sflag:s19], $0x1000  }
0x25: {  	[sflag:s19] =	ssyncset.done $0x0  }
0x26: {  	s29 =	simm.s32 $0x0;
	[sflag:s19] =	ssyncadd.s32 $0xFFFFF000  }
0x27: {  	[spmem:s2] =	stream.indirect.scatter.add.f32 [tilespmem:s15], [sflag:$0x5], $0x20, s29, s20, $0xb8;
	[tilespmem:$0xA300] =	vst v63  }
0x28: {  	_ =	swait.ge [sflag:s21], $0x1000  }
0x29: {  	s30 =	sadd.s32 $0x0, s12;
	[sflag:s21] =	ssyncset.done $0x0  }
0x2a: {  	s29 =	sadd.s32 $0x800, s30;
	[sflag:s21] =	ssyncadd.s32 $0xFFFFF000  }
0x2b: {  	[tilespmem:s15], [sflag:$0x1] =	stream.linear.gather [hbm4b:s29+s3], $0x1000, $0x38;
	[tilespmem:$0xA300] =	vst v63  }
0x2c: {  	_ =	swait.ge [sflag:s22], $0x1000  }
0x2d: {  	[sflag:s22] =	ssyncset.done $0x0  }
0x2e: {  	s29 =	simm.s32 $0x80;
	[sflag:s22] =	ssyncadd.s32 $0xFFFFF000  }
0x2f: {  	[spmem:s2] =	stream.indirect.scatter.add.f32 [tilespmem:s16], [sflag:$0x6], $0x20, s29, s20, $0xb8;
	[tilespmem:$0xA300] =	vst v63  }
0x30: {  	_ =	swait.ge [sflag:s23], $0x1000  }
0x31: {  	[sflag:s23] =	ssyncset.done $0x0  }
0x32: {  	s29 =	sadd.s32 $0xA00, s30;
	[sflag:s23] =	ssyncadd.s32 $0xFFFFF000  }
0x33: {  	[tilespmem:s16], [sflag:$0x2] =	stream.linear.gather [hbm4b:s29+s3], $0x1000, $0x38;
	[tilespmem:$0xA300] =	vst v63  }
0x34: {  	_ =	swait.ge [sflag:s24], $0x1000  }
0x35: {  	[sflag:s24] =	ssyncset.done $0x0  }
0x36: {  	s29 =	simm.s32 $0x100;
	[sflag:s24] =	ssyncadd.s32 $0xFFFFF000  }
0x37: {  	[spmem:s2] =	stream.indirect.scatter.add.f32 [tilespmem:s17], [sflag:$0x7], $0x20, s29, s20, $0xb8;
	[tilespmem:$0xA300] =	vst v63  }
0x38: {  	_ =	swait.ge [sflag:s25], $0x1000  }
0x39: {  	[sflag:s25] =	ssyncset.done $0x0  }
0x3a: {  	s29 =	sadd.s32 $0xC00, s30;
	[sflag:s25] =	ssyncadd.s32 $0xFFFFF000  }
0x3b: {  	[tilespmem:s17], [sflag:$0x3] =	stream.linear.gather [hbm4b:s29+s3], $0x1000, $0x38;
	[tilespmem:$0xA300] =	vst v63  }
0x3c: {  	_ =	swait.ge [sflag:s26], $0x1000  }
0x3d: {  	[sflag:s26] =	ssyncset.done $0x0  }
0x3e: {  	s29 =	simm.s32 $0x180;
	[sflag:s26] =	ssyncadd.s32 $0xFFFFF000  }
0x3f: {  	[spmem:s2] =	stream.indirect.scatter.add.f32 [tilespmem:s18], [sflag:$0x8], $0x20, s29, s20, $0xb8;
	[tilespmem:$0xA300] =	vst v63  }
0x40: {  	_ =	swait.ge [sflag:s28], $0x1000  }
0x41: {  	[sflag:s28] =	ssyncset.done $0x0  }
0x42: {  	s30 =	sadd.s32 $0xE00, s30;
	s29 =	simm.s32 $0x800;
	[sflag:s28] =	ssyncadd.s32 $0xFFFFF000  }
.LBB2_2:
0x43: {  	[tilespmem:s18], [sflag:$0x4] =	stream.linear.gather [hbm4b:s30+s3], $0x1000, $0x38;
	[tilespmem:$0xA300] =	vst v63  }
0x44: {  	s30 =	smov.u32 s29  }
0x45: {  	p1 =	sne.s32 s29, $0x4000;
	s29 =	sadd.s32 $0x800, s29;
	_ =	swait.ge [sflag:s19], $0x1000  }
0x46: {  	[sflag:s19] =	ssyncset.done $0x0  }
0x47: {  	s31 =	sshra.s32 s30, $0x2;
	[sflag:s19] =	ssyncadd.s32 $0xFFFFF000  }
0x48: {  	[spmem:s2] =	stream.indirect.scatter.add.f32 [tilespmem:s15], [sflag:$0x5], $0x20, s31, s20, $0xb8;
	[tilespmem:$0xA300] =	vst v63  }
0x49: {  	_ =	swait.ge [sflag:s21], $0x1000  }
0x4a: {  	s30 =	sadd.s32 s30, s12;
	[sflag:s21] =	ssyncset.done $0x0  }
0x4b: {  	s0 =	sadd.s32 $0x800, s30;
	[sflag:s21] =	ssyncadd.s32 $0xFFFFF000  }
0x4c: {  	[tilespmem:s15], [sflag:$0x1] =	stream.linear.gather [hbm4b:s0+s3], $0x1000, $0x38;
	[tilespmem:$0xA300] =	vst v63  }
0x4d: {  	_ =	swait.ge [sflag:s22], $0x1000  }
0x4e: {  	[sflag:s22] =	ssyncset.done $0x0  }
0x4f: {  	s0 =	sadd.s32 $0x80, s31;
	[sflag:s22] =	ssyncadd.s32 $0xFFFFF000  }
0x50: {  	[spmem:s2] =	stream.indirect.scatter.add.f32 [tilespmem:s16], [sflag:$0x6], $0x20, s0, s20, $0xb8;
	[tilespmem:$0xA300] =	vst v63  }
0x51: {  	_ =	swait.ge [sflag:s23], $0x1000  }
0x52: {  	[sflag:s23] =	ssyncset.done $0x0  }
0x53: {  	s0 =	sadd.s32 $0xA00, s30;
	[sflag:s23] =	ssyncadd.s32 $0xFFFFF000  }
0x54: {  	[tilespmem:s16], [sflag:$0x2] =	stream.linear.gather [hbm4b:s0+s3], $0x1000, $0x38;
	[tilespmem:$0xA300] =	vst v63  }
0x55: {  	_ =	swait.ge [sflag:s24], $0x1000  }
0x56: {  	[sflag:s24] =	ssyncset.done $0x0  }
0x57: {  	s0 =	sadd.s32 $0x100, s31;
	[sflag:s24] =	ssyncadd.s32 $0xFFFFF000  }
0x58: {  	[spmem:s2] =	stream.indirect.scatter.add.f32 [tilespmem:s17], [sflag:$0x7], $0x20, s0, s20, $0xb8;
	[tilespmem:$0xA300] =	vst v63  }
0x59: {  	_ =	swait.ge [sflag:s25], $0x1000  }
0x5a: {  	[sflag:s25] =	ssyncset.done $0x0  }
0x5b: {  	s0 =	sadd.s32 $0xC00, s30;
	[sflag:s25] =	ssyncadd.s32 $0xFFFFF000  }
0x5c: {  	[tilespmem:s17], [sflag:$0x3] =	stream.linear.gather [hbm4b:s0+s3], $0x1000, $0x38;
	[tilespmem:$0xA300] =	vst v63  }
0x5d: {  	_ =	swait.ge [sflag:s26], $0x1000  }
0x5e: {  	[sflag:s26] =	ssyncset.done $0x0  }
.Ltmp0:
0x5f: {  	s0 =	sadd.s32 $0x180, s31;
	[sflag:s26] =	ssyncadd.s32 $0xFFFFF000;
	(pc) =	sbr.rel @p1 .LBB2_2-.Ltmp0, $4  }
0x60: {  	[spmem:s2] =	stream.indirect.scatter.add.f32 [tilespmem:s18], [sflag:$0x8], $0x20, s0, s20, $0xb8;
	[tilespmem:$0xA300] =	vst v63  }
0x61: {  	_ =	swait.ge [sflag:s28], $0x1000  }
0x62: {  	[sflag:s28] =	ssyncset.done $0x0  }
0x63: {  	s30 =	sadd.s32 $0xE00, s30;
	[sflag:s28] =	ssyncadd.s32 $0xFFFFF000  }
0x64: {  	[tilespmem:s18], [sflag:$0x4] =	stream.linear.gather [hbm4b:s30+s3], $0x1000, $0x38;
	[tilespmem:$0xA300] =	vst v63  }
0x65: {  	_ =	swait.ge [sflag:s19], $0x1000  }
0x66: {  	[sflag:s19] =	ssyncset.done $0x0  }
0x67: {  	s0 =	simm.s32 $0x1200;
	[sflag:s19] =	ssyncadd.s32 $0xFFFFF000  }
0x68: {  	[spmem:s2] =	stream.indirect.scatter.add.f32 [tilespmem:s15], [sflag:$0x9], $0x20, s0, s20, $0xb8;
	[tilespmem:$0xA300] =	vst v63  }
0x69: {  	_ =	swait.ge [sflag:s14], $0x1000  }
0x6a: {  	[sflag:s14] =	ssyncset.done $0x0  }
0x6b: {  	[sflag:s14] =	ssyncadd.s32 $0xFFFFF000  }
0x6c: {  	_ =	swait.ge [sflag:s22], $0x1000  }
0x6d: {  	[sflag:s22] =	ssyncset.done $0x0  }
0x6e: {  	s29 =	simm.s32 $0x1280;
	[sflag:s22] =	ssyncadd.s32 $0xFFFFF000  }
0x6f: {  	[spmem:s2] =	stream.indirect.scatter.add.f32 [tilespmem:s16], [sflag:$0x9], $0x20, s29, s20, $0xb8;
	[tilespmem:$0xA300] =	vst v63  }
0x70: {  	_ =	swait.ge [sflag:s14], $0x1000  }
0x71: {  	[sflag:s14] =	ssyncset.done $0x0  }
0x72: {  	[sflag:s14] =	ssyncadd.s32 $0xFFFFF000  }
0x73: {  	_ =	swait.ge [sflag:s24], $0x1000  }
0x74: {  	[sflag:s24] =	ssyncset.done $0x0  }
0x75: {  	s30 =	simm.s32 $0x1300;
	[sflag:s24] =	ssyncadd.s32 $0xFFFFF000  }
0x76: {  	[spmem:s2] =	stream.indirect.scatter.add.f32 [tilespmem:s17], [sflag:$0x9], $0x20, s30, s20, $0xb8;
	[tilespmem:$0xA300] =	vst v63  }
0x77: {  	_ =	swait.ge [sflag:s14], $0x1000  }
0x78: {  	[sflag:s14] =	ssyncset.done $0x0  }
0x79: {  	[sflag:s14] =	ssyncadd.s32 $0xFFFFF000  }
0x7a: {  	_ =	swait.ge [sflag:s26], $0x1000  }
0x7b: {  	[sflag:s26] =	ssyncset.done $0x0  }
0x7c: {  	s31 =	simm.s32 $0x1380;
	[sflag:s26] =	ssyncadd.s32 $0xFFFFF000  }
0x7d: {  	[spmem:s2] =	stream.indirect.scatter.add.f32 [tilespmem:s18], [sflag:$0x9], $0x20, s31, s20, $0xb8;
	[tilespmem:$0xA300] =	vst v63  }
0x7e: {  	_ =	swait.ge [sflag:s14], $0x1000  }
0x7f: {  	[sflag:s14] =	ssyncset.done $0x0  }
0x80: {  	s1 =	sadd.s32 $0x1, s1;
	[sflag:s14] =	ssyncadd.s32 $0xFFFFF000  }
0x81: {  	p1 =	sne.s32 s1, s11;
	s0 =	sshrl.u32 @!p0 s2, $0x3;
	[bflag:$0x0] =	sbarrier.arrive $0xFFFF  }
0x82: {  	[hbm:s10], [sflag:s4] =	dma.local @!p0 [spmem:s0], $0x9E00  }
.Ltmp1:
0x83: {  	_ = 	snop;
	(pc) =	sbr.rel @p1 .LBB2_1-.Ltmp1, $4  }
0x84: {  	s0 =	simm.s32 @!p0 $0x9  }
0x85: {  	_ =	swait.ge @!p0 [sflag:s0], $0x9E00  }
0x86: {  	[sflag:s0] =	ssyncset.done @!p0 $0x0  }
0x87: {  	[sflag:s0] =	ssyncadd.s32 @!p0 $0xFFFF6200  }
0x88: {  	_ =	sfence.sel $0x180000  }
0x89: {  	[bflag:$0x0] =	sbarrier.arrive $0xFFFF  }
0x8a: {  	_ =	strace $0x9000004D  }
0x8b: {  	[bflag:$0x2] =	sbarrier.arrive $0xFFFF  }
0x8c: {  	s0 =	rddreg [dreg:$0x3]  }
0x8d: {  	s0 =	sadd.s32 @!p0 $0x100000, s0  }
0x8e: {  	[sflag:s0] =	ssyncadd.tile.s32 @!p0 $0x1;
	_ =	shalt  }
.Lfunc_end2:
_tile_overlayer_lowered:
.L_overlay_start_2:
0x8f: {  	(tag) =	ssettag $0x2  }
0x90: {  	s0 =	rddreg [dreg:$0x0];
	s2 =	stileid.u32  }
0x91: {  	s1 =	rddreg [dreg:$0x1];
	p0 =	sne.s32 s2, $0x0  }
0x92: {  	s3 =	rddreg [dreg:$0x2];
	[bflag:$0x3] =	sbarrier.arrive $0xFFFF;
	s2 =	simm.s32 @!p0 $0x1C09  }
0x93: {  	[timem:s3], [sflag:s2] =	dma.local @!p0 [hbm:s0], s1  }
0x94: {  	s0 =	simm.s32 @!p0 $0x9  }
0x95: {  	_ =	swait.ge @!p0 [sflag:s0], s1  }
0x96: {  	s1 =	ssub.s32 @!p0 $0x0, s1;
	[sflag:s0] =	ssyncset.done @!p0 $0x0  }
0x97: {  	[sflag:s0] =	ssyncadd.s32 @!p0 s1  }
0x98: {  	[bflag:$0x3] =	sbarrier.arrive $0xFFFF  }
0x99: {  	_ =	shalt  }

// kernel: kernel.27.cloned.1.call-start
scs
__scs_entry_jumppad:
0x0: {  	(pc) =	sbr.rel $0x88, $3  }
0x1: {  	(tag) =	ssettag $0x0;
	lr =	simm.s32 $0x1  }
0x2: {  	[smem:$0x3F8B] =	sst lr;
	_ =	strace $0xD0000000  }
0x3: {  	_ = 	snop  }
0x4: {  	_ = 	snop  }
0x5: {  	_ = 	snop  }
0x6: {  	_ = 	snop  }
0x7: {  	_ = 	snop  }
__scs_overlays_trampoline_lowered:
0x8: {  	[smem:$0x3F9A] =	sst s0  }
0x9: {  	[smem:$0x3F9B] =	sst s1  }
0xa: {  	[smem:$0x3F9C] =	sst s2  }
0xb: {  	[smem:$0x3F9D] =	sst s3  }
0xc: {  	[smem:$0x3F9E] =	sst s4  }
0xd: {  	[smem:$0x3F9F] =	sst s5  }
0xe: {  	[smem:$0x3FA0] =	sst s6  }
0xf: {  	[smem:$0x3FA1] =	sst s7  }
0x10: {  	[smem:$0x3FA2] =	sst s8  }
0x11: {  	[smem:$0x3FA3] =	sst s9;
	s0 =	simm.s32 @!p0 $0x0  }
0x12: {  	s1 =	sld [smem:$0x3F89];
	s0 =	simm.s32 @p0 $0x1  }
0x13: {  	[smem:$0x3FA4] =	sst s0;
	s0 =	simm.s32 @!p1 $0x0  }
0x14: {  	s2 =	sld [smem:$0x3F88];
	s0 =	simm.s32 @p1 $0x1  }
0x15: {  	[smem:$0x3FA5] =	sst s0;
	s0 =	simm.s32 @!p2 $0x0  }
0x16: {  	s3 =	sld [smem:$0x3FDB];
	s0 =	simm.s32 @p2 $0x1  }
0x17: {  	s4 =	simm.s32 $0x1BF5;
	[smem:$0x3FA7] =	sst s0  }
0x18: {  	s0 =	sld [smem:$0x3F8A];
	_ =	swait.ge [sflag:s4], $0x0  }
0x19: {  	s7 =	sld [smem:$0x3F8B]  }
0x1a: {  	s8 =	sadd.s32 $0xFFFFE003, lr  }
0x1b: {  	s9 =	sadd.s32 $0xFFFFFEF7, lr;
	s5 =	simm.s32 $0xFFFFFFFF;
	p2 =	slt.u32 s8, $0xFFFFF086  }
0x1c: {  	p1 =	slt.u32 s9, $0xF7A;
	s5 =	simm.s32 @!p2 $0x0  }
0x1d: {  	s5 =	simm.s32 @p1 $0x1;
	p0 =	seq.s32 s7, s2  }
0x1e: {  	s7 =	smul.u32 @!p0 $0xF7A, s2;
	p2 =	seq.s32 @!p0 s5, $0x0  }
0x1f: {  	s9 =	smul.u32 $0xF7A, s1;
	s8 =	simm.s32 @!p0 $0x1BF5;
	p2 =	por !p2, p0  }
0x20: {  	[sflag:s8] =	ssyncset.s32 @!p0 $0xFFFFF086;
	s6 =	sadd.s32 @!p0 s3, s7;
	s7 =	simm.s32 @!p0 $0x108  }
0x21: {  	s3 =	sadd.s32 s3, s9;
	s6 =	sadd.s32 @!p0 $0x88, s6;
	s7 =	simm.s32 @p2 $0x1082  }
0x22: {  	[simem:s7], [sflag:s8] =	dma.local @!p0 [hbm:s6], $0xF7A  }
0x23: {  	s9 =	sor.u32 $0xD0000000, s2;
	s6 =	simm.s32 $0x108;
	_ =	swait.ge @!p0 [sflag:s8], $0x0  }
0x24: {  	s3 =	sadd.s32 $0x88, s3;
	s6 =	simm.s32 @!p1 $0x1082;
	[sflag:s4] =	ssyncset.s32 $0xFFFFF086  }
0x25: {  	[simem:s6], [sflag:s4] =	dma.local [hbm:s3], $0xF7A  }
0x26: {  	[smem:$0x3F8B] =	sst s1;
	(tag) =	ssettag s2;
	_ =	strace s9  }
0x27: {  	s1 =	sld [smem:$0x3F9B]  }
0x28: {  	s2 =	sld [smem:$0x3F9C]  }
0x29: {  	s4 =	sld [smem:$0x3F9E]  }
0x2a: {  	p0 =	seq.s32 s5, $0x0;
	s5 =	sld [smem:$0x3F9F]  }
0x2b: {  	s6 =	sld [smem:$0x3FA0]  }
0x2c: {  	s7 =	sld [smem:$0x3FA1]  }
0x2d: {  	s3 =	simm.s32 $0x108;
	s8 =	sld [smem:$0x3FA2]  }
0x2e: {  	s3 =	simm.s32 @!p0 $0x1082;
	s9 =	sld [smem:$0x3FA3]  }
0x2f: {  	lr =	sadd.s32 s0, s3;
	s0 =	sld [smem:$0x3F9A]  }
0x30: {  	s3 =	sld [smem:$0x3F9D]  }
0x31: {  	[smem:$0x3FA6] =	sst s10  }
0x32: {  	s10 =	sld [smem:$0x3FA4];
	_ =	sdelay $0x3  }
0x33: {  	p0 =	seq.s32 s10, $0x1;
	s10 =	sld [smem:$0x3FA6];
	_ =	sdelay $0x3  }
0x34: {  	[smem:$0x3FA6] =	sst s10  }
0x35: {  	s10 =	sld [smem:$0x3FA5];
	_ =	sdelay $0x3  }
0x36: {  	p1 =	seq.s32 s10, $0x1;
	s10 =	sld [smem:$0x3FA6];
	_ =	sdelay $0x3  }
0x37: {  	[smem:$0x3FA6] =	sst s10  }
0x38: {  	s10 =	sld [smem:$0x3FA7]  }
0x39: {  	_ = 	snop;
	(pc) =	sbr.ind lr, $3  }
0x3a: {  	_ = 	snop  }
0x3b: {  	_ = 	snop  }
0x3c: {  	p2 =	seq.s32 s10, $0x1;
	s10 =	sld [smem:$0x3FA6]  }
0x3d: {  	_ =	shalt  }
0x3e: {  	_ =	shalt  }
0x3f: {  	_ =	shalt  }
0x40: {  	_ =	shalt  }
0x41: {  	_ =	shalt  }
0x42: {  	_ =	shalt  }
0x43: {  	_ =	shalt  }
0x44: {  	_ =	shalt  }
0x45: {  	_ =	shalt  }
0x46: {  	_ =	shalt  }
0x47: {  	_ =	shalt  }
0x48: {  	_ =	shalt  }
0x49: {  	_ =	shalt  }
0x4a: {  	_ =	shalt  }
0x4b: {  	_ =	shalt  }
0x4c: {  	_ =	shalt  }
0x4d: {  	_ =	shalt  }
0x4e: {  	_ =	shalt  }
0x4f: {  	_ =	shalt  }
0x50: {  	_ =	shalt  }
0x51: {  	_ =	shalt  }
0x52: {  	_ =	shalt  }
0x53: {  	_ =	shalt  }
0x54: {  	_ =	shalt  }
0x55: {  	_ =	shalt  }
0x56: {  	_ =	shalt  }
0x57: {  	_ =	shalt  }
0x58: {  	_ =	shalt  }
0x59: {  	_ =	shalt  }
0x5a: {  	_ =	shalt  }
0x5b: {  	_ =	shalt  }
0x5c: {  	_ =	shalt  }
0x5d: {  	_ =	shalt  }
0x5e: {  	_ =	shalt  }
0x5f: {  	_ =	shalt  }
0x60: {  	_ =	shalt  }
0x61: {  	_ =	shalt  }
0x62: {  	_ =	shalt  }
0x63: {  	_ =	shalt  }
0x64: {  	_ =	shalt  }
0x65: {  	_ =	shalt  }
0x66: {  	_ =	shalt  }
0x67: {  	_ =	shalt  }
0x68: {  	_ =	shalt  }
0x69: {  	_ =	shalt  }
0x6a: {  	_ =	shalt  }
0x6b: {  	_ =	shalt  }
0x6c: {  	_ =	shalt  }
0x6d: {  	_ =	shalt  }
0x6e: {  	_ =	shalt  }
0x6f: {  	_ =	shalt  }
0x70: {  	_ =	shalt  }
0x71: {  	_ =	shalt  }
0x72: {  	_ =	shalt  }
0x73: {  	_ =	shalt  }
0x74: {  	_ =	shalt  }
0x75: {  	_ =	shalt  }
0x76: {  	_ =	shalt  }
0x77: {  	_ =	shalt  }
0x78: {  	_ =	shalt  }
0x79: {  	_ =	shalt  }
0x7a: {  	_ =	shalt  }
0x7b: {  	_ =	shalt  }
0x7c: {  	_ =	shalt  }
0x7d: {  	_ =	shalt  }
0x7e: {  	_ =	shalt  }
0x7f: {  	_ =	shalt  }
0x80: {  	_ =	shalt  }
0x81: {  	_ =	shalt  }
0x82: {  	_ =	shalt  }
0x83: {  	_ =	shalt  }
0x84: {  	_ =	shalt  }
0x85: {  	_ =	shalt  }
0x86: {  	_ =	shalt  }
0x87: {  	_ =	shalt  }
.Lfunc_end0:
.L_simem_size_0:
called_computation.3_lowered:
.L_overlay_start_0:
0x88: {  	s2 =	sld [smem:$0x3FD9]  }
0x89: {  	s3 =	sld [smem:$0x3FFE];
	_ =	sdelay $0x1  }
0x8a: {  	s1 =	srdreg.scid  }
0x8b: {  	s0 =	sand.u32 $0x1, s1  }
0x8c: {  	s16 =	sshll.u32 s0, $0xA;
	s2 =	sadd.s32 s3, s2  }
0x8d: {  	s2 =	sadd.s32 s2, s16  }
0x8e: {  	[smem:$0x3FB2] =	sst s2  }
0x8f: {  	_ = 	snop  }
0x90: {  	(tm) =	ssettm $0x1  }
0x91: {  	s17 =	sld [smem:$0x3FFB];
	_ =	sdelay $0x3  }
0x92: {  	_ =	strace s17  }
0x93: {  	s2 =	sld [smem:$0x3FFC];
	_ =	sdelay $0x3  }
0x94: {  	_ =	strace s2  }
0x95: {  	s2 =	sld [smem:$0x3FFD];
	_ =	sdelay $0x3  }
0x96: {  	_ =	strace s2  }
0x97: {  	_ =	strace $0x8FFFFFFF  }
0x98: {  	s18 =	sld [smem:$0x3FDB];
	_ =	sdelay $0x1  }
0x99: {  	s19 =	simm.s32 $_scs_section_size  }
0x9a: {  	s4 =	simm.s32 $_size__tile_overlayer_lowered;
	s5 =	simm.s32 $_tile_overlayer_lowered  }
0x9b: {  	s22 =	simm.s32 $0x1BFF;
	s21 =	sshll.u32 s5, $0x1;
	s2 =	sadd.s32 s19, s18  }
0x9c: {  	s6 =	simm.s32 $0x0;
	s20 =	sshll.u32 s4, $0x1;
	s4 =	sadd.s32 s21, s2  }
0x9d: {  	[timem:s6], [sflag:s22] =	dma.local [hbm:s4], s20  }
0x9e: {  	_ =	swait.ge [sflag:s22], s20  }
0x9f: {  	s3 =	ssub.s32 $0x0, s20;
	[sflag:s22] =	ssyncset.done $0x0  }
0xa0: {  	[sflag:s22] =	ssyncadd.s32 s3;
	_ =	sdelay $0x1  }
0xa1: {  	s23 =	simm.s32 $0x1B8B  }
0xa2: {  	_ =	swait.ge [sflag:s23], $0x1  }
0xa3: {  	[sflag:s23] =	ssyncset.done $0x0  }
0xa4: {  	s25 =	simm.s32 $0x1B8E;
	s24 =	sld [smem:$0x3FFE];
	[sflag:s23] =	ssyncadd.s32 $0xFFFFFFFF  }
0xa5: {  	s26 =	simm.s32 $execute0_lowered;
	[smem:$0x3FD2] =	sst s25  }
0xa6: {  	s4 =	sshll.u32 s26, $0x1;
	_ =	strace $0x8000004F;
	[dreg:$0x1] =	wrdreg $0xFFFFFFFF  }
0xa7: {  	s28 =	simm.s32 $_size_execute0_lowered;
	s2 =	sadd.s32 s2, s4;
	[dreg:$0x0] =	wrdreg $0x0  }
0xa8: {  	s4 =	sshll.u32 s28, $0x1;
	[dreg:$0x2] =	wrdreg s2  }
0xa9: {  	[dreg:$0x3] =	wrdreg s4  }
0xaa: {  	[dreg:$0x4] =	wrdreg $0xC0  }
0xab: {  	_ =	task [dreg:s6], $0x5FFFF  }
0xac: {  	[dreg:$0x1] =	wrdreg $0xFFFFFFFF  }
0xad: {  	[dreg:$0x0] =	wrdreg $0x60  }
0xae: {  	[dreg:$0x2] =	wrdreg s24  }
0xaf: {  	[dreg:$0x3] =	wrdreg $0x54000  }
0xb0: {  	[dreg:$0x4] =	wrdreg $0x9  }
0xb1: {  	_ =	task.clear_ibuf [dreg:s6], $0x5FFFF;
	_ =	strace $0x9000004F  }
0xb2: {  	s29 =	simm.s32 $0x9;
	_ =	strace $0x80000051  }
0xb3: {  	_ =	swait.ge [sflag:s29], $0x1  }
0xb4: {  	[sflag:s29] =	ssyncadd.s32 $0xFFFFFFFF  }
0xb5: {  	_ =	strace $0x90000051  }
0xb6: {  	_ =	sfence  }
0xb7: {  	s30 =	sld [smem:$0x0];
	_ =	sdelay $0x2  }
0xb8: {  	s31 =	sshll.u32 s1, $0xD;
	s1 =	sshrl.u32 s1, $0x2  }
0xb9: {  	s3 =	sand.u32 $0x4000, s31;
	s1 =	sadd.s32 s1, s30  }
0xba: {  	s0 =	sor.u32 s3, s0;
	s1 =	sshll.u32 s1, $0x11  }
0xbb: {  	s0 =	sor.u32 s1, s0  }
0xbc: {  	s0 =	sadd.s32 $0x8F2B, s0  }
0xbd: {  	[sflag:s0] =	ssyncadd.remote.s32 $0x1  }
0xbe: {  	_ =	sfence.sel $0xFFFF  }
0xbf: {  	[dreg:$0x0] =	wrdreg $0xFFFFFFFF;
	(pc) =	sbr.abs _section_cstart, $3  }
0xc0: {  	[dreg:$0x1] =	wrdreg $0xFFFFFFFF  }
0xc1: {  	_ =	task.clear_ibuf [dreg:s6], $0x2FFFF;
	_ =	strace $0x9FFFFFFF  }
0xc2: {  	(tm) =	ssettm $0x7FFFFFFF  }
0xc3: {  	_ =	shalt  }
tec
execute0_lowered:
.L_overlay_start_1:
0x0: {  	(tag) =	ssettag $0x1  }
0x1: {  	s0 =	rddreg [dreg:$0x0]  }
0x2: {  	s2 =	rddreg [dreg:$0x1]  }
0x3: {  	s13 =	stileid.u32;
	s1 =	srdreg.scid  }
0x4: {  	s3 =	simm.s32 $0x0;
	s16 =	simm.s32 $0x9;
	s17 =	simm.s32 $0x80  }
0x5: {  	s18 =	simm.s32 $0x1400;
	s19 =	simm.s32 $0x2400;
	s21 =	simm.s32 $0x3400  }
0x6: {  	s28 =	simm.s32 $0x6;
	s29 =	simm.s32 $0x3;
	s30 =	simm.s32 $0x7  }
0x7: {  	s31 =	simm.s32 $0x4;
	s4 =	smul.u32 $0x4E20, s13;
	s1 =	sand.u32 $0x1, s1  }
0x8: {  	s5 =	sshll.u32 s13, $0x1;
	[smem:$0x7FF] =	sst s3;
	s23 =	smul.u32 $0x50, s13  }
0x9: {  	s24 =	sshll.u32 s13, $0x6;
	s13 =	smul.u32 $0xA000, s13;
	s5 =	sor.u32 s1, s5  }
0xa: {  	_ =	strace $0x80000050;
	s8 =	ssub.s32 $0x2, s1;
	s11 =	smul.u32 $0x28, s1  }
0xb: {  	s25 =	sor.u32 $0x1C09, s24;
	s1 =	smul.u32 $0x5000, s1;
	s24 =	simm.s32 $0x1  }
0xc: {  	s6 =	sshrl.u32 s4, $0x3;
	s7 =	smul.u32 $0x280, s5;
	s9 =	sshrl.u32 s8, $0x1  }
0xd: {  	s5 =	smul.u32 $0x28000, s5;
	s15 =	sadd.s32 s4, s2;
	[dreg:$0x4] =	wrdreg s25  }
0xe: {  	s25 =	simm.s32 $0x5;
	s6 =	sadd.s32 s6, s0;
	s12 =	ssub.s32 s8, s9  }
0xf: {  	s11 =	sadd.s32 s11, s23;
	s15 =	sshrl.u32 s15, $0x3;
	s23 =	simm.s32 $0x4400  }
0x10: {  	s7 =	sadd.s32 s7, s0;
	s0 =	sadd.s32 $0x3DA00, s0;
	s22 =	sadd.s32 $0x2EC00, s6  }
0x11: {  	s5 =	sshrl.u32 s5, $0x3;
	s11 =	sshll.u32 s11, $0x9;
	s12 =	smax.u32 s12, $0x1  }
0x12: {  	[dreg:$0x3] =	wrdreg s22;
	s10 =	sadd.s32 s0, s5;
	s26 =	sadd.s32 $0x38A00, s7  }
0x13: {  	s11 =	sadd.s32 s11, s0;
	s0 =	sadd.s32 s13, s0;
	[dreg:$0x5] =	wrdreg s26  }
0x14: {  	s7 =	sadd.s32 $0x4800, s10;
	s8 =	sadd.s32 $0x4A00, s10;
	s9 =	sadd.s32 $0x4C00, s10  }
0x15: {  	s10 =	sadd.s32 $0x4E00, s10;
	s13 =	sadd.s32 $0x400, s11;
	s14 =	sadd.s32 s1, s0  }
0x16: {  	s26 =	simm.s32 $0x2;
	s1 =	simm.s32 $0x8;
	s0 =	simm.s32 $0x0  }
.LBB2_1:
0x17: {  	s4 =	rddreg [dreg:$0x3]  }
0x18: {  	s5 =	rddreg [dreg:$0x4]  }
0x19: {  	[spmem:s15], [sflag:s5] =	dma.local [hbm:s4], $0x9C4  }
0x1a: {  	_ =	swait.ge [sflag:s16], $0x9C4  }
0x1b: {  	[sflag:s16] =	ssyncset.done $0x0  }
0x1c: {  	s5 =	rddreg [dreg:$0x5];
	[sflag:s16] =	ssyncadd.s32 $0xFFFFF63C  }
0x1d: {  	[tilespmem:s3], [sflag:$0x9] =	stream.linear.gather [hbm4b:s5+s3], $0x1400, $0x38;
	[tilespmem:$0xA220] =	vst v63  }
0x1e: {  	_ =	swait.ge [sflag:s16], $0x1400  }
0x1f: {  	[sflag:s16] =	ssyncset.done $0x0  }
0x20: {  	[sflag:s16] =	ssyncadd.s32 $0xFFFFEC00  }
0x21: {  	[bflag:$0x0] =	sbarrier.arrive $0xFFFF  }
0x22: {  	[tilespmem:s18], [sflag:$0x1] =	stream.indirect.gather [spmem:s2], $0x20, s3, s17, $0xb8;
	[tilespmem:$0xA220] =	vst v63  }
0x23: {  	_ = 	snop  }
0x24: {  	[tilespmem:s19], [sflag:$0x2] =	stream.indirect.gather [spmem:s2], $0x20, s17, s17, $0xb8;
	[tilespmem:$0xA220] =	vst v63  }
0x25: {  	s6 =	simm.s32 $0x100  }
0x26: {  	[tilespmem:s21], [sflag:$0x3] =	stream.indirect.gather [spmem:s2], $0x20, s6, s17, $0xb8;
	[tilespmem:$0xA220] =	vst v63  }
0x27: {  	s20 =	simm.s32 $0x180  }
0x28: {  	[tilespmem:s23], [sflag:$0x4] =	stream.indirect.gather [spmem:s2], $0x20, s20, s17, $0xb8;
	[tilespmem:$0xA220] =	vst v63  }
0x29: {  	_ =	swait.ge [sflag:s24], $0x1000  }
0x2a: {  	[sflag:s24] =	ssyncset.done $0x0  }
0x2b: {  	s20 =	sadd.s32 $0x0, s14;
	[sflag:s24] =	ssyncadd.s32 $0xFFFFF000  }
0x2c: {  	[hbm4b:s20+s3] =	stream.linear.scatter [tilespmem:s18], [sflag:$0x5], $0x1000, $0x38;
	[tilespmem:$0xA220] =	vst v63  }
0x2d: {  	_ =	swait.ge [sflag:s25], $0x1000  }
0x2e: {  	[sflag:s25] =	ssyncset.done $0x0  }
0x2f: {  	s22 =	simm.s32 $0x200;
	[sflag:s25] =	ssyncadd.s32 $0xFFFFF000  }
0x30: {  	[tilespmem:s18], [sflag:$0x1] =	stream.indirect.gather [spmem:s2], $0x20, s22, s17, $0xb8;
	[tilespmem:$0xA220] =	vst v63  }
0x31: {  	_ =	swait.ge [sflag:s26], $0x1000  }
0x32: {  	s20 =	sadd.s32 $0x0, s11;
	[sflag:s26] =	ssyncset.done $0x0  }
0x33: {  	s22 =	sadd.s32 $0x200, s20;
	[sflag:s26] =	ssyncadd.s32 $0xFFFFF000  }
0x34: {  	[hbm4b:s22+s3] =	stream.linear.scatter [tilespmem:s19], [sflag:$0x6], $0x1000, $0x38;
	[tilespmem:$0xA220] =	vst v63  }
0x35: {  	_ =	swait.ge [sflag:s28], $0x1000  }
0x36: {  	[sflag:s28] =	ssyncset.done $0x0  }
0x37: {  	s4 =	simm.s32 $0x280;
	[sflag:s28] =	ssyncadd.s32 $0xFFFFF000  }
0x38: {  	[tilespmem:s19], [sflag:$0x2] =	stream.indirect.gather [spmem:s2], $0x20, s4, s17, $0xb8;
	[tilespmem:$0xA220] =	vst v63  }
0x39: {  	_ =	swait.ge [sflag:s29], $0x1000  }
0x3a: {  	[sflag:s29] =	ssyncset.done $0x0  }
0x3b: {  	s5 =	sadd.s32 $0x0, s13;
	[sflag:s29] =	ssyncadd.s32 $0xFFFFF000  }
0x3c: {  	[hbm4b:s5+s3] =	stream.linear.scatter [tilespmem:s21], [sflag:$0x7], $0x1000, $0x38;
	[tilespmem:$0xA220] =	vst v63  }
0x3d: {  	_ =	swait.ge [sflag:s30], $0x1000  }
0x3e: {  	[sflag:s30] =	ssyncset.done $0x0  }
0x3f: {  	s6 =	simm.s32 $0x300;
	[sflag:s30] =	ssyncadd.s32 $0xFFFFF000  }
0x40: {  	[tilespmem:s21], [sflag:$0x3] =	stream.indirect.gather [spmem:s2], $0x20, s6, s17, $0xb8;
	[tilespmem:$0xA220] =	vst v63  }
0x41: {  	_ =	swait.ge [sflag:s31], $0x1000  }
0x42: {  	[sflag:s31] =	ssyncset.done $0x0  }
0x43: {  	s20 =	sadd.s32 $0x600, s20;
	[sflag:s31] =	ssyncadd.s32 $0xFFFFF000  }
0x44: {  	[hbm4b:s20+s3] =	stream.linear.scatter [tilespmem:s23], [sflag:$0x8], $0x1000, $0x38;
	[tilespmem:$0xA220] =	vst v63  }
0x45: {  	_ =	swait.ge [sflag:s1], $0x1000  }
0x46: {  	[sflag:s1] =	ssyncset.done $0x0  }
0x47: {  	s22 =	simm.s32 $0x380;
	s20 =	simm.s32 $0x800;
	[sflag:s1] =	ssyncadd.s32 $0xFFFFF000  }
.LBB2_2:
0x48: {  	[tilespmem:s23], [sflag:$0x4] =	stream.indirect.gather [spmem:s2], $0x20, s22, s17, $0xb8;
	[tilespmem:$0xA220] =	vst v63  }
0x49: {  	s22 =	smov.u32 s20  }
0x4a: {  	p0 =	sne.s32 s20, $0x4000;
	s20 =	sadd.s32 $0x800, s20;
	_ =	swait.ge [sflag:s24], $0x1000  }
0x4b: {  	[sflag:s24] =	ssyncset.done $0x0  }
0x4c: {  	s4 =	sadd.s32 s22, s14;
	[sflag:s24] =	ssyncadd.s32 $0xFFFFF000  }
0x4d: {  	[hbm4b:s4+s3] =	stream.linear.scatter [tilespmem:s18], [sflag:$0x5], $0x1000, $0x38;
	[tilespmem:$0xA220] =	vst v63  }
0x4e: {  	_ =	swait.ge [sflag:s25], $0x1000  }
0x4f: {  	s4 =	sshra.s32 s22, $0x2;
	[sflag:s25] =	ssyncset.done $0x0  }
0x50: {  	s5 =	sadd.s32 $0x200, s4;
	[sflag:s25] =	ssyncadd.s32 $0xFFFFF000  }
0x51: {  	[tilespmem:s18], [sflag:$0x1] =	stream.indirect.gather [spmem:s2], $0x20, s5, s17, $0xb8;
	[tilespmem:$0xA220] =	vst v63  }
0x52: {  	_ =	swait.ge [sflag:s26], $0x1000  }
0x53: {  	s5 =	sadd.s32 s22, s11;
	[sflag:s26] =	ssyncset.done $0x0  }
0x54: {  	s6 =	sadd.s32 $0x200, s5;
	[sflag:s26] =	ssyncadd.s32 $0xFFFFF000  }
0x55: {  	[hbm4b:s6+s3] =	stream.linear.scatter [tilespmem:s19], [sflag:$0x6], $0x1000, $0x38;
	[tilespmem:$0xA220] =	vst v63  }
0x56: {  	_ =	swait.ge [sflag:s28], $0x1000  }
0x57: {  	[sflag:s28] =	ssyncset.done $0x0  }
0x58: {  	s6 =	sadd.s32 $0x280, s4;
	[sflag:s28] =	ssyncadd.s32 $0xFFFFF000  }
0x59: {  	[tilespmem:s19], [sflag:$0x2] =	stream.indirect.gather [spmem:s2], $0x20, s6, s17, $0xb8;
	[tilespmem:$0xA220] =	vst v63  }
0x5a: {  	_ =	swait.ge [sflag:s29], $0x1000  }
0x5b: {  	[sflag:s29] =	ssyncset.done $0x0  }
0x5c: {  	s6 =	sadd.s32 s22, s13;
	[sflag:s29] =	ssyncadd.s32 $0xFFFFF000  }
0x5d: {  	[hbm4b:s6+s3] =	stream.linear.scatter [tilespmem:s21], [sflag:$0x7], $0x1000, $0x38;
	[tilespmem:$0xA220] =	vst v63  }
0x5e: {  	_ =	swait.ge [sflag:s30], $0x1000  }
0x5f: {  	[sflag:s30] =	ssyncset.done $0x0  }
0x60: {  	s6 =	sadd.s32 $0x300, s4;
	[sflag:s30] =	ssyncadd.s32 $0xFFFFF000  }
0x61: {  	[tilespmem:s21], [sflag:$0x3] =	stream.indirect.gather [spmem:s2], $0x20, s6, s17, $0xb8;
	[tilespmem:$0xA220] =	vst v63  }
0x62: {  	_ =	swait.ge [sflag:s31], $0x1000  }
0x63: {  	[sflag:s31] =	ssyncset.done $0x0  }
.Ltmp0:
0x64: {  	s5 =	sadd.s32 $0x600, s5;
	[sflag:s31] =	ssyncadd.s32 $0xFFFFF000;
	(pc) =	sbr.rel @p0 .LBB2_2-.Ltmp0, $4  }
0x65: {  	[hbm4b:s5+s3] =	stream.linear.scatter [tilespmem:s23], [sflag:$0x8], $0x1000, $0x38;
	[tilespmem:$0xA220] =	vst v63  }
0x66: {  	_ =	swait.ge [sflag:s1], $0x1000  }
0x67: {  	[sflag:s1] =	ssyncset.done $0x0  }
0x68: {  	s22 =	sadd.s32 $0x380, s4;
	[sflag:s1] =	ssyncadd.s32 $0xFFFFF000  }
0x69: {  	[tilespmem:s23], [sflag:$0x4] =	stream.indirect.gather [spmem:s2], $0x20, s22, s17, $0xb8;
	[tilespmem:$0xA220] =	vst v63  }
0x6a: {  	_ =	swait.ge [sflag:s24], $0x1000  }
0x6b: {  	[sflag:s24] =	ssyncset.done $0x0  }
0x6c: {  	[sflag:s24] =	ssyncadd.s32 $0xFFFFF000  }
0x6d: {  	[hbm4b:s7+s3] =	stream.linear.scatter [tilespmem:s18], [sflag:$0x9], $0x1000, $0x38;
	[tilespmem:$0xA220] =	vst v63  }
0x6e: {  	_ =	swait.ge [sflag:s16], $0x1000  }
0x6f: {  	[sflag:s16] =	ssyncset.done $0x0  }
0x70: {  	[sflag:s16] =	ssyncadd.s32 $0xFFFFF000  }
0x71: {  	_ =	swait.ge [sflag:s26], $0x1000  }
0x72: {  	[sflag:s26] =	ssyncset.done $0x0  }
0x73: {  	[sflag:s26] =	ssyncadd.s32 $0xFFFFF000  }
0x74: {  	[hbm4b:s8+s3] =	stream.linear.scatter [tilespmem:s19], [sflag:$0x9], $0x1000, $0x38;
	[tilespmem:$0xA220] =	vst v63  }
0x75: {  	_ =	swait.ge [sflag:s16], $0x1000  }
0x76: {  	[sflag:s16] =	ssyncset.done $0x0  }
0x77: {  	[sflag:s16] =	ssyncadd.s32 $0xFFFFF000  }
0x78: {  	_ =	swait.ge [sflag:s29], $0x1000  }
0x79: {  	[sflag:s29] =	ssyncset.done $0x0  }
0x7a: {  	[sflag:s29] =	ssyncadd.s32 $0xFFFFF000  }
0x7b: {  	[hbm4b:s9+s3] =	stream.linear.scatter [tilespmem:s21], [sflag:$0x9], $0x1000, $0x38;
	[tilespmem:$0xA220] =	vst v63  }
0x7c: {  	_ =	swait.ge [sflag:s16], $0x1000  }
0x7d: {  	[sflag:s16] =	ssyncset.done $0x0  }
0x7e: {  	[sflag:s16] =	ssyncadd.s32 $0xFFFFF000  }
0x7f: {  	s0 =	sadd.s32 $0x1, s0;
	_ =	swait.ge [sflag:s31], $0x1000  }
0x80: {  	p0 =	sne.s32 s0, s12;
	[sflag:s31] =	ssyncset.done $0x0  }
.Ltmp1:
0x81: {  	[sflag:s31] =	ssyncadd.s32 $0xFFFFF000;
	(pc) =	sbr.rel @p0 .LBB2_1-.Ltmp1, $4  }
0x82: {  	[hbm4b:s10+s3] =	stream.linear.scatter [tilespmem:s23], [sflag:$0x9], $0x1000, $0x38;
	[tilespmem:$0xA220] =	vst v63  }
0x83: {  	_ =	swait.ge [sflag:s16], $0x1000  }
0x84: {  	[sflag:s16] =	ssyncset.done $0x0  }
0x85: {  	[sflag:s16] =	ssyncadd.s32 $0xFFFFF000  }
0x86: {  	_ =	sfence.sel $0x180000  }
0x87: {  	[bflag:$0x0] =	sbarrier.arrive $0xFFFF  }
0x88: {  	_ =	strace $0x90000050  }
0x89: {  	s0 =	stileid.u32;
	[bflag:$0x2] =	sbarrier.arrive $0xFFFF  }
0x8a: {  	p0 =	sne.s32 s0, $0x0;
	s0 =	rddreg [dreg:$0x2]  }
0x8b: {  	s0 =	sadd.s32 @!p0 $0x100000, s0  }
0x8c: {  	[sflag:s0] =	ssyncadd.tile.s32 @!p0 $0x1;
	_ =	shalt  }
.Lfunc_end2:
_tile_overlayer_lowered:
.L_overlay_start_2:
0x8d: {  	(tag) =	ssettag $0x2  }
0x8e: {  	s0 =	rddreg [dreg:$0x0];
	s2 =	stileid.u32  }
0x8f: {  	s1 =	rddreg [dreg:$0x1];
	p0 =	sne.s32 s2, $0x0  }
0x90: {  	s3 =	rddreg [dreg:$0x2];
	[bflag:$0x3] =	sbarrier.arrive $0xFFFF;
	s2 =	simm.s32 @!p0 $0x1C09  }
0x91: {  	[timem:s3], [sflag:s2] =	dma.local @!p0 [hbm:s0], s1  }
0x92: {  	s0 =	simm.s32 @!p0 $0x9  }
0x93: {  	_ =	swait.ge @!p0 [sflag:s0], s1  }
0x94: {  	s1 =	ssub.s32 @!p0 $0x0, s1;
	[sflag:s0] =	ssyncset.done @!p0 $0x0  }
0x95: {  	[sflag:s0] =	ssyncadd.s32 @!p0 s1  }
0x96: {  	[bflag:$0x3] =	sbarrier.arrive $0xFFFF  }
0x97: {  	_ =	shalt  }

// kernel: kernel.30.cloned.1.call-start
scs
__scs_entry_jumppad:
0x0: {  	(pc) =	sbr.rel $0x88, $3  }
0x1: {  	(tag) =	ssettag $0x0;
	lr =	simm.s32 $0x1  }
0x2: {  	[smem:$0x3F8B] =	sst lr;
	_ =	strace $0xD0000000  }
0x3: {  	_ = 	snop  }
0x4: {  	_ = 	snop  }
0x5: {  	_ = 	snop  }
0x6: {  	_ = 	snop  }
0x7: {  	_ = 	snop  }
__scs_overlays_trampoline_lowered:
0x8: {  	[smem:$0x3F9A] =	sst s0  }
0x9: {  	[smem:$0x3F9B] =	sst s1  }
0xa: {  	[smem:$0x3F9C] =	sst s2  }
0xb: {  	[smem:$0x3F9D] =	sst s3  }
0xc: {  	[smem:$0x3F9E] =	sst s4  }
0xd: {  	[smem:$0x3F9F] =	sst s5  }
0xe: {  	[smem:$0x3FA0] =	sst s6  }
0xf: {  	[smem:$0x3FA1] =	sst s7  }
0x10: {  	[smem:$0x3FA2] =	sst s8  }
0x11: {  	[smem:$0x3FA3] =	sst s9;
	s0 =	simm.s32 @!p0 $0x0  }
0x12: {  	s1 =	sld [smem:$0x3F89];
	s0 =	simm.s32 @p0 $0x1  }
0x13: {  	[smem:$0x3FA4] =	sst s0;
	s0 =	simm.s32 @!p1 $0x0  }
0x14: {  	s2 =	sld [smem:$0x3F88];
	s0 =	simm.s32 @p1 $0x1  }
0x15: {  	[smem:$0x3FA5] =	sst s0;
	s0 =	simm.s32 @!p2 $0x0  }
0x16: {  	s3 =	sld [smem:$0x3FDB];
	s0 =	simm.s32 @p2 $0x1  }
0x17: {  	s4 =	simm.s32 $0x1BF5;
	[smem:$0x3FA7] =	sst s0  }
0x18: {  	s0 =	sld [smem:$0x3F8A];
	_ =	swait.ge [sflag:s4], $0x0  }
0x19: {  	s7 =	sld [smem:$0x3F8B]  }
0x1a: {  	s8 =	sadd.s32 $0xFFFFE003, lr  }
0x1b: {  	s9 =	sadd.s32 $0xFFFFFEF7, lr;
	s5 =	simm.s32 $0xFFFFFFFF;
	p2 =	slt.u32 s8, $0xFFFFF086  }
0x1c: {  	p1 =	slt.u32 s9, $0xF7A;
	s5 =	simm.s32 @!p2 $0x0  }
0x1d: {  	s5 =	simm.s32 @p1 $0x1;
	p0 =	seq.s32 s7, s2  }
0x1e: {  	s7 =	smul.u32 @!p0 $0xF7A, s2;
	p2 =	seq.s32 @!p0 s5, $0x0  }
0x1f: {  	s9 =	smul.u32 $0xF7A, s1;
	s8 =	simm.s32 @!p0 $0x1BF5;
	p2 =	por !p2, p0  }
0x20: {  	[sflag:s8] =	ssyncset.s32 @!p0 $0xFFFFF086;
	s6 =	sadd.s32 @!p0 s3, s7;
	s7 =	simm.s32 @!p0 $0x108  }
0x21: {  	s3 =	sadd.s32 s3, s9;
	s6 =	sadd.s32 @!p0 $0x88, s6;
	s7 =	simm.s32 @p2 $0x1082  }
0x22: {  	[simem:s7], [sflag:s8] =	dma.local @!p0 [hbm:s6], $0xF7A  }
0x23: {  	s9 =	sor.u32 $0xD0000000, s2;
	s6 =	simm.s32 $0x108;
	_ =	swait.ge @!p0 [sflag:s8], $0x0  }
0x24: {  	s3 =	sadd.s32 $0x88, s3;
	s6 =	simm.s32 @!p1 $0x1082;
	[sflag:s4] =	ssyncset.s32 $0xFFFFF086  }
0x25: {  	[simem:s6], [sflag:s4] =	dma.local [hbm:s3], $0xF7A  }
0x26: {  	[smem:$0x3F8B] =	sst s1;
	(tag) =	ssettag s2;
	_ =	strace s9  }
0x27: {  	s1 =	sld [smem:$0x3F9B]  }
0x28: {  	s2 =	sld [smem:$0x3F9C]  }
0x29: {  	s4 =	sld [smem:$0x3F9E]  }
0x2a: {  	p0 =	seq.s32 s5, $0x0;
	s5 =	sld [smem:$0x3F9F]  }
0x2b: {  	s6 =	sld [smem:$0x3FA0]  }
0x2c: {  	s7 =	sld [smem:$0x3FA1]  }
0x2d: {  	s3 =	simm.s32 $0x108;
	s8 =	sld [smem:$0x3FA2]  }
0x2e: {  	s3 =	simm.s32 @!p0 $0x1082;
	s9 =	sld [smem:$0x3FA3]  }
0x2f: {  	lr =	sadd.s32 s0, s3;
	s0 =	sld [smem:$0x3F9A]  }
0x30: {  	s3 =	sld [smem:$0x3F9D]  }
0x31: {  	[smem:$0x3FA6] =	sst s10  }
0x32: {  	s10 =	sld [smem:$0x3FA4];
	_ =	sdelay $0x3  }
0x33: {  	p0 =	seq.s32 s10, $0x1;
	s10 =	sld [smem:$0x3FA6];
	_ =	sdelay $0x3  }
0x34: {  	[smem:$0x3FA6] =	sst s10  }
0x35: {  	s10 =	sld [smem:$0x3FA5];
	_ =	sdelay $0x3  }
0x36: {  	p1 =	seq.s32 s10, $0x1;
	s10 =	sld [smem:$0x3FA6];
	_ =	sdelay $0x3  }
0x37: {  	[smem:$0x3FA6] =	sst s10  }
0x38: {  	s10 =	sld [smem:$0x3FA7]  }
0x39: {  	_ = 	snop;
	(pc) =	sbr.ind lr, $3  }
0x3a: {  	_ = 	snop  }
0x3b: {  	_ = 	snop  }
0x3c: {  	p2 =	seq.s32 s10, $0x1;
	s10 =	sld [smem:$0x3FA6]  }
0x3d: {  	_ =	shalt  }
0x3e: {  	_ =	shalt  }
0x3f: {  	_ =	shalt  }
0x40: {  	_ =	shalt  }
0x41: {  	_ =	shalt  }
0x42: {  	_ =	shalt  }
0x43: {  	_ =	shalt  }
0x44: {  	_ =	shalt  }
0x45: {  	_ =	shalt  }
0x46: {  	_ =	shalt  }
0x47: {  	_ =	shalt  }
0x48: {  	_ =	shalt  }
0x49: {  	_ =	shalt  }
0x4a: {  	_ =	shalt  }
0x4b: {  	_ =	shalt  }
0x4c: {  	_ =	shalt  }
0x4d: {  	_ =	shalt  }
0x4e: {  	_ =	shalt  }
0x4f: {  	_ =	shalt  }
0x50: {  	_ =	shalt  }
0x51: {  	_ =	shalt  }
0x52: {  	_ =	shalt  }
0x53: {  	_ =	shalt  }
0x54: {  	_ =	shalt  }
0x55: {  	_ =	shalt  }
0x56: {  	_ =	shalt  }
0x57: {  	_ =	shalt  }
0x58: {  	_ =	shalt  }
0x59: {  	_ =	shalt  }
0x5a: {  	_ =	shalt  }
0x5b: {  	_ =	shalt  }
0x5c: {  	_ =	shalt  }
0x5d: {  	_ =	shalt  }
0x5e: {  	_ =	shalt  }
0x5f: {  	_ =	shalt  }
0x60: {  	_ =	shalt  }
0x61: {  	_ =	shalt  }
0x62: {  	_ =	shalt  }
0x63: {  	_ =	shalt  }
0x64: {  	_ =	shalt  }
0x65: {  	_ =	shalt  }
0x66: {  	_ =	shalt  }
0x67: {  	_ =	shalt  }
0x68: {  	_ =	shalt  }
0x69: {  	_ =	shalt  }
0x6a: {  	_ =	shalt  }
0x6b: {  	_ =	shalt  }
0x6c: {  	_ =	shalt  }
0x6d: {  	_ =	shalt  }
0x6e: {  	_ =	shalt  }
0x6f: {  	_ =	shalt  }
0x70: {  	_ =	shalt  }
0x71: {  	_ =	shalt  }
0x72: {  	_ =	shalt  }
0x73: {  	_ =	shalt  }
0x74: {  	_ =	shalt  }
0x75: {  	_ =	shalt  }
0x76: {  	_ =	shalt  }
0x77: {  	_ =	shalt  }
0x78: {  	_ =	shalt  }
0x79: {  	_ =	shalt  }
0x7a: {  	_ =	shalt  }
0x7b: {  	_ =	shalt  }
0x7c: {  	_ =	shalt  }
0x7d: {  	_ =	shalt  }
0x7e: {  	_ =	shalt  }
0x7f: {  	_ =	shalt  }
0x80: {  	_ =	shalt  }
0x81: {  	_ =	shalt  }
0x82: {  	_ =	shalt  }
0x83: {  	_ =	shalt  }
0x84: {  	_ =	shalt  }
0x85: {  	_ =	shalt  }
0x86: {  	_ =	shalt  }
0x87: {  	_ =	shalt  }
.Lfunc_end0:
.L_simem_size_0:
called_computation.4_lowered:
.L_overlay_start_0:
0x88: {  	s2 =	sld [smem:$0x3FD9]  }
0x89: {  	s3 =	sld [smem:$0x3FFE];
	_ =	sdelay $0x1  }
0x8a: {  	s1 =	srdreg.scid  }
0x8b: {  	s0 =	sand.u32 $0x1, s1  }
0x8c: {  	s17 =	sshll.u32 s0, $0xA;
	s2 =	sadd.s32 s3, s2  }
0x8d: {  	s2 =	sadd.s32 s2, s17  }
0x8e: {  	[smem:$0x3FB2] =	sst s2  }
0x8f: {  	_ = 	snop  }
0x90: {  	s2 =	sld [smem:$0x3FD0];
	(tm) =	ssettm $0x1  }
0x91: {  	s18 =	sld [smem:$0x3FFB];
	_ =	sdelay $0x3  }
0x92: {  	_ =	strace s18  }
0x93: {  	s3 =	sld [smem:$0x3FFC];
	_ =	sdelay $0x3  }
0x94: {  	_ =	strace s3  }
0x95: {  	s3 =	sld [smem:$0x3FFD];
	_ =	sdelay $0x3  }
0x96: {  	_ =	strace s3  }
0x97: {  	_ =	strace $0x8FFFFFFF  }
0x98: {  	s19 =	sld [smem:$0x3FDB];
	_ =	sdelay $0x1  }
0x99: {  	s4 =	simm.s32 $_scs_section_size  }
0x9a: {  	s5 =	simm.s32 $_size__tile_overlayer_lowered;
	s6 =	simm.s32 $_tile_overlayer_lowered  }
0x9b: {  	s22 =	simm.s32 $0x1BFF;
	s21 =	sshll.u32 s6, $0x1;
	s3 =	sadd.s32 s4, s19  }
0x9c: {  	s7 =	simm.s32 $0x0;
	s20 =	sshll.u32 s5, $0x1;
	s5 =	sadd.s32 s21, s3  }
0x9d: {  	[timem:s7], [sflag:s22] =	dma.local [hbm:s5], s20  }
0x9e: {  	_ =	swait.ge [sflag:s22], s20  }
0x9f: {  	s4 =	ssub.s32 $0x0, s20;
	[sflag:s22] =	ssyncset.done $0x0  }
0xa0: {  	[sflag:s22] =	ssyncadd.s32 s4;
	_ =	sdelay $0x1  }
0xa1: {  	s23 =	simm.s32 $0x1B8B  }
0xa2: {  	_ =	swait.ge [sflag:s23], $0x1  }
0xa3: {  	[sflag:s23] =	ssyncset.done $0x0  }
0xa4: {  	s25 =	simm.s32 $0x1B8E;
	s24 =	sld [smem:$0x3FFE];
	[sflag:s23] =	ssyncadd.s32 $0xFFFFFFFF  }
0xa5: {  	s26 =	simm.s32 $execute0_lowered;
	[smem:$0x3FD2] =	sst s25  }
0xa6: {  	s5 =	sshll.u32 s26, $0x1;
	_ =	strace $0x80000052;
	[dreg:$0x1] =	wrdreg $0xFFFFFFFF  }
0xa7: {  	s28 =	simm.s32 $_size_execute0_lowered;
	s3 =	sadd.s32 s3, s5;
	[dreg:$0x0] =	wrdreg $0x0  }
0xa8: {  	s5 =	sshll.u32 s28, $0x1;
	[dreg:$0x2] =	wrdreg s3  }
0xa9: {  	[dreg:$0x3] =	wrdreg s5  }
0xaa: {  	[dreg:$0x4] =	wrdreg $0xC0  }
0xab: {  	_ =	task [dreg:s7], $0x5FFFF  }
0xac: {  	[dreg:$0x1] =	wrdreg $0xFFFFFFFF  }
0xad: {  	[dreg:$0x0] =	wrdreg $0x60  }
0xae: {  	[dreg:$0x2] =	wrdreg s24  }
0xaf: {  	[dreg:$0x3] =	wrdreg s2  }
0xb0: {  	[dreg:$0x4] =	wrdreg $0x54000  }
0xb1: {  	[dreg:$0x5] =	wrdreg $0x9  }
0xb2: {  	_ =	task.clear_ibuf [dreg:s7], $0x6FFFF;
	_ =	strace $0x90000052  }
0xb3: {  	s29 =	simm.s32 $0x9;
	_ =	strace $0x80000054  }
0xb4: {  	_ =	swait.ge [sflag:s29], $0x1  }
0xb5: {  	[sflag:s29] =	ssyncadd.s32 $0xFFFFFFFF  }
0xb6: {  	_ =	strace $0x90000054  }
0xb7: {  	_ =	sfence  }
0xb8: {  	s30 =	sld [smem:$0x0];
	_ =	sdelay $0x2  }
0xb9: {  	s31 =	sshll.u32 s1, $0xD;
	s1 =	sshrl.u32 s1, $0x2  }
0xba: {  	s3 =	sand.u32 $0x4000, s31;
	s1 =	sadd.s32 s1, s30  }
0xbb: {  	s0 =	sor.u32 s3, s0;
	s1 =	sshll.u32 s1, $0x11  }
0xbc: {  	s0 =	sor.u32 s1, s0  }
0xbd: {  	s0 =	sadd.s32 $0x8F2B, s0  }
0xbe: {  	[sflag:s0] =	ssyncadd.remote.s32 $0x1  }
0xbf: {  	_ =	sfence.sel $0xFFFF  }
0xc0: {  	[dreg:$0x0] =	wrdreg $0xFFFFFFFF;
	(pc) =	sbr.abs _section_cstart, $3  }
0xc1: {  	[dreg:$0x1] =	wrdreg $0xFFFFFFFF  }
0xc2: {  	_ =	task.clear_ibuf [dreg:s7], $0x2FFFF;
	_ =	strace $0x9FFFFFFF  }
0xc3: {  	(tm) =	ssettm $0x7FFFFFFF  }
tec
execute0_lowered:
.L_overlay_start_1:
0x0: {  	(tag) =	ssettag $0x1  }
0x1: {  	s0 =	rddreg [dreg:$0x0];
	s1 =	srdreg.scid  }
0x2: {  	s25 =	stileid.u32;
	s2 =	rddreg [dreg:$0x2]  }
0x3: {  	s14 =	simm.s32 $0x9;
	s15 =	simm.s32 $0x1400;
	s16 =	simm.s32 $0x2400  }
0x4: {  	s17 =	simm.s32 $0x3400;
	s18 =	simm.s32 $0x4400;
	s19 =	simm.s32 $0x1  }
0x5: {  	s20 =	simm.s32 $0x80;
	s21 =	simm.s32 $0x5;
	s22 =	simm.s32 $0x2  }
0x6: {  	s23 =	simm.s32 $0x6;
	s24 =	simm.s32 $0x3;
	s26 =	simm.s32 $0x4  }
0x7: {  	s28 =	simm.s32 $0x8;
	s1 =	sand.u32 $0x1, s1;
	s7 =	smul.u32 $0x13C00, s25  }
0x8: {  	s3 =	sshll.u32 s25, $0x1;
	s10 =	sadd.s32 $0x3DA00, s0;
	s12 =	smul.u32 $0xA000, s25  }
0x9: {  	s31 =	sshll.u32 s25, $0x6;
	p0 =	sne.s32 s25, $0x0;
	s6 =	smul.u32 $0x9E00, s1  }
0xa: {  	s4 =	sor.u32 s1, s3;
	s29 =	ssub.s32 $0x2, s1;
	s1 =	smul.u32 $0x5000, s1  }
0xb: {  	s25 =	simm.s32 $0x7;
	s3 =	simm.s32 $0x0;
	s5 =	smul.u32 $0x280, s4  }
0xc: {  	[smem:$0x7FF] =	sst s3;
	s30 =	sshrl.u32 s29, $0x1;
	s7 =	sshrl.u32 s7, $0x2  }
0xd: {  	s9 =	smul.u32 $0x5000, s4;
	s4 =	sor.u32 $0x1C09, s31;
	s12 =	sadd.s32 s12, s10  }
0xe: {  	_ =	strace $0x80000053;
	s11 =	ssub.s32 s29, s30;
	s13 =	sadd.s32 s7, s2  }
0xf: {  	s12 =	sadd.s32 s1, s12;
	s1 =	simm.s32 $0x0;
	s8 =	sadd.s32 s5, s0  }
0x10: {  	s0 =	sadd.s32 s6, s0;
	s5 =	sadd.s32 s10, s9;
	s11 =	smax.u32 s11, $0x1  }
0x11: {  	s13 =	sshrl.u32 s13, $0x3;
	s6 =	sadd.s32 $0xDDA00, s8;
	s7 =	sadd.s32 $0x200, s5  }
0x12: {  	s8 =	sadd.s32 $0x400, s5;
	s9 =	sadd.s32 $0x600, s5;
	s10 =	sadd.s32 $0x354800, s0  }
.LBB2_1:
0x13: {  	s0 =	rddreg [dreg:$0x1]  }
0x14: {  	[spmem:s13], [sflag:s4] =	dma.local [hbm:s0], $0x9E0  }
0x15: {  	_ =	swait.ge [sflag:s14], $0x9E0  }
0x16: {  	[sflag:s14] =	ssyncset.done $0x0  }
0x17: {  	[sflag:s14] =	ssyncadd.s32 $0xFFFFF620  }
0x18: {  	[tilespmem:s3], [sflag:$0x9] =	stream.linear.gather [hbm4b:s6+s3], $0x1400, $0x38;
	[tilespmem:$0xA300] =	vst v63  }
0x19: {  	_ =	swait.ge [sflag:s14], $0x1400  }
0x1a: {  	[sflag:s14] =	ssyncset.done $0x0  }
0x1b: {  	[sflag:s14] =	ssyncadd.s32 $0xFFFFEC00  }
0x1c: {  	[bflag:$0x0] =	sbarrier.arrive $0xFFFF  }
0x1d: {  	[tilespmem:s15], [sflag:$0x1] =	stream.linear.gather [hbm4b:s5+s3], $0x1000, $0x38;
	[tilespmem:$0xA300] =	vst v63  }
0x1e: {  	_ = 	snop  }
0x1f: {  	[tilespmem:s16], [sflag:$0x2] =	stream.linear.gather [hbm4b:s7+s3], $0x1000, $0x38;
	[tilespmem:$0xA300] =	vst v63  }
0x20: {  	_ = 	snop  }
0x21: {  	[tilespmem:s17], [sflag:$0x3] =	stream.linear.gather [hbm4b:s8+s3], $0x1000, $0x38;
	[tilespmem:$0xA300] =	vst v63  }
0x22: {  	_ = 	snop  }
0x23: {  	[tilespmem:s18], [sflag:$0x4] =	stream.linear.gather [hbm4b:s9+s3], $0x1000, $0x38;
	[tilespmem:$0xA300] =	vst v63  }
0x24: {  	_ =	swait.ge [sflag:s19], $0x1000  }
0x25: {  	[sflag:s19] =	ssyncset.done $0x0  }
0x26: {  	s29 =	simm.s32 $0x0;
	[sflag:s19] =	ssyncadd.s32 $0xFFFFF000  }
0x27: {  	[spmem:s2] =	stream.indirect.scatter.add.f32 [tilespmem:s15], [sflag:$0x5], $0x20, s29, s20, $0xb8;
	[tilespmem:$0xA300] =	vst v63  }
0x28: {  	_ =	swait.ge [sflag:s21], $0x1000  }
0x29: {  	s30 =	sadd.s32 $0x0, s12;
	[sflag:s21] =	ssyncset.done $0x0  }
0x2a: {  	s29 =	sadd.s32 $0x800, s30;
	[sflag:s21] =	ssyncadd.s32 $0xFFFFF000  }
0x2b: {  	[tilespmem:s15], [sflag:$0x1] =	stream.linear.gather [hbm4b:s29+s3], $0x1000, $0x38;
	[tilespmem:$0xA300] =	vst v63  }
0x2c: {  	_ =	swait.ge [sflag:s22], $0x1000  }
0x2d: {  	[sflag:s22] =	ssyncset.done $0x0  }
0x2e: {  	s29 =	simm.s32 $0x80;
	[sflag:s22] =	ssyncadd.s32 $0xFFFFF000  }
0x2f: {  	[spmem:s2] =	stream.indirect.scatter.add.f32 [tilespmem:s16], [sflag:$0x6], $0x20, s29, s20, $0xb8;
	[tilespmem:$0xA300] =	vst v63  }
0x30: {  	_ =	swait.ge [sflag:s23], $0x1000  }
0x31: {  	[sflag:s23] =	ssyncset.done $0x0  }
0x32: {  	s29 =	sadd.s32 $0xA00, s30;
	[sflag:s23] =	ssyncadd.s32 $0xFFFFF000  }
0x33: {  	[tilespmem:s16], [sflag:$0x2] =	stream.linear.gather [hbm4b:s29+s3], $0x1000, $0x38;
	[tilespmem:$0xA300] =	vst v63  }
0x34: {  	_ =	swait.ge [sflag:s24], $0x1000  }
0x35: {  	[sflag:s24] =	ssyncset.done $0x0  }
0x36: {  	s29 =	simm.s32 $0x100;
	[sflag:s24] =	ssyncadd.s32 $0xFFFFF000  }
0x37: {  	[spmem:s2] =	stream.indirect.scatter.add.f32 [tilespmem:s17], [sflag:$0x7], $0x20, s29, s20, $0xb8;
	[tilespmem:$0xA300] =	vst v63  }
0x38: {  	_ =	swait.ge [sflag:s25], $0x1000  }
0x39: {  	[sflag:s25] =	ssyncset.done $0x0  }
0x3a: {  	s29 =	sadd.s32 $0xC00, s30;
	[sflag:s25] =	ssyncadd.s32 $0xFFFFF000  }
0x3b: {  	[tilespmem:s17], [sflag:$0x3] =	stream.linear.gather [hbm4b:s29+s3], $0x1000, $0x38;
	[tilespmem:$0xA300] =	vst v63  }
0x3c: {  	_ =	swait.ge [sflag:s26], $0x1000  }
0x3d: {  	[sflag:s26] =	ssyncset.done $0x0  }
0x3e: {  	s29 =	simm.s32 $0x180;
	[sflag:s26] =	ssyncadd.s32 $0xFFFFF000  }
0x3f: {  	[spmem:s2] =	stream.indirect.scatter.add.f32 [tilespmem:s18], [sflag:$0x8], $0x20, s29, s20, $0xb8;
	[tilespmem:$0xA300] =	vst v63  }
0x40: {  	_ =	swait.ge [sflag:s28], $0x1000  }
0x41: {  	[sflag:s28] =	ssyncset.done $0x0  }
0x42: {  	s30 =	sadd.s32 $0xE00, s30;
	s29 =	simm.s32 $0x800;
	[sflag:s28] =	ssyncadd.s32 $0xFFFFF000  }
.LBB2_2:
0x43: {  	[tilespmem:s18], [sflag:$0x4] =	stream.linear.gather [hbm4b:s30+s3], $0x1000, $0x38;
	[tilespmem:$0xA300] =	vst v63  }
0x44: {  	s30 =	smov.u32 s29  }
0x45: {  	p1 =	sne.s32 s29, $0x4000;
	s29 =	sadd.s32 $0x800, s29;
	_ =	swait.ge [sflag:s19], $0x1000  }
0x46: {  	[sflag:s19] =	ssyncset.done $0x0  }
0x47: {  	s31 =	sshra.s32 s30, $0x2;
	[sflag:s19] =	ssyncadd.s32 $0xFFFFF000  }
0x48: {  	[spmem:s2] =	stream.indirect.scatter.add.f32 [tilespmem:s15], [sflag:$0x5], $0x20, s31, s20, $0xb8;
	[tilespmem:$0xA300] =	vst v63  }
0x49: {  	_ =	swait.ge [sflag:s21], $0x1000  }
0x4a: {  	s30 =	sadd.s32 s30, s12;
	[sflag:s21] =	ssyncset.done $0x0  }
0x4b: {  	s0 =	sadd.s32 $0x800, s30;
	[sflag:s21] =	ssyncadd.s32 $0xFFFFF000  }
0x4c: {  	[tilespmem:s15], [sflag:$0x1] =	stream.linear.gather [hbm4b:s0+s3], $0x1000, $0x38;
	[tilespmem:$0xA300] =	vst v63  }
0x4d: {  	_ =	swait.ge [sflag:s22], $0x1000  }
0x4e: {  	[sflag:s22] =	ssyncset.done $0x0  }
0x4f: {  	s0 =	sadd.s32 $0x80, s31;
	[sflag:s22] =	ssyncadd.s32 $0xFFFFF000  }
0x50: {  	[spmem:s2] =	stream.indirect.scatter.add.f32 [tilespmem:s16], [sflag:$0x6], $0x20, s0, s20, $0xb8;
	[tilespmem:$0xA300] =	vst v63  }
0x51: {  	_ =	swait.ge [sflag:s23], $0x1000  }
0x52: {  	[sflag:s23] =	ssyncset.done $0x0  }
0x53: {  	s0 =	sadd.s32 $0xA00, s30;
	[sflag:s23] =	ssyncadd.s32 $0xFFFFF000  }
0x54: {  	[tilespmem:s16], [sflag:$0x2] =	stream.linear.gather [hbm4b:s0+s3], $0x1000, $0x38;
	[tilespmem:$0xA300] =	vst v63  }
0x55: {  	_ =	swait.ge [sflag:s24], $0x1000  }
0x56: {  	[sflag:s24] =	ssyncset.done $0x0  }
0x57: {  	s0 =	sadd.s32 $0x100, s31;
	[sflag:s24] =	ssyncadd.s32 $0xFFFFF000  }
0x58: {  	[spmem:s2] =	stream.indirect.scatter.add.f32 [tilespmem:s17], [sflag:$0x7], $0x20, s0, s20, $0xb8;
	[tilespmem:$0xA300] =	vst v63  }
0x59: {  	_ =	swait.ge [sflag:s25], $0x1000  }
0x5a: {  	[sflag:s25] =	ssyncset.done $0x0  }
0x5b: {  	s0 =	sadd.s32 $0xC00, s30;
	[sflag:s25] =	ssyncadd.s32 $0xFFFFF000  }
0x5c: {  	[tilespmem:s17], [sflag:$0x3] =	stream.linear.gather [hbm4b:s0+s3], $0x1000, $0x38;
	[tilespmem:$0xA300] =	vst v63  }
0x5d: {  	_ =	swait.ge [sflag:s26], $0x1000  }
0x5e: {  	[sflag:s26] =	ssyncset.done $0x0  }
.Ltmp0:
0x5f: {  	s0 =	sadd.s32 $0x180, s31;
	[sflag:s26] =	ssyncadd.s32 $0xFFFFF000;
	(pc) =	sbr.rel @p1 .LBB2_2-.Ltmp0, $4  }
0x60: {  	[spmem:s2] =	stream.indirect.scatter.add.f32 [tilespmem:s18], [sflag:$0x8], $0x20, s0, s20, $0xb8;
	[tilespmem:$0xA300] =	vst v63  }
0x61: {  	_ =	swait.ge [sflag:s28], $0x1000  }
0x62: {  	[sflag:s28] =	ssyncset.done $0x0  }
0x63: {  	s30 =	sadd.s32 $0xE00, s30;
	[sflag:s28] =	ssyncadd.s32 $0xFFFFF000  }
0x64: {  	[tilespmem:s18], [sflag:$0x4] =	stream.linear.gather [hbm4b:s30+s3], $0x1000, $0x38;
	[tilespmem:$0xA300] =	vst v63  }
0x65: {  	_ =	swait.ge [sflag:s19], $0x1000  }
0x66: {  	[sflag:s19] =	ssyncset.done $0x0  }
0x67: {  	s0 =	simm.s32 $0x1200;
	[sflag:s19] =	ssyncadd.s32 $0xFFFFF000  }
0x68: {  	[spmem:s2] =	stream.indirect.scatter.add.f32 [tilespmem:s15], [sflag:$0x9], $0x20, s0, s20, $0xb8;
	[tilespmem:$0xA300] =	vst v63  }
0x69: {  	_ =	swait.ge [sflag:s14], $0x1000  }
0x6a: {  	[sflag:s14] =	ssyncset.done $0x0  }
0x6b: {  	[sflag:s14] =	ssyncadd.s32 $0xFFFFF000  }
0x6c: {  	_ =	swait.ge [sflag:s22], $0x1000  }
0x6d: {  	[sflag:s22] =	ssyncset.done $0x0  }
0x6e: {  	s29 =	simm.s32 $0x1280;
	[sflag:s22] =	ssyncadd.s32 $0xFFFFF000  }
0x6f: {  	[spmem:s2] =	stream.indirect.scatter.add.f32 [tilespmem:s16], [sflag:$0x9], $0x20, s29, s20, $0xb8;
	[tilespmem:$0xA300] =	vst v63  }
0x70: {  	_ =	swait.ge [sflag:s14], $0x1000  }
0x71: {  	[sflag:s14] =	ssyncset.done $0x0  }
0x72: {  	[sflag:s14] =	ssyncadd.s32 $0xFFFFF000  }
0x73: {  	_ =	swait.ge [sflag:s24], $0x1000  }
0x74: {  	[sflag:s24] =	ssyncset.done $0x0  }
0x75: {  	s30 =	simm.s32 $0x1300;
	[sflag:s24] =	ssyncadd.s32 $0xFFFFF000  }
0x76: {  	[spmem:s2] =	stream.indirect.scatter.add.f32 [tilespmem:s17], [sflag:$0x9], $0x20, s30, s20, $0xb8;
	[tilespmem:$0xA300] =	vst v63  }
0x77: {  	_ =	swait.ge [sflag:s14], $0x1000  }
0x78: {  	[sflag:s14] =	ssyncset.done $0x0  }
0x79: {  	[sflag:s14] =	ssyncadd.s32 $0xFFFFF000  }
0x7a: {  	_ =	swait.ge [sflag:s26], $0x1000  }
0x7b: {  	[sflag:s26] =	ssyncset.done $0x0  }
0x7c: {  	s31 =	simm.s32 $0x1380;
	[sflag:s26] =	ssyncadd.s32 $0xFFFFF000  }
0x7d: {  	[spmem:s2] =	stream.indirect.scatter.add.f32 [tilespmem:s18], [sflag:$0x9], $0x20, s31, s20, $0xb8;
	[tilespmem:$0xA300] =	vst v63  }
0x7e: {  	_ =	swait.ge [sflag:s14], $0x1000  }
0x7f: {  	[sflag:s14] =	ssyncset.done $0x0  }
0x80: {  	s1 =	sadd.s32 $0x1, s1;
	[sflag:s14] =	ssyncadd.s32 $0xFFFFF000  }
0x81: {  	p1 =	sne.s32 s1, s11;
	s0 =	sshrl.u32 @!p0 s2, $0x3;
	[bflag:$0x0] =	sbarrier.arrive $0xFFFF  }
0x82: {  	[hbm:s10], [sflag:s4] =	dma.local @!p0 [spmem:s0], $0x9E00  }
.Ltmp1:
0x83: {  	_ = 	snop;
	(pc) =	sbr.rel @p1 .LBB2_1-.Ltmp1, $4  }
0x84: {  	s0 =	simm.s32 @!p0 $0x9  }
0x85: {  	_ =	swait.ge @!p0 [sflag:s0], $0x9E00  }
0x86: {  	[sflag:s0] =	ssyncset.done @!p0 $0x0  }
0x87: {  	[sflag:s0] =	ssyncadd.s32 @!p0 $0xFFFF6200  }
0x88: {  	_ =	sfence.sel $0x180000  }
0x89: {  	[bflag:$0x0] =	sbarrier.arrive $0xFFFF  }
0x8a: {  	_ =	strace $0x90000053  }
0x8b: {  	[bflag:$0x2] =	sbarrier.arrive $0xFFFF  }
0x8c: {  	s0 =	rddreg [dreg:$0x3]  }
0x8d: {  	s0 =	sadd.s32 @!p0 $0x100000, s0  }
0x8e: {  	[sflag:s0] =	ssyncadd.tile.s32 @!p0 $0x1;
	_ =	shalt  }
.Lfunc_end2:
_tile_overlayer_lowered:
.L_overlay_start_2:
0x8f: {  	(tag) =	ssettag $0x2  }
0x90: {  	s0 =	rddreg [dreg:$0x0];
	s2 =	stileid.u32  }
0x91: {  	s1 =	rddreg [dreg:$0x1];
	p0 =	sne.s32 s2, $0x0  }
0x92: {  	s3 =	rddreg [dreg:$0x2];
	[bflag:$0x3] =	sbarrier.arrive $0xFFFF;
	s2 =	simm.s32 @!p0 $0x1C09  }
0x93: {  	[timem:s3], [sflag:s2] =	dma.local @!p0 [hbm:s0], s1  }
0x94: {  	s0 =	simm.s32 @!p0 $0x9  }
0x95: {  	_ =	swait.ge @!p0 [sflag:s0], s1  }
0x96: {  	s1 =	ssub.s32 @!p0 $0x0, s1;
	[sflag:s0] =	ssyncset.done @!p0 $0x0  }
0x97: {  	[sflag:s0] =	ssyncadd.s32 @!p0 s1  }
0x98: {  	[bflag:$0x3] =	sbarrier.arrive $0xFFFF  }
0x99: {  	_ =	shalt  }

// kernel: kernel.33.cloned.1.call-start
scs
__scs_entry_jumppad:
0x0: {  	(pc) =	sbr.rel $0x88, $3  }
0x1: {  	(tag) =	ssettag $0x0;
	lr =	simm.s32 $0x1  }
0x2: {  	[smem:$0x3F8B] =	sst lr;
	_ =	strace $0xD0000000  }
0x3: {  	_ = 	snop  }
0x4: {  	_ = 	snop  }
0x5: {  	_ = 	snop  }
0x6: {  	_ = 	snop  }
0x7: {  	_ = 	snop  }
__scs_overlays_trampoline_lowered:
0x8: {  	[smem:$0x3F9A] =	sst s0  }
0x9: {  	[smem:$0x3F9B] =	sst s1  }
0xa: {  	[smem:$0x3F9C] =	sst s2  }
0xb: {  	[smem:$0x3F9D] =	sst s3  }
0xc: {  	[smem:$0x3F9E] =	sst s4  }
0xd: {  	[smem:$0x3F9F] =	sst s5  }
0xe: {  	[smem:$0x3FA0] =	sst s6  }
0xf: {  	[smem:$0x3FA1] =	sst s7  }
0x10: {  	[smem:$0x3FA2] =	sst s8  }
0x11: {  	[smem:$0x3FA3] =	sst s9;
	s0 =	simm.s32 @!p0 $0x0  }
0x12: {  	s1 =	sld [smem:$0x3F89];
	s0 =	simm.s32 @p0 $0x1  }
0x13: {  	[smem:$0x3FA4] =	sst s0;
	s0 =	simm.s32 @!p1 $0x0  }
0x14: {  	s2 =	sld [smem:$0x3F88];
	s0 =	simm.s32 @p1 $0x1  }
0x15: {  	[smem:$0x3FA5] =	sst s0;
	s0 =	simm.s32 @!p2 $0x0  }
0x16: {  	s3 =	sld [smem:$0x3FDB];
	s0 =	simm.s32 @p2 $0x1  }
0x17: {  	s4 =	simm.s32 $0x1BF5;
	[smem:$0x3FA7] =	sst s0  }
0x18: {  	s0 =	sld [smem:$0x3F8A];
	_ =	swait.ge [sflag:s4], $0x0  }
0x19: {  	s7 =	sld [smem:$0x3F8B]  }
0x1a: {  	s8 =	sadd.s32 $0xFFFFE003, lr  }
0x1b: {  	s9 =	sadd.s32 $0xFFFFFEF7, lr;
	s5 =	simm.s32 $0xFFFFFFFF;
	p2 =	slt.u32 s8, $0xFFFFF086  }
0x1c: {  	p1 =	slt.u32 s9, $0xF7A;
	s5 =	simm.s32 @!p2 $0x0  }
0x1d: {  	s5 =	simm.s32 @p1 $0x1;
	p0 =	seq.s32 s7, s2  }
0x1e: {  	s7 =	smul.u32 @!p0 $0xF7A, s2;
	p2 =	seq.s32 @!p0 s5, $0x0  }
0x1f: {  	s9 =	smul.u32 $0xF7A, s1;
	s8 =	simm.s32 @!p0 $0x1BF5;
	p2 =	por !p2, p0  }
0x20: {  	[sflag:s8] =	ssyncset.s32 @!p0 $0xFFFFF086;
	s6 =	sadd.s32 @!p0 s3, s7;
	s7 =	simm.s32 @!p0 $0x108  }
0x21: {  	s3 =	sadd.s32 s3, s9;
	s6 =	sadd.s32 @!p0 $0x88, s6;
	s7 =	simm.s32 @p2 $0x1082  }
0x22: {  	[simem:s7], [sflag:s8] =	dma.local @!p0 [hbm:s6], $0xF7A  }
0x23: {  	s9 =	sor.u32 $0xD0000000, s2;
	s6 =	simm.s32 $0x108;
	_ =	swait.ge @!p0 [sflag:s8], $0x0  }
0x24: {  	s3 =	sadd.s32 $0x88, s3;
	s6 =	simm.s32 @!p1 $0x1082;
	[sflag:s4] =	ssyncset.s32 $0xFFFFF086  }
0x25: {  	[simem:s6], [sflag:s4] =	dma.local [hbm:s3], $0xF7A  }
0x26: {  	[smem:$0x3F8B] =	sst s1;
	(tag) =	ssettag s2;
	_ =	strace s9  }
0x27: {  	s1 =	sld [smem:$0x3F9B]  }
0x28: {  	s2 =	sld [smem:$0x3F9C]  }
0x29: {  	s4 =	sld [smem:$0x3F9E]  }
0x2a: {  	p0 =	seq.s32 s5, $0x0;
	s5 =	sld [smem:$0x3F9F]  }
0x2b: {  	s6 =	sld [smem:$0x3FA0]  }
0x2c: {  	s7 =	sld [smem:$0x3FA1]  }
0x2d: {  	s3 =	simm.s32 $0x108;
	s8 =	sld [smem:$0x3FA2]  }
0x2e: {  	s3 =	simm.s32 @!p0 $0x1082;
	s9 =	sld [smem:$0x3FA3]  }
0x2f: {  	lr =	sadd.s32 s0, s3;
	s0 =	sld [smem:$0x3F9A]  }
0x30: {  	s3 =	sld [smem:$0x3F9D]  }
0x31: {  	[smem:$0x3FA6] =	sst s10  }
0x32: {  	s10 =	sld [smem:$0x3FA4];
	_ =	sdelay $0x3  }
0x33: {  	p0 =	seq.s32 s10, $0x1;
	s10 =	sld [smem:$0x3FA6];
	_ =	sdelay $0x3  }
0x34: {  	[smem:$0x3FA6] =	sst s10  }
0x35: {  	s10 =	sld [smem:$0x3FA5];
	_ =	sdelay $0x3  }
0x36: {  	p1 =	seq.s32 s10, $0x1;
	s10 =	sld [smem:$0x3FA6];
	_ =	sdelay $0x3  }
0x37: {  	[smem:$0x3FA6] =	sst s10  }
0x38: {  	s10 =	sld [smem:$0x3FA7]  }
0x39: {  	_ = 	snop;
	(pc) =	sbr.ind lr, $3  }
0x3a: {  	_ = 	snop  }
0x3b: {  	_ = 	snop  }
0x3c: {  	p2 =	seq.s32 s10, $0x1;
	s10 =	sld [smem:$0x3FA6]  }
0x3d: {  	_ =	shalt  }
0x3e: {  	_ =	shalt  }
0x3f: {  	_ =	shalt  }
0x40: {  	_ =	shalt  }
0x41: {  	_ =	shalt  }
0x42: {  	_ =	shalt  }
0x43: {  	_ =	shalt  }
0x44: {  	_ =	shalt  }
0x45: {  	_ =	shalt  }
0x46: {  	_ =	shalt  }
0x47: {  	_ =	shalt  }
0x48: {  	_ =	shalt  }
0x49: {  	_ =	shalt  }
0x4a: {  	_ =	shalt  }
0x4b: {  	_ =	shalt  }
0x4c: {  	_ =	shalt  }
0x4d: {  	_ =	shalt  }
0x4e: {  	_ =	shalt  }
0x4f: {  	_ =	shalt  }
0x50: {  	_ =	shalt  }
0x51: {  	_ =	shalt  }
0x52: {  	_ =	shalt  }
0x53: {  	_ =	shalt  }
0x54: {  	_ =	shalt  }
0x55: {  	_ =	shalt  }
0x56: {  	_ =	shalt  }
0x57: {  	_ =	shalt  }
0x58: {  	_ =	shalt  }
0x59: {  	_ =	shalt  }
0x5a: {  	_ =	shalt  }
0x5b: {  	_ =	shalt  }
0x5c: {  	_ =	shalt  }
0x5d: {  	_ =	shalt  }
0x5e: {  	_ =	shalt  }
0x5f: {  	_ =	shalt  }
0x60: {  	_ =	shalt  }
0x61: {  	_ =	shalt  }
0x62: {  	_ =	shalt  }
0x63: {  	_ =	shalt  }
0x64: {  	_ =	shalt  }
0x65: {  	_ =	shalt  }
0x66: {  	_ =	shalt  }
0x67: {  	_ =	shalt  }
0x68: {  	_ =	shalt  }
0x69: {  	_ =	shalt  }
0x6a: {  	_ =	shalt  }
0x6b: {  	_ =	shalt  }
0x6c: {  	_ =	shalt  }
0x6d: {  	_ =	shalt  }
0x6e: {  	_ =	shalt  }
0x6f: {  	_ =	shalt  }
0x70: {  	_ =	shalt  }
0x71: {  	_ =	shalt  }
0x72: {  	_ =	shalt  }
0x73: {  	_ =	shalt  }
0x74: {  	_ =	shalt  }
0x75: {  	_ =	shalt  }
0x76: {  	_ =	shalt  }
0x77: {  	_ =	shalt  }
0x78: {  	_ =	shalt  }
0x79: {  	_ =	shalt  }
0x7a: {  	_ =	shalt  }
0x7b: {  	_ =	shalt  }
0x7c: {  	_ =	shalt  }
0x7d: {  	_ =	shalt  }
0x7e: {  	_ =	shalt  }
0x7f: {  	_ =	shalt  }
0x80: {  	_ =	shalt  }
0x81: {  	_ =	shalt  }
0x82: {  	_ =	shalt  }
0x83: {  	_ =	shalt  }
0x84: {  	_ =	shalt  }
0x85: {  	_ =	shalt  }
0x86: {  	_ =	shalt  }
0x87: {  	_ =	shalt  }
.Lfunc_end0:
.L_simem_size_0:
called_computation.5_lowered:
.L_overlay_start_0:
0x88: {  	s2 =	sld [smem:$0x3FD9]  }
0x89: {  	s3 =	sld [smem:$0x3FFE];
	_ =	sdelay $0x1  }
0x8a: {  	s1 =	srdreg.scid  }
0x8b: {  	s0 =	sand.u32 $0x1, s1  }
0x8c: {  	s16 =	sshll.u32 s0, $0xA;
	s2 =	sadd.s32 s3, s2  }
0x8d: {  	s2 =	sadd.s32 s2, s16  }
0x8e: {  	[smem:$0x3FB2] =	sst s2  }
0x8f: {  	_ = 	snop  }
0x90: {  	(tm) =	ssettm $0x1  }
0x91: {  	s17 =	sld [smem:$0x3FFB];
	_ =	sdelay $0x3  }
0x92: {  	_ =	strace s17  }
0x93: {  	s2 =	sld [smem:$0x3FFC];
	_ =	sdelay $0x3  }
0x94: {  	_ =	strace s2  }
0x95: {  	s2 =	sld [smem:$0x3FFD];
	_ =	sdelay $0x3  }
0x96: {  	_ =	strace s2  }
0x97: {  	_ =	strace $0x8FFFFFFF  }
0x98: {  	s18 =	sld [smem:$0x3FDB];
	_ =	sdelay $0x1  }
0x99: {  	s19 =	simm.s32 $_scs_section_size  }
0x9a: {  	s4 =	simm.s32 $_size__tile_overlayer_lowered;
	s5 =	simm.s32 $_tile_overlayer_lowered  }
0x9b: {  	s22 =	simm.s32 $0x1BFF;
	s21 =	sshll.u32 s5, $0x1;
	s2 =	sadd.s32 s19, s18  }
0x9c: {  	s6 =	simm.s32 $0x0;
	s20 =	sshll.u32 s4, $0x1;
	s4 =	sadd.s32 s21, s2  }
0x9d: {  	[timem:s6], [sflag:s22] =	dma.local [hbm:s4], s20  }
0x9e: {  	_ =	swait.ge [sflag:s22], s20  }
0x9f: {  	s3 =	ssub.s32 $0x0, s20;
	[sflag:s22] =	ssyncset.done $0x0  }
0xa0: {  	[sflag:s22] =	ssyncadd.s32 s3;
	_ =	sdelay $0x1  }
0xa1: {  	s23 =	simm.s32 $0x1B8B  }
0xa2: {  	_ =	swait.ge [sflag:s23], $0x1  }
0xa3: {  	[sflag:s23] =	ssyncset.done $0x0  }
0xa4: {  	s25 =	simm.s32 $0x1B8E;
	s24 =	sld [smem:$0x3FFE];
	[sflag:s23] =	ssyncadd.s32 $0xFFFFFFFF  }
0xa5: {  	s26 =	simm.s32 $execute0_lowered;
	[smem:$0x3FD2] =	sst s25  }
0xa6: {  	s4 =	sshll.u32 s26, $0x1;
	_ =	strace $0x80000055;
	[dreg:$0x1] =	wrdreg $0xFFFFFFFF  }
0xa7: {  	s28 =	simm.s32 $_size_execute0_lowered;
	s2 =	sadd.s32 s2, s4;
	[dreg:$0x0] =	wrdreg $0x0  }
0xa8: {  	s4 =	sshll.u32 s28, $0x1;
	[dreg:$0x2] =	wrdreg s2  }
0xa9: {  	[dreg:$0x3] =	wrdreg s4  }
0xaa: {  	[dreg:$0x4] =	wrdreg $0xC0  }
0xab: {  	_ =	task [dreg:s6], $0x5FFFF  }
0xac: {  	[dreg:$0x1] =	wrdreg $0xFFFFFFFF  }
0xad: {  	[dreg:$0x0] =	wrdreg $0x60  }
0xae: {  	[dreg:$0x2] =	wrdreg s24  }
0xaf: {  	[dreg:$0x3] =	wrdreg $0x54000  }
0xb0: {  	[dreg:$0x4] =	wrdreg $0x9  }
0xb1: {  	_ =	task.clear_ibuf [dreg:s6], $0x5FFFF;
	_ =	strace $0x90000055  }
0xb2: {  	s29 =	simm.s32 $0x9;
	_ =	strace $0x80000057  }
0xb3: {  	_ =	swait.ge [sflag:s29], $0x1  }
0xb4: {  	[sflag:s29] =	ssyncadd.s32 $0xFFFFFFFF  }
0xb5: {  	_ =	strace $0x90000057  }
0xb6: {  	_ =	sfence  }
0xb7: {  	s30 =	sld [smem:$0x0];
	_ =	sdelay $0x2  }
0xb8: {  	s31 =	sshll.u32 s1, $0xD;
	s1 =	sshrl.u32 s1, $0x2  }
0xb9: {  	s3 =	sand.u32 $0x4000, s31;
	s1 =	sadd.s32 s1, s30  }
0xba: {  	s0 =	sor.u32 s3, s0;
	s1 =	sshll.u32 s1, $0x11  }
0xbb: {  	s0 =	sor.u32 s1, s0  }
0xbc: {  	s0 =	sadd.s32 $0x8F2B, s0  }
0xbd: {  	[sflag:s0] =	ssyncadd.remote.s32 $0x1  }
0xbe: {  	_ =	sfence.sel $0xFFFF  }
0xbf: {  	[dreg:$0x0] =	wrdreg $0xFFFFFFFF;
	(pc) =	sbr.abs _section_cstart, $3  }
0xc0: {  	[dreg:$0x1] =	wrdreg $0xFFFFFFFF  }
0xc1: {  	_ =	task.clear_ibuf [dreg:s6], $0x2FFFF;
	_ =	strace $0x9FFFFFFF  }
0xc2: {  	(tm) =	ssettm $0x7FFFFFFF  }
0xc3: {  	_ =	shalt  }
tec
execute0_lowered:
.L_overlay_start_1:
0x0: {  	(tag) =	ssettag $0x1  }
0x1: {  	s0 =	rddreg [dreg:$0x0]  }
0x2: {  	s2 =	rddreg [dreg:$0x1]  }
0x3: {  	s13 =	stileid.u32;
	s1 =	srdreg.scid  }
0x4: {  	s3 =	simm.s32 $0x0;
	s16 =	simm.s32 $0x9;
	s17 =	simm.s32 $0x80  }
0x5: {  	s18 =	simm.s32 $0x1400;
	s19 =	simm.s32 $0x2400;
	s21 =	simm.s32 $0x3400  }
0x6: {  	s28 =	simm.s32 $0x6;
	s29 =	simm.s32 $0x3;
	s30 =	simm.s32 $0x7  }
0x7: {  	s31 =	simm.s32 $0x4;
	s4 =	smul.u32 $0x4E20, s13;
	s1 =	sand.u32 $0x1, s1  }
0x8: {  	s5 =	sshll.u32 s13, $0x1;
	[smem:$0x7FF] =	sst s3;
	s23 =	smul.u32 $0x50, s13  }
0x9: {  	s24 =	sshll.u32 s13, $0x6;
	s13 =	smul.u32 $0xA000, s13;
	s5 =	sor.u32 s1, s5  }
0xa: {  	_ =	strace $0x80000056;
	s8 =	ssub.s32 $0x2, s1;
	s11 =	smul.u32 $0x28, s1  }
0xb: {  	s25 =	sor.u32 $0x1C09, s24;
	s1 =	smul.u32 $0x5000, s1;
	s24 =	simm.s32 $0x1  }
0xc: {  	s6 =	sshrl.u32 s4, $0x3;
	s7 =	smul.u32 $0x280, s5;
	s9 =	sshrl.u32 s8, $0x1  }
0xd: {  	s5 =	smul.u32 $0x28000, s5;
	s15 =	sadd.s32 s4, s2;
	[dreg:$0x4] =	wrdreg s25  }
0xe: {  	s25 =	simm.s32 $0x5;
	s6 =	sadd.s32 s6, s0;
	s12 =	ssub.s32 s8, s9  }
0xf: {  	s11 =	sadd.s32 s11, s23;
	s15 =	sshrl.u32 s15, $0x3;
	s23 =	simm.s32 $0x4400  }
0x10: {  	s7 =	sadd.s32 s7, s0;
	s0 =	sadd.s32 $0x3DA00, s0;
	s22 =	sadd.s32 $0x2EC00, s6  }
0x11: {  	s5 =	sshrl.u32 s5, $0x3;
	s11 =	sshll.u32 s11, $0x9;
	s12 =	smax.u32 s12, $0x1  }
0x12: {  	[dreg:$0x3] =	wrdreg s22;
	s10 =	sadd.s32 s0, s5;
	s26 =	sadd.s32 $0x38A00, s7  }
0x13: {  	s11 =	sadd.s32 s11, s0;
	s0 =	sadd.s32 s13, s0;
	[dreg:$0x5] =	wrdreg s26  }
0x14: {  	s7 =	sadd.s32 $0x4800, s10;
	s8 =	sadd.s32 $0x4A00, s10;
	s9 =	sadd.s32 $0x4C00, s10  }
0x15: {  	s10 =	sadd.s32 $0x4E00, s10;
	s13 =	sadd.s32 $0x400, s11;
	s14 =	sadd.s32 s1, s0  }
0x16: {  	s26 =	simm.s32 $0x2;
	s1 =	simm.s32 $0x8;
	s0 =	simm.s32 $0x0  }
.LBB2_1:
0x17: {  	s4 =	rddreg [dreg:$0x3]  }
0x18: {  	s5 =	rddreg [dreg:$0x4]  }
0x19: {  	[spmem:s15], [sflag:s5] =	dma.local [hbm:s4], $0x9C4  }
0x1a: {  	_ =	swait.ge [sflag:s16], $0x9C4  }
0x1b: {  	[sflag:s16] =	ssyncset.done $0x0  }
0x1c: {  	s5 =	rddreg [dreg:$0x5];
	[sflag:s16] =	ssyncadd.s32 $0xFFFFF63C  }
0x1d: {  	[tilespmem:s3], [sflag:$0x9] =	stream.linear.gather [hbm4b:s5+s3], $0x1400, $0x38;
	[tilespmem:$0xA220] =	vst v63  }
0x1e: {  	_ =	swait.ge [sflag:s16], $0x1400  }
0x1f: {  	[sflag:s16] =	ssyncset.done $0x0  }
0x20: {  	[sflag:s16] =	ssyncadd.s32 $0xFFFFEC00  }
0x21: {  	[bflag:$0x0] =	sbarrier.arrive $0xFFFF  }
0x22: {  	[tilespmem:s18], [sflag:$0x1] =	stream.indirect.gather [spmem:s2], $0x20, s3, s17, $0xb8;
	[tilespmem:$0xA220] =	vst v63  }
0x23: {  	_ = 	snop  }
0x24: {  	[tilespmem:s19], [sflag:$0x2] =	stream.indirect.gather [spmem:s2], $0x20, s17, s17, $0xb8;
	[tilespmem:$0xA220] =	vst v63  }
0x25: {  	s6 =	simm.s32 $0x100  }
0x26: {  	[tilespmem:s21], [sflag:$0x3] =	stream.indirect.gather [spmem:s2], $0x20, s6, s17, $0xb8;
	[tilespmem:$0xA220] =	vst v63  }
0x27: {  	s20 =	simm.s32 $0x180  }
0x28: {  	[tilespmem:s23], [sflag:$0x4] =	stream.indirect.gather [spmem:s2], $0x20, s20, s17, $0xb8;
	[tilespmem:$0xA220] =	vst v63  }
0x29: {  	_ =	swait.ge [sflag:s24], $0x1000  }
0x2a: {  	[sflag:s24] =	ssyncset.done $0x0  }
0x2b: {  	s20 =	sadd.s32 $0x0, s14;
	[sflag:s24] =	ssyncadd.s32 $0xFFFFF000  }
0x2c: {  	[hbm4b:s20+s3] =	stream.linear.scatter [tilespmem:s18], [sflag:$0x5], $0x1000, $0x38;
	[tilespmem:$0xA220] =	vst v63  }
0x2d: {  	_ =	swait.ge [sflag:s25], $0x1000  }
0x2e: {  	[sflag:s25] =	ssyncset.done $0x0  }
0x2f: {  	s22 =	simm.s32 $0x200;
	[sflag:s25] =	ssyncadd.s32 $0xFFFFF000  }
0x30: {  	[tilespmem:s18], [sflag:$0x1] =	stream.indirect.gather [spmem:s2], $0x20, s22, s17, $0xb8;
	[tilespmem:$0xA220] =	vst v63  }
0x31: {  	_ =	swait.ge [sflag:s26], $0x1000  }
0x32: {  	s20 =	sadd.s32 $0x0, s11;
	[sflag:s26] =	ssyncset.done $0x0  }
0x33: {  	s22 =	sadd.s32 $0x200, s20;
	[sflag:s26] =	ssyncadd.s32 $0xFFFFF000  }
0x34: {  	[hbm4b:s22+s3] =	stream.linear.scatter [tilespmem:s19], [sflag:$0x6], $0x1000, $0x38;
	[tilespmem:$0xA220] =	vst v63  }
0x35: {  	_ =	swait.ge [sflag:s28], $0x1000  }
0x36: {  	[sflag:s28] =	ssyncset.done $0x0  }
0x37: {  	s4 =	simm.s32 $0x280;
	[sflag:s28] =	ssyncadd.s32 $0xFFFFF000  }
0x38: {  	[tilespmem:s19], [sflag:$0x2] =	stream.indirect.gather [spmem:s2], $0x20, s4, s17, $0xb8;
	[tilespmem:$0xA220] =	vst v63  }
0x39: {  	_ =	swait.ge [sflag:s29], $0x1000  }
0x3a: {  	[sflag:s29] =	ssyncset.done $0x0  }
0x3b: {  	s5 =	sadd.s32 $0x0, s13;
	[sflag:s29] =	ssyncadd.s32 $0xFFFFF000  }
0x3c: {  	[hbm4b:s5+s3] =	stream.linear.scatter [tilespmem:s21], [sflag:$0x7], $0x1000, $0x38;
	[tilespmem:$0xA220] =	vst v63  }
0x3d: {  	_ =	swait.ge [sflag:s30], $0x1000  }
0x3e: {  	[sflag:s30] =	ssyncset.done $0x0  }
0x3f: {  	s6 =	simm.s32 $0x300;
	[sflag:s30] =	ssyncadd.s32 $0xFFFFF000  }
0x40: {  	[tilespmem:s21], [sflag:$0x3] =	stream.indirect.gather [spmem:s2], $0x20, s6, s17, $0xb8;
	[tilespmem:$0xA220] =	vst v63  }
0x41: {  	_ =	swait.ge [sflag:s31], $0x1000  }
0x42: {  	[sflag:s31] =	ssyncset.done $0x0  }
0x43: {  	s20 =	sadd.s32 $0x600, s20;
	[sflag:s31] =	ssyncadd.s32 $0xFFFFF000  }
0x44: {  	[hbm4b:s20+s3] =	stream.linear.scatter [tilespmem:s23], [sflag:$0x8], $0x1000, $0x38;
	[tilespmem:$0xA220] =	vst v63  }
0x45: {  	_ =	swait.ge [sflag:s1], $0x1000  }
0x46: {  	[sflag:s1] =	ssyncset.done $0x0  }
0x47: {  	s22 =	simm.s32 $0x380;
	s20 =	simm.s32 $0x800;
	[sflag:s1] =	ssyncadd.s32 $0xFFFFF000  }
.LBB2_2:
0x48: {  	[tilespmem:s23], [sflag:$0x4] =	stream.indirect.gather [spmem:s2], $0x20, s22, s17, $0xb8;
	[tilespmem:$0xA220] =	vst v63  }
0x49: {  	s22 =	smov.u32 s20  }
0x4a: {  	p0 =	sne.s32 s20, $0x4000;
	s20 =	sadd.s32 $0x800, s20;
	_ =	swait.ge [sflag:s24], $0x1000  }
0x4b: {  	[sflag:s24] =	ssyncset.done $0x0  }
0x4c: {  	s4 =	sadd.s32 s22, s14;
	[sflag:s24] =	ssyncadd.s32 $0xFFFFF000  }
0x4d: {  	[hbm4b:s4+s3] =	stream.linear.scatter [tilespmem:s18], [sflag:$0x5], $0x1000, $0x38;
	[tilespmem:$0xA220] =	vst v63  }
0x4e: {  	_ =	swait.ge [sflag:s25], $0x1000  }
0x4f: {  	s4 =	sshra.s32 s22, $0x2;
	[sflag:s25] =	ssyncset.done $0x0  }
0x50: {  	s5 =	sadd.s32 $0x200, s4;
	[sflag:s25] =	ssyncadd.s32 $0xFFFFF000  }
0x51: {  	[tilespmem:s18], [sflag:$0x1] =	stream.indirect.gather [spmem:s2], $0x20, s5, s17, $0xb8;
	[tilespmem:$0xA220] =	vst v63  }
0x52: {  	_ =	swait.ge [sflag:s26], $0x1000  }
0x53: {  	s5 =	sadd.s32 s22, s11;
	[sflag:s26] =	ssyncset.done $0x0  }
0x54: {  	s6 =	sadd.s32 $0x200, s5;
	[sflag:s26] =	ssyncadd.s32 $0xFFFFF000  }
0x55: {  	[hbm4b:s6+s3] =	stream.linear.scatter [tilespmem:s19], [sflag:$0x6], $0x1000, $0x38;
	[tilespmem:$0xA220] =	vst v63  }
0x56: {  	_ =	swait.ge [sflag:s28], $0x1000  }
0x57: {  	[sflag:s28] =	ssyncset.done $0x0  }
0x58: {  	s6 =	sadd.s32 $0x280, s4;
	[sflag:s28] =	ssyncadd.s32 $0xFFFFF000  }
0x59: {  	[tilespmem:s19], [sflag:$0x2] =	stream.indirect.gather [spmem:s2], $0x20, s6, s17, $0xb8;
	[tilespmem:$0xA220] =	vst v63  }
0x5a: {  	_ =	swait.ge [sflag:s29], $0x1000  }
0x5b: {  	[sflag:s29] =	ssyncset.done $0x0  }
0x5c: {  	s6 =	sadd.s32 s22, s13;
	[sflag:s29] =	ssyncadd.s32 $0xFFFFF000  }
0x5d: {  	[hbm4b:s6+s3] =	stream.linear.scatter [tilespmem:s21], [sflag:$0x7], $0x1000, $0x38;
	[tilespmem:$0xA220] =	vst v63  }
0x5e: {  	_ =	swait.ge [sflag:s30], $0x1000  }
0x5f: {  	[sflag:s30] =	ssyncset.done $0x0  }
0x60: {  	s6 =	sadd.s32 $0x300, s4;
	[sflag:s30] =	ssyncadd.s32 $0xFFFFF000  }
0x61: {  	[tilespmem:s21], [sflag:$0x3] =	stream.indirect.gather [spmem:s2], $0x20, s6, s17, $0xb8;
	[tilespmem:$0xA220] =	vst v63  }
0x62: {  	_ =	swait.ge [sflag:s31], $0x1000  }
0x63: {  	[sflag:s31] =	ssyncset.done $0x0  }
.Ltmp0:
0x64: {  	s5 =	sadd.s32 $0x600, s5;
	[sflag:s31] =	ssyncadd.s32 $0xFFFFF000;
	(pc) =	sbr.rel @p0 .LBB2_2-.Ltmp0, $4  }
0x65: {  	[hbm4b:s5+s3] =	stream.linear.scatter [tilespmem:s23], [sflag:$0x8], $0x1000, $0x38;
	[tilespmem:$0xA220] =	vst v63  }
0x66: {  	_ =	swait.ge [sflag:s1], $0x1000  }
0x67: {  	[sflag:s1] =	ssyncset.done $0x0  }
0x68: {  	s22 =	sadd.s32 $0x380, s4;
	[sflag:s1] =	ssyncadd.s32 $0xFFFFF000  }
0x69: {  	[tilespmem:s23], [sflag:$0x4] =	stream.indirect.gather [spmem:s2], $0x20, s22, s17, $0xb8;
	[tilespmem:$0xA220] =	vst v63  }
0x6a: {  	_ =	swait.ge [sflag:s24], $0x1000  }
0x6b: {  	[sflag:s24] =	ssyncset.done $0x0  }
0x6c: {  	[sflag:s24] =	ssyncadd.s32 $0xFFFFF000  }
0x6d: {  	[hbm4b:s7+s3] =	stream.linear.scatter [tilespmem:s18], [sflag:$0x9], $0x1000, $0x38;
	[tilespmem:$0xA220] =	vst v63  }
0x6e: {  	_ =	swait.ge [sflag:s16], $0x1000  }
0x6f: {  	[sflag:s16] =	ssyncset.done $0x0  }
0x70: {  	[sflag:s16] =	ssyncadd.s32 $0xFFFFF000  }
0x71: {  	_ =	swait.ge [sflag:s26], $0x1000  }
0x72: {  	[sflag:s26] =	ssyncset.done $0x0  }
0x73: {  	[sflag:s26] =	ssyncadd.s32 $0xFFFFF000  }
0x74: {  	[hbm4b:s8+s3] =	stream.linear.scatter [tilespmem:s19], [sflag:$0x9], $0x1000, $0x38;
	[tilespmem:$0xA220] =	vst v63  }
0x75: {  	_ =	swait.ge [sflag:s16], $0x1000  }
0x76: {  	[sflag:s16] =	ssyncset.done $0x0  }
0x77: {  	[sflag:s16] =	ssyncadd.s32 $0xFFFFF000  }
0x78: {  	_ =	swait.ge [sflag:s29], $0x1000  }
0x79: {  	[sflag:s29] =	ssyncset.done $0x0  }
0x7a: {  	[sflag:s29] =	ssyncadd.s32 $0xFFFFF000  }
0x7b: {  	[hbm4b:s9+s3] =	stream.linear.scatter [tilespmem:s21], [sflag:$0x9], $0x1000, $0x38;
	[tilespmem:$0xA220] =	vst v63  }
0x7c: {  	_ =	swait.ge [sflag:s16], $0x1000  }
0x7d: {  	[sflag:s16] =	ssyncset.done $0x0  }
0x7e: {  	[sflag:s16] =	ssyncadd.s32 $0xFFFFF000  }
0x7f: {  	s0 =	sadd.s32 $0x1, s0;
	_ =	swait.ge [sflag:s31], $0x1000  }
0x80: {  	p0 =	sne.s32 s0, s12;
	[sflag:s31] =	ssyncset.done $0x0  }
.Ltmp1:
0x81: {  	[sflag:s31] =	ssyncadd.s32 $0xFFFFF000;
	(pc) =	sbr.rel @p0 .LBB2_1-.Ltmp1, $4  }
0x82: {  	[hbm4b:s10+s3] =	stream.linear.scatter [tilespmem:s23], [sflag:$0x9], $0x1000, $0x38;
	[tilespmem:$0xA220] =	vst v63  }
0x83: {  	_ =	swait.ge [sflag:s16], $0x1000  }
0x84: {  	[sflag:s16] =	ssyncset.done $0x0  }
0x85: {  	[sflag:s16] =	ssyncadd.s32 $0xFFFFF000  }
0x86: {  	_ =	sfence.sel $0x180000  }
0x87: {  	[bflag:$0x0] =	sbarrier.arrive $0xFFFF  }
0x88: {  	_ =	strace $0x90000056  }
0x89: {  	s0 =	stileid.u32;
	[bflag:$0x2] =	sbarrier.arrive $0xFFFF  }
0x8a: {  	p0 =	sne.s32 s0, $0x0;
	s0 =	rddreg [dreg:$0x2]  }
0x8b: {  	s0 =	sadd.s32 @!p0 $0x100000, s0  }
0x8c: {  	[sflag:s0] =	ssyncadd.tile.s32 @!p0 $0x1;
	_ =	shalt  }
.Lfunc_end2:
_tile_overlayer_lowered:
.L_overlay_start_2:
0x8d: {  	(tag) =	ssettag $0x2  }
0x8e: {  	s0 =	rddreg [dreg:$0x0];
	s2 =	stileid.u32  }
0x8f: {  	s1 =	rddreg [dreg:$0x1];
	p0 =	sne.s32 s2, $0x0  }
0x90: {  	s3 =	rddreg [dreg:$0x2];
	[bflag:$0x3] =	sbarrier.arrive $0xFFFF;
	s2 =	simm.s32 @!p0 $0x1C09  }
0x91: {  	[timem:s3], [sflag:s2] =	dma.local @!p0 [hbm:s0], s1  }
0x92: {  	s0 =	simm.s32 @!p0 $0x9  }
0x93: {  	_ =	swait.ge @!p0 [sflag:s0], s1  }
0x94: {  	s1 =	ssub.s32 @!p0 $0x0, s1;
	[sflag:s0] =	ssyncset.done @!p0 $0x0  }
0x95: {  	[sflag:s0] =	ssyncadd.s32 @!p0 s1  }
0x96: {  	[bflag:$0x3] =	sbarrier.arrive $0xFFFF  }
0x97: {  	_ =	shalt  }

// kernel: kernel.36.cloned.1.call-start
scs
__scs_entry_jumppad:
0x0: {  	(pc) =	sbr.rel $0x88, $3  }
0x1: {  	(tag) =	ssettag $0x0;
	lr =	simm.s32 $0x1  }
0x2: {  	[smem:$0x3F8B] =	sst lr;
	_ =	strace $0xD0000000  }
0x3: {  	_ = 	snop  }
0x4: {  	_ = 	snop  }
0x5: {  	_ = 	snop  }
0x6: {  	_ = 	snop  }
0x7: {  	_ = 	snop  }
__scs_overlays_trampoline_lowered:
0x8: {  	[smem:$0x3F9A] =	sst s0  }
0x9: {  	[smem:$0x3F9B] =	sst s1  }
0xa: {  	[smem:$0x3F9C] =	sst s2  }
0xb: {  	[smem:$0x3F9D] =	sst s3  }
0xc: {  	[smem:$0x3F9E] =	sst s4  }
0xd: {  	[smem:$0x3F9F] =	sst s5  }
0xe: {  	[smem:$0x3FA0] =	sst s6  }
0xf: {  	[smem:$0x3FA1] =	sst s7  }
0x10: {  	[smem:$0x3FA2] =	sst s8  }
0x11: {  	[smem:$0x3FA3] =	sst s9;
	s0 =	simm.s32 @!p0 $0x0  }
0x12: {  	s1 =	sld [smem:$0x3F89];
	s0 =	simm.s32 @p0 $0x1  }
0x13: {  	[smem:$0x3FA4] =	sst s0;
	s0 =	simm.s32 @!p1 $0x0  }
0x14: {  	s2 =	sld [smem:$0x3F88];
	s0 =	simm.s32 @p1 $0x1  }
0x15: {  	[smem:$0x3FA5] =	sst s0;
	s0 =	simm.s32 @!p2 $0x0  }
0x16: {  	s3 =	sld [smem:$0x3FDB];
	s0 =	simm.s32 @p2 $0x1  }
0x17: {  	s4 =	simm.s32 $0x1BF5;
	[smem:$0x3FA7] =	sst s0  }
0x18: {  	s0 =	sld [smem:$0x3F8A];
	_ =	swait.ge [sflag:s4], $0x0  }
0x19: {  	s7 =	sld [smem:$0x3F8B]  }
0x1a: {  	s8 =	sadd.s32 $0xFFFFE003, lr  }
0x1b: {  	s9 =	sadd.s32 $0xFFFFFEF7, lr;
	s5 =	simm.s32 $0xFFFFFFFF;
	p2 =	slt.u32 s8, $0xFFFFF086  }
0x1c: {  	p1 =	slt.u32 s9, $0xF7A;
	s5 =	simm.s32 @!p2 $0x0  }
0x1d: {  	s5 =	simm.s32 @p1 $0x1;
	p0 =	seq.s32 s7, s2  }
0x1e: {  	s7 =	smul.u32 @!p0 $0xF7A, s2;
	p2 =	seq.s32 @!p0 s5, $0x0  }
0x1f: {  	s9 =	smul.u32 $0xF7A, s1;
	s8 =	simm.s32 @!p0 $0x1BF5;
	p2 =	por !p2, p0  }
0x20: {  	[sflag:s8] =	ssyncset.s32 @!p0 $0xFFFFF086;
	s6 =	sadd.s32 @!p0 s3, s7;
	s7 =	simm.s32 @!p0 $0x108  }
0x21: {  	s3 =	sadd.s32 s3, s9;
	s6 =	sadd.s32 @!p0 $0x88, s6;
	s7 =	simm.s32 @p2 $0x1082  }
0x22: {  	[simem:s7], [sflag:s8] =	dma.local @!p0 [hbm:s6], $0xF7A  }
0x23: {  	s9 =	sor.u32 $0xD0000000, s2;
	s6 =	simm.s32 $0x108;
	_ =	swait.ge @!p0 [sflag:s8], $0x0  }
0x24: {  	s3 =	sadd.s32 $0x88, s3;
	s6 =	simm.s32 @!p1 $0x1082;
	[sflag:s4] =	ssyncset.s32 $0xFFFFF086  }
0x25: {  	[simem:s6], [sflag:s4] =	dma.local [hbm:s3], $0xF7A  }
0x26: {  	[smem:$0x3F8B] =	sst s1;
	(tag) =	ssettag s2;
	_ =	strace s9  }
0x27: {  	s1 =	sld [smem:$0x3F9B]  }
0x28: {  	s2 =	sld [smem:$0x3F9C]  }
0x29: {  	s4 =	sld [smem:$0x3F9E]  }
0x2a: {  	p0 =	seq.s32 s5, $0x0;
	s5 =	sld [smem:$0x3F9F]  }
0x2b: {  	s6 =	sld [smem:$0x3FA0]  }
0x2c: {  	s7 =	sld [smem:$0x3FA1]  }
0x2d: {  	s3 =	simm.s32 $0x108;
	s8 =	sld [smem:$0x3FA2]  }
0x2e: {  	s3 =	simm.s32 @!p0 $0x1082;
	s9 =	sld [smem:$0x3FA3]  }
0x2f: {  	lr =	sadd.s32 s0, s3;
	s0 =	sld [smem:$0x3F9A]  }
0x30: {  	s3 =	sld [smem:$0x3F9D]  }
0x31: {  	[smem:$0x3FA6] =	sst s10  }
0x32: {  	s10 =	sld [smem:$0x3FA4];
	_ =	sdelay $0x3  }
0x33: {  	p0 =	seq.s32 s10, $0x1;
	s10 =	sld [smem:$0x3FA6];
	_ =	sdelay $0x3  }
0x34: {  	[smem:$0x3FA6] =	sst s10  }
0x35: {  	s10 =	sld [smem:$0x3FA5];
	_ =	sdelay $0x3  }
0x36: {  	p1 =	seq.s32 s10, $0x1;
	s10 =	sld [smem:$0x3FA6];
	_ =	sdelay $0x3  }
0x37: {  	[smem:$0x3FA6] =	sst s10  }
0x38: {  	s10 =	sld [smem:$0x3FA7]  }
0x39: {  	_ = 	snop;
	(pc) =	sbr.ind lr, $3  }
0x3a: {  	_ = 	snop  }
0x3b: {  	_ = 	snop  }
0x3c: {  	p2 =	seq.s32 s10, $0x1;
	s10 =	sld [smem:$0x3FA6]  }
0x3d: {  	_ =	shalt  }
0x3e: {  	_ =	shalt  }
0x3f: {  	_ =	shalt  }
0x40: {  	_ =	shalt  }
0x41: {  	_ =	shalt  }
0x42: {  	_ =	shalt  }
0x43: {  	_ =	shalt  }
0x44: {  	_ =	shalt  }
0x45: {  	_ =	shalt  }
0x46: {  	_ =	shalt  }
0x47: {  	_ =	shalt  }
0x48: {  	_ =	shalt  }
0x49: {  	_ =	shalt  }
0x4a: {  	_ =	shalt  }
0x4b: {  	_ =	shalt  }
0x4c: {  	_ =	shalt  }
0x4d: {  	_ =	shalt  }
0x4e: {  	_ =	shalt  }
0x4f: {  	_ =	shalt  }
0x50: {  	_ =	shalt  }
0x51: {  	_ =	shalt  }
0x52: {  	_ =	shalt  }
0x53: {  	_ =	shalt  }
0x54: {  	_ =	shalt  }
0x55: {  	_ =	shalt  }
0x56: {  	_ =	shalt  }
0x57: {  	_ =	shalt  }
0x58: {  	_ =	shalt  }
0x59: {  	_ =	shalt  }
0x5a: {  	_ =	shalt  }
0x5b: {  	_ =	shalt  }
0x5c: {  	_ =	shalt  }
0x5d: {  	_ =	shalt  }
0x5e: {  	_ =	shalt  }
0x5f: {  	_ =	shalt  }
0x60: {  	_ =	shalt  }
0x61: {  	_ =	shalt  }
0x62: {  	_ =	shalt  }
0x63: {  	_ =	shalt  }
0x64: {  	_ =	shalt  }
0x65: {  	_ =	shalt  }
0x66: {  	_ =	shalt  }
0x67: {  	_ =	shalt  }
0x68: {  	_ =	shalt  }
0x69: {  	_ =	shalt  }
0x6a: {  	_ =	shalt  }
0x6b: {  	_ =	shalt  }
0x6c: {  	_ =	shalt  }
0x6d: {  	_ =	shalt  }
0x6e: {  	_ =	shalt  }
0x6f: {  	_ =	shalt  }
0x70: {  	_ =	shalt  }
0x71: {  	_ =	shalt  }
0x72: {  	_ =	shalt  }
0x73: {  	_ =	shalt  }
0x74: {  	_ =	shalt  }
0x75: {  	_ =	shalt  }
0x76: {  	_ =	shalt  }
0x77: {  	_ =	shalt  }
0x78: {  	_ =	shalt  }
0x79: {  	_ =	shalt  }
0x7a: {  	_ =	shalt  }
0x7b: {  	_ =	shalt  }
0x7c: {  	_ =	shalt  }
0x7d: {  	_ =	shalt  }
0x7e: {  	_ =	shalt  }
0x7f: {  	_ =	shalt  }
0x80: {  	_ =	shalt  }
0x81: {  	_ =	shalt  }
0x82: {  	_ =	shalt  }
0x83: {  	_ =	shalt  }
0x84: {  	_ =	shalt  }
0x85: {  	_ =	shalt  }
0x86: {  	_ =	shalt  }
0x87: {  	_ =	shalt  }
.Lfunc_end0:
.L_simem_size_0:
called_computation.6_lowered:
.L_overlay_start_0:
0x88: {  	s2 =	sld [smem:$0x3FD9]  }
0x89: {  	s3 =	sld [smem:$0x3FFE];
	_ =	sdelay $0x1  }
0x8a: {  	s1 =	srdreg.scid  }
0x8b: {  	s0 =	sand.u32 $0x1, s1  }
0x8c: {  	s17 =	sshll.u32 s0, $0xA;
	s2 =	sadd.s32 s3, s2  }
0x8d: {  	s2 =	sadd.s32 s2, s17  }
0x8e: {  	[smem:$0x3FB2] =	sst s2  }
0x8f: {  	_ = 	snop  }
0x90: {  	s2 =	sld [smem:$0x3FD0];
	(tm) =	ssettm $0x1  }
0x91: {  	s18 =	sld [smem:$0x3FFB];
	_ =	sdelay $0x3  }
0x92: {  	_ =	strace s18  }
0x93: {  	s3 =	sld [smem:$0x3FFC];
	_ =	sdelay $0x3  }
0x94: {  	_ =	strace s3  }
0x95: {  	s3 =	sld [smem:$0x3FFD];
	_ =	sdelay $0x3  }
0x96: {  	_ =	strace s3  }
0x97: {  	_ =	strace $0x8FFFFFFF  }
0x98: {  	s19 =	sld [smem:$0x3FDB];
	_ =	sdelay $0x1  }
0x99: {  	s4 =	simm.s32 $_scs_section_size  }
0x9a: {  	s5 =	simm.s32 $_size__tile_overlayer_lowered;
	s6 =	simm.s32 $_tile_overlayer_lowered  }
0x9b: {  	s22 =	simm.s32 $0x1BFF;
	s21 =	sshll.u32 s6, $0x1;
	s3 =	sadd.s32 s4, s19  }
0x9c: {  	s7 =	simm.s32 $0x0;
	s20 =	sshll.u32 s5, $0x1;
	s5 =	sadd.s32 s21, s3  }
0x9d: {  	[timem:s7], [sflag:s22] =	dma.local [hbm:s5], s20  }
0x9e: {  	_ =	swait.ge [sflag:s22], s20  }
0x9f: {  	s4 =	ssub.s32 $0x0, s20;
	[sflag:s22] =	ssyncset.done $0x0  }
0xa0: {  	[sflag:s22] =	ssyncadd.s32 s4;
	_ =	sdelay $0x1  }
0xa1: {  	s23 =	simm.s32 $0x1B8B  }
0xa2: {  	_ =	swait.ge [sflag:s23], $0x1  }
0xa3: {  	[sflag:s23] =	ssyncset.done $0x0  }
0xa4: {  	s25 =	simm.s32 $0x1B8E;
	s24 =	sld [smem:$0x3FFE];
	[sflag:s23] =	ssyncadd.s32 $0xFFFFFFFF  }
0xa5: {  	s26 =	simm.s32 $execute0_lowered;
	[smem:$0x3FD2] =	sst s25  }
0xa6: {  	s5 =	sshll.u32 s26, $0x1;
	_ =	strace $0x80000058;
	[dreg:$0x1] =	wrdreg $0xFFFFFFFF  }
0xa7: {  	s28 =	simm.s32 $_size_execute0_lowered;
	s3 =	sadd.s32 s3, s5;
	[dreg:$0x0] =	wrdreg $0x0  }
0xa8: {  	s5 =	sshll.u32 s28, $0x1;
	[dreg:$0x2] =	wrdreg s3  }
0xa9: {  	[dreg:$0x3] =	wrdreg s5  }
0xaa: {  	[dreg:$0x4] =	wrdreg $0xC0  }
0xab: {  	_ =	task [dreg:s7], $0x5FFFF  }
0xac: {  	[dreg:$0x1] =	wrdreg $0xFFFFFFFF  }
0xad: {  	[dreg:$0x0] =	wrdreg $0x60  }
0xae: {  	[dreg:$0x2] =	wrdreg s24  }
0xaf: {  	[dreg:$0x3] =	wrdreg s2  }
0xb0: {  	[dreg:$0x4] =	wrdreg $0x54000  }
0xb1: {  	[dreg:$0x5] =	wrdreg $0x9  }
0xb2: {  	_ =	task.clear_ibuf [dreg:s7], $0x6FFFF;
	_ =	strace $0x90000058  }
0xb3: {  	s29 =	simm.s32 $0x9;
	_ =	strace $0x8000005A  }
0xb4: {  	_ =	swait.ge [sflag:s29], $0x1  }
0xb5: {  	[sflag:s29] =	ssyncadd.s32 $0xFFFFFFFF  }
0xb6: {  	_ =	strace $0x9000005A  }
0xb7: {  	_ =	sfence  }
0xb8: {  	s30 =	sld [smem:$0x0];
	_ =	sdelay $0x2  }
0xb9: {  	s31 =	sshll.u32 s1, $0xD;
	s1 =	sshrl.u32 s1, $0x2  }
0xba: {  	s3 =	sand.u32 $0x4000, s31;
	s1 =	sadd.s32 s1, s30  }
0xbb: {  	s0 =	sor.u32 s3, s0;
	s1 =	sshll.u32 s1, $0x11  }
0xbc: {  	s0 =	sor.u32 s1, s0  }
0xbd: {  	s0 =	sadd.s32 $0x8F2B, s0  }
0xbe: {  	[sflag:s0] =	ssyncadd.remote.s32 $0x1  }
0xbf: {  	_ =	sfence.sel $0xFFFF  }
0xc0: {  	[dreg:$0x0] =	wrdreg $0xFFFFFFFF;
	(pc) =	sbr.abs _section_cstart, $3  }
0xc1: {  	[dreg:$0x1] =	wrdreg $0xFFFFFFFF  }
0xc2: {  	_ =	task.clear_ibuf [dreg:s7], $0x2FFFF;
	_ =	strace $0x9FFFFFFF  }
0xc3: {  	(tm) =	ssettm $0x7FFFFFFF  }
tec
execute0_lowered:
.L_overlay_start_1:
0x0: {  	(tag) =	ssettag $0x1  }
0x1: {  	s0 =	rddreg [dreg:$0x0];
	s1 =	srdreg.scid  }
0x2: {  	s25 =	stileid.u32;
	s2 =	rddreg [dreg:$0x2]  }
0x3: {  	s14 =	simm.s32 $0x9;
	s15 =	simm.s32 $0x1400;
	s16 =	simm.s32 $0x2400  }
0x4: {  	s17 =	simm.s32 $0x3400;
	s18 =	simm.s32 $0x4400;
	s19 =	simm.s32 $0x1  }
0x5: {  	s20 =	simm.s32 $0x80;
	s21 =	simm.s32 $0x5;
	s22 =	simm.s32 $0x2  }
0x6: {  	s23 =	simm.s32 $0x6;
	s24 =	simm.s32 $0x3;
	s26 =	simm.s32 $0x4  }
0x7: {  	s28 =	simm.s32 $0x8;
	s1 =	sand.u32 $0x1, s1;
	s7 =	smul.u32 $0x13C00, s25  }
0x8: {  	s3 =	sshll.u32 s25, $0x1;
	s10 =	sadd.s32 $0x2EC00, s0;
	s12 =	smul.u32 $0xA000, s25  }
0x9: {  	s31 =	sshll.u32 s25, $0x6;
	p0 =	sne.s32 s25, $0x0;
	s6 =	smul.u32 $0x9E00, s1  }
0xa: {  	s4 =	sor.u32 s1, s3;
	s29 =	ssub.s32 $0x2, s1;
	s1 =	smul.u32 $0x5000, s1  }
0xb: {  	s25 =	simm.s32 $0x7;
	s3 =	simm.s32 $0x0;
	s5 =	smul.u32 $0x280, s4  }
0xc: {  	[smem:$0x7FF] =	sst s3;
	s30 =	sshrl.u32 s29, $0x1;
	s7 =	sshrl.u32 s7, $0x2  }
0xd: {  	s9 =	smul.u32 $0x5000, s4;
	s4 =	sor.u32 $0x1C09, s31;
	s12 =	sadd.s32 s12, s10  }
0xe: {  	_ =	strace $0x80000059;
	s11 =	ssub.s32 s29, s30;
	s13 =	sadd.s32 s7, s2  }
0xf: {  	s12 =	sadd.s32 s1, s12;
	s1 =	simm.s32 $0x0;
	s8 =	sadd.s32 s5, s0  }
0x10: {  	s0 =	sadd.s32 s6, s0;
	s5 =	sadd.s32 s10, s9;
	s11 =	smax.u32 s11, $0x1  }
0x11: {  	s13 =	sshrl.u32 s13, $0x3;
	s6 =	sadd.s32 $0xDDA00, s8;
	s7 =	sadd.s32 $0x200, s5  }
0x12: {  	s8 =	sadd.s32 $0x400, s5;
	s9 =	sadd.s32 $0x600, s5;
	s10 =	sadd.s32 $0xE2A00, s0  }
.LBB2_1:
0x13: {  	s0 =	rddreg [dreg:$0x1]  }
0x14: {  	[spmem:s13], [sflag:s4] =	dma.local [hbm:s0], $0x9E0  }
0x15: {  	_ =	swait.ge [sflag:s14], $0x9E0  }
0x16: {  	[sflag:s14] =	ssyncset.done $0x0  }
0x17: {  	[sflag:s14] =	ssyncadd.s32 $0xFFFFF620  }
0x18: {  	[tilespmem:s3], [sflag:$0x9] =	stream.linear.gather [hbm4b:s6+s3], $0x1400, $0x38;
	[tilespmem:$0xA300] =	vst v63  }
0x19: {  	_ =	swait.ge [sflag:s14], $0x1400  }
0x1a: {  	[sflag:s14] =	ssyncset.done $0x0  }
0x1b: {  	[sflag:s14] =	ssyncadd.s32 $0xFFFFEC00  }
0x1c: {  	[bflag:$0x0] =	sbarrier.arrive $0xFFFF  }
0x1d: {  	[tilespmem:s15], [sflag:$0x1] =	stream.linear.gather [hbm4b:s5+s3], $0x1000, $0x38;
	[tilespmem:$0xA300] =	vst v63  }
0x1e: {  	_ = 	snop  }
0x1f: {  	[tilespmem:s16], [sflag:$0x2] =	stream.linear.gather [hbm4b:s7+s3], $0x1000, $0x38;
	[tilespmem:$0xA300] =	vst v63  }
0x20: {  	_ = 	snop  }
0x21: {  	[tilespmem:s17], [sflag:$0x3] =	stream.linear.gather [hbm4b:s8+s3], $0x1000, $0x38;
	[tilespmem:$0xA300] =	vst v63  }
0x22: {  	_ = 	snop  }
0x23: {  	[tilespmem:s18], [sflag:$0x4] =	stream.linear.gather [hbm4b:s9+s3], $0x1000, $0x38;
	[tilespmem:$0xA300] =	vst v63  }
0x24: {  	_ =	swait.ge [sflag:s19], $0x1000  }
0x25: {  	[sflag:s19] =	ssyncset.done $0x0  }
0x26: {  	s29 =	simm.s32 $0x0;
	[sflag:s19] =	ssyncadd.s32 $0xFFFFF000  }
0x27: {  	[spmem:s2] =	stream.indirect.scatter.add.f32 [tilespmem:s15], [sflag:$0x5], $0x20, s29, s20, $0xb8;
	[tilespmem:$0xA300] =	vst v63  }
0x28: {  	_ =	swait.ge [sflag:s21], $0x1000  }
0x29: {  	s30 =	sadd.s32 $0x0, s12;
	[sflag:s21] =	ssyncset.done $0x0  }
0x2a: {  	s29 =	sadd.s32 $0x800, s30;
	[sflag:s21] =	ssyncadd.s32 $0xFFFFF000  }
0x2b: {  	[tilespmem:s15], [sflag:$0x1] =	stream.linear.gather [hbm4b:s29+s3], $0x1000, $0x38;
	[tilespmem:$0xA300] =	vst v63  }
0x2c: {  	_ =	swait.ge [sflag:s22], $0x1000  }
0x2d: {  	[sflag:s22] =	ssyncset.done $0x0  }
0x2e: {  	s29 =	simm.s32 $0x80;
	[sflag:s22] =	ssyncadd.s32 $0xFFFFF000  }
0x2f: {  	[spmem:s2] =	stream.indirect.scatter.add.f32 [tilespmem:s16], [sflag:$0x6], $0x20, s29, s20, $0xb8;
	[tilespmem:$0xA300] =	vst v63  }
0x30: {  	_ =	swait.ge [sflag:s23], $0x1000  }
0x31: {  	[sflag:s23] =	ssyncset.done $0x0  }
0x32: {  	s29 =	sadd.s32 $0xA00, s30;
	[sflag:s23] =	ssyncadd.s32 $0xFFFFF000  }
0x33: {  	[tilespmem:s16], [sflag:$0x2] =	stream.linear.gather [hbm4b:s29+s3], $0x1000, $0x38;
	[tilespmem:$0xA300] =	vst v63  }
0x34: {  	_ =	swait.ge [sflag:s24], $0x1000  }
0x35: {  	[sflag:s24] =	ssyncset.done $0x0  }
0x36: {  	s29 =	simm.s32 $0x100;
	[sflag:s24] =	ssyncadd.s32 $0xFFFFF000  }
0x37: {  	[spmem:s2] =	stream.indirect.scatter.add.f32 [tilespmem:s17], [sflag:$0x7], $0x20, s29, s20, $0xb8;
	[tilespmem:$0xA300] =	vst v63  }
0x38: {  	_ =	swait.ge [sflag:s25], $0x1000  }
0x39: {  	[sflag:s25] =	ssyncset.done $0x0  }
0x3a: {  	s29 =	sadd.s32 $0xC00, s30;
	[sflag:s25] =	ssyncadd.s32 $0xFFFFF000  }
0x3b: {  	[tilespmem:s17], [sflag:$0x3] =	stream.linear.gather [hbm4b:s29+s3], $0x1000, $0x38;
	[tilespmem:$0xA300] =	vst v63  }
0x3c: {  	_ =	swait.ge [sflag:s26], $0x1000  }
0x3d: {  	[sflag:s26] =	ssyncset.done $0x0  }
0x3e: {  	s29 =	simm.s32 $0x180;
	[sflag:s26] =	ssyncadd.s32 $0xFFFFF000  }
0x3f: {  	[spmem:s2] =	stream.indirect.scatter.add.f32 [tilespmem:s18], [sflag:$0x8], $0x20, s29, s20, $0xb8;
	[tilespmem:$0xA300] =	vst v63  }
0x40: {  	_ =	swait.ge [sflag:s28], $0x1000  }
0x41: {  	[sflag:s28] =	ssyncset.done $0x0  }
0x42: {  	s30 =	sadd.s32 $0xE00, s30;
	s29 =	simm.s32 $0x800;
	[sflag:s28] =	ssyncadd.s32 $0xFFFFF000  }
.LBB2_2:
0x43: {  	[tilespmem:s18], [sflag:$0x4] =	stream.linear.gather [hbm4b:s30+s3], $0x1000, $0x38;
	[tilespmem:$0xA300] =	vst v63  }
0x44: {  	s30 =	smov.u32 s29  }
0x45: {  	p1 =	sne.s32 s29, $0x4000;
	s29 =	sadd.s32 $0x800, s29;
	_ =	swait.ge [sflag:s19], $0x1000  }
0x46: {  	[sflag:s19] =	ssyncset.done $0x0  }
0x47: {  	s31 =	sshra.s32 s30, $0x2;
	[sflag:s19] =	ssyncadd.s32 $0xFFFFF000  }
0x48: {  	[spmem:s2] =	stream.indirect.scatter.add.f32 [tilespmem:s15], [sflag:$0x5], $0x20, s31, s20, $0xb8;
	[tilespmem:$0xA300] =	vst v63  }
0x49: {  	_ =	swait.ge [sflag:s21], $0x1000  }
0x4a: {  	s30 =	sadd.s32 s30, s12;
	[sflag:s21] =	ssyncset.done $0x0  }
0x4b: {  	s0 =	sadd.s32 $0x800, s30;
	[sflag:s21] =	ssyncadd.s32 $0xFFFFF000  }
0x4c: {  	[tilespmem:s15], [sflag:$0x1] =	stream.linear.gather [hbm4b:s0+s3], $0x1000, $0x38;
	[tilespmem:$0xA300] =	vst v63  }
0x4d: {  	_ =	swait.ge [sflag:s22], $0x1000  }
0x4e: {  	[sflag:s22] =	ssyncset.done $0x0  }
0x4f: {  	s0 =	sadd.s32 $0x80, s31;
	[sflag:s22] =	ssyncadd.s32 $0xFFFFF000  }
0x50: {  	[spmem:s2] =	stream.indirect.scatter.add.f32 [tilespmem:s16], [sflag:$0x6], $0x20, s0, s20, $0xb8;
	[tilespmem:$0xA300] =	vst v63  }
0x51: {  	_ =	swait.ge [sflag:s23], $0x1000  }
0x52: {  	[sflag:s23] =	ssyncset.done $0x0  }
0x53: {  	s0 =	sadd.s32 $0xA00, s30;
	[sflag:s23] =	ssyncadd.s32 $0xFFFFF000  }
0x54: {  	[tilespmem:s16], [sflag:$0x2] =	stream.linear.gather [hbm4b:s0+s3], $0x1000, $0x38;
	[tilespmem:$0xA300] =	vst v63  }
0x55: {  	_ =	swait.ge [sflag:s24], $0x1000  }
0x56: {  	[sflag:s24] =	ssyncset.done $0x0  }
0x57: {  	s0 =	sadd.s32 $0x100, s31;
	[sflag:s24] =	ssyncadd.s32 $0xFFFFF000  }
0x58: {  	[spmem:s2] =	stream.indirect.scatter.add.f32 [tilespmem:s17], [sflag:$0x7], $0x20, s0, s20, $0xb8;
	[tilespmem:$0xA300] =	vst v63  }
0x59: {  	_ =	swait.ge [sflag:s25], $0x1000  }
0x5a: {  	[sflag:s25] =	ssyncset.done $0x0  }
0x5b: {  	s0 =	sadd.s32 $0xC00, s30;
	[sflag:s25] =	ssyncadd.s32 $0xFFFFF000  }
0x5c: {  	[tilespmem:s17], [sflag:$0x3] =	stream.linear.gather [hbm4b:s0+s3], $0x1000, $0x38;
	[tilespmem:$0xA300] =	vst v63  }
0x5d: {  	_ =	swait.ge [sflag:s26], $0x1000  }
0x5e: {  	[sflag:s26] =	ssyncset.done $0x0  }
.Ltmp0:
0x5f: {  	s0 =	sadd.s32 $0x180, s31;
	[sflag:s26] =	ssyncadd.s32 $0xFFFFF000;
	(pc) =	sbr.rel @p1 .LBB2_2-.Ltmp0, $4  }
0x60: {  	[spmem:s2] =	stream.indirect.scatter.add.f32 [tilespmem:s18], [sflag:$0x8], $0x20, s0, s20, $0xb8;
	[tilespmem:$0xA300] =	vst v63  }
0x61: {  	_ =	swait.ge [sflag:s28], $0x1000  }
0x62: {  	[sflag:s28] =	ssyncset.done $0x0  }
0x63: {  	s30 =	sadd.s32 $0xE00, s30;
	[sflag:s28] =	ssyncadd.s32 $0xFFFFF000  }
0x64: {  	[tilespmem:s18], [sflag:$0x4] =	stream.linear.gather [hbm4b:s30+s3], $0x1000, $0x38;
	[tilespmem:$0xA300] =	vst v63  }
0x65: {  	_ =	swait.ge [sflag:s19], $0x1000  }
0x66: {  	[sflag:s19] =	ssyncset.done $0x0  }
0x67: {  	s0 =	simm.s32 $0x1200;
	[sflag:s19] =	ssyncadd.s32 $0xFFFFF000  }
0x68: {  	[spmem:s2] =	stream.indirect.scatter.add.f32 [tilespmem:s15], [sflag:$0x9], $0x20, s0, s20, $0xb8;
	[tilespmem:$0xA300] =	vst v63  }
0x69: {  	_ =	swait.ge [sflag:s14], $0x1000  }
0x6a: {  	[sflag:s14] =	ssyncset.done $0x0  }
0x6b: {  	[sflag:s14] =	ssyncadd.s32 $0xFFFFF000  }
0x6c: {  	_ =	swait.ge [sflag:s22], $0x1000  }
0x6d: {  	[sflag:s22] =	ssyncset.done $0x0  }
0x6e: {  	s29 =	simm.s32 $0x1280;
	[sflag:s22] =	ssyncadd.s32 $0xFFFFF000  }
0x6f: {  	[spmem:s2] =	stream.indirect.scatter.add.f32 [tilespmem:s16], [sflag:$0x9], $0x20, s29, s20, $0xb8;
	[tilespmem:$0xA300] =	vst v63  }
0x70: {  	_ =	swait.ge [sflag:s14], $0x1000  }
0x71: {  	[sflag:s14] =	ssyncset.done $0x0  }
0x72: {  	[sflag:s14] =	ssyncadd.s32 $0xFFFFF000  }
0x73: {  	_ =	swait.ge [sflag:s24], $0x1000  }
0x74: {  	[sflag:s24] =	ssyncset.done $0x0  }
0x75: {  	s30 =	simm.s32 $0x1300;
	[sflag:s24] =	ssyncadd.s32 $0xFFFFF000  }
0x76: {  	[spmem:s2] =	stream.indirect.scatter.add.f32 [tilespmem:s17], [sflag:$0x9], $0x20, s30, s20, $0xb8;
	[tilespmem:$0xA300] =	vst v63  }
0x77: {  	_ =	swait.ge [sflag:s14], $0x1000  }
0x78: {  	[sflag:s14] =	ssyncset.done $0x0  }
0x79: {  	[sflag:s14] =	ssyncadd.s32 $0xFFFFF000  }
0x7a: {  	_ =	swait.ge [sflag:s26], $0x1000  }
0x7b: {  	[sflag:s26] =	ssyncset.done $0x0  }
0x7c: {  	s31 =	simm.s32 $0x1380;
	[sflag:s26] =	ssyncadd.s32 $0xFFFFF000  }
0x7d: {  	[spmem:s2] =	stream.indirect.scatter.add.f32 [tilespmem:s18], [sflag:$0x9], $0x20, s31, s20, $0xb8;
	[tilespmem:$0xA300] =	vst v63  }
0x7e: {  	_ =	swait.ge [sflag:s14], $0x1000  }
0x7f: {  	[sflag:s14] =	ssyncset.done $0x0  }
0x80: {  	s1 =	sadd.s32 $0x1, s1;
	[sflag:s14] =	ssyncadd.s32 $0xFFFFF000  }
0x81: {  	p1 =	sne.s32 s1, s11;
	s0 =	sshrl.u32 @!p0 s2, $0x3;
	[bflag:$0x0] =	sbarrier.arrive $0xFFFF  }
0x82: {  	[hbm:s10], [sflag:s4] =	dma.local @!p0 [spmem:s0], $0x9E00  }
.Ltmp1:
0x83: {  	_ = 	snop;
	(pc) =	sbr.rel @p1 .LBB2_1-.Ltmp1, $4  }
0x84: {  	s0 =	simm.s32 @!p0 $0x9  }
0x85: {  	_ =	swait.ge @!p0 [sflag:s0], $0x9E00  }
0x86: {  	[sflag:s0] =	ssyncset.done @!p0 $0x0  }
0x87: {  	[sflag:s0] =	ssyncadd.s32 @!p0 $0xFFFF6200  }
0x88: {  	_ =	sfence.sel $0x180000  }
0x89: {  	[bflag:$0x0] =	sbarrier.arrive $0xFFFF  }
0x8a: {  	_ =	strace $0x90000059  }
0x8b: {  	[bflag:$0x2] =	sbarrier.arrive $0xFFFF  }
0x8c: {  	s0 =	rddreg [dreg:$0x3]  }
0x8d: {  	s0 =	sadd.s32 @!p0 $0x100000, s0  }
0x8e: {  	[sflag:s0] =	ssyncadd.tile.s32 @!p0 $0x1;
	_ =	shalt  }
.Lfunc_end2:
_tile_overlayer_lowered:
.L_overlay_start_2:
0x8f: {  	(tag) =	ssettag $0x2  }
0x90: {  	s0 =	rddreg [dreg:$0x0];
	s2 =	stileid.u32  }
0x91: {  	s1 =	rddreg [dreg:$0x1];
	p0 =	sne.s32 s2, $0x0  }
0x92: {  	s3 =	rddreg [dreg:$0x2];
	[bflag:$0x3] =	sbarrier.arrive $0xFFFF;
	s2 =	simm.s32 @!p0 $0x1C09  }
0x93: {  	[timem:s3], [sflag:s2] =	dma.local @!p0 [hbm:s0], s1  }
0x94: {  	s0 =	simm.s32 @!p0 $0x9  }
0x95: {  	_ =	swait.ge @!p0 [sflag:s0], s1  }
0x96: {  	s1 =	ssub.s32 @!p0 $0x0, s1;
	[sflag:s0] =	ssyncset.done @!p0 $0x0  }
0x97: {  	[sflag:s0] =	ssyncadd.s32 @!p0 s1  }
0x98: {  	[bflag:$0x3] =	sbarrier.arrive $0xFFFF  }
0x99: {  	_ =	shalt  }

// kernel: kernel.39.cloned.1.call-start
scs
__scs_entry_jumppad:
0x0: {  	(pc) =	sbr.rel $0x88, $3  }
0x1: {  	(tag) =	ssettag $0x0;
	lr =	simm.s32 $0x1  }
0x2: {  	[smem:$0x3F8B] =	sst lr;
	_ =	strace $0xD0000000  }
0x3: {  	_ = 	snop  }
0x4: {  	_ = 	snop  }
0x5: {  	_ = 	snop  }
0x6: {  	_ = 	snop  }
0x7: {  	_ = 	snop  }
__scs_overlays_trampoline_lowered:
0x8: {  	[smem:$0x3F9A] =	sst s0  }
0x9: {  	[smem:$0x3F9B] =	sst s1  }
0xa: {  	[smem:$0x3F9C] =	sst s2  }
0xb: {  	[smem:$0x3F9D] =	sst s3  }
0xc: {  	[smem:$0x3F9E] =	sst s4  }
0xd: {  	[smem:$0x3F9F] =	sst s5  }
0xe: {  	[smem:$0x3FA0] =	sst s6  }
0xf: {  	[smem:$0x3FA1] =	sst s7  }
0x10: {  	[smem:$0x3FA2] =	sst s8  }
0x11: {  	[smem:$0x3FA3] =	sst s9;
	s0 =	simm.s32 @!p0 $0x0  }
0x12: {  	s1 =	sld [smem:$0x3F89];
	s0 =	simm.s32 @p0 $0x1  }
0x13: {  	[smem:$0x3FA4] =	sst s0;
	s0 =	simm.s32 @!p1 $0x0  }
0x14: {  	s2 =	sld [smem:$0x3F88];
	s0 =	simm.s32 @p1 $0x1  }
0x15: {  	[smem:$0x3FA5] =	sst s0;
	s0 =	simm.s32 @!p2 $0x0  }
0x16: {  	s3 =	sld [smem:$0x3FDB];
	s0 =	simm.s32 @p2 $0x1  }
0x17: {  	s4 =	simm.s32 $0x1BF5;
	[smem:$0x3FA7] =	sst s0  }
0x18: {  	s0 =	sld [smem:$0x3F8A];
	_ =	swait.ge [sflag:s4], $0x0  }
0x19: {  	s7 =	sld [smem:$0x3F8B]  }
0x1a: {  	s8 =	sadd.s32 $0xFFFFE003, lr  }
0x1b: {  	s9 =	sadd.s32 $0xFFFFFEF7, lr;
	s5 =	simm.s32 $0xFFFFFFFF;
	p2 =	slt.u32 s8, $0xFFFFF086  }
0x1c: {  	p1 =	slt.u32 s9, $0xF7A;
	s5 =	simm.s32 @!p2 $0x0  }
0x1d: {  	s5 =	simm.s32 @p1 $0x1;
	p0 =	seq.s32 s7, s2  }
0x1e: {  	s7 =	smul.u32 @!p0 $0xF7A, s2;
	p2 =	seq.s32 @!p0 s5, $0x0  }
0x1f: {  	s9 =	smul.u32 $0xF7A, s1;
	s8 =	simm.s32 @!p0 $0x1BF5;
	p2 =	por !p2, p0  }
0x20: {  	[sflag:s8] =	ssyncset.s32 @!p0 $0xFFFFF086;
	s6 =	sadd.s32 @!p0 s3, s7;
	s7 =	simm.s32 @!p0 $0x108  }
0x21: {  	s3 =	sadd.s32 s3, s9;
	s6 =	sadd.s32 @!p0 $0x88, s6;
	s7 =	simm.s32 @p2 $0x1082  }
0x22: {  	[simem:s7], [sflag:s8] =	dma.local @!p0 [hbm:s6], $0xF7A  }
0x23: {  	s9 =	sor.u32 $0xD0000000, s2;
	s6 =	simm.s32 $0x108;
	_ =	swait.ge @!p0 [sflag:s8], $0x0  }
0x24: {  	s3 =	sadd.s32 $0x88, s3;
	s6 =	simm.s32 @!p1 $0x1082;
	[sflag:s4] =	ssyncset.s32 $0xFFFFF086  }
0x25: {  	[simem:s6], [sflag:s4] =	dma.local [hbm:s3], $0xF7A  }
0x26: {  	[smem:$0x3F8B] =	sst s1;
	(tag) =	ssettag s2;
	_ =	strace s9  }
0x27: {  	s1 =	sld [smem:$0x3F9B]  }
0x28: {  	s2 =	sld [smem:$0x3F9C]  }
0x29: {  	s4 =	sld [smem:$0x3F9E]  }
0x2a: {  	p0 =	seq.s32 s5, $0x0;
	s5 =	sld [smem:$0x3F9F]  }
0x2b: {  	s6 =	sld [smem:$0x3FA0]  }
0x2c: {  	s7 =	sld [smem:$0x3FA1]  }
0x2d: {  	s3 =	simm.s32 $0x108;
	s8 =	sld [smem:$0x3FA2]  }
0x2e: {  	s3 =	simm.s32 @!p0 $0x1082;
	s9 =	sld [smem:$0x3FA3]  }
0x2f: {  	lr =	sadd.s32 s0, s3;
	s0 =	sld [smem:$0x3F9A]  }
0x30: {  	s3 =	sld [smem:$0x3F9D]  }
0x31: {  	[smem:$0x3FA6] =	sst s10  }
0x32: {  	s10 =	sld [smem:$0x3FA4];
	_ =	sdelay $0x3  }
0x33: {  	p0 =	seq.s32 s10, $0x1;
	s10 =	sld [smem:$0x3FA6];
	_ =	sdelay $0x3  }
0x34: {  	[smem:$0x3FA6] =	sst s10  }
0x35: {  	s10 =	sld [smem:$0x3FA5];
	_ =	sdelay $0x3  }
0x36: {  	p1 =	seq.s32 s10, $0x1;
	s10 =	sld [smem:$0x3FA6];
	_ =	sdelay $0x3  }
0x37: {  	[smem:$0x3FA6] =	sst s10  }
0x38: {  	s10 =	sld [smem:$0x3FA7]  }
0x39: {  	_ = 	snop;
	(pc) =	sbr.ind lr, $3  }
0x3a: {  	_ = 	snop  }
0x3b: {  	_ = 	snop  }
0x3c: {  	p2 =	seq.s32 s10, $0x1;
	s10 =	sld [smem:$0x3FA6]  }
0x3d: {  	_ =	shalt  }
0x3e: {  	_ =	shalt  }
0x3f: {  	_ =	shalt  }
0x40: {  	_ =	shalt  }
0x41: {  	_ =	shalt  }
0x42: {  	_ =	shalt  }
0x43: {  	_ =	shalt  }
0x44: {  	_ =	shalt  }
0x45: {  	_ =	shalt  }
0x46: {  	_ =	shalt  }
0x47: {  	_ =	shalt  }
0x48: {  	_ =	shalt  }
0x49: {  	_ =	shalt  }
0x4a: {  	_ =	shalt  }
0x4b: {  	_ =	shalt  }
0x4c: {  	_ =	shalt  }
0x4d: {  	_ =	shalt  }
0x4e: {  	_ =	shalt  }
0x4f: {  	_ =	shalt  }
0x50: {  	_ =	shalt  }
0x51: {  	_ =	shalt  }
0x52: {  	_ =	shalt  }
0x53: {  	_ =	shalt  }
0x54: {  	_ =	shalt  }
0x55: {  	_ =	shalt  }
0x56: {  	_ =	shalt  }
0x57: {  	_ =	shalt  }
0x58: {  	_ =	shalt  }
0x59: {  	_ =	shalt  }
0x5a: {  	_ =	shalt  }
0x5b: {  	_ =	shalt  }
0x5c: {  	_ =	shalt  }
0x5d: {  	_ =	shalt  }
0x5e: {  	_ =	shalt  }
0x5f: {  	_ =	shalt  }
0x60: {  	_ =	shalt  }
0x61: {  	_ =	shalt  }
0x62: {  	_ =	shalt  }
0x63: {  	_ =	shalt  }
0x64: {  	_ =	shalt  }
0x65: {  	_ =	shalt  }
0x66: {  	_ =	shalt  }
0x67: {  	_ =	shalt  }
0x68: {  	_ =	shalt  }
0x69: {  	_ =	shalt  }
0x6a: {  	_ =	shalt  }
0x6b: {  	_ =	shalt  }
0x6c: {  	_ =	shalt  }
0x6d: {  	_ =	shalt  }
0x6e: {  	_ =	shalt  }
0x6f: {  	_ =	shalt  }
0x70: {  	_ =	shalt  }
0x71: {  	_ =	shalt  }
0x72: {  	_ =	shalt  }
0x73: {  	_ =	shalt  }
0x74: {  	_ =	shalt  }
0x75: {  	_ =	shalt  }
0x76: {  	_ =	shalt  }
0x77: {  	_ =	shalt  }
0x78: {  	_ =	shalt  }
0x79: {  	_ =	shalt  }
0x7a: {  	_ =	shalt  }
0x7b: {  	_ =	shalt  }
0x7c: {  	_ =	shalt  }
0x7d: {  	_ =	shalt  }
0x7e: {  	_ =	shalt  }
0x7f: {  	_ =	shalt  }
0x80: {  	_ =	shalt  }
0x81: {  	_ =	shalt  }
0x82: {  	_ =	shalt  }
0x83: {  	_ =	shalt  }
0x84: {  	_ =	shalt  }
0x85: {  	_ =	shalt  }
0x86: {  	_ =	shalt  }
0x87: {  	_ =	shalt  }
.Lfunc_end0:
.L_simem_size_0:
called_computation.7_lowered:
.L_overlay_start_0:
0x88: {  	s2 =	sld [smem:$0x3FD9]  }
0x89: {  	s3 =	sld [smem:$0x3FFE];
	_ =	sdelay $0x1  }
0x8a: {  	s1 =	srdreg.scid  }
0x8b: {  	s0 =	sand.u32 $0x1, s1  }
0x8c: {  	s16 =	sshll.u32 s0, $0xA;
	s2 =	sadd.s32 s3, s2  }
0x8d: {  	s2 =	sadd.s32 s2, s16  }
0x8e: {  	[smem:$0x3FB2] =	sst s2  }
0x8f: {  	_ = 	snop  }
0x90: {  	(tm) =	ssettm $0x1  }
0x91: {  	s17 =	sld [smem:$0x3FFB];
	_ =	sdelay $0x3  }
0x92: {  	_ =	strace s17  }
0x93: {  	s2 =	sld [smem:$0x3FFC];
	_ =	sdelay $0x3  }
0x94: {  	_ =	strace s2  }
0x95: {  	s2 =	sld [smem:$0x3FFD];
	_ =	sdelay $0x3  }
0x96: {  	_ =	strace s2  }
0x97: {  	_ =	strace $0x8FFFFFFF  }
0x98: {  	s18 =	sld [smem:$0x3FDB];
	_ =	sdelay $0x1  }
0x99: {  	s19 =	simm.s32 $_scs_section_size  }
0x9a: {  	s4 =	simm.s32 $_size__tile_overlayer_lowered;
	s5 =	simm.s32 $_tile_overlayer_lowered  }
0x9b: {  	s22 =	simm.s32 $0x1BFF;
	s21 =	sshll.u32 s5, $0x1;
	s2 =	sadd.s32 s19, s18  }
0x9c: {  	s6 =	simm.s32 $0x0;
	s20 =	sshll.u32 s4, $0x1;
	s4 =	sadd.s32 s21, s2  }
0x9d: {  	[timem:s6], [sflag:s22] =	dma.local [hbm:s4], s20  }
0x9e: {  	_ =	swait.ge [sflag:s22], s20  }
0x9f: {  	s3 =	ssub.s32 $0x0, s20;
	[sflag:s22] =	ssyncset.done $0x0  }
0xa0: {  	[sflag:s22] =	ssyncadd.s32 s3;
	_ =	sdelay $0x1  }
0xa1: {  	s23 =	simm.s32 $0x1B8B  }
0xa2: {  	_ =	swait.ge [sflag:s23], $0x1  }
0xa3: {  	[sflag:s23] =	ssyncset.done $0x0  }
0xa4: {  	s25 =	simm.s32 $0x1B8E;
	s24 =	sld [smem:$0x3FFE];
	[sflag:s23] =	ssyncadd.s32 $0xFFFFFFFF  }
0xa5: {  	s26 =	simm.s32 $execute0_lowered;
	[smem:$0x3FD2] =	sst s25  }
0xa6: {  	s4 =	sshll.u32 s26, $0x1;
	_ =	strace $0x8000005B;
	[dreg:$0x1] =	wrdreg $0xFFFFFFFF  }
0xa7: {  	s28 =	simm.s32 $_size_execute0_lowered;
	s2 =	sadd.s32 s2, s4;
	[dreg:$0x0] =	wrdreg $0x0  }
0xa8: {  	s4 =	sshll.u32 s28, $0x1;
	[dreg:$0x2] =	wrdreg s2  }
0xa9: {  	[dreg:$0x3] =	wrdreg s4  }
0xaa: {  	[dreg:$0x4] =	wrdreg $0xC0  }
0xab: {  	_ =	task [dreg:s6], $0x5FFFF  }
0xac: {  	[dreg:$0x1] =	wrdreg $0xFFFFFFFF  }
0xad: {  	[dreg:$0x0] =	wrdreg $0x60  }
0xae: {  	[dreg:$0x2] =	wrdreg s24  }
0xaf: {  	[dreg:$0x3] =	wrdreg $0x5A000  }
0xb0: {  	[dreg:$0x4] =	wrdreg $0x9  }
0xb1: {  	_ =	task.clear_ibuf [dreg:s6], $0x5FFFF;
	_ =	strace $0x9000005B  }
0xb2: {  	s29 =	simm.s32 $0x9;
	_ =	strace $0x8000005D  }
0xb3: {  	_ =	swait.ge [sflag:s29], $0x1  }
0xb4: {  	[sflag:s29] =	ssyncadd.s32 $0xFFFFFFFF  }
0xb5: {  	_ =	strace $0x9000005D  }
0xb6: {  	_ =	sfence  }
0xb7: {  	s30 =	sld [smem:$0x0];
	_ =	sdelay $0x2  }
0xb8: {  	s31 =	sshll.u32 s1, $0xD;
	s1 =	sshrl.u32 s1, $0x2  }
0xb9: {  	s3 =	sand.u32 $0x4000, s31;
	s1 =	sadd.s32 s1, s30  }
0xba: {  	s0 =	sor.u32 s3, s0;
	s1 =	sshll.u32 s1, $0x11  }
0xbb: {  	s0 =	sor.u32 s1, s0  }
0xbc: {  	s0 =	sadd.s32 $0x8F2B, s0  }
0xbd: {  	[sflag:s0] =	ssyncadd.remote.s32 $0x1  }
0xbe: {  	_ =	sfence.sel $0xFFFF  }
0xbf: {  	[dreg:$0x0] =	wrdreg $0xFFFFFFFF;
	(pc) =	sbr.abs _section_cstart, $3  }
0xc0: {  	[dreg:$0x1] =	wrdreg $0xFFFFFFFF  }
0xc1: {  	_ =	task.clear_ibuf [dreg:s6], $0x2FFFF;
	_ =	strace $0x9FFFFFFF  }
0xc2: {  	(tm) =	ssettm $0x7FFFFFFF  }
0xc3: {  	_ =	shalt  }
tec
execute0_lowered:
.L_overlay_start_1:
0x0: {  	(tag) =	ssettag $0x1  }
0x1: {  	s0 =	rddreg [dreg:$0x0]  }
0x2: {  	s2 =	rddreg [dreg:$0x1]  }
0x3: {  	s13 =	stileid.u32;
	s1 =	srdreg.scid  }
0x4: {  	s3 =	simm.s32 $0x0;
	s16 =	simm.s32 $0x9;
	s17 =	simm.s32 $0x80  }
0x5: {  	s18 =	simm.s32 $0x1A00;
	s19 =	simm.s32 $0x2A00;
	s21 =	simm.s32 $0x3A00  }
0x6: {  	s28 =	simm.s32 $0x6;
	s29 =	simm.s32 $0x3;
	s30 =	simm.s32 $0x7  }
0x7: {  	s31 =	simm.s32 $0x4;
	s4 =	smul.u32 $0x4E20, s13;
	s1 =	sand.u32 $0x1, s1  }
0x8: {  	s5 =	sshll.u32 s13, $0x1;
	[smem:$0x7FF] =	sst s3;
	s23 =	smul.u32 $0x68, s13  }
0x9: {  	s24 =	sshll.u32 s13, $0x6;
	s13 =	smul.u32 $0xD000, s13;
	s5 =	sor.u32 s1, s5  }
0xa: {  	_ =	strace $0x8000005C;
	s8 =	ssub.s32 $0x2, s1;
	s11 =	smul.u32 $0x34, s1  }
0xb: {  	s25 =	sor.u32 $0x1C09, s24;
	s1 =	smul.u32 $0x6800, s1;
	s24 =	simm.s32 $0x1  }
0xc: {  	s6 =	sshrl.u32 s4, $0x3;
	s7 =	smul.u32 $0x340, s5;
	s9 =	sshrl.u32 s8, $0x1  }
0xd: {  	s5 =	smul.u32 $0x34000, s5;
	s15 =	sadd.s32 s4, s2;
	[dreg:$0x4] =	wrdreg s25  }
0xe: {  	s25 =	simm.s32 $0x5;
	s6 =	sadd.s32 s6, s0;
	s12 =	ssub.s32 s8, s9  }
0xf: {  	s11 =	sadd.s32 s11, s23;
	s15 =	sshrl.u32 s15, $0x3;
	s23 =	simm.s32 $0x4A00  }
0x10: {  	s7 =	sadd.s32 s7, s0;
	s0 =	sadd.s32 $0xD5400, s0;
	s22 =	sadd.s32 $0x7A00, s6  }
0x11: {  	s5 =	sshrl.u32 s5, $0x3;
	s11 =	sshll.u32 s11, $0x9;
	s12 =	smax.u32 s12, $0x1  }
0x12: {  	[dreg:$0x3] =	wrdreg s22;
	s10 =	sadd.s32 s0, s5;
	s26 =	sadd.s32 $0xCEC00, s7  }
0x13: {  	s11 =	sadd.s32 s11, s0;
	s0 =	sadd.s32 s13, s0;
	[dreg:$0x5] =	wrdreg s26  }
0x14: {  	s7 =	sadd.s32 $0x6000, s10;
	s8 =	sadd.s32 $0x6200, s10;
	s9 =	sadd.s32 $0x6400, s10  }
0x15: {  	s10 =	sadd.s32 $0x6600, s10;
	s13 =	sadd.s32 $0x400, s11;
	s14 =	sadd.s32 s1, s0  }
0x16: {  	s26 =	simm.s32 $0x2;
	s1 =	simm.s32 $0x8;
	s0 =	simm.s32 $0x0  }
.LBB2_1:
0x17: {  	s4 =	rddreg [dreg:$0x3]  }
0x18: {  	s5 =	rddreg [dreg:$0x4]  }
0x19: {  	[spmem:s15], [sflag:s5] =	dma.local [hbm:s4], $0x9C4  }
0x1a: {  	_ =	swait.ge [sflag:s16], $0x9C4  }
0x1b: {  	[sflag:s16] =	ssyncset.done $0x0  }
0x1c: {  	s5 =	rddreg [dreg:$0x5];
	[sflag:s16] =	ssyncadd.s32 $0xFFFFF63C  }
0x1d: {  	[tilespmem:s3], [sflag:$0x9] =	stream.linear.gather [hbm4b:s5+s3], $0x1A00, $0x38;
	[tilespmem:$0xA820] =	vst v63  }
0x1e: {  	_ =	swait.ge [sflag:s16], $0x1A00  }
0x1f: {  	[sflag:s16] =	ssyncset.done $0x0  }
0x20: {  	[sflag:s16] =	ssyncadd.s32 $0xFFFFE600  }
0x21: {  	[bflag:$0x0] =	sbarrier.arrive $0xFFFF  }
0x22: {  	[tilespmem:s18], [sflag:$0x1] =	stream.indirect.gather [spmem:s2], $0x20, s3, s17, $0xb8;
	[tilespmem:$0xA820] =	vst v63  }
0x23: {  	_ = 	snop  }
0x24: {  	[tilespmem:s19], [sflag:$0x2] =	stream.indirect.gather [spmem:s2], $0x20, s17, s17, $0xb8;
	[tilespmem:$0xA820] =	vst v63  }
0x25: {  	s6 =	simm.s32 $0x100  }
0x26: {  	[tilespmem:s21], [sflag:$0x3] =	stream.indirect.gather [spmem:s2], $0x20, s6, s17, $0xb8;
	[tilespmem:$0xA820] =	vst v63  }
0x27: {  	s20 =	simm.s32 $0x180  }
0x28: {  	[tilespmem:s23], [sflag:$0x4] =	stream.indirect.gather [spmem:s2], $0x20, s20, s17, $0xb8;
	[tilespmem:$0xA820] =	vst v63  }
0x29: {  	_ =	swait.ge [sflag:s24], $0x1000  }
0x2a: {  	[sflag:s24] =	ssyncset.done $0x0  }
0x2b: {  	s20 =	sadd.s32 $0x0, s14;
	[sflag:s24] =	ssyncadd.s32 $0xFFFFF000  }
0x2c: {  	[hbm4b:s20+s3] =	stream.linear.scatter [tilespmem:s18], [sflag:$0x5], $0x1000, $0x38;
	[tilespmem:$0xA820] =	vst v63  }
0x2d: {  	_ =	swait.ge [sflag:s25], $0x1000  }
0x2e: {  	[sflag:s25] =	ssyncset.done $0x0  }
0x2f: {  	s22 =	simm.s32 $0x200;
	[sflag:s25] =	ssyncadd.s32 $0xFFFFF000  }
0x30: {  	[tilespmem:s18], [sflag:$0x1] =	stream.indirect.gather [spmem:s2], $0x20, s22, s17, $0xb8;
	[tilespmem:$0xA820] =	vst v63  }
0x31: {  	_ =	swait.ge [sflag:s26], $0x1000  }
0x32: {  	s20 =	sadd.s32 $0x0, s11;
	[sflag:s26] =	ssyncset.done $0x0  }
0x33: {  	s22 =	sadd.s32 $0x200, s20;
	[sflag:s26] =	ssyncadd.s32 $0xFFFFF000  }
0x34: {  	[hbm4b:s22+s3] =	stream.linear.scatter [tilespmem:s19], [sflag:$0x6], $0x1000, $0x38;
	[tilespmem:$0xA820] =	vst v63  }
0x35: {  	_ =	swait.ge [sflag:s28], $0x1000  }
0x36: {  	[sflag:s28] =	ssyncset.done $0x0  }
0x37: {  	s4 =	simm.s32 $0x280;
	[sflag:s28] =	ssyncadd.s32 $0xFFFFF000  }
0x38: {  	[tilespmem:s19], [sflag:$0x2] =	stream.indirect.gather [spmem:s2], $0x20, s4, s17, $0xb8;
	[tilespmem:$0xA820] =	vst v63  }
0x39: {  	_ =	swait.ge [sflag:s29], $0x1000  }
0x3a: {  	[sflag:s29] =	ssyncset.done $0x0  }
0x3b: {  	s5 =	sadd.s32 $0x0, s13;
	[sflag:s29] =	ssyncadd.s32 $0xFFFFF000  }
0x3c: {  	[hbm4b:s5+s3] =	stream.linear.scatter [tilespmem:s21], [sflag:$0x7], $0x1000, $0x38;
	[tilespmem:$0xA820] =	vst v63  }
0x3d: {  	_ =	swait.ge [sflag:s30], $0x1000  }
0x3e: {  	[sflag:s30] =	ssyncset.done $0x0  }
0x3f: {  	s6 =	simm.s32 $0x300;
	[sflag:s30] =	ssyncadd.s32 $0xFFFFF000  }
0x40: {  	[tilespmem:s21], [sflag:$0x3] =	stream.indirect.gather [spmem:s2], $0x20, s6, s17, $0xb8;
	[tilespmem:$0xA820] =	vst v63  }
0x41: {  	_ =	swait.ge [sflag:s31], $0x1000  }
0x42: {  	[sflag:s31] =	ssyncset.done $0x0  }
0x43: {  	s20 =	sadd.s32 $0x600, s20;
	[sflag:s31] =	ssyncadd.s32 $0xFFFFF000  }
0x44: {  	[hbm4b:s20+s3] =	stream.linear.scatter [tilespmem:s23], [sflag:$0x8], $0x1000, $0x38;
	[tilespmem:$0xA820] =	vst v63  }
0x45: {  	_ =	swait.ge [sflag:s1], $0x1000  }
0x46: {  	[sflag:s1] =	ssyncset.done $0x0  }
0x47: {  	s22 =	simm.s32 $0x380;
	s20 =	simm.s32 $0x800;
	[sflag:s1] =	ssyncadd.s32 $0xFFFFF000  }
.LBB2_2:
0x48: {  	[tilespmem:s23], [sflag:$0x4] =	stream.indirect.gather [spmem:s2], $0x20, s22, s17, $0xb8;
	[tilespmem:$0xA820] =	vst v63  }
0x49: {  	s22 =	smov.u32 s20  }
0x4a: {  	p0 =	sne.s32 s20, $0x5800;
	s20 =	sadd.s32 $0x800, s20;
	_ =	swait.ge [sflag:s24], $0x1000  }
0x4b: {  	[sflag:s24] =	ssyncset.done $0x0  }
0x4c: {  	s4 =	sadd.s32 s22, s14;
	[sflag:s24] =	ssyncadd.s32 $0xFFFFF000  }
0x4d: {  	[hbm4b:s4+s3] =	stream.linear.scatter [tilespmem:s18], [sflag:$0x5], $0x1000, $0x38;
	[tilespmem:$0xA820] =	vst v63  }
0x4e: {  	_ =	swait.ge [sflag:s25], $0x1000  }
0x4f: {  	s4 =	sshra.s32 s22, $0x2;
	[sflag:s25] =	ssyncset.done $0x0  }
0x50: {  	s5 =	sadd.s32 $0x200, s4;
	[sflag:s25] =	ssyncadd.s32 $0xFFFFF000  }
0x51: {  	[tilespmem:s18], [sflag:$0x1] =	stream.indirect.gather [spmem:s2], $0x20, s5, s17, $0xb8;
	[tilespmem:$0xA820] =	vst v63  }
0x52: {  	_ =	swait.ge [sflag:s26], $0x1000  }
0x53: {  	s5 =	sadd.s32 s22, s11;
	[sflag:s26] =	ssyncset.done $0x0  }
0x54: {  	s6 =	sadd.s32 $0x200, s5;
	[sflag:s26] =	ssyncadd.s32 $0xFFFFF000  }
0x55: {  	[hbm4b:s6+s3] =	stream.linear.scatter [tilespmem:s19], [sflag:$0x6], $0x1000, $0x38;
	[tilespmem:$0xA820] =	vst v63  }
0x56: {  	_ =	swait.ge [sflag:s28], $0x1000  }
0x57: {  	[sflag:s28] =	ssyncset.done $0x0  }
0x58: {  	s6 =	sadd.s32 $0x280, s4;
	[sflag:s28] =	ssyncadd.s32 $0xFFFFF000  }
0x59: {  	[tilespmem:s19], [sflag:$0x2] =	stream.indirect.gather [spmem:s2], $0x20, s6, s17, $0xb8;
	[tilespmem:$0xA820] =	vst v63  }
0x5a: {  	_ =	swait.ge [sflag:s29], $0x1000  }
0x5b: {  	[sflag:s29] =	ssyncset.done $0x0  }
0x5c: {  	s6 =	sadd.s32 s22, s13;
	[sflag:s29] =	ssyncadd.s32 $0xFFFFF000  }
0x5d: {  	[hbm4b:s6+s3] =	stream.linear.scatter [tilespmem:s21], [sflag:$0x7], $0x1000, $0x38;
	[tilespmem:$0xA820] =	vst v63  }
0x5e: {  	_ =	swait.ge [sflag:s30], $0x1000  }
0x5f: {  	[sflag:s30] =	ssyncset.done $0x0  }
0x60: {  	s6 =	sadd.s32 $0x300, s4;
	[sflag:s30] =	ssyncadd.s32 $0xFFFFF000  }
0x61: {  	[tilespmem:s21], [sflag:$0x3] =	stream.indirect.gather [spmem:s2], $0x20, s6, s17, $0xb8;
	[tilespmem:$0xA820] =	vst v63  }
0x62: {  	_ =	swait.ge [sflag:s31], $0x1000  }
0x63: {  	[sflag:s31] =	ssyncset.done $0x0  }
.Ltmp0:
0x64: {  	s5 =	sadd.s32 $0x600, s5;
	[sflag:s31] =	ssyncadd.s32 $0xFFFFF000;
	(pc) =	sbr.rel @p0 .LBB2_2-.Ltmp0, $4  }
0x65: {  	[hbm4b:s5+s3] =	stream.linear.scatter [tilespmem:s23], [sflag:$0x8], $0x1000, $0x38;
	[tilespmem:$0xA820] =	vst v63  }
0x66: {  	_ =	swait.ge [sflag:s1], $0x1000  }
0x67: {  	[sflag:s1] =	ssyncset.done $0x0  }
0x68: {  	s22 =	sadd.s32 $0x380, s4;
	[sflag:s1] =	ssyncadd.s32 $0xFFFFF000  }
0x69: {  	[tilespmem:s23], [sflag:$0x4] =	stream.indirect.gather [spmem:s2], $0x20, s22, s17, $0xb8;
	[tilespmem:$0xA820] =	vst v63  }
0x6a: {  	_ =	swait.ge [sflag:s24], $0x1000  }
0x6b: {  	[sflag:s24] =	ssyncset.done $0x0  }
0x6c: {  	[sflag:s24] =	ssyncadd.s32 $0xFFFFF000  }
0x6d: {  	[hbm4b:s7+s3] =	stream.linear.scatter [tilespmem:s18], [sflag:$0x9], $0x1000, $0x38;
	[tilespmem:$0xA820] =	vst v63  }
0x6e: {  	_ =	swait.ge [sflag:s16], $0x1000  }
0x6f: {  	[sflag:s16] =	ssyncset.done $0x0  }
0x70: {  	[sflag:s16] =	ssyncadd.s32 $0xFFFFF000  }
0x71: {  	_ =	swait.ge [sflag:s26], $0x1000  }
0x72: {  	[sflag:s26] =	ssyncset.done $0x0  }
0x73: {  	[sflag:s26] =	ssyncadd.s32 $0xFFFFF000  }
0x74: {  	[hbm4b:s8+s3] =	stream.linear.scatter [tilespmem:s19], [sflag:$0x9], $0x1000, $0x38;
	[tilespmem:$0xA820] =	vst v63  }
0x75: {  	_ =	swait.ge [sflag:s16], $0x1000  }
0x76: {  	[sflag:s16] =	ssyncset.done $0x0  }
0x77: {  	[sflag:s16] =	ssyncadd.s32 $0xFFFFF000  }
0x78: {  	_ =	swait.ge [sflag:s29], $0x1000  }
0x79: {  	[sflag:s29] =	ssyncset.done $0x0  }
0x7a: {  	[sflag:s29] =	ssyncadd.s32 $0xFFFFF000  }
0x7b: {  	[hbm4b:s9+s3] =	stream.linear.scatter [tilespmem:s21], [sflag:$0x9], $0x1000, $0x38;
	[tilespmem:$0xA820] =	vst v63  }
0x7c: {  	_ =	swait.ge [sflag:s16], $0x1000  }
0x7d: {  	[sflag:s16] =	ssyncset.done $0x0  }
0x7e: {  	[sflag:s16] =	ssyncadd.s32 $0xFFFFF000  }
0x7f: {  	s0 =	sadd.s32 $0x1, s0;
	_ =	swait.ge [sflag:s31], $0x1000  }
0x80: {  	p0 =	sne.s32 s0, s12;
	[sflag:s31] =	ssyncset.done $0x0  }
.Ltmp1:
0x81: {  	[sflag:s31] =	ssyncadd.s32 $0xFFFFF000;
	(pc) =	sbr.rel @p0 .LBB2_1-.Ltmp1, $4  }
0x82: {  	[hbm4b:s10+s3] =	stream.linear.scatter [tilespmem:s23], [sflag:$0x9], $0x1000, $0x38;
	[tilespmem:$0xA820] =	vst v63  }
0x83: {  	_ =	swait.ge [sflag:s16], $0x1000  }
0x84: {  	[sflag:s16] =	ssyncset.done $0x0  }
0x85: {  	[sflag:s16] =	ssyncadd.s32 $0xFFFFF000  }
0x86: {  	_ =	sfence.sel $0x180000  }
0x87: {  	[bflag:$0x0] =	sbarrier.arrive $0xFFFF  }
0x88: {  	_ =	strace $0x9000005C  }
0x89: {  	s0 =	stileid.u32;
	[bflag:$0x2] =	sbarrier.arrive $0xFFFF  }
0x8a: {  	p0 =	sne.s32 s0, $0x0;
	s0 =	rddreg [dreg:$0x2]  }
0x8b: {  	s0 =	sadd.s32 @!p0 $0x100000, s0  }
0x8c: {  	[sflag:s0] =	ssyncadd.tile.s32 @!p0 $0x1;
	_ =	shalt  }
.Lfunc_end2:
_tile_overlayer_lowered:
.L_overlay_start_2:
0x8d: {  	(tag) =	ssettag $0x2  }
0x8e: {  	s0 =	rddreg [dreg:$0x0];
	s2 =	stileid.u32  }
0x8f: {  	s1 =	rddreg [dreg:$0x1];
	p0 =	sne.s32 s2, $0x0  }
0x90: {  	s3 =	rddreg [dreg:$0x2];
	[bflag:$0x3] =	sbarrier.arrive $0xFFFF;
	s2 =	simm.s32 @!p0 $0x1C09  }
0x91: {  	[timem:s3], [sflag:s2] =	dma.local @!p0 [hbm:s0], s1  }
0x92: {  	s0 =	simm.s32 @!p0 $0x9  }
0x93: {  	_ =	swait.ge @!p0 [sflag:s0], s1  }
0x94: {  	s1 =	ssub.s32 @!p0 $0x0, s1;
	[sflag:s0] =	ssyncset.done @!p0 $0x0  }
0x95: {  	[sflag:s0] =	ssyncadd.s32 @!p0 s1  }
0x96: {  	[bflag:$0x3] =	sbarrier.arrive $0xFFFF  }
0x97: {  	_ =	shalt  }

</sc_bundles>
